<compile_context>
chip_gen: v7x
topology: tpu7x:2x2x1
jax: 0.10.2.dev20260603
libtpu: 0.0.44.dev20260713+nightly
codegen_flags: <defaults>
</compile_context>

<pallas_src>
import jax
import jax.numpy as jnp
from jax import lax
from jax.experimental import pallas as pl
from jax.experimental.pallas import tpu as pltpu
from jax.experimental.pallas import tpu_sc as plsc

N_NODES = 10000
N_EDGES = 320000
NUM_REL = 64
DIM = 128

NUM_CORES = 2
NUM_SUBCORES = 16

PAD_EDGES = 327680
IDX_ROWS = PAD_EDGES // DIM
MACRO_ROWS = 8
N_MACROS = IDX_ROWS // MACRO_ROWS
MACROS_PER_TILE = N_MACROS // NUM_SUBCORES

ACC_ROWS = 10016
DUMP_NODE = N_NODES
SROWS_TILE = 640

CACC_ROWS = 5120
CROWS_TILE = CACC_ROWS // NUM_SUBCORES


def _zero_vmem(ref, zeros16):
    def _z(i, carry):
        for j in range(8):
            ref[i, pl.ds(16 * j, 16)] = zeros16
        return carry
    lax.fori_loop(0, DIM, _z, 0)


def _ent_body(gidx_hbm, sidx_hbm, ent_hbm, s_out,
              acc_s, rows_v, rows_w, gi_v, si_v, sem, semb):
    c = lax.axis_index("c")
    w = lax.axis_index("s")
    _zero_vmem(rows_v, jnp.zeros((16,), jnp.float32))

    base = w * SROWS_TILE

    @pl.when(w < NUM_SUBCORES - 1)
    def _():
        for k in range(5):
            pltpu.sync_copy(rows_v, acc_s.at[pl.ds(base + DIM * k, DIM)])

    @pl.when(w == NUM_SUBCORES - 1)
    def _():
        for k in range(3):
            pltpu.sync_copy(rows_v, acc_s.at[pl.ds(base + DIM * k, DIM)])
        pltpu.sync_copy(rows_v.at[pl.ds(0, 32)],
                        acc_s.at[pl.ds(base + 3 * DIM, 32)])
    plsc.subcore_barrier()

    def _step(i, carry):
        m = w + NUM_SUBCORES * i
        r0 = MACRO_ROWS * m
        pltpu.sync_copy(gidx_hbm.at[c, pl.ds(r0, MACRO_ROWS)], gi_v)
        pltpu.sync_copy(sidx_hbm.at[c, pl.ds(r0, MACRO_ROWS)], si_v)
        for h in range(MACRO_ROWS // 2):
            cpa = pltpu.async_copy(ent_hbm.at[gi_v.at[2 * h]], rows_v, sem)
            cpb = pltpu.async_copy(ent_hbm.at[gi_v.at[2 * h + 1]], rows_w,
                                   semb)
            cpa.wait()
            pltpu.sync_copy(rows_v, acc_s.at[si_v.at[2 * h]], add=True)
            cpb.wait()
            pltpu.sync_copy(rows_w, acc_s.at[si_v.at[2 * h + 1]], add=True)
        return carry
    lax.fori_loop(0, MACROS_PER_TILE, _step, 0)

    plsc.subcore_barrier()

    @pl.when(w < NUM_SUBCORES - 1)
    def _():
        pltpu.sync_copy(acc_s.at[pl.ds(base, SROWS_TILE)],
                        s_out.at[c, pl.ds(base, SROWS_TILE)])

    @pl.when(w == NUM_SUBCORES - 1)
    def _():
        pltpu.sync_copy(acc_s.at[pl.ds(base, N_NODES - 15 * SROWS_TILE)],
                        s_out.at[c, pl.ds(base, N_NODES - 15 * SROWS_TILE)])


def _cnt_body(sidx_hbm, typ_hbm, ohq_hbm, c_out,
              acc_c, ohq_s, cbuf, cbuf2, si_v, ty_v, fi_v, qi_v, sem, semb):
    c = lax.axis_index("c")
    w = lax.axis_index("s")
    _zero_vmem(cbuf, jnp.zeros((16,), jnp.float32))

    cbase = w * CROWS_TILE
    for k in range(2):
        pltpu.sync_copy(cbuf, acc_c.at[pl.ds(cbase + DIM * k, DIM)])
    pltpu.sync_copy(cbuf.at[pl.ds(0, CROWS_TILE - 2 * DIM)],
                    acc_c.at[pl.ds(cbase + 2 * DIM, CROWS_TILE - 2 * DIM)])

    @pl.when(w == 0)
    def _():
        pltpu.sync_copy(ohq_hbm, cbuf)
        pltpu.sync_copy(cbuf, ohq_s)
    plsc.subcore_barrier()

    def _step(i, carry):
        m = w + NUM_SUBCORES * i
        r0 = MACRO_ROWS * m
        pltpu.sync_copy(sidx_hbm.at[c, pl.ds(r0, MACRO_ROWS)], si_v)
        pltpu.sync_copy(typ_hbm.at[pl.ds(r0, MACRO_ROWS)], ty_v)
        for j in range(MACRO_ROWS):
            for t in range(8):
                s = si_v[j, pl.ds(16 * t, 16)]
                ty = ty_v[j, pl.ds(16 * t, 16)]
                fi_v[j, pl.ds(16 * t, 16)] = s >> 1
                qi_v[j, pl.ds(16 * t, 16)] = (s & 1) * NUM_REL + ty
        for h in range(MACRO_ROWS // 2):
            cpa = pltpu.async_copy(ohq_s.at[qi_v.at[2 * h]], cbuf, sem)
            cpb = pltpu.async_copy(ohq_s.at[qi_v.at[2 * h + 1]], cbuf2,
                                   semb)
            cpa.wait()
            pltpu.sync_copy(cbuf, acc_c.at[fi_v.at[2 * h]], add=True)
            cpb.wait()
            pltpu.sync_copy(cbuf2, acc_c.at[fi_v.at[2 * h + 1]], add=True)
        return carry
    lax.fori_loop(0, MACROS_PER_TILE, _step, 0)

    plsc.subcore_barrier()
    pltpu.sync_copy(acc_c.at[pl.ds(cbase, CROWS_TILE)],
                    c_out.at[c, pl.ds(cbase, CROWS_TILE)])


def _sc_entity(gidx, sidx, entity):
    mesh = plsc.VectorSubcoreMesh(core_axis_name="c", subcore_axis_name="s",
                                  num_cores=NUM_CORES,
                                  num_subcores=NUM_SUBCORES)
    return pl.kernel(
        _ent_body,
        out_type=jax.ShapeDtypeStruct((NUM_CORES, N_NODES, DIM),
                                      jnp.float32),
        mesh=mesh,
        scratch_types=[
            pltpu.VMEM_SHARED((ACC_ROWS, DIM), jnp.float32),
            pltpu.VMEM((DIM, DIM), jnp.float32),
            pltpu.VMEM((DIM, DIM), jnp.float32),
            pltpu.VMEM((MACRO_ROWS, DIM), jnp.int32),
            pltpu.VMEM((MACRO_ROWS, DIM), jnp.int32),
            pltpu.SemaphoreType.DMA,
            pltpu.SemaphoreType.DMA,
        ],
    )(gidx, sidx, entity)


def _sc_counts(sidx, typ2d, ohq):
    mesh = plsc.VectorSubcoreMesh(core_axis_name="c", subcore_axis_name="s",
                                  num_cores=NUM_CORES,
                                  num_subcores=NUM_SUBCORES)
    return pl.kernel(
        _cnt_body,
        out_type=jax.ShapeDtypeStruct((NUM_CORES, CACC_ROWS, DIM),
                                      jnp.float32),
        mesh=mesh,
        scratch_types=[
            pltpu.VMEM_SHARED((CACC_ROWS, DIM), jnp.float32),
            pltpu.VMEM_SHARED((DIM, DIM), jnp.float32),
            pltpu.VMEM((DIM, DIM), jnp.float32),
            pltpu.VMEM((DIM, DIM), jnp.float32),
            pltpu.VMEM((MACRO_ROWS, DIM), jnp.int32),
            pltpu.VMEM((MACRO_ROWS, DIM), jnp.int32),
            pltpu.VMEM((MACRO_ROWS, DIM), jnp.int32),
            pltpu.VMEM((MACRO_ROWS, DIM), jnp.int32),
            pltpu.SemaphoreType.DMA,
            pltpu.SemaphoreType.DMA,
        ],
    )(sidx, typ2d, ohq)


def _dg(a, b):
    return lax.dot_general(a, b, (((1,), (1,)), ((), ())),
                           preferred_element_type=jnp.float32)


def _tc_body(ent, s_acc, c_acc, rel, w_o, w_i, w_s, w_rel, gamma, beta,
             out_ref, rel_out_ref):
    c1 = c_acc[0]
    c2 = c_acc[1]
    p_o = _dg(rel[...], w_o[...])
    p_i = _dg(rel[...], w_i[...])
    acc = _dg(ent[...], w_s[...])
    acc += _dg(s_acc[0], w_o[...])
    acc += _dg(s_acc[1], w_i[...])
    acc -= lax.dot_general(c1, p_o, (((1,), (0,)), ((), ())),
                           preferred_element_type=jnp.float32)
    acc -= lax.dot_general(c2, p_i, (((1,), (0,)), ((), ())),
                           preferred_element_type=jnp.float32)
    deg = jnp.sum(c1, axis=1, keepdims=True) + jnp.sum(c2, axis=1,
                                                       keepdims=True)
    deg = jnp.maximum(deg, 1.0)
    acc = acc / deg
    mean = jnp.mean(acc, axis=0, keepdims=True)
    ctr = acc - mean
    var = jnp.mean(ctr * ctr, axis=0, keepdims=True)
    acc = ctr * lax.rsqrt(var + 1e-5) * gamma[...] + beta[...]
    out_ref[...] = jnp.maximum(acc, 0.0)
    rel_out_ref[...] = _dg(rel[...], w_rel[...])


def _tc_finish(entity, s_acc, c_acc, rel, w_o, w_i, w_s, w_rel, gamma, beta):
    return pl.pallas_call(
        _tc_body,
        out_shape=(
            jax.ShapeDtypeStruct((N_NODES, DIM), jnp.float32),
            jax.ShapeDtypeStruct((NUM_REL, DIM), jnp.float32),
        ),
    )(entity, s_acc, c_acc, rel, w_o, w_i, w_s, w_rel, gamma, beta)


def kernel(entity_emb, relation_emb, edge_index, edge_type, W_O, W_I, W_S,
           W_rel, gamma, beta):
    src = edge_index[0]
    dst = edge_index[1]
    npad = PAD_EDGES - N_EDGES
    zpad = jnp.zeros((npad,), jnp.int32)
    dpad = jnp.full((npad,), DUMP_NODE, jnp.int32)
    gidx = jnp.stack([jnp.concatenate([src, zpad]),
                      jnp.concatenate([dst, zpad])]).reshape(
                          NUM_CORES, IDX_ROWS, DIM)
    sidx = jnp.stack([jnp.concatenate([dst, dpad]),
                      jnp.concatenate([src, dpad])]).reshape(
                          NUM_CORES, IDX_ROWS, DIM)
    typ2d = jnp.concatenate([edge_type, zpad]).reshape(IDX_ROWS, DIM)
    ohq = jnp.eye(DIM, dtype=jnp.float32)

    s_acc = _sc_entity(gidx, sidx, entity_emb)
    c_pad = _sc_counts(sidx, typ2d, ohq)
    c_acc = c_pad.reshape(NUM_CORES, 2 * CACC_ROWS, NUM_REL)[:, :N_NODES, :]

    out, new_rel = _tc_finish(entity_emb, s_acc, c_acc, relation_emb,
                              W_O, W_I, W_S, W_rel,
                              gamma.reshape(1, DIM), beta.reshape(1, DIM))
    return (out, new_rel)

# --- scband reference (transcript-rebuilt; emitter-appended) ---
"""Pipeline reference for scband-comp-gcnconv-84439057039588 (READ-ONLY COPY).

The authoritative reference and input builder live on the scoring server;
editing this copy changes nothing except your own understanding.
"""

import jax, jax.numpy as jnp
import numpy as np

IN_DIM = 128
OUT_DIM = 128
NUM_REL = 64
N_NODES = 10000
N_EDGES = 320000


def setup_inputs(seed: int = 0) -> dict:
    key = jax.random.key(seed)
    ks = jax.random.split(key, 10)
    entity_emb = jax.random.normal(ks[0], (N_NODES, IN_DIM), dtype=jnp.float32)
    relation_emb = jax.random.normal(ks[1], (NUM_REL, IN_DIM), dtype=jnp.float32)
    edge_index = jax.random.randint(ks[2], (2, N_EDGES), 0, N_NODES, dtype=jnp.int64 if jax.config.jax_enable_x64 else jnp.int32).astype(jnp.int32)
    edge_type = jax.random.randint(ks[3], (N_EDGES,), 0, NUM_REL).astype(jnp.int32)
    bound = 1.0 / np.sqrt(IN_DIM)
    W_O = jax.random.uniform(ks[4], (OUT_DIM, IN_DIM), minval=-bound, maxval=bound, dtype=jnp.float32)
    W_I = jax.random.uniform(ks[5], (OUT_DIM, IN_DIM), minval=-bound, maxval=bound, dtype=jnp.float32)
    W_S = jax.random.uniform(ks[6], (OUT_DIM, IN_DIM), minval=-bound, maxval=bound, dtype=jnp.float32)
    W_rel = jax.random.uniform(ks[7], (OUT_DIM, IN_DIM), minval=-bound, maxval=bound, dtype=jnp.float32)
    gamma = jnp.ones((OUT_DIM,), dtype=jnp.float32)
    beta = jnp.zeros((OUT_DIM,), dtype=jnp.float32)
    return {"entity_emb": entity_emb, "relation_emb": relation_emb, "edge_index": edge_index, "edge_type": edge_type, "W_O": W_O, "W_I": W_I, "W_S": W_S, "W_rel": W_rel, "gamma": gamma, "beta": beta}


def reference(entity_emb, relation_emb, edge_index, edge_type, W_O, W_I, W_S, W_rel, gamma, beta):
    num_entities = entity_emb.shape[0]
    out = entity_emb @ W_S.T
    src = edge_index[0]
    dst = edge_index[1]
    rel_emb = relation_emb[edge_type]
    # composition = 'sub'
    msg = (entity_emb[src] - rel_emb) @ W_O.T
    out = out + jnp.zeros((num_entities, out.shape[1]), dtype=out.dtype).at[dst].add(msg)
    inv_msg = (entity_emb[dst] - rel_emb) @ W_I.T
    out = out + jnp.zeros((num_entities, out.shape[1]), dtype=out.dtype).at[src].add(inv_msg)
    deg = jnp.zeros((num_entities,), dtype=entity_emb.dtype)
    deg = deg.at[dst].add(jnp.ones((dst.shape[0],), dtype=entity_emb.dtype))
    deg = deg.at[src].add(jnp.ones((src.shape[0],), dtype=entity_emb.dtype))
    deg = jnp.clip(deg, 1.0, None)[:, None]
    out = out / deg
    # BatchNorm1d in training mode: batch statistics, biased variance
    mean = jnp.mean(out, axis=0)
    var = jnp.var(out, axis=0)
    out = (out - mean) / jnp.sqrt(var + 1e-5) * gamma + beta
    out = jax.nn.relu(out)
    new_rel_emb = relation_emb @ W_rel.T
    return (out, new_rel_emb)

if __name__ == "__main__":
    import jax
    _d = setup_inputs()
    print(jax.jit(kernel)(*tuple(_d.values())))

</pallas_src>

<mosaic_0001>
#map = affine_map<(d0, d1) -> (0, 0, 0)>
#map1 = affine_map<(d0, d1) -> (0, 0)>
module attributes {stable_mosaic.version = 14 : i64} {
  func.func @_ent_body(%arg0: i32, %arg1: i32, %arg2: memref<2x2560x128xi32, #tpu.memory_space<hbm>>, %arg3: memref<2x2560x128xi32, #tpu.memory_space<hbm>>, %arg4: memref<10000x128xf32, #tpu.memory_space<hbm>>, %arg5: memref<2x10000x128xf32, #tpu.memory_space<hbm>>, %arg6: memref<10016x128xf32, #tpu.memory_space<vmem_shared>>, %arg7: memref<128x128xf32, #tpu.memory_space<vmem>>, %arg8: memref<128x128xf32, #tpu.memory_space<vmem>>, %arg9: memref<8x128xi32, #tpu.memory_space<vmem>>, %arg10: memref<8x128xi32, #tpu.memory_space<vmem>>, %arg11: memref<!tpu.dma_semaphore, #tpu.memory_space<semaphore_mem>>, %arg12: memref<!tpu.dma_semaphore, #tpu.memory_space<semaphore_mem>>) attributes {dimension_semantics = [#tpu.dimension_semantics<core_parallel>, #tpu.dimension_semantics<subcore_parallel>], iteration_bounds = array<i64: 2, 16>, scalar_prefetch = 0 : i64, scratch_operands = 7 : i64, tpu.core_type = #tpu.core_type<sc_vector_subcore>, window_params = [{transform_indices = #map}, {transform_indices = #map}, {transform_indices = #map1}, {transform_indices = #map}]} {
    %broadcast_in_dim3A = arith.constant 0.000000e+00 : f32
    %broadcast_in_dim3A_0 = vector.broadcast %broadcast_in_dim3A : f32 to vector<16xf32>
    %scan3A = arith.constant 0 : i32
    %scan3A_1 = arith.constant 0 : i32
    %scan3A_2 = arith.constant 128 : i32
    %scan3A_3 = arith.addi %scan3A_1, %scan3A_2 : i32
    %scan3A_4 = arith.constant 1 : i32
    scf.for %scan3A_30 = %scan3A_1 to %scan3A_3 step %scan3A_4  : i32 {
      %swap3A = arith.index_cast %scan3A_30 : i32 to index
      %swap3A_31 = arith.constant 0 : index
      %swap3A_32 = tpu.vector_load %arg7[%swap3A, %swap3A_31] {strides = array<i32>} : memref<128x128xf32, #tpu.memory_space<vmem>>, vector<1x16xf32>,
      %swap3A_33 = vector.shape_cast %swap3A_32 : vector<1x16xf32> to vector<16xf32>
      %swap3A_34 = vector.shape_cast %broadcast_in_dim3A_0 : vector<16xf32> to vector<1x16xf32>
      tpu.vector_store %arg7[%swap3A, %swap3A_31], %swap3A_34 {strides = array<i32>} : memref<128x128xf32, #tpu.memory_space<vmem>>, vector<1x16xf32>,
      %swap3A_35 = arith.index_cast %scan3A_30 : i32 to index
      %swap3A_36 = arith.constant 16 : index
      %swap3A_37 = tpu.vector_load %arg7[%swap3A_35, %swap3A_36] {strides = array<i32>} : memref<128x128xf32, #tpu.memory_space<vmem>>, vector<1x16xf32>,
      %swap3A_38 = vector.shape_cast %swap3A_37 : vector<1x16xf32> to vector<16xf32>
      %swap3A_39 = vector.shape_cast %broadcast_in_dim3A_0 : vector<16xf32> to vector<1x16xf32>
      tpu.vector_store %arg7[%swap3A_35, %swap3A_36], %swap3A_39 {strides = array<i32>} : memref<128x128xf32, #tpu.memory_space<vmem>>, vector<1x16xf32>,
      %swap3A_40 = arith.index_cast %scan3A_30 : i32 to index
      %swap3A_41 = arith.constant 32 : index
      %swap3A_42 = tpu.vector_load %arg7[%swap3A_40, %swap3A_41] {strides = array<i32>} : memref<128x128xf32, #tpu.memory_space<vmem>>, vector<1x16xf32>,
      %swap3A_43 = vector.shape_cast %swap3A_42 : vector<1x16xf32> to vector<16xf32>
      %swap3A_44 = vector.shape_cast %broadcast_in_dim3A_0 : vector<16xf32> to vector<1x16xf32>
      tpu.vector_store %arg7[%swap3A_40, %swap3A_41], %swap3A_44 {strides = array<i32>} : memref<128x128xf32, #tpu.memory_space<vmem>>, vector<1x16xf32>,
      %swap3A_45 = arith.index_cast %scan3A_30 : i32 to index
      %swap3A_46 = arith.constant 48 : index
      %swap3A_47 = tpu.vector_load %arg7[%swap3A_45, %swap3A_46] {strides = array<i32>} : memref<128x128xf32, #tpu.memory_space<vmem>>, vector<1x16xf32>,
      %swap3A_48 = vector.shape_cast %swap3A_47 : vector<1x16xf32> to vector<16xf32>
      %swap3A_49 = vector.shape_cast %broadcast_in_dim3A_0 : vector<16xf32> to vector<1x16xf32>
      tpu.vector_store %arg7[%swap3A_45, %swap3A_46], %swap3A_49 {strides = array<i32>} : memref<128x128xf32, #tpu.memory_space<vmem>>, vector<1x16xf32>,
      %swap3A_50 = arith.index_cast %scan3A_30 : i32 to index
      %swap3A_51 = arith.constant 64 : index
      %swap3A_52 = tpu.vector_load %arg7[%swap3A_50, %swap3A_51] {strides = array<i32>} : memref<128x128xf32, #tpu.memory_space<vmem>>, vector<1x16xf32>,
      %swap3A_53 = vector.shape_cast %swap3A_52 : vector<1x16xf32> to vector<16xf32>
      %swap3A_54 = vector.shape_cast %broadcast_in_dim3A_0 : vector<16xf32> to vector<1x16xf32>
      tpu.vector_store %arg7[%swap3A_50, %swap3A_51], %swap3A_54 {strides = array<i32>} : memref<128x128xf32, #tpu.memory_space<vmem>>, vector<1x16xf32>,
      %swap3A_55 = arith.index_cast %scan3A_30 : i32 to index
      %swap3A_56 = arith.constant 80 : index
      %swap3A_57 = tpu.vector_load %arg7[%swap3A_55, %swap3A_56] {strides = array<i32>} : memref<128x128xf32, #tpu.memory_space<vmem>>, vector<1x16xf32>,
      %swap3A_58 = vector.shape_cast %swap3A_57 : vector<1x16xf32> to vector<16xf32>
      %swap3A_59 = vector.shape_cast %broadcast_in_dim3A_0 : vector<16xf32> to vector<1x16xf32>
      tpu.vector_store %arg7[%swap3A_55, %swap3A_56], %swap3A_59 {strides = array<i32>} : memref<128x128xf32, #tpu.memory_space<vmem>>, vector<1x16xf32>,
      %swap3A_60 = arith.index_cast %scan3A_30 : i32 to index
      %swap3A_61 = arith.constant 96 : index
      %swap3A_62 = tpu.vector_load %arg7[%swap3A_60, %swap3A_61] {strides = array<i32>} : memref<128x128xf32, #tpu.memory_space<vmem>>, vector<1x16xf32>,
      %swap3A_63 = vector.shape_cast %swap3A_62 : vector<1x16xf32> to vector<16xf32>
      %swap3A_64 = vector.shape_cast %broadcast_in_dim3A_0 : vector<16xf32> to vector<1x16xf32>
      tpu.vector_store %arg7[%swap3A_60, %swap3A_61], %swap3A_64 {strides = array<i32>} : memref<128x128xf32, #tpu.memory_space<vmem>>, vector<1x16xf32>,
      %swap3A_65 = arith.index_cast %scan3A_30 : i32 to index
      %swap3A_66 = arith.constant 112 : index
      %swap3A_67 = tpu.vector_load %arg7[%swap3A_65, %swap3A_66] {strides = array<i32>} : memref<128x128xf32, #tpu.memory_space<vmem>>, vector<1x16xf32>,
      %swap3A_68 = vector.shape_cast %swap3A_67 : vector<1x16xf32> to vector<16xf32>
      %swap3A_69 = vector.shape_cast %broadcast_in_dim3A_0 : vector<16xf32> to vector<1x16xf32>
      tpu.vector_store %arg7[%swap3A_65, %swap3A_66], %swap3A_69 {strides = array<i32>} : memref<128x128xf32, #tpu.memory_space<vmem>>, vector<1x16xf32>,
    }
    %scan3A_5 = arith.constant 128 : i32
    %mul3A = arith.constant 640 : i32
    %mul3A_6 = arith.muli %arg1, %mul3A : i32
    %lt3A = arith.constant 15 : i32
    %lt3A_7 = arith.cmpi slt, %arg1, %lt3A : i32
    %convert_element_type3A = arith.extui %lt3A_7 : i1 to i32
    %cond3A = arith.constant 0 : i32
    %cond3A_8 = arith.cmpi ne, %convert_element_type3A, %cond3A : i32
    scf.if %cond3A_8 {
      %add3A = arith.constant 0 : i32
      %add3A_30 = arith.addi %mul3A_6, %add3A : i32
      "tpu.region"() ({
        %run_scoped3A = tpu.sem_alloc : memref<!tpu.dma_semaphore, #tpu.memory_space<semaphore_mem>>
        %dma_start3A = arith.constant 0 : i32
        %dma_start3A_39 = tpu.memref_slice %arg6[%add3A_30, %dma_start3A] : memref<10016x128xf32, #tpu.memory_space<vmem_shared>> -> memref<128x128xf32, #tpu.memory_space<vmem_shared>>
        %dma_start3A_40 = arith.constant 0 : i32
        %dma_start3A_41 = tpu.memref_slice %arg6[%add3A_30, %dma_start3A_40] : memref<10016x128xf32, #tpu.memory_space<vmem_shared>> -> memref<128x128xf32, #tpu.memory_space<vmem_shared>>
        tpu.enqueue_dma source(%arg7 : memref<128x128xf32, #tpu.memory_space<vmem>>) target(%dma_start3A_41 : memref<128x128xf32, #tpu.memory_space<vmem_shared>>) target_semaphore(%run_scoped3A : memref<!tpu.dma_semaphore, #tpu.memory_space<semaphore_mem>>)
        %dma_wait3A = arith.constant 0 : i32
        %dma_wait3A_42 = tpu.memref_slice %arg6[%add3A_30, %dma_wait3A] : memref<10016x128xf32, #tpu.memory_space<vmem_shared>> -> memref<128x128xf32, #tpu.memory_space<vmem_shared>>
        %dma_wait3A_43 = arith.constant 0 : i32
        %dma_wait3A_44 = tpu.memref_slice %arg6[%add3A_30, %dma_wait3A_43] : memref<10016x128xf32, #tpu.memory_space<vmem_shared>> -> memref<128x128xf32, #tpu.memory_space<vmem_shared>>
        tpu.wait_dma2 semaphore(%run_scoped3A : memref<!tpu.dma_semaphore, #tpu.memory_space<semaphore_mem>>) src(%arg7 : memref<128x128xf32, #tpu.memory_space<vmem>>) dst(%dma_wait3A_44 : memref<128x128xf32, #tpu.memory_space<vmem_shared>>)
        tpu.yield
      }) : () -> ()
      %add3A_31 = arith.constant 128 : i32
      %add3A_32 = arith.addi %mul3A_6, %add3A_31 : i32
      "tpu.region"() ({
        %run_scoped3A = tpu.sem_alloc : memref<!tpu.dma_semaphore, #tpu.memory_space<semaphore_mem>>
        %dma_start3A = arith.constant 0 : i32
        %dma_start3A_39 = tpu.memref_slice %arg6[%add3A_32, %dma_start3A] : memref<10016x128xf32, #tpu.memory_space<vmem_shared>> -> memref<128x128xf32, #tpu.memory_space<vmem_shared>>
        %dma_start3A_40 = arith.constant 0 : i32
        %dma_start3A_41 = tpu.memref_slice %arg6[%add3A_32, %dma_start3A_40] : memref<10016x128xf32, #tpu.memory_space<vmem_shared>> -> memref<128x128xf32, #tpu.memory_space<vmem_shared>>
        tpu.enqueue_dma source(%arg7 : memref<128x128xf32, #tpu.memory_space<vmem>>) target(%dma_start3A_41 : memref<128x128xf32, #tpu.memory_space<vmem_shared>>) target_semaphore(%run_scoped3A : memref<!tpu.dma_semaphore, #tpu.memory_space<semaphore_mem>>)
        %dma_wait3A = arith.constant 0 : i32
        %dma_wait3A_42 = tpu.memref_slice %arg6[%add3A_32, %dma_wait3A] : memref<10016x128xf32, #tpu.memory_space<vmem_shared>> -> memref<128x128xf32, #tpu.memory_space<vmem_shared>>
        %dma_wait3A_43 = arith.constant 0 : i32
        %dma_wait3A_44 = tpu.memref_slice %arg6[%add3A_32, %dma_wait3A_43] : memref<10016x128xf32, #tpu.memory_space<vmem_shared>> -> memref<128x128xf32, #tpu.memory_space<vmem_shared>>
        tpu.wait_dma2 semaphore(%run_scoped3A : memref<!tpu.dma_semaphore, #tpu.memory_space<semaphore_mem>>) src(%arg7 : memref<128x128xf32, #tpu.memory_space<vmem>>) dst(%dma_wait3A_44 : memref<128x128xf32, #tpu.memory_space<vmem_shared>>)
        tpu.yield
      }) : () -> ()
      %add3A_33 = arith.constant 256 : i32
      %add3A_34 = arith.addi %mul3A_6, %add3A_33 : i32
      "tpu.region"() ({
        %run_scoped3A = tpu.sem_alloc : memref<!tpu.dma_semaphore, #tpu.memory_space<semaphore_mem>>
        %dma_start3A = arith.constant 0 : i32
        %dma_start3A_39 = tpu.memref_slice %arg6[%add3A_34, %dma_start3A] : memref<10016x128xf32, #tpu.memory_space<vmem_shared>> -> memref<128x128xf32, #tpu.memory_space<vmem_shared>>
        %dma_start3A_40 = arith.constant 0 : i32
        %dma_start3A_41 = tpu.memref_slice %arg6[%add3A_34, %dma_start3A_40] : memref<10016x128xf32, #tpu.memory_space<vmem_shared>> -> memref<128x128xf32, #tpu.memory_space<vmem_shared>>
        tpu.enqueue_dma source(%arg7 : memref<128x128xf32, #tpu.memory_space<vmem>>) target(%dma_start3A_41 : memref<128x128xf32, #tpu.memory_space<vmem_shared>>) target_semaphore(%run_scoped3A : memref<!tpu.dma_semaphore, #tpu.memory_space<semaphore_mem>>)
        %dma_wait3A = arith.constant 0 : i32
        %dma_wait3A_42 = tpu.memref_slice %arg6[%add3A_34, %dma_wait3A] : memref<10016x128xf32, #tpu.memory_space<vmem_shared>> -> memref<128x128xf32, #tpu.memory_space<vmem_shared>>
        %dma_wait3A_43 = arith.constant 0 : i32
        %dma_wait3A_44 = tpu.memref_slice %arg6[%add3A_34, %dma_wait3A_43] : memref<10016x128xf32, #tpu.memory_space<vmem_shared>> -> memref<128x128xf32, #tpu.memory_space<vmem_shared>>
        tpu.wait_dma2 semaphore(%run_scoped3A : memref<!tpu.dma_semaphore, #tpu.memory_space<semaphore_mem>>) src(%arg7 : memref<128x128xf32, #tpu.memory_space<vmem>>) dst(%dma_wait3A_44 : memref<128x128xf32, #tpu.memory_space<vmem_shared>>)
        tpu.yield
      }) : () -> ()
      %add3A_35 = arith.constant 384 : i32
      %add3A_36 = arith.addi %mul3A_6, %add3A_35 : i32
      "tpu.region"() ({
        %run_scoped3A = tpu.sem_alloc : memref<!tpu.dma_semaphore, #tpu.memory_space<semaphore_mem>>
        %dma_start3A = arith.constant 0 : i32
        %dma_start3A_39 = tpu.memref_slice %arg6[%add3A_36, %dma_start3A] : memref<10016x128xf32, #tpu.memory_space<vmem_shared>> -> memref<128x128xf32, #tpu.memory_space<vmem_shared>>
        %dma_start3A_40 = arith.constant 0 : i32
        %dma_start3A_41 = tpu.memref_slice %arg6[%add3A_36, %dma_start3A_40] : memref<10016x128xf32, #tpu.memory_space<vmem_shared>> -> memref<128x128xf32, #tpu.memory_space<vmem_shared>>
        tpu.enqueue_dma source(%arg7 : memref<128x128xf32, #tpu.memory_space<vmem>>) target(%dma_start3A_41 : memref<128x128xf32, #tpu.memory_space<vmem_shared>>) target_semaphore(%run_scoped3A : memref<!tpu.dma_semaphore, #tpu.memory_space<semaphore_mem>>)
        %dma_wait3A = arith.constant 0 : i32
        %dma_wait3A_42 = tpu.memref_slice %arg6[%add3A_36, %dma_wait3A] : memref<10016x128xf32, #tpu.memory_space<vmem_shared>> -> memref<128x128xf32, #tpu.memory_space<vmem_shared>>
        %dma_wait3A_43 = arith.constant 0 : i32
        %dma_wait3A_44 = tpu.memref_slice %arg6[%add3A_36, %dma_wait3A_43] : memref<10016x128xf32, #tpu.memory_space<vmem_shared>> -> memref<128x128xf32, #tpu.memory_space<vmem_shared>>
        tpu.wait_dma2 semaphore(%run_scoped3A : memref<!tpu.dma_semaphore, #tpu.memory_space<semaphore_mem>>) src(%arg7 : memref<128x128xf32, #tpu.memory_space<vmem>>) dst(%dma_wait3A_44 : memref<128x128xf32, #tpu.memory_space<vmem_shared>>)
        tpu.yield
      }) : () -> ()
      %add3A_37 = arith.constant 512 : i32
      %add3A_38 = arith.addi %mul3A_6, %add3A_37 : i32
      "tpu.region"() ({
        %run_scoped3A = tpu.sem_alloc : memref<!tpu.dma_semaphore, #tpu.memory_space<semaphore_mem>>
        %dma_start3A = arith.constant 0 : i32
        %dma_start3A_39 = tpu.memref_slice %arg6[%add3A_38, %dma_start3A] : memref<10016x128xf32, #tpu.memory_space<vmem_shared>> -> memref<128x128xf32, #tpu.memory_space<vmem_shared>>
        %dma_start3A_40 = arith.constant 0 : i32
        %dma_start3A_41 = tpu.memref_slice %arg6[%add3A_38, %dma_start3A_40] : memref<10016x128xf32, #tpu.memory_space<vmem_shared>> -> memref<128x128xf32, #tpu.memory_space<vmem_shared>>
        tpu.enqueue_dma source(%arg7 : memref<128x128xf32, #tpu.memory_space<vmem>>) target(%dma_start3A_41 : memref<128x128xf32, #tpu.memory_space<vmem_shared>>) target_semaphore(%run_scoped3A : memref<!tpu.dma_semaphore, #tpu.memory_space<semaphore_mem>>)
        %dma_wait3A = arith.constant 0 : i32
        %dma_wait3A_42 = tpu.memref_slice %arg6[%add3A_38, %dma_wait3A] : memref<10016x128xf32, #tpu.memory_space<vmem_shared>> -> memref<128x128xf32, #tpu.memory_space<vmem_shared>>
        %dma_wait3A_43 = arith.constant 0 : i32
        %dma_wait3A_44 = tpu.memref_slice %arg6[%add3A_38, %dma_wait3A_43] : memref<10016x128xf32, #tpu.memory_space<vmem_shared>> -> memref<128x128xf32, #tpu.memory_space<vmem_shared>>
        tpu.wait_dma2 semaphore(%run_scoped3A : memref<!tpu.dma_semaphore, #tpu.memory_space<semaphore_mem>>) src(%arg7 : memref<128x128xf32, #tpu.memory_space<vmem>>) dst(%dma_wait3A_44 : memref<128x128xf32, #tpu.memory_space<vmem_shared>>)
        tpu.yield
      }) : () -> ()
    } else {
    }
    %eq3A = arith.constant 15 : i32
    %eq3A_9 = arith.cmpi eq, %arg1, %eq3A : i32
    %convert_element_type3A_10 = arith.extui %eq3A_9 : i1 to i32
    %cond3A_11 = arith.constant 0 : i32
    %cond3A_12 = arith.cmpi ne, %convert_element_type3A_10, %cond3A_11 : i32
    scf.if %cond3A_12 {
      %add3A = arith.constant 0 : i32
      %add3A_30 = arith.addi %mul3A_6, %add3A : i32
      "tpu.region"() ({
        %run_scoped3A = tpu.sem_alloc : memref<!tpu.dma_semaphore, #tpu.memory_space<semaphore_mem>>
        %dma_start3A = arith.constant 0 : i32
        %dma_start3A_37 = tpu.memref_slice %arg6[%add3A_30, %dma_start3A] : memref<10016x128xf32, #tpu.memory_space<vmem_shared>> -> memref<128x128xf32, #tpu.memory_space<vmem_shared>>
        %dma_start3A_38 = arith.constant 0 : i32
        %dma_start3A_39 = tpu.memref_slice %arg6[%add3A_30, %dma_start3A_38] : memref<10016x128xf32, #tpu.memory_space<vmem_shared>> -> memref<128x128xf32, #tpu.memory_space<vmem_shared>>
        tpu.enqueue_dma source(%arg7 : memref<128x128xf32, #tpu.memory_space<vmem>>) target(%dma_start3A_39 : memref<128x128xf32, #tpu.memory_space<vmem_shared>>) target_semaphore(%run_scoped3A : memref<!tpu.dma_semaphore, #tpu.memory_space<semaphore_mem>>)
        %dma_wait3A = arith.constant 0 : i32
        %dma_wait3A_40 = tpu.memref_slice %arg6[%add3A_30, %dma_wait3A] : memref<10016x128xf32, #tpu.memory_space<vmem_shared>> -> memref<128x128xf32, #tpu.memory_space<vmem_shared>>
        %dma_wait3A_41 = arith.constant 0 : i32
        %dma_wait3A_42 = tpu.memref_slice %arg6[%add3A_30, %dma_wait3A_41] : memref<10016x128xf32, #tpu.memory_space<vmem_shared>> -> memref<128x128xf32, #tpu.memory_space<vmem_shared>>
        tpu.wait_dma2 semaphore(%run_scoped3A : memref<!tpu.dma_semaphore, #tpu.memory_space<semaphore_mem>>) src(%arg7 : memref<128x128xf32, #tpu.memory_space<vmem>>) dst(%dma_wait3A_42 : memref<128x128xf32, #tpu.memory_space<vmem_shared>>)
        tpu.yield
      }) : () -> ()
      %add3A_31 = arith.constant 128 : i32
      %add3A_32 = arith.addi %mul3A_6, %add3A_31 : i32
      "tpu.region"() ({
        %run_scoped3A = tpu.sem_alloc : memref<!tpu.dma_semaphore, #tpu.memory_space<semaphore_mem>>
        %dma_start3A = arith.constant 0 : i32
        %dma_start3A_37 = tpu.memref_slice %arg6[%add3A_32, %dma_start3A] : memref<10016x128xf32, #tpu.memory_space<vmem_shared>> -> memref<128x128xf32, #tpu.memory_space<vmem_shared>>
        %dma_start3A_38 = arith.constant 0 : i32
        %dma_start3A_39 = tpu.memref_slice %arg6[%add3A_32, %dma_start3A_38] : memref<10016x128xf32, #tpu.memory_space<vmem_shared>> -> memref<128x128xf32, #tpu.memory_space<vmem_shared>>
        tpu.enqueue_dma source(%arg7 : memref<128x128xf32, #tpu.memory_space<vmem>>) target(%dma_start3A_39 : memref<128x128xf32, #tpu.memory_space<vmem_shared>>) target_semaphore(%run_scoped3A : memref<!tpu.dma_semaphore, #tpu.memory_space<semaphore_mem>>)
        %dma_wait3A = arith.constant 0 : i32
        %dma_wait3A_40 = tpu.memref_slice %arg6[%add3A_32, %dma_wait3A] : memref<10016x128xf32, #tpu.memory_space<vmem_shared>> -> memref<128x128xf32, #tpu.memory_space<vmem_shared>>
        %dma_wait3A_41 = arith.constant 0 : i32
        %dma_wait3A_42 = tpu.memref_slice %arg6[%add3A_32, %dma_wait3A_41] : memref<10016x128xf32, #tpu.memory_space<vmem_shared>> -> memref<128x128xf32, #tpu.memory_space<vmem_shared>>
        tpu.wait_dma2 semaphore(%run_scoped3A : memref<!tpu.dma_semaphore, #tpu.memory_space<semaphore_mem>>) src(%arg7 : memref<128x128xf32, #tpu.memory_space<vmem>>) dst(%dma_wait3A_42 : memref<128x128xf32, #tpu.memory_space<vmem_shared>>)
        tpu.yield
      }) : () -> ()
      %add3A_33 = arith.constant 256 : i32
      %add3A_34 = arith.addi %mul3A_6, %add3A_33 : i32
      "tpu.region"() ({
        %run_scoped3A = tpu.sem_alloc : memref<!tpu.dma_semaphore, #tpu.memory_space<semaphore_mem>>
        %dma_start3A = arith.constant 0 : i32
        %dma_start3A_37 = tpu.memref_slice %arg6[%add3A_34, %dma_start3A] : memref<10016x128xf32, #tpu.memory_space<vmem_shared>> -> memref<128x128xf32, #tpu.memory_space<vmem_shared>>
        %dma_start3A_38 = arith.constant 0 : i32
        %dma_start3A_39 = tpu.memref_slice %arg6[%add3A_34, %dma_start3A_38] : memref<10016x128xf32, #tpu.memory_space<vmem_shared>> -> memref<128x128xf32, #tpu.memory_space<vmem_shared>>
        tpu.enqueue_dma source(%arg7 : memref<128x128xf32, #tpu.memory_space<vmem>>) target(%dma_start3A_39 : memref<128x128xf32, #tpu.memory_space<vmem_shared>>) target_semaphore(%run_scoped3A : memref<!tpu.dma_semaphore, #tpu.memory_space<semaphore_mem>>)
        %dma_wait3A = arith.constant 0 : i32
        %dma_wait3A_40 = tpu.memref_slice %arg6[%add3A_34, %dma_wait3A] : memref<10016x128xf32, #tpu.memory_space<vmem_shared>> -> memref<128x128xf32, #tpu.memory_space<vmem_shared>>
        %dma_wait3A_41 = arith.constant 0 : i32
        %dma_wait3A_42 = tpu.memref_slice %arg6[%add3A_34, %dma_wait3A_41] : memref<10016x128xf32, #tpu.memory_space<vmem_shared>> -> memref<128x128xf32, #tpu.memory_space<vmem_shared>>
        tpu.wait_dma2 semaphore(%run_scoped3A : memref<!tpu.dma_semaphore, #tpu.memory_space<semaphore_mem>>) src(%arg7 : memref<128x128xf32, #tpu.memory_space<vmem>>) dst(%dma_wait3A_42 : memref<128x128xf32, #tpu.memory_space<vmem_shared>>)
        tpu.yield
      }) : () -> ()
      %add3A_35 = arith.constant 384 : i32
      %add3A_36 = arith.addi %mul3A_6, %add3A_35 : i32
      "tpu.region"() ({
        %run_scoped3A = tpu.sem_alloc : memref<!tpu.dma_semaphore, #tpu.memory_space<semaphore_mem>>
        %dma_start3A = arith.constant 0 : i32
        %dma_start3A_37 = arith.constant 0 : i32
        %dma_start3A_38 = tpu.memref_slice %arg7[%dma_start3A, %dma_start3A_37] : memref<128x128xf32, #tpu.memory_space<vmem>> -> memref<32x128xf32, #tpu.memory_space<vmem>>
        %dma_start3A_39 = arith.constant 0 : i32
        %dma_start3A_40 = tpu.memref_slice %arg6[%add3A_36, %dma_start3A_39] : memref<10016x128xf32, #tpu.memory_space<vmem_shared>> -> memref<32x128xf32, #tpu.memory_space<vmem_shared>>
        %dma_start3A_41 = arith.constant 0 : i32
        %dma_start3A_42 = tpu.memref_slice %arg6[%add3A_36, %dma_start3A_41] : memref<10016x128xf32, #tpu.memory_space<vmem_shared>> -> memref<32x128xf32, #tpu.memory_space<vmem_shared>>
        %dma_start3A_43 = arith.constant 0 : i32
        %dma_start3A_44 = arith.constant 0 : i32
        %dma_start3A_45 = tpu.memref_slice %arg7[%dma_start3A_43, %dma_start3A_44] : memref<128x128xf32, #tpu.memory_space<vmem>> -> memref<32x128xf32, #tpu.memory_space<vmem>>
        tpu.enqueue_dma source(%dma_start3A_45 : memref<32x128xf32, #tpu.memory_space<vmem>>) target(%dma_start3A_42 : memref<32x128xf32, #tpu.memory_space<vmem_shared>>) target_semaphore(%run_scoped3A : memref<!tpu.dma_semaphore, #tpu.memory_space<semaphore_mem>>)
        %dma_wait3A = arith.constant 0 : i32
        %dma_wait3A_46 = arith.constant 0 : i32
        %dma_wait3A_47 = tpu.memref_slice %arg7[%dma_wait3A, %dma_wait3A_46] : memref<128x128xf32, #tpu.memory_space<vmem>> -> memref<32x128xf32, #tpu.memory_space<vmem>>
        %dma_wait3A_48 = arith.constant 0 : i32
        %dma_wait3A_49 = tpu.memref_slice %arg6[%add3A_36, %dma_wait3A_48] : memref<10016x128xf32, #tpu.memory_space<vmem_shared>> -> memref<32x128xf32, #tpu.memory_space<vmem_shared>>
        %dma_wait3A_50 = arith.constant 0 : i32
        %dma_wait3A_51 = tpu.memref_slice %arg6[%add3A_36, %dma_wait3A_50] : memref<10016x128xf32, #tpu.memory_space<vmem_shared>> -> memref<32x128xf32, #tpu.memory_space<vmem_shared>>
        %dma_wait3A_52 = arith.constant 0 : i32
        %dma_wait3A_53 = arith.constant 0 : i32
        %dma_wait3A_54 = tpu.memref_slice %arg7[%dma_wait3A_52, %dma_wait3A_53] : memref<128x128xf32, #tpu.memory_space<vmem>> -> memref<32x128xf32, #tpu.memory_space<vmem>>
        tpu.wait_dma2 semaphore(%run_scoped3A : memref<!tpu.dma_semaphore, #tpu.memory_space<semaphore_mem>>) src(%dma_wait3A_54 : memref<32x128xf32, #tpu.memory_space<vmem>>) dst(%dma_wait3A_51 : memref<32x128xf32, #tpu.memory_space<vmem_shared>>)
        tpu.yield
      }) : () -> ()
    } else {
    }
    %barrier3A = arith.constant 0 : index
    tpu.barrier barrier_id(%barrier3A)
    %scan3A_13 = arith.constant 0 : i32
    %scan3A_14 = arith.constant 0 : i32
    %scan3A_15 = arith.constant 20 : i32
    %scan3A_16 = arith.addi %scan3A_14, %scan3A_15 : i32
    %scan3A_17 = arith.constant 1 : i32
    scf.for %scan3A_30 = %scan3A_14 to %scan3A_16 step %scan3A_17  : i32 {
      %mul3A_31 = arith.constant 16 : i32
      %mul3A_32 = arith.muli %mul3A_31, %scan3A_30 : i32
      %add3A = arith.addi %arg1, %mul3A_32 : i32
      %mul3A_33 = arith.constant 8 : i32
      %mul3A_34 = arith.muli %mul3A_33, %add3A : i32
      "tpu.region"() ({
        %run_scoped3A_152 = tpu.sem_alloc : memref<!tpu.dma_semaphore, #tpu.memory_space<semaphore_mem>>
        %dma_start3A_153 = arith.constant 0 : i32
        %dma_start3A_154 = tpu.memref_slice %arg2[%arg0, %mul3A_34, %dma_start3A_153] : memref<2x2560x128xi32, #tpu.memory_space<hbm>> -> memref<1x8x128xi32, #tpu.memory_space<hbm>>
        %dma_start3A_155 = tpu.memref_squeeze %dma_start3A_154 : memref<1x8x128xi32, #tpu.memory_space<hbm>> -> memref<8x128xi32, #tpu.memory_space<hbm>>
        %dma_start3A_156 = arith.constant 0 : i32
        %dma_start3A_157 = tpu.memref_slice %arg2[%arg0, %mul3A_34, %dma_start3A_156] : memref<2x2560x128xi32, #tpu.memory_space<hbm>> -> memref<1x8x128xi32, #tpu.memory_space<hbm>>
        %dma_start3A_158 = tpu.memref_squeeze %dma_start3A_157 : memref<1x8x128xi32, #tpu.memory_space<hbm>> -> memref<8x128xi32, #tpu.memory_space<hbm>>
        tpu.enqueue_dma source(%dma_start3A_158 : memref<8x128xi32, #tpu.memory_space<hbm>>) target(%arg9 : memref<8x128xi32, #tpu.memory_space<vmem>>) target_semaphore(%run_scoped3A_152 : memref<!tpu.dma_semaphore, #tpu.memory_space<semaphore_mem>>)
        %dma_wait3A_159 = arith.constant 0 : i32
        %dma_wait3A_160 = tpu.memref_slice %arg2[%arg0, %mul3A_34, %dma_wait3A_159] : memref<2x2560x128xi32, #tpu.memory_space<hbm>> -> memref<1x8x128xi32, #tpu.memory_space<hbm>>
        %dma_wait3A_161 = tpu.memref_squeeze %dma_wait3A_160 : memref<1x8x128xi32, #tpu.memory_space<hbm>> -> memref<8x128xi32, #tpu.memory_space<hbm>>
        %dma_wait3A_162 = arith.constant 0 : i32
        %dma_wait3A_163 = tpu.memref_slice %arg2[%arg0, %mul3A_34, %dma_wait3A_162] : memref<2x2560x128xi32, #tpu.memory_space<hbm>> -> memref<1x8x128xi32, #tpu.memory_space<hbm>>
        %dma_wait3A_164 = tpu.memref_squeeze %dma_wait3A_163 : memref<1x8x128xi32, #tpu.memory_space<hbm>> -> memref<8x128xi32, #tpu.memory_space<hbm>>
        tpu.wait_dma2 semaphore(%run_scoped3A_152 : memref<!tpu.dma_semaphore, #tpu.memory_space<semaphore_mem>>) src(%dma_wait3A_164 : memref<8x128xi32, #tpu.memory_space<hbm>>) dst(%arg9 : memref<8x128xi32, #tpu.memory_space<vmem>>)
        tpu.yield
      }) : () -> ()
      "tpu.region"() ({
        %run_scoped3A_152 = tpu.sem_alloc : memref<!tpu.dma_semaphore, #tpu.memory_space<semaphore_mem>>
        %dma_start3A_153 = arith.constant 0 : i32
        %dma_start3A_154 = tpu.memref_slice %arg3[%arg0, %mul3A_34, %dma_start3A_153] : memref<2x2560x128xi32, #tpu.memory_space<hbm>> -> memref<1x8x128xi32, #tpu.memory_space<hbm>>
        %dma_start3A_155 = tpu.memref_squeeze %dma_start3A_154 : memref<1x8x128xi32, #tpu.memory_space<hbm>> -> memref<8x128xi32, #tpu.memory_space<hbm>>
        %dma_start3A_156 = arith.constant 0 : i32
        %dma_start3A_157 = tpu.memref_slice %arg3[%arg0, %mul3A_34, %dma_start3A_156] : memref<2x2560x128xi32, #tpu.memory_space<hbm>> -> memref<1x8x128xi32, #tpu.memory_space<hbm>>
        %dma_start3A_158 = tpu.memref_squeeze %dma_start3A_157 : memref<1x8x128xi32, #tpu.memory_space<hbm>> -> memref<8x128xi32, #tpu.memory_space<hbm>>
        tpu.enqueue_dma source(%dma_start3A_158 : memref<8x128xi32, #tpu.memory_space<hbm>>) target(%arg10 : memref<8x128xi32, #tpu.memory_space<vmem>>) target_semaphore(%run_scoped3A_152 : memref<!tpu.dma_semaphore, #tpu.memory_space<semaphore_mem>>)
        %dma_wait3A_159 = arith.constant 0 : i32
        %dma_wait3A_160 = tpu.memref_slice %arg3[%arg0, %mul3A_34, %dma_wait3A_159] : memref<2x2560x128xi32, #tpu.memory_space<hbm>> -> memref<1x8x128xi32, #tpu.memory_space<hbm>>
        %dma_wait3A_161 = tpu.memref_squeeze %dma_wait3A_160 : memref<1x8x128xi32, #tpu.memory_space<hbm>> -> memref<8x128xi32, #tpu.memory_space<hbm>>
        %dma_wait3A_162 = arith.constant 0 : i32
        %dma_wait3A_163 = tpu.memref_slice %arg3[%arg0, %mul3A_34, %dma_wait3A_162] : memref<2x2560x128xi32, #tpu.memory_space<hbm>> -> memref<1x8x128xi32, #tpu.memory_space<hbm>>
        %dma_wait3A_164 = tpu.memref_squeeze %dma_wait3A_163 : memref<1x8x128xi32, #tpu.memory_space<hbm>> -> memref<8x128xi32, #tpu.memory_space<hbm>>
        tpu.wait_dma2 semaphore(%run_scoped3A_152 : memref<!tpu.dma_semaphore, #tpu.memory_space<semaphore_mem>>) src(%dma_wait3A_164 : memref<8x128xi32, #tpu.memory_space<hbm>>) dst(%arg10 : memref<8x128xi32, #tpu.memory_space<vmem>>)
        tpu.yield
      }) : () -> ()
      %dma_start3A = arith.constant 0 : i32
      %dma_start3A_35 = arith.constant 0 : i32
      %dma_start3A_36 = tpu.memref_slice %arg9[%dma_start3A, %dma_start3A_35] : memref<8x128xi32, #tpu.memory_space<vmem>> -> memref<1x128xi32, #tpu.memory_space<vmem>>
      %dma_start3A_37 = tpu.memref_squeeze %dma_start3A_36 : memref<1x128xi32, #tpu.memory_space<vmem>> -> memref<128xi32, #tpu.memory_space<vmem>>
      %dma_start3A_38 = arith.constant 0 : i32
      %dma_start3A_39 = arith.constant 0 : i32
      %dma_start3A_40 = tpu.memref_slice %arg4[%dma_start3A_38, %dma_start3A_39] : memref<10000x128xf32, #tpu.memory_space<hbm>> -> memref<10000x128xf32, #tpu.memory_space<hbm>>
      tpu.enqueue_indirect_dma source(%dma_start3A_40 : memref<10000x128xf32, #tpu.memory_space<hbm>>) target(%arg7 : memref<128x128xf32, #tpu.memory_space<vmem>>) offsets(%dma_start3A_37 : memref<128xi32, #tpu.memory_space<vmem>>) semaphore(%arg11 : memref<!tpu.dma_semaphore, #tpu.memory_space<semaphore_mem>>)
      %dma_start3A_41 = arith.constant 1 : i32
      %dma_start3A_42 = arith.constant 0 : i32
      %dma_start3A_43 = tpu.memref_slice %arg9[%dma_start3A_41, %dma_start3A_42] : memref<8x128xi32, #tpu.memory_space<vmem>> -> memref<1x128xi32, #tpu.memory_space<vmem>>
      %dma_start3A_44 = tpu.memref_squeeze %dma_start3A_43 : memref<1x128xi32, #tpu.memory_space<vmem>> -> memref<128xi32, #tpu.memory_space<vmem>>
      %dma_start3A_45 = arith.constant 0 : i32
      %dma_start3A_46 = arith.constant 0 : i32
      %dma_start3A_47 = tpu.memref_slice %arg4[%dma_start3A_45, %dma_start3A_46] : memref<10000x128xf32, #tpu.memory_space<hbm>> -> memref<10000x128xf32, #tpu.memory_space<hbm>>
      tpu.enqueue_indirect_dma source(%dma_start3A_47 : memref<10000x128xf32, #tpu.memory_space<hbm>>) target(%arg8 : memref<128x128xf32, #tpu.memory_space<vmem>>) offsets(%dma_start3A_44 : memref<128xi32, #tpu.memory_space<vmem>>) semaphore(%arg12 : memref<!tpu.dma_semaphore, #tpu.memory_space<semaphore_mem>>)
      %dma_wait3A = arith.constant 0 : i32
      %dma_wait3A_48 = arith.constant 0 : i32
      %dma_wait3A_49 = tpu.memref_slice %arg9[%dma_wait3A, %dma_wait3A_48] : memref<8x128xi32, #tpu.memory_space<vmem>> -> memref<1x128xi32, #tpu.memory_space<vmem>>
      %dma_wait3A_50 = tpu.memref_squeeze %dma_wait3A_49 : memref<1x128xi32, #tpu.memory_space<vmem>> -> memref<128xi32, #tpu.memory_space<vmem>>
      %dma_wait3A_51 = arith.constant 0 : i32
      %dma_wait3A_52 = arith.constant 0 : i32
      %dma_wait3A_53 = tpu.memref_slice %arg4[%dma_wait3A_51, %dma_wait3A_52] : memref<10000x128xf32, #tpu.memory_space<hbm>> -> memref<10000x128xf32, #tpu.memory_space<hbm>>
      tpu.wait_indirect_dma semaphore(%arg11 : memref<!tpu.dma_semaphore, #tpu.memory_space<semaphore_mem>>) src(%dma_wait3A_53 : memref<10000x128xf32, #tpu.memory_space<hbm>>) dst(%arg7 : memref<128x128xf32, #tpu.memory_space<vmem>>)
      %run_scoped3A = arith.constant 0 : i32
      "tpu.region"() ({
        %run_scoped3A_152 = tpu.sem_alloc : memref<!tpu.dma_semaphore, #tpu.memory_space<semaphore_mem>>
        %dma_start3A_153 = arith.constant 0 : i32
        %dma_start3A_154 = tpu.memref_slice %arg10[%run_scoped3A, %dma_start3A_153] : memref<8x128xi32, #tpu.memory_space<vmem>> -> memref<1x128xi32, #tpu.memory_space<vmem>>
        %dma_start3A_155 = tpu.memref_squeeze %dma_start3A_154 : memref<1x128xi32, #tpu.memory_space<vmem>> -> memref<128xi32, #tpu.memory_space<vmem>>
        %dma_start3A_156 = arith.constant 0 : i32
        %dma_start3A_157 = arith.constant 0 : i32
        %dma_start3A_158 = tpu.memref_slice %arg6[%dma_start3A_156, %dma_start3A_157] : memref<10016x128xf32, #tpu.memory_space<vmem_shared>> -> memref<10016x128xf32, #tpu.memory_space<vmem_shared>>
        tpu.enqueue_indirect_dma source(%arg7 : memref<128x128xf32, #tpu.memory_space<vmem>>) target(%dma_start3A_158 : memref<10016x128xf32, #tpu.memory_space<vmem_shared>>) offsets(%dma_start3A_155 : memref<128xi32, #tpu.memory_space<vmem>>) semaphore(%run_scoped3A_152 : memref<!tpu.dma_semaphore, #tpu.memory_space<semaphore_mem>>) {add = true}
        %dma_wait3A_159 = arith.constant 0 : i32
        %dma_wait3A_160 = tpu.memref_slice %arg10[%run_scoped3A, %dma_wait3A_159] : memref<8x128xi32, #tpu.memory_space<vmem>> -> memref<1x128xi32, #tpu.memory_space<vmem>>
        %dma_wait3A_161 = tpu.memref_squeeze %dma_wait3A_160 : memref<1x128xi32, #tpu.memory_space<vmem>> -> memref<128xi32, #tpu.memory_space<vmem>>
        %dma_wait3A_162 = arith.constant 0 : i32
        %dma_wait3A_163 = arith.constant 0 : i32
        %dma_wait3A_164 = tpu.memref_slice %arg6[%dma_wait3A_162, %dma_wait3A_163] : memref<10016x128xf32, #tpu.memory_space<vmem_shared>> -> memref<10016x128xf32, #tpu.memory_space<vmem_shared>>
        tpu.wait_indirect_dma semaphore(%run_scoped3A_152 : memref<!tpu.dma_semaphore, #tpu.memory_space<semaphore_mem>>) src(%arg7 : memref<128x128xf32, #tpu.memory_space<vmem>>) dst(%dma_wait3A_164 : memref<10016x128xf32, #tpu.memory_space<vmem_shared>>)
        tpu.yield
      }) : () -> ()
      %dma_wait3A_54 = arith.constant 1 : i32
      %dma_wait3A_55 = arith.constant 0 : i32
      %dma_wait3A_56 = tpu.memref_slice %arg9[%dma_wait3A_54, %dma_wait3A_55] : memref<8x128xi32, #tpu.memory_space<vmem>> -> memref<1x128xi32, #tpu.memory_space<vmem>>
      %dma_wait3A_57 = tpu.memref_squeeze %dma_wait3A_56 : memref<1x128xi32, #tpu.memory_space<vmem>> -> memref<128xi32, #tpu.memory_space<vmem>>
      %dma_wait3A_58 = arith.constant 0 : i32
      %dma_wait3A_59 = arith.constant 0 : i32
      %dma_wait3A_60 = tpu.memref_slice %arg4[%dma_wait3A_58, %dma_wait3A_59] : memref<10000x128xf32, #tpu.memory_space<hbm>> -> memref<10000x128xf32, #tpu.memory_space<hbm>>
      tpu.wait_indirect_dma semaphore(%arg12 : memref<!tpu.dma_semaphore, #tpu.memory_space<semaphore_mem>>) src(%dma_wait3A_60 : memref<10000x128xf32, #tpu.memory_space<hbm>>) dst(%arg8 : memref<128x128xf32, #tpu.memory_space<vmem>>)
      %run_scoped3A_61 = arith.constant 1 : i32
      "tpu.region"() ({
        %run_scoped3A_152 = tpu.sem_alloc : memref<!tpu.dma_semaphore, #tpu.memory_space<semaphore_mem>>
        %dma_start3A_153 = arith.constant 0 : i32
        %dma_start3A_154 = tpu.memref_slice %arg10[%run_scoped3A_61, %dma_start3A_153] : memref<8x128xi32, #tpu.memory_space<vmem>> -> memref<1x128xi32, #tpu.memory_space<vmem>>
        %dma_start3A_155 = tpu.memref_squeeze %dma_start3A_154 : memref<1x128xi32, #tpu.memory_space<vmem>> -> memref<128xi32, #tpu.memory_space<vmem>>
        %dma_start3A_156 = arith.constant 0 : i32
        %dma_start3A_157 = arith.constant 0 : i32
        %dma_start3A_158 = tpu.memref_slice %arg6[%dma_start3A_156, %dma_start3A_157] : memref<10016x128xf32, #tpu.memory_space<vmem_shared>> -> memref<10016x128xf32, #tpu.memory_space<vmem_shared>>
        tpu.enqueue_indirect_dma source(%arg8 : memref<128x128xf32, #tpu.memory_space<vmem>>) target(%dma_start3A_158 : memref<10016x128xf32, #tpu.memory_space<vmem_shared>>) offsets(%dma_start3A_155 : memref<128xi32, #tpu.memory_space<vmem>>) semaphore(%run_scoped3A_152 : memref<!tpu.dma_semaphore, #tpu.memory_space<semaphore_mem>>) {add = true}
        %dma_wait3A_159 = arith.constant 0 : i32
        %dma_wait3A_160 = tpu.memref_slice %arg10[%run_scoped3A_61, %dma_wait3A_159] : memref<8x128xi32, #tpu.memory_space<vmem>> -> memref<1x128xi32, #tpu.memory_space<vmem>>
        %dma_wait3A_161 = tpu.memref_squeeze %dma_wait3A_160 : memref<1x128xi32, #tpu.memory_space<vmem>> -> memref<128xi32, #tpu.memory_space<vmem>>
        %dma_wait3A_162 = arith.constant 0 : i32
        %dma_wait3A_163 = arith.constant 0 : i32
        %dma_wait3A_164 = tpu.memref_slice %arg6[%dma_wait3A_162, %dma_wait3A_163] : memref<10016x128xf32, #tpu.memory_space<vmem_shared>> -> memref<10016x128xf32, #tpu.memory_space<vmem_shared>>
        tpu.wait_indirect_dma semaphore(%run_scoped3A_152 : memref<!tpu.dma_semaphore, #tpu.memory_space<semaphore_mem>>) src(%arg8 : memref<128x128xf32, #tpu.memory_space<vmem>>) dst(%dma_wait3A_164 : memref<10016x128xf32, #tpu.memory_space<vmem_shared>>)
        tpu.yield
      }) : () -> ()
      %dma_start3A_62 = arith.constant 2 : i32
      %dma_start3A_63 = arith.constant 0 : i32
      %dma_start3A_64 = tpu.memref_slice %arg9[%dma_start3A_62, %dma_start3A_63] : memref<8x128xi32, #tpu.memory_space<vmem>> -> memref<1x128xi32, #tpu.memory_space<vmem>>
      %dma_start3A_65 = tpu.memref_squeeze %dma_start3A_64 : memref<1x128xi32, #tpu.memory_space<vmem>> -> memref<128xi32, #tpu.memory_space<vmem>>
      %dma_start3A_66 = arith.constant 0 : i32
      %dma_start3A_67 = arith.constant 0 : i32
      %dma_start3A_68 = tpu.memref_slice %arg4[%dma_start3A_66, %dma_start3A_67] : memref<10000x128xf32, #tpu.memory_space<hbm>> -> memref<10000x128xf32, #tpu.memory_space<hbm>>
      tpu.enqueue_indirect_dma source(%dma_start3A_68 : memref<10000x128xf32, #tpu.memory_space<hbm>>) target(%arg7 : memref<128x128xf32, #tpu.memory_space<vmem>>) offsets(%dma_start3A_65 : memref<128xi32, #tpu.memory_space<vmem>>) semaphore(%arg11 : memref<!tpu.dma_semaphore, #tpu.memory_space<semaphore_mem>>)
      %dma_start3A_69 = arith.constant 3 : i32
      %dma_start3A_70 = arith.constant 0 : i32
      %dma_start3A_71 = tpu.memref_slice %arg9[%dma_start3A_69, %dma_start3A_70] : memref<8x128xi32, #tpu.memory_space<vmem>> -> memref<1x128xi32, #tpu.memory_space<vmem>>
      %dma_start3A_72 = tpu.memref_squeeze %dma_start3A_71 : memref<1x128xi32, #tpu.memory_space<vmem>> -> memref<128xi32, #tpu.memory_space<vmem>>
      %dma_start3A_73 = arith.constant 0 : i32
      %dma_start3A_74 = arith.constant 0 : i32
      %dma_start3A_75 = tpu.memref_slice %arg4[%dma_start3A_73, %dma_start3A_74] : memref<10000x128xf32, #tpu.memory_space<hbm>> -> memref<10000x128xf32, #tpu.memory_space<hbm>>
      tpu.enqueue_indirect_dma source(%dma_start3A_75 : memref<10000x128xf32, #tpu.memory_space<hbm>>) target(%arg8 : memref<128x128xf32, #tpu.memory_space<vmem>>) offsets(%dma_start3A_72 : memref<128xi32, #tpu.memory_space<vmem>>) semaphore(%arg12 : memref<!tpu.dma_semaphore, #tpu.memory_space<semaphore_mem>>)
      %dma_wait3A_76 = arith.constant 2 : i32
      %dma_wait3A_77 = arith.constant 0 : i32
      %dma_wait3A_78 = tpu.memref_slice %arg9[%dma_wait3A_76, %dma_wait3A_77] : memref<8x128xi32, #tpu.memory_space<vmem>> -> memref<1x128xi32, #tpu.memory_space<vmem>>
      %dma_wait3A_79 = tpu.memref_squeeze %dma_wait3A_78 : memref<1x128xi32, #tpu.memory_space<vmem>> -> memref<128xi32, #tpu.memory_space<vmem>>
      %dma_wait3A_80 = arith.constant 0 : i32
      %dma_wait3A_81 = arith.constant 0 : i32
      %dma_wait3A_82 = tpu.memref_slice %arg4[%dma_wait3A_80, %dma_wait3A_81] : memref<10000x128xf32, #tpu.memory_space<hbm>> -> memref<10000x128xf32, #tpu.memory_space<hbm>>
      tpu.wait_indirect_dma semaphore(%arg11 : memref<!tpu.dma_semaphore, #tpu.memory_space<semaphore_mem>>) src(%dma_wait3A_82 : memref<10000x128xf32, #tpu.memory_space<hbm>>) dst(%arg7 : memref<128x128xf32, #tpu.memory_space<vmem>>)
      %run_scoped3A_83 = arith.constant 2 : i32
      "tpu.region"() ({
        %run_scoped3A_152 = tpu.sem_alloc : memref<!tpu.dma_semaphore, #tpu.memory_space<semaphore_mem>>
        %dma_start3A_153 = arith.constant 0 : i32
        %dma_start3A_154 = tpu.memref_slice %arg10[%run_scoped3A_83, %dma_start3A_153] : memref<8x128xi32, #tpu.memory_space<vmem>> -> memref<1x128xi32, #tpu.memory_space<vmem>>
        %dma_start3A_155 = tpu.memref_squeeze %dma_start3A_154 : memref<1x128xi32, #tpu.memory_space<vmem>> -> memref<128xi32, #tpu.memory_space<vmem>>
        %dma_start3A_156 = arith.constant 0 : i32
        %dma_start3A_157 = arith.constant 0 : i32
        %dma_start3A_158 = tpu.memref_slice %arg6[%dma_start3A_156, %dma_start3A_157] : memref<10016x128xf32, #tpu.memory_space<vmem_shared>> -> memref<10016x128xf32, #tpu.memory_space<vmem_shared>>
        tpu.enqueue_indirect_dma source(%arg7 : memref<128x128xf32, #tpu.memory_space<vmem>>) target(%dma_start3A_158 : memref<10016x128xf32, #tpu.memory_space<vmem_shared>>) offsets(%dma_start3A_155 : memref<128xi32, #tpu.memory_space<vmem>>) semaphore(%run_scoped3A_152 : memref<!tpu.dma_semaphore, #tpu.memory_space<semaphore_mem>>) {add = true}
        %dma_wait3A_159 = arith.constant 0 : i32
        %dma_wait3A_160 = tpu.memref_slice %arg10[%run_scoped3A_83, %dma_wait3A_159] : memref<8x128xi32, #tpu.memory_space<vmem>> -> memref<1x128xi32, #tpu.memory_space<vmem>>
        %dma_wait3A_161 = tpu.memref_squeeze %dma_wait3A_160 : memref<1x128xi32, #tpu.memory_space<vmem>> -> memref<128xi32, #tpu.memory_space<vmem>>
        %dma_wait3A_162 = arith.constant 0 : i32
        %dma_wait3A_163 = arith.constant 0 : i32
        %dma_wait3A_164 = tpu.memref_slice %arg6[%dma_wait3A_162, %dma_wait3A_163] : memref<10016x128xf32, #tpu.memory_space<vmem_shared>> -> memref<10016x128xf32, #tpu.memory_space<vmem_shared>>
        tpu.wait_indirect_dma semaphore(%run_scoped3A_152 : memref<!tpu.dma_semaphore, #tpu.memory_space<semaphore_mem>>) src(%arg7 : memref<128x128xf32, #tpu.memory_space<vmem>>) dst(%dma_wait3A_164 : memref<10016x128xf32, #tpu.memory_space<vmem_shared>>)
        tpu.yield
      }) : () -> ()
      %dma_wait3A_84 = arith.constant 3 : i32
      %dma_wait3A_85 = arith.constant 0 : i32
      %dma_wait3A_86 = tpu.memref_slice %arg9[%dma_wait3A_84, %dma_wait3A_85] : memref<8x128xi32, #tpu.memory_space<vmem>> -> memref<1x128xi32, #tpu.memory_space<vmem>>
      %dma_wait3A_87 = tpu.memref_squeeze %dma_wait3A_86 : memref<1x128xi32, #tpu.memory_space<vmem>> -> memref<128xi32, #tpu.memory_space<vmem>>
      %dma_wait3A_88 = arith.constant 0 : i32
      %dma_wait3A_89 = arith.constant 0 : i32
      %dma_wait3A_90 = tpu.memref_slice %arg4[%dma_wait3A_88, %dma_wait3A_89] : memref<10000x128xf32, #tpu.memory_space<hbm>> -> memref<10000x128xf32, #tpu.memory_space<hbm>>
      tpu.wait_indirect_dma semaphore(%arg12 : memref<!tpu.dma_semaphore, #tpu.memory_space<semaphore_mem>>) src(%dma_wait3A_90 : memref<10000x128xf32, #tpu.memory_space<hbm>>) dst(%arg8 : memref<128x128xf32, #tpu.memory_space<vmem>>)
      %run_scoped3A_91 = arith.constant 3 : i32
      "tpu.region"() ({
        %run_scoped3A_152 = tpu.sem_alloc : memref<!tpu.dma_semaphore, #tpu.memory_space<semaphore_mem>>
        %dma_start3A_153 = arith.constant 0 : i32
        %dma_start3A_154 = tpu.memref_slice %arg10[%run_scoped3A_91, %dma_start3A_153] : memref<8x128xi32, #tpu.memory_space<vmem>> -> memref<1x128xi32, #tpu.memory_space<vmem>>
        %dma_start3A_155 = tpu.memref_squeeze %dma_start3A_154 : memref<1x128xi32, #tpu.memory_space<vmem>> -> memref<128xi32, #tpu.memory_space<vmem>>
        %dma_start3A_156 = arith.constant 0 : i32
        %dma_start3A_157 = arith.constant 0 : i32
        %dma_start3A_158 = tpu.memref_slice %arg6[%dma_start3A_156, %dma_start3A_157] : memref<10016x128xf32, #tpu.memory_space<vmem_shared>> -> memref<10016x128xf32, #tpu.memory_space<vmem_shared>>
        tpu.enqueue_indirect_dma source(%arg8 : memref<128x128xf32, #tpu.memory_space<vmem>>) target(%dma_start3A_158 : memref<10016x128xf32, #tpu.memory_space<vmem_shared>>) offsets(%dma_start3A_155 : memref<128xi32, #tpu.memory_space<vmem>>) semaphore(%run_scoped3A_152 : memref<!tpu.dma_semaphore, #tpu.memory_space<semaphore_mem>>) {add = true}
        %dma_wait3A_159 = arith.constant 0 : i32
        %dma_wait3A_160 = tpu.memref_slice %arg10[%run_scoped3A_91, %dma_wait3A_159] : memref<8x128xi32, #tpu.memory_space<vmem>> -> memref<1x128xi32, #tpu.memory_space<vmem>>
        %dma_wait3A_161 = tpu.memref_squeeze %dma_wait3A_160 : memref<1x128xi32, #tpu.memory_space<vmem>> -> memref<128xi32, #tpu.memory_space<vmem>>
        %dma_wait3A_162 = arith.constant 0 : i32
        %dma_wait3A_163 = arith.constant 0 : i32
        %dma_wait3A_164 = tpu.memref_slice %arg6[%dma_wait3A_162, %dma_wait3A_163] : memref<10016x128xf32, #tpu.memory_space<vmem_shared>> -> memref<10016x128xf32, #tpu.memory_space<vmem_shared>>
        tpu.wait_indirect_dma semaphore(%run_scoped3A_152 : memref<!tpu.dma_semaphore, #tpu.memory_space<semaphore_mem>>) src(%arg8 : memref<128x128xf32, #tpu.memory_space<vmem>>) dst(%dma_wait3A_164 : memref<10016x128xf32, #tpu.memory_space<vmem_shared>>)
        tpu.yield
      }) : () -> ()
      %dma_start3A_92 = arith.constant 4 : i32
      %dma_start3A_93 = arith.constant 0 : i32
      %dma_start3A_94 = tpu.memref_slice %arg9[%dma_start3A_92, %dma_start3A_93] : memref<8x128xi32, #tpu.memory_space<vmem>> -> memref<1x128xi32, #tpu.memory_space<vmem>>
      %dma_start3A_95 = tpu.memref_squeeze %dma_start3A_94 : memref<1x128xi32, #tpu.memory_space<vmem>> -> memref<128xi32, #tpu.memory_space<vmem>>
      %dma_start3A_96 = arith.constant 0 : i32
      %dma_start3A_97 = arith.constant 0 : i32
      %dma_start3A_98 = tpu.memref_slice %arg4[%dma_start3A_96, %dma_start3A_97] : memref<10000x128xf32, #tpu.memory_space<hbm>> -> memref<10000x128xf32, #tpu.memory_space<hbm>>
      tpu.enqueue_indirect_dma source(%dma_start3A_98 : memref<10000x128xf32, #tpu.memory_space<hbm>>) target(%arg7 : memref<128x128xf32, #tpu.memory_space<vmem>>) offsets(%dma_start3A_95 : memref<128xi32, #tpu.memory_space<vmem>>) semaphore(%arg11 : memref<!tpu.dma_semaphore, #tpu.memory_space<semaphore_mem>>)
      %dma_start3A_99 = arith.constant 5 : i32
      %dma_start3A_100 = arith.constant 0 : i32
      %dma_start3A_101 = tpu.memref_slice %arg9[%dma_start3A_99, %dma_start3A_100] : memref<8x128xi32, #tpu.memory_space<vmem>> -> memref<1x128xi32, #tpu.memory_space<vmem>>
      %dma_start3A_102 = tpu.memref_squeeze %dma_start3A_101 : memref<1x128xi32, #tpu.memory_space<vmem>> -> memref<128xi32, #tpu.memory_space<vmem>>
      %dma_start3A_103 = arith.constant 0 : i32
      %dma_start3A_104 = arith.constant 0 : i32
      %dma_start3A_105 = tpu.memref_slice %arg4[%dma_start3A_103, %dma_start3A_104] : memref<10000x128xf32, #tpu.memory_space<hbm>> -> memref<10000x128xf32, #tpu.memory_space<hbm>>
      tpu.enqueue_indirect_dma source(%dma_start3A_105 : memref<10000x128xf32, #tpu.memory_space<hbm>>) target(%arg8 : memref<128x128xf32, #tpu.memory_space<vmem>>) offsets(%dma_start3A_102 : memref<128xi32, #tpu.memory_space<vmem>>) semaphore(%arg12 : memref<!tpu.dma_semaphore, #tpu.memory_space<semaphore_mem>>)
      %dma_wait3A_106 = arith.constant 4 : i32
      %dma_wait3A_107 = arith.constant 0 : i32
      %dma_wait3A_108 = tpu.memref_slice %arg9[%dma_wait3A_106, %dma_wait3A_107] : memref<8x128xi32, #tpu.memory_space<vmem>> -> memref<1x128xi32, #tpu.memory_space<vmem>>
      %dma_wait3A_109 = tpu.memref_squeeze %dma_wait3A_108 : memref<1x128xi32, #tpu.memory_space<vmem>> -> memref<128xi32, #tpu.memory_space<vmem>>
      %dma_wait3A_110 = arith.constant 0 : i32
      %dma_wait3A_111 = arith.constant 0 : i32
      %dma_wait3A_112 = tpu.memref_slice %arg4[%dma_wait3A_110, %dma_wait3A_111] : memref<10000x128xf32, #tpu.memory_space<hbm>> -> memref<10000x128xf32, #tpu.memory_space<hbm>>
      tpu.wait_indirect_dma semaphore(%arg11 : memref<!tpu.dma_semaphore, #tpu.memory_space<semaphore_mem>>) src(%dma_wait3A_112 : memref<10000x128xf32, #tpu.memory_space<hbm>>) dst(%arg7 : memref<128x128xf32, #tpu.memory_space<vmem>>)
      %run_scoped3A_113 = arith.constant 4 : i32
      "tpu.region"() ({
        %run_scoped3A_152 = tpu.sem_alloc : memref<!tpu.dma_semaphore, #tpu.memory_space<semaphore_mem>>
        %dma_start3A_153 = arith.constant 0 : i32
        %dma_start3A_154 = tpu.memref_slice %arg10[%run_scoped3A_113, %dma_start3A_153] : memref<8x128xi32, #tpu.memory_space<vmem>> -> memref<1x128xi32, #tpu.memory_space<vmem>>
        %dma_start3A_155 = tpu.memref_squeeze %dma_start3A_154 : memref<1x128xi32, #tpu.memory_space<vmem>> -> memref<128xi32, #tpu.memory_space<vmem>>
        %dma_start3A_156 = arith.constant 0 : i32
        %dma_start3A_157 = arith.constant 0 : i32
        %dma_start3A_158 = tpu.memref_slice %arg6[%dma_start3A_156, %dma_start3A_157] : memref<10016x128xf32, #tpu.memory_space<vmem_shared>> -> memref<10016x128xf32, #tpu.memory_space<vmem_shared>>
        tpu.enqueue_indirect_dma source(%arg7 : memref<128x128xf32, #tpu.memory_space<vmem>>) target(%dma_start3A_158 : memref<10016x128xf32, #tpu.memory_space<vmem_shared>>) offsets(%dma_start3A_155 : memref<128xi32, #tpu.memory_space<vmem>>) semaphore(%run_scoped3A_152 : memref<!tpu.dma_semaphore, #tpu.memory_space<semaphore_mem>>) {add = true}
        %dma_wait3A_159 = arith.constant 0 : i32
        %dma_wait3A_160 = tpu.memref_slice %arg10[%run_scoped3A_113, %dma_wait3A_159] : memref<8x128xi32, #tpu.memory_space<vmem>> -> memref<1x128xi32, #tpu.memory_space<vmem>>
        %dma_wait3A_161 = tpu.memref_squeeze %dma_wait3A_160 : memref<1x128xi32, #tpu.memory_space<vmem>> -> memref<128xi32, #tpu.memory_space<vmem>>
        %dma_wait3A_162 = arith.constant 0 : i32
        %dma_wait3A_163 = arith.constant 0 : i32
        %dma_wait3A_164 = tpu.memref_slice %arg6[%dma_wait3A_162, %dma_wait3A_163] : memref<10016x128xf32, #tpu.memory_space<vmem_shared>> -> memref<10016x128xf32, #tpu.memory_space<vmem_shared>>
        tpu.wait_indirect_dma semaphore(%run_scoped3A_152 : memref<!tpu.dma_semaphore, #tpu.memory_space<semaphore_mem>>) src(%arg7 : memref<128x128xf32, #tpu.memory_space<vmem>>) dst(%dma_wait3A_164 : memref<10016x128xf32, #tpu.memory_space<vmem_shared>>)
        tpu.yield
      }) : () -> ()
      %dma_wait3A_114 = arith.constant 5 : i32
      %dma_wait3A_115 = arith.constant 0 : i32
      %dma_wait3A_116 = tpu.memref_slice %arg9[%dma_wait3A_114, %dma_wait3A_115] : memref<8x128xi32, #tpu.memory_space<vmem>> -> memref<1x128xi32, #tpu.memory_space<vmem>>
      %dma_wait3A_117 = tpu.memref_squeeze %dma_wait3A_116 : memref<1x128xi32, #tpu.memory_space<vmem>> -> memref<128xi32, #tpu.memory_space<vmem>>
      %dma_wait3A_118 = arith.constant 0 : i32
      %dma_wait3A_119 = arith.constant 0 : i32
      %dma_wait3A_120 = tpu.memref_slice %arg4[%dma_wait3A_118, %dma_wait3A_119] : memref<10000x128xf32, #tpu.memory_space<hbm>> -> memref<10000x128xf32, #tpu.memory_space<hbm>>
      tpu.wait_indirect_dma semaphore(%arg12 : memref<!tpu.dma_semaphore, #tpu.memory_space<semaphore_mem>>) src(%dma_wait3A_120 : memref<10000x128xf32, #tpu.memory_space<hbm>>) dst(%arg8 : memref<128x128xf32, #tpu.memory_space<vmem>>)
      %run_scoped3A_121 = arith.constant 5 : i32
      "tpu.region"() ({
        %run_scoped3A_152 = tpu.sem_alloc : memref<!tpu.dma_semaphore, #tpu.memory_space<semaphore_mem>>
        %dma_start3A_153 = arith.constant 0 : i32
        %dma_start3A_154 = tpu.memref_slice %arg10[%run_scoped3A_121, %dma_start3A_153] : memref<8x128xi32, #tpu.memory_space<vmem>> -> memref<1x128xi32, #tpu.memory_space<vmem>>
        %dma_start3A_155 = tpu.memref_squeeze %dma_start3A_154 : memref<1x128xi32, #tpu.memory_space<vmem>> -> memref<128xi32, #tpu.memory_space<vmem>>
        %dma_start3A_156 = arith.constant 0 : i32
        %dma_start3A_157 = arith.constant 0 : i32
        %dma_start3A_158 = tpu.memref_slice %arg6[%dma_start3A_156, %dma_start3A_157] : memref<10016x128xf32, #tpu.memory_space<vmem_shared>> -> memref<10016x128xf32, #tpu.memory_space<vmem_shared>>
        tpu.enqueue_indirect_dma source(%arg8 : memref<128x128xf32, #tpu.memory_space<vmem>>) target(%dma_start3A_158 : memref<10016x128xf32, #tpu.memory_space<vmem_shared>>) offsets(%dma_start3A_155 : memref<128xi32, #tpu.memory_space<vmem>>) semaphore(%run_scoped3A_152 : memref<!tpu.dma_semaphore, #tpu.memory_space<semaphore_mem>>) {add = true}
        %dma_wait3A_159 = arith.constant 0 : i32
        %dma_wait3A_160 = tpu.memref_slice %arg10[%run_scoped3A_121, %dma_wait3A_159] : memref<8x128xi32, #tpu.memory_space<vmem>> -> memref<1x128xi32, #tpu.memory_space<vmem>>
        %dma_wait3A_161 = tpu.memref_squeeze %dma_wait3A_160 : memref<1x128xi32, #tpu.memory_space<vmem>> -> memref<128xi32, #tpu.memory_space<vmem>>
        %dma_wait3A_162 = arith.constant 0 : i32
        %dma_wait3A_163 = arith.constant 0 : i32
        %dma_wait3A_164 = tpu.memref_slice %arg6[%dma_wait3A_162, %dma_wait3A_163] : memref<10016x128xf32, #tpu.memory_space<vmem_shared>> -> memref<10016x128xf32, #tpu.memory_space<vmem_shared>>
        tpu.wait_indirect_dma semaphore(%run_scoped3A_152 : memref<!tpu.dma_semaphore, #tpu.memory_space<semaphore_mem>>) src(%arg8 : memref<128x128xf32, #tpu.memory_space<vmem>>) dst(%dma_wait3A_164 : memref<10016x128xf32, #tpu.memory_space<vmem_shared>>)
        tpu.yield
      }) : () -> ()
      %dma_start3A_122 = arith.constant 6 : i32
      %dma_start3A_123 = arith.constant 0 : i32
      %dma_start3A_124 = tpu.memref_slice %arg9[%dma_start3A_122, %dma_start3A_123] : memref<8x128xi32, #tpu.memory_space<vmem>> -> memref<1x128xi32, #tpu.memory_space<vmem>>
      %dma_start3A_125 = tpu.memref_squeeze %dma_start3A_124 : memref<1x128xi32, #tpu.memory_space<vmem>> -> memref<128xi32, #tpu.memory_space<vmem>>
      %dma_start3A_126 = arith.constant 0 : i32
      %dma_start3A_127 = arith.constant 0 : i32
      %dma_start3A_128 = tpu.memref_slice %arg4[%dma_start3A_126, %dma_start3A_127] : memref<10000x128xf32, #tpu.memory_space<hbm>> -> memref<10000x128xf32, #tpu.memory_space<hbm>>
      tpu.enqueue_indirect_dma source(%dma_start3A_128 : memref<10000x128xf32, #tpu.memory_space<hbm>>) target(%arg7 : memref<128x128xf32, #tpu.memory_space<vmem>>) offsets(%dma_start3A_125 : memref<128xi32, #tpu.memory_space<vmem>>) semaphore(%arg11 : memref<!tpu.dma_semaphore, #tpu.memory_space<semaphore_mem>>)
      %dma_start3A_129 = arith.constant 7 : i32
      %dma_start3A_130 = arith.constant 0 : i32
      %dma_start3A_131 = tpu.memref_slice %arg9[%dma_start3A_129, %dma_start3A_130] : memref<8x128xi32, #tpu.memory_space<vmem>> -> memref<1x128xi32, #tpu.memory_space<vmem>>
      %dma_start3A_132 = tpu.memref_squeeze %dma_start3A_131 : memref<1x128xi32, #tpu.memory_space<vmem>> -> memref<128xi32, #tpu.memory_space<vmem>>
      %dma_start3A_133 = arith.constant 0 : i32
      %dma_start3A_134 = arith.constant 0 : i32
      %dma_start3A_135 = tpu.memref_slice %arg4[%dma_start3A_133, %dma_start3A_134] : memref<10000x128xf32, #tpu.memory_space<hbm>> -> memref<10000x128xf32, #tpu.memory_space<hbm>>
      tpu.enqueue_indirect_dma source(%dma_start3A_135 : memref<10000x128xf32, #tpu.memory_space<hbm>>) target(%arg8 : memref<128x128xf32, #tpu.memory_space<vmem>>) offsets(%dma_start3A_132 : memref<128xi32, #tpu.memory_space<vmem>>) semaphore(%arg12 : memref<!tpu.dma_semaphore, #tpu.memory_space<semaphore_mem>>)
      %dma_wait3A_136 = arith.constant 6 : i32
      %dma_wait3A_137 = arith.constant 0 : i32
      %dma_wait3A_138 = tpu.memref_slice %arg9[%dma_wait3A_136, %dma_wait3A_137] : memref<8x128xi32, #tpu.memory_space<vmem>> -> memref<1x128xi32, #tpu.memory_space<vmem>>
      %dma_wait3A_139 = tpu.memref_squeeze %dma_wait3A_138 : memref<1x128xi32, #tpu.memory_space<vmem>> -> memref<128xi32, #tpu.memory_space<vmem>>
      %dma_wait3A_140 = arith.constant 0 : i32
      %dma_wait3A_141 = arith.constant 0 : i32
      %dma_wait3A_142 = tpu.memref_slice %arg4[%dma_wait3A_140, %dma_wait3A_141] : memref<10000x128xf32, #tpu.memory_space<hbm>> -> memref<10000x128xf32, #tpu.memory_space<hbm>>
      tpu.wait_indirect_dma semaphore(%arg11 : memref<!tpu.dma_semaphore, #tpu.memory_space<semaphore_mem>>) src(%dma_wait3A_142 : memref<10000x128xf32, #tpu.memory_space<hbm>>) dst(%arg7 : memref<128x128xf32, #tpu.memory_space<vmem>>)
      %run_scoped3A_143 = arith.constant 6 : i32
      "tpu.region"() ({
        %run_scoped3A_152 = tpu.sem_alloc : memref<!tpu.dma_semaphore, #tpu.memory_space<semaphore_mem>>
        %dma_start3A_153 = arith.constant 0 : i32
        %dma_start3A_154 = tpu.memref_slice %arg10[%run_scoped3A_143, %dma_start3A_153] : memref<8x128xi32, #tpu.memory_space<vmem>> -> memref<1x128xi32, #tpu.memory_space<vmem>>
        %dma_start3A_155 = tpu.memref_squeeze %dma_start3A_154 : memref<1x128xi32, #tpu.memory_space<vmem>> -> memref<128xi32, #tpu.memory_space<vmem>>
        %dma_start3A_156 = arith.constant 0 : i32
        %dma_start3A_157 = arith.constant 0 : i32
        %dma_start3A_158 = tpu.memref_slice %arg6[%dma_start3A_156, %dma_start3A_157] : memref<10016x128xf32, #tpu.memory_space<vmem_shared>> -> memref<10016x128xf32, #tpu.memory_space<vmem_shared>>
        tpu.enqueue_indirect_dma source(%arg7 : memref<128x128xf32, #tpu.memory_space<vmem>>) target(%dma_start3A_158 : memref<10016x128xf32, #tpu.memory_space<vmem_shared>>) offsets(%dma_start3A_155 : memref<128xi32, #tpu.memory_space<vmem>>) semaphore(%run_scoped3A_152 : memref<!tpu.dma_semaphore, #tpu.memory_space<semaphore_mem>>) {add = true}
        %dma_wait3A_159 = arith.constant 0 : i32
        %dma_wait3A_160 = tpu.memref_slice %arg10[%run_scoped3A_143, %dma_wait3A_159] : memref<8x128xi32, #tpu.memory_space<vmem>> -> memref<1x128xi32, #tpu.memory_space<vmem>>
        %dma_wait3A_161 = tpu.memref_squeeze %dma_wait3A_160 : memref<1x128xi32, #tpu.memory_space<vmem>> -> memref<128xi32, #tpu.memory_space<vmem>>
        %dma_wait3A_162 = arith.constant 0 : i32
        %dma_wait3A_163 = arith.constant 0 : i32
        %dma_wait3A_164 = tpu.memref_slice %arg6[%dma_wait3A_162, %dma_wait3A_163] : memref<10016x128xf32, #tpu.memory_space<vmem_shared>> -> memref<10016x128xf32, #tpu.memory_space<vmem_shared>>
        tpu.wait_indirect_dma semaphore(%run_scoped3A_152 : memref<!tpu.dma_semaphore, #tpu.memory_space<semaphore_mem>>) src(%arg7 : memref<128x128xf32, #tpu.memory_space<vmem>>) dst(%dma_wait3A_164 : memref<10016x128xf32, #tpu.memory_space<vmem_shared>>)
        tpu.yield
      }) : () -> ()
      %dma_wait3A_144 = arith.constant 7 : i32
      %dma_wait3A_145 = arith.constant 0 : i32
      %dma_wait3A_146 = tpu.memref_slice %arg9[%dma_wait3A_144, %dma_wait3A_145] : memref<8x128xi32, #tpu.memory_space<vmem>> -> memref<1x128xi32, #tpu.memory_space<vmem>>
      %dma_wait3A_147 = tpu.memref_squeeze %dma_wait3A_146 : memref<1x128xi32, #tpu.memory_space<vmem>> -> memref<128xi32, #tpu.memory_space<vmem>>
      %dma_wait3A_148 = arith.constant 0 : i32
      %dma_wait3A_149 = arith.constant 0 : i32
      %dma_wait3A_150 = tpu.memref_slice %arg4[%dma_wait3A_148, %dma_wait3A_149] : memref<10000x128xf32, #tpu.memory_space<hbm>> -> memref<10000x128xf32, #tpu.memory_space<hbm>>
      tpu.wait_indirect_dma semaphore(%arg12 : memref<!tpu.dma_semaphore, #tpu.memory_space<semaphore_mem>>) src(%dma_wait3A_150 : memref<10000x128xf32, #tpu.memory_space<hbm>>) dst(%arg8 : memref<128x128xf32, #tpu.memory_space<vmem>>)
      %run_scoped3A_151 = arith.constant 7 : i32
      "tpu.region"() ({
        %run_scoped3A_152 = tpu.sem_alloc : memref<!tpu.dma_semaphore, #tpu.memory_space<semaphore_mem>>
        %dma_start3A_153 = arith.constant 0 : i32
        %dma_start3A_154 = tpu.memref_slice %arg10[%run_scoped3A_151, %dma_start3A_153] : memref<8x128xi32, #tpu.memory_space<vmem>> -> memref<1x128xi32, #tpu.memory_space<vmem>>
        %dma_start3A_155 = tpu.memref_squeeze %dma_start3A_154 : memref<1x128xi32, #tpu.memory_space<vmem>> -> memref<128xi32, #tpu.memory_space<vmem>>
        %dma_start3A_156 = arith.constant 0 : i32
        %dma_start3A_157 = arith.constant 0 : i32
        %dma_start3A_158 = tpu.memref_slice %arg6[%dma_start3A_156, %dma_start3A_157] : memref<10016x128xf32, #tpu.memory_space<vmem_shared>> -> memref<10016x128xf32, #tpu.memory_space<vmem_shared>>
        tpu.enqueue_indirect_dma source(%arg8 : memref<128x128xf32, #tpu.memory_space<vmem>>) target(%dma_start3A_158 : memref<10016x128xf32, #tpu.memory_space<vmem_shared>>) offsets(%dma_start3A_155 : memref<128xi32, #tpu.memory_space<vmem>>) semaphore(%run_scoped3A_152 : memref<!tpu.dma_semaphore, #tpu.memory_space<semaphore_mem>>) {add = true}
        %dma_wait3A_159 = arith.constant 0 : i32
        %dma_wait3A_160 = tpu.memref_slice %arg10[%run_scoped3A_151, %dma_wait3A_159] : memref<8x128xi32, #tpu.memory_space<vmem>> -> memref<1x128xi32, #tpu.memory_space<vmem>>
        %dma_wait3A_161 = tpu.memref_squeeze %dma_wait3A_160 : memref<1x128xi32, #tpu.memory_space<vmem>> -> memref<128xi32, #tpu.memory_space<vmem>>
        %dma_wait3A_162 = arith.constant 0 : i32
        %dma_wait3A_163 = arith.constant 0 : i32
        %dma_wait3A_164 = tpu.memref_slice %arg6[%dma_wait3A_162, %dma_wait3A_163] : memref<10016x128xf32, #tpu.memory_space<vmem_shared>> -> memref<10016x128xf32, #tpu.memory_space<vmem_shared>>
        tpu.wait_indirect_dma semaphore(%run_scoped3A_152 : memref<!tpu.dma_semaphore, #tpu.memory_space<semaphore_mem>>) src(%arg8 : memref<128x128xf32, #tpu.memory_space<vmem>>) dst(%dma_wait3A_164 : memref<10016x128xf32, #tpu.memory_space<vmem_shared>>)
        tpu.yield
      }) : () -> ()
    }
    %scan3A_18 = arith.constant 20 : i32
    %barrier3A_19 = arith.constant 0 : index
    tpu.barrier barrier_id(%barrier3A_19)
    %lt3A_20 = arith.constant 15 : i32
    %lt3A_21 = arith.cmpi slt, %arg1, %lt3A_20 : i32
    %convert_element_type3A_22 = arith.extui %lt3A_21 : i1 to i32
    %cond3A_23 = arith.constant 0 : i32
    %cond3A_24 = arith.cmpi ne, %convert_element_type3A_22, %cond3A_23 : i32
    scf.if %cond3A_24 {
      "tpu.region"() ({
        %run_scoped3A = tpu.sem_alloc : memref<!tpu.dma_semaphore, #tpu.memory_space<semaphore_mem>>
        %dma_start3A = arith.constant 0 : i32
        %dma_start3A_30 = tpu.memref_slice %arg5[%arg0, %mul3A_6, %dma_start3A] : memref<2x10000x128xf32, #tpu.memory_space<hbm>> -> memref<1x640x128xf32, #tpu.memory_space<hbm>>
        %dma_start3A_31 = tpu.memref_squeeze %dma_start3A_30 : memref<1x640x128xf32, #tpu.memory_space<hbm>> -> memref<640x128xf32, #tpu.memory_space<hbm>>
        %dma_start3A_32 = arith.constant 0 : i32
        %dma_start3A_33 = tpu.memref_slice %arg6[%mul3A_6, %dma_start3A_32] : memref<10016x128xf32, #tpu.memory_space<vmem_shared>> -> memref<640x128xf32, #tpu.memory_space<vmem_shared>>
        tpu.enqueue_dma source(%dma_start3A_33 : memref<640x128xf32, #tpu.memory_space<vmem_shared>>) target(%dma_start3A_31 : memref<640x128xf32, #tpu.memory_space<hbm>>) target_semaphore(%run_scoped3A : memref<!tpu.dma_semaphore, #tpu.memory_space<semaphore_mem>>)
        %dma_wait3A = arith.constant 0 : i32
        %dma_wait3A_34 = tpu.memref_slice %arg5[%arg0, %mul3A_6, %dma_wait3A] : memref<2x10000x128xf32, #tpu.memory_space<hbm>> -> memref<1x640x128xf32, #tpu.memory_space<hbm>>
        %dma_wait3A_35 = tpu.memref_squeeze %dma_wait3A_34 : memref<1x640x128xf32, #tpu.memory_space<hbm>> -> memref<640x128xf32, #tpu.memory_space<hbm>>
        %dma_wait3A_36 = arith.constant 0 : i32
        %dma_wait3A_37 = tpu.memref_slice %arg6[%mul3A_6, %dma_wait3A_36] : memref<10016x128xf32, #tpu.memory_space<vmem_shared>> -> memref<640x128xf32, #tpu.memory_space<vmem_shared>>
        tpu.wait_dma2 semaphore(%run_scoped3A : memref<!tpu.dma_semaphore, #tpu.memory_space<semaphore_mem>>) src(%dma_wait3A_37 : memref<640x128xf32, #tpu.memory_space<vmem_shared>>) dst(%dma_wait3A_35 : memref<640x128xf32, #tpu.memory_space<hbm>>)
        tpu.yield
      }) : () -> ()
    } else {
    }
    %eq3A_25 = arith.constant 15 : i32
    %eq3A_26 = arith.cmpi eq, %arg1, %eq3A_25 : i32
    %convert_element_type3A_27 = arith.extui %eq3A_26 : i1 to i32
    %cond3A_28 = arith.constant 0 : i32
    %cond3A_29 = arith.cmpi ne, %convert_element_type3A_27, %cond3A_28 : i32
    scf.if %cond3A_29 {
      "tpu.region"() ({
        %run_scoped3A = tpu.sem_alloc : memref<!tpu.dma_semaphore, #tpu.memory_space<semaphore_mem>>
        %dma_start3A = arith.constant 0 : i32
        %dma_start3A_30 = tpu.memref_slice %arg5[%arg0, %mul3A_6, %dma_start3A] : memref<2x10000x128xf32, #tpu.memory_space<hbm>> -> memref<1x400x128xf32, #tpu.memory_space<hbm>>
        %dma_start3A_31 = tpu.memref_squeeze %dma_start3A_30 : memref<1x400x128xf32, #tpu.memory_space<hbm>> -> memref<400x128xf32, #tpu.memory_space<hbm>>
        %dma_start3A_32 = arith.constant 0 : i32
        %dma_start3A_33 = tpu.memref_slice %arg6[%mul3A_6, %dma_start3A_32] : memref<10016x128xf32, #tpu.memory_space<vmem_shared>> -> memref<400x128xf32, #tpu.memory_space<vmem_shared>>
        tpu.enqueue_dma source(%dma_start3A_33 : memref<400x128xf32, #tpu.memory_space<vmem_shared>>) target(%dma_start3A_31 : memref<400x128xf32, #tpu.memory_space<hbm>>) target_semaphore(%run_scoped3A : memref<!tpu.dma_semaphore, #tpu.memory_space<semaphore_mem>>)
        %dma_wait3A = arith.constant 0 : i32
        %dma_wait3A_34 = tpu.memref_slice %arg5[%arg0, %mul3A_6, %dma_wait3A] : memref<2x10000x128xf32, #tpu.memory_space<hbm>> -> memref<1x400x128xf32, #tpu.memory_space<hbm>>
        %dma_wait3A_35 = tpu.memref_squeeze %dma_wait3A_34 : memref<1x400x128xf32, #tpu.memory_space<hbm>> -> memref<400x128xf32, #tpu.memory_space<hbm>>
        %dma_wait3A_36 = arith.constant 0 : i32
        %dma_wait3A_37 = tpu.memref_slice %arg6[%mul3A_6, %dma_wait3A_36] : memref<10016x128xf32, #tpu.memory_space<vmem_shared>> -> memref<400x128xf32, #tpu.memory_space<vmem_shared>>
        tpu.wait_dma2 semaphore(%run_scoped3A : memref<!tpu.dma_semaphore, #tpu.memory_space<semaphore_mem>>) src(%dma_wait3A_37 : memref<400x128xf32, #tpu.memory_space<vmem_shared>>) dst(%dma_wait3A_35 : memref<400x128xf32, #tpu.memory_space<hbm>>)
        tpu.yield
      }) : () -> ()
    } else {
    }
    return
  }
}

#map = affine_map<(d0, d1) -> (0, 0, 0)>
#map1 = affine_map<(d0, d1) -> (0, 0)>
module attributes {stable_mosaic.version = 14 : i64} {
  func.func @_cnt_body(%arg0: i32, %arg1: i32, %arg2: memref<2x2560x128xi32, #tpu.memory_space<hbm>>, %arg3: memref<2560x128xi32, #tpu.memory_space<hbm>>, %arg4: memref<128x128xf32, #tpu.memory_space<hbm>>, %arg5: memref<2x5120x128xf32, #tpu.memory_space<hbm>>, %arg6: memref<5120x128xf32, #tpu.memory_space<vmem_shared>>, %arg7: memref<128x128xf32, #tpu.memory_space<vmem_shared>>, %arg8: memref<128x128xf32, #tpu.memory_space<vmem>>, %arg9: memref<128x128xf32, #tpu.memory_space<vmem>>, %arg10: memref<8x128xi32, #tpu.memory_space<vmem>>, %arg11: memref<8x128xi32, #tpu.memory_space<vmem>>, %arg12: memref<8x128xi32, #tpu.memory_space<vmem>>, %arg13: memref<8x128xi32, #tpu.memory_space<vmem>>, %arg14: memref<!tpu.dma_semaphore, #tpu.memory_space<semaphore_mem>>, %arg15: memref<!tpu.dma_semaphore, #tpu.memory_space<semaphore_mem>>) attributes {dimension_semantics = [#tpu.dimension_semantics<core_parallel>, #tpu.dimension_semantics<subcore_parallel>], iteration_bounds = array<i64: 2, 16>, scalar_prefetch = 0 : i64, scratch_operands = 10 : i64, tpu.core_type = #tpu.core_type<sc_vector_subcore>, window_params = [{transform_indices = #map}, {transform_indices = #map1}, {transform_indices = #map1}, {transform_indices = #map}]} {
    %broadcast_in_dim3A = arith.constant 0.000000e+00 : f32
    %broadcast_in_dim3A_0 = vector.broadcast %broadcast_in_dim3A : f32 to vector<16xf32>
    %scan3A = arith.constant 0 : i32
    %scan3A_1 = arith.constant 0 : i32
    %scan3A_2 = arith.constant 128 : i32
    %scan3A_3 = arith.addi %scan3A_1, %scan3A_2 : i32
    %scan3A_4 = arith.constant 1 : i32
    scf.for %scan3A_21 = %scan3A_1 to %scan3A_3 step %scan3A_4  : i32 {
      %swap3A = arith.index_cast %scan3A_21 : i32 to index
      %swap3A_22 = arith.constant 0 : index
      %swap3A_23 = tpu.vector_load %arg8[%swap3A, %swap3A_22] {strides = array<i32>} : memref<128x128xf32, #tpu.memory_space<vmem>>, vector<1x16xf32>,
      %swap3A_24 = vector.shape_cast %swap3A_23 : vector<1x16xf32> to vector<16xf32>
      %swap3A_25 = vector.shape_cast %broadcast_in_dim3A_0 : vector<16xf32> to vector<1x16xf32>
      tpu.vector_store %arg8[%swap3A, %swap3A_22], %swap3A_25 {strides = array<i32>} : memref<128x128xf32, #tpu.memory_space<vmem>>, vector<1x16xf32>,
      %swap3A_26 = arith.index_cast %scan3A_21 : i32 to index
      %swap3A_27 = arith.constant 16 : index
      %swap3A_28 = tpu.vector_load %arg8[%swap3A_26, %swap3A_27] {strides = array<i32>} : memref<128x128xf32, #tpu.memory_space<vmem>>, vector<1x16xf32>,
      %swap3A_29 = vector.shape_cast %swap3A_28 : vector<1x16xf32> to vector<16xf32>
      %swap3A_30 = vector.shape_cast %broadcast_in_dim3A_0 : vector<16xf32> to vector<1x16xf32>
      tpu.vector_store %arg8[%swap3A_26, %swap3A_27], %swap3A_30 {strides = array<i32>} : memref<128x128xf32, #tpu.memory_space<vmem>>, vector<1x16xf32>,
      %swap3A_31 = arith.index_cast %scan3A_21 : i32 to index
      %swap3A_32 = arith.constant 32 : index
      %swap3A_33 = tpu.vector_load %arg8[%swap3A_31, %swap3A_32] {strides = array<i32>} : memref<128x128xf32, #tpu.memory_space<vmem>>, vector<1x16xf32>,
      %swap3A_34 = vector.shape_cast %swap3A_33 : vector<1x16xf32> to vector<16xf32>
      %swap3A_35 = vector.shape_cast %broadcast_in_dim3A_0 : vector<16xf32> to vector<1x16xf32>
      tpu.vector_store %arg8[%swap3A_31, %swap3A_32], %swap3A_35 {strides = array<i32>} : memref<128x128xf32, #tpu.memory_space<vmem>>, vector<1x16xf32>,
      %swap3A_36 = arith.index_cast %scan3A_21 : i32 to index
      %swap3A_37 = arith.constant 48 : index
      %swap3A_38 = tpu.vector_load %arg8[%swap3A_36, %swap3A_37] {strides = array<i32>} : memref<128x128xf32, #tpu.memory_space<vmem>>, vector<1x16xf32>,
      %swap3A_39 = vector.shape_cast %swap3A_38 : vector<1x16xf32> to vector<16xf32>
      %swap3A_40 = vector.shape_cast %broadcast_in_dim3A_0 : vector<16xf32> to vector<1x16xf32>
      tpu.vector_store %arg8[%swap3A_36, %swap3A_37], %swap3A_40 {strides = array<i32>} : memref<128x128xf32, #tpu.memory_space<vmem>>, vector<1x16xf32>,
      %swap3A_41 = arith.index_cast %scan3A_21 : i32 to index
      %swap3A_42 = arith.constant 64 : index
      %swap3A_43 = tpu.vector_load %arg8[%swap3A_41, %swap3A_42] {strides = array<i32>} : memref<128x128xf32, #tpu.memory_space<vmem>>, vector<1x16xf32>,
      %swap3A_44 = vector.shape_cast %swap3A_43 : vector<1x16xf32> to vector<16xf32>
      %swap3A_45 = vector.shape_cast %broadcast_in_dim3A_0 : vector<16xf32> to vector<1x16xf32>
      tpu.vector_store %arg8[%swap3A_41, %swap3A_42], %swap3A_45 {strides = array<i32>} : memref<128x128xf32, #tpu.memory_space<vmem>>, vector<1x16xf32>,
      %swap3A_46 = arith.index_cast %scan3A_21 : i32 to index
      %swap3A_47 = arith.constant 80 : index
      %swap3A_48 = tpu.vector_load %arg8[%swap3A_46, %swap3A_47] {strides = array<i32>} : memref<128x128xf32, #tpu.memory_space<vmem>>, vector<1x16xf32>,
      %swap3A_49 = vector.shape_cast %swap3A_48 : vector<1x16xf32> to vector<16xf32>
      %swap3A_50 = vector.shape_cast %broadcast_in_dim3A_0 : vector<16xf32> to vector<1x16xf32>
      tpu.vector_store %arg8[%swap3A_46, %swap3A_47], %swap3A_50 {strides = array<i32>} : memref<128x128xf32, #tpu.memory_space<vmem>>, vector<1x16xf32>,
      %swap3A_51 = arith.index_cast %scan3A_21 : i32 to index
      %swap3A_52 = arith.constant 96 : index
      %swap3A_53 = tpu.vector_load %arg8[%swap3A_51, %swap3A_52] {strides = array<i32>} : memref<128x128xf32, #tpu.memory_space<vmem>>, vector<1x16xf32>,
      %swap3A_54 = vector.shape_cast %swap3A_53 : vector<1x16xf32> to vector<16xf32>
      %swap3A_55 = vector.shape_cast %broadcast_in_dim3A_0 : vector<16xf32> to vector<1x16xf32>
      tpu.vector_store %arg8[%swap3A_51, %swap3A_52], %swap3A_55 {strides = array<i32>} : memref<128x128xf32, #tpu.memory_space<vmem>>, vector<1x16xf32>,
      %swap3A_56 = arith.index_cast %scan3A_21 : i32 to index
      %swap3A_57 = arith.constant 112 : index
      %swap3A_58 = tpu.vector_load %arg8[%swap3A_56, %swap3A_57] {strides = array<i32>} : memref<128x128xf32, #tpu.memory_space<vmem>>, vector<1x16xf32>,
      %swap3A_59 = vector.shape_cast %swap3A_58 : vector<1x16xf32> to vector<16xf32>
      %swap3A_60 = vector.shape_cast %broadcast_in_dim3A_0 : vector<16xf32> to vector<1x16xf32>
      tpu.vector_store %arg8[%swap3A_56, %swap3A_57], %swap3A_60 {strides = array<i32>} : memref<128x128xf32, #tpu.memory_space<vmem>>, vector<1x16xf32>,
    }
    %scan3A_5 = arith.constant 128 : i32
    %mul3A = arith.constant 320 : i32
    %mul3A_6 = arith.muli %arg1, %mul3A : i32
    %add3A = arith.constant 0 : i32
    %add3A_7 = arith.addi %mul3A_6, %add3A : i32
    "tpu.region"() ({
      %run_scoped3A = tpu.sem_alloc : memref<!tpu.dma_semaphore, #tpu.memory_space<semaphore_mem>>
      %dma_start3A = arith.constant 0 : i32
      %dma_start3A_21 = tpu.memref_slice %arg6[%add3A_7, %dma_start3A] : memref<5120x128xf32, #tpu.memory_space<vmem_shared>> -> memref<128x128xf32, #tpu.memory_space<vmem_shared>>
      %dma_start3A_22 = arith.constant 0 : i32
      %dma_start3A_23 = tpu.memref_slice %arg6[%add3A_7, %dma_start3A_22] : memref<5120x128xf32, #tpu.memory_space<vmem_shared>> -> memref<128x128xf32, #tpu.memory_space<vmem_shared>>
      tpu.enqueue_dma source(%arg8 : memref<128x128xf32, #tpu.memory_space<vmem>>) target(%dma_start3A_23 : memref<128x128xf32, #tpu.memory_space<vmem_shared>>) target_semaphore(%run_scoped3A : memref<!tpu.dma_semaphore, #tpu.memory_space<semaphore_mem>>)
      %dma_wait3A = arith.constant 0 : i32
      %dma_wait3A_24 = tpu.memref_slice %arg6[%add3A_7, %dma_wait3A] : memref<5120x128xf32, #tpu.memory_space<vmem_shared>> -> memref<128x128xf32, #tpu.memory_space<vmem_shared>>
      %dma_wait3A_25 = arith.constant 0 : i32
      %dma_wait3A_26 = tpu.memref_slice %arg6[%add3A_7, %dma_wait3A_25] : memref<5120x128xf32, #tpu.memory_space<vmem_shared>> -> memref<128x128xf32, #tpu.memory_space<vmem_shared>>
      tpu.wait_dma2 semaphore(%run_scoped3A : memref<!tpu.dma_semaphore, #tpu.memory_space<semaphore_mem>>) src(%arg8 : memref<128x128xf32, #tpu.memory_space<vmem>>) dst(%dma_wait3A_26 : memref<128x128xf32, #tpu.memory_space<vmem_shared>>)
      tpu.yield
    }) : () -> ()
    %add3A_8 = arith.constant 128 : i32
    %add3A_9 = arith.addi %mul3A_6, %add3A_8 : i32
    "tpu.region"() ({
      %run_scoped3A = tpu.sem_alloc : memref<!tpu.dma_semaphore, #tpu.memory_space<semaphore_mem>>
      %dma_start3A = arith.constant 0 : i32
      %dma_start3A_21 = tpu.memref_slice %arg6[%add3A_9, %dma_start3A] : memref<5120x128xf32, #tpu.memory_space<vmem_shared>> -> memref<128x128xf32, #tpu.memory_space<vmem_shared>>
      %dma_start3A_22 = arith.constant 0 : i32
      %dma_start3A_23 = tpu.memref_slice %arg6[%add3A_9, %dma_start3A_22] : memref<5120x128xf32, #tpu.memory_space<vmem_shared>> -> memref<128x128xf32, #tpu.memory_space<vmem_shared>>
      tpu.enqueue_dma source(%arg8 : memref<128x128xf32, #tpu.memory_space<vmem>>) target(%dma_start3A_23 : memref<128x128xf32, #tpu.memory_space<vmem_shared>>) target_semaphore(%run_scoped3A : memref<!tpu.dma_semaphore, #tpu.memory_space<semaphore_mem>>)
      %dma_wait3A = arith.constant 0 : i32
      %dma_wait3A_24 = tpu.memref_slice %arg6[%add3A_9, %dma_wait3A] : memref<5120x128xf32, #tpu.memory_space<vmem_shared>> -> memref<128x128xf32, #tpu.memory_space<vmem_shared>>
      %dma_wait3A_25 = arith.constant 0 : i32
      %dma_wait3A_26 = tpu.memref_slice %arg6[%add3A_9, %dma_wait3A_25] : memref<5120x128xf32, #tpu.memory_space<vmem_shared>> -> memref<128x128xf32, #tpu.memory_space<vmem_shared>>
      tpu.wait_dma2 semaphore(%run_scoped3A : memref<!tpu.dma_semaphore, #tpu.memory_space<semaphore_mem>>) src(%arg8 : memref<128x128xf32, #tpu.memory_space<vmem>>) dst(%dma_wait3A_26 : memref<128x128xf32, #tpu.memory_space<vmem_shared>>)
      tpu.yield
    }) : () -> ()
    %add3A_10 = arith.constant 256 : i32
    %add3A_11 = arith.addi %mul3A_6, %add3A_10 : i32
    "tpu.region"() ({
      %run_scoped3A = tpu.sem_alloc : memref<!tpu.dma_semaphore, #tpu.memory_space<semaphore_mem>>
      %dma_start3A = arith.constant 0 : i32
      %dma_start3A_21 = arith.constant 0 : i32
      %dma_start3A_22 = tpu.memref_slice %arg8[%dma_start3A, %dma_start3A_21] : memref<128x128xf32, #tpu.memory_space<vmem>> -> memref<64x128xf32, #tpu.memory_space<vmem>>
      %dma_start3A_23 = arith.constant 0 : i32
      %dma_start3A_24 = tpu.memref_slice %arg6[%add3A_11, %dma_start3A_23] : memref<5120x128xf32, #tpu.memory_space<vmem_shared>> -> memref<64x128xf32, #tpu.memory_space<vmem_shared>>
      %dma_start3A_25 = arith.constant 0 : i32
      %dma_start3A_26 = tpu.memref_slice %arg6[%add3A_11, %dma_start3A_25] : memref<5120x128xf32, #tpu.memory_space<vmem_shared>> -> memref<64x128xf32, #tpu.memory_space<vmem_shared>>
      %dma_start3A_27 = arith.constant 0 : i32
      %dma_start3A_28 = arith.constant 0 : i32
      %dma_start3A_29 = tpu.memref_slice %arg8[%dma_start3A_27, %dma_start3A_28] : memref<128x128xf32, #tpu.memory_space<vmem>> -> memref<64x128xf32, #tpu.memory_space<vmem>>
      tpu.enqueue_dma source(%dma_start3A_29 : memref<64x128xf32, #tpu.memory_space<vmem>>) target(%dma_start3A_26 : memref<64x128xf32, #tpu.memory_space<vmem_shared>>) target_semaphore(%run_scoped3A : memref<!tpu.dma_semaphore, #tpu.memory_space<semaphore_mem>>)
      %dma_wait3A = arith.constant 0 : i32
      %dma_wait3A_30 = arith.constant 0 : i32
      %dma_wait3A_31 = tpu.memref_slice %arg8[%dma_wait3A, %dma_wait3A_30] : memref<128x128xf32, #tpu.memory_space<vmem>> -> memref<64x128xf32, #tpu.memory_space<vmem>>
      %dma_wait3A_32 = arith.constant 0 : i32
      %dma_wait3A_33 = tpu.memref_slice %arg6[%add3A_11, %dma_wait3A_32] : memref<5120x128xf32, #tpu.memory_space<vmem_shared>> -> memref<64x128xf32, #tpu.memory_space<vmem_shared>>
      %dma_wait3A_34 = arith.constant 0 : i32
      %dma_wait3A_35 = tpu.memref_slice %arg6[%add3A_11, %dma_wait3A_34] : memref<5120x128xf32, #tpu.memory_space<vmem_shared>> -> memref<64x128xf32, #tpu.memory_space<vmem_shared>>
      %dma_wait3A_36 = arith.constant 0 : i32
      %dma_wait3A_37 = arith.constant 0 : i32
      %dma_wait3A_38 = tpu.memref_slice %arg8[%dma_wait3A_36, %dma_wait3A_37] : memref<128x128xf32, #tpu.memory_space<vmem>> -> memref<64x128xf32, #tpu.memory_space<vmem>>
      tpu.wait_dma2 semaphore(%run_scoped3A : memref<!tpu.dma_semaphore, #tpu.memory_space<semaphore_mem>>) src(%dma_wait3A_38 : memref<64x128xf32, #tpu.memory_space<vmem>>) dst(%dma_wait3A_35 : memref<64x128xf32, #tpu.memory_space<vmem_shared>>)
      tpu.yield
    }) : () -> ()
    %eq3A = arith.constant 0 : i32
    %eq3A_12 = arith.cmpi eq, %arg1, %eq3A : i32
    %convert_element_type3A = arith.extui %eq3A_12 : i1 to i32
    %cond3A = arith.constant 0 : i32
    %cond3A_13 = arith.cmpi ne, %convert_element_type3A, %cond3A : i32
    scf.if %cond3A_13 {
      "tpu.region"() ({
        %run_scoped3A = tpu.sem_alloc : memref<!tpu.dma_semaphore, #tpu.memory_space<semaphore_mem>>
        tpu.enqueue_dma source(%arg4 : memref<128x128xf32, #tpu.memory_space<hbm>>) target(%arg8 : memref<128x128xf32, #tpu.memory_space<vmem>>) target_semaphore(%run_scoped3A : memref<!tpu.dma_semaphore, #tpu.memory_space<semaphore_mem>>)
        tpu.wait_dma2 semaphore(%run_scoped3A : memref<!tpu.dma_semaphore, #tpu.memory_space<semaphore_mem>>) src(%arg4 : memref<128x128xf32, #tpu.memory_space<hbm>>) dst(%arg8 : memref<128x128xf32, #tpu.memory_space<vmem>>)
        tpu.yield
      }) : () -> ()
      "tpu.region"() ({
        %run_scoped3A = tpu.sem_alloc : memref<!tpu.dma_semaphore, #tpu.memory_space<semaphore_mem>>
        tpu.enqueue_dma source(%arg8 : memref<128x128xf32, #tpu.memory_space<vmem>>) target(%arg7 : memref<128x128xf32, #tpu.memory_space<vmem_shared>>) target_semaphore(%run_scoped3A : memref<!tpu.dma_semaphore, #tpu.memory_space<semaphore_mem>>)
        tpu.wait_dma2 semaphore(%run_scoped3A : memref<!tpu.dma_semaphore, #tpu.memory_space<semaphore_mem>>) src(%arg8 : memref<128x128xf32, #tpu.memory_space<vmem>>) dst(%arg7 : memref<128x128xf32, #tpu.memory_space<vmem_shared>>)
        tpu.yield
      }) : () -> ()
    } else {
    }
    %barrier3A = arith.constant 0 : index
    tpu.barrier barrier_id(%barrier3A)
    %scan3A_14 = arith.constant 0 : i32
    %scan3A_15 = arith.constant 0 : i32
    %scan3A_16 = arith.constant 20 : i32
    %scan3A_17 = arith.addi %scan3A_15, %scan3A_16 : i32
    %scan3A_18 = arith.constant 1 : i32
    scf.for %scan3A_21 = %scan3A_15 to %scan3A_17 step %scan3A_18  : i32 {
      %mul3A_22 = arith.constant 16 : i32
      %mul3A_23 = arith.muli %mul3A_22, %scan3A_21 : i32
      %add3A_24 = arith.addi %arg1, %mul3A_23 : i32
      %mul3A_25 = arith.constant 8 : i32
      %mul3A_26 = arith.muli %mul3A_25, %add3A_24 : i32
      "tpu.region"() ({
        %run_scoped3A_2188 = tpu.sem_alloc : memref<!tpu.dma_semaphore, #tpu.memory_space<semaphore_mem>>
        %dma_start3A_2189 = arith.constant 0 : i32
        %dma_start3A_2190 = tpu.memref_slice %arg2[%arg0, %mul3A_26, %dma_start3A_2189] : memref<2x2560x128xi32, #tpu.memory_space<hbm>> -> memref<1x8x128xi32, #tpu.memory_space<hbm>>
        %dma_start3A_2191 = tpu.memref_squeeze %dma_start3A_2190 : memref<1x8x128xi32, #tpu.memory_space<hbm>> -> memref<8x128xi32, #tpu.memory_space<hbm>>
        %dma_start3A_2192 = arith.constant 0 : i32
        %dma_start3A_2193 = tpu.memref_slice %arg2[%arg0, %mul3A_26, %dma_start3A_2192] : memref<2x2560x128xi32, #tpu.memory_space<hbm>> -> memref<1x8x128xi32, #tpu.memory_space<hbm>>
        %dma_start3A_2194 = tpu.memref_squeeze %dma_start3A_2193 : memref<1x8x128xi32, #tpu.memory_space<hbm>> -> memref<8x128xi32, #tpu.memory_space<hbm>>
        tpu.enqueue_dma source(%dma_start3A_2194 : memref<8x128xi32, #tpu.memory_space<hbm>>) target(%arg10 : memref<8x128xi32, #tpu.memory_space<vmem>>) target_semaphore(%run_scoped3A_2188 : memref<!tpu.dma_semaphore, #tpu.memory_space<semaphore_mem>>)
        %dma_wait3A_2195 = arith.constant 0 : i32
        %dma_wait3A_2196 = tpu.memref_slice %arg2[%arg0, %mul3A_26, %dma_wait3A_2195] : memref<2x2560x128xi32, #tpu.memory_space<hbm>> -> memref<1x8x128xi32, #tpu.memory_space<hbm>>
        %dma_wait3A_2197 = tpu.memref_squeeze %dma_wait3A_2196 : memref<1x8x128xi32, #tpu.memory_space<hbm>> -> memref<8x128xi32, #tpu.memory_space<hbm>>
        %dma_wait3A_2198 = arith.constant 0 : i32
        %dma_wait3A_2199 = tpu.memref_slice %arg2[%arg0, %mul3A_26, %dma_wait3A_2198] : memref<2x2560x128xi32, #tpu.memory_space<hbm>> -> memref<1x8x128xi32, #tpu.memory_space<hbm>>
        %dma_wait3A_2200 = tpu.memref_squeeze %dma_wait3A_2199 : memref<1x8x128xi32, #tpu.memory_space<hbm>> -> memref<8x128xi32, #tpu.memory_space<hbm>>
        tpu.wait_dma2 semaphore(%run_scoped3A_2188 : memref<!tpu.dma_semaphore, #tpu.memory_space<semaphore_mem>>) src(%dma_wait3A_2200 : memref<8x128xi32, #tpu.memory_space<hbm>>) dst(%arg10 : memref<8x128xi32, #tpu.memory_space<vmem>>)
        tpu.yield
      }) : () -> ()
      "tpu.region"() ({
        %run_scoped3A_2188 = tpu.sem_alloc : memref<!tpu.dma_semaphore, #tpu.memory_space<semaphore_mem>>
        %dma_start3A_2189 = arith.constant 0 : i32
        %dma_start3A_2190 = tpu.memref_slice %arg3[%mul3A_26, %dma_start3A_2189] : memref<2560x128xi32, #tpu.memory_space<hbm>> -> memref<8x128xi32, #tpu.memory_space<hbm>>
        %dma_start3A_2191 = arith.constant 0 : i32
        %dma_start3A_2192 = tpu.memref_slice %arg3[%mul3A_26, %dma_start3A_2191] : memref<2560x128xi32, #tpu.memory_space<hbm>> -> memref<8x128xi32, #tpu.memory_space<hbm>>
        tpu.enqueue_dma source(%dma_start3A_2192 : memref<8x128xi32, #tpu.memory_space<hbm>>) target(%arg11 : memref<8x128xi32, #tpu.memory_space<vmem>>) target_semaphore(%run_scoped3A_2188 : memref<!tpu.dma_semaphore, #tpu.memory_space<semaphore_mem>>)
        %dma_wait3A_2193 = arith.constant 0 : i32
        %dma_wait3A_2194 = tpu.memref_slice %arg3[%mul3A_26, %dma_wait3A_2193] : memref<2560x128xi32, #tpu.memory_space<hbm>> -> memref<8x128xi32, #tpu.memory_space<hbm>>
        %dma_wait3A_2195 = arith.constant 0 : i32
        %dma_wait3A_2196 = tpu.memref_slice %arg3[%mul3A_26, %dma_wait3A_2195] : memref<2560x128xi32, #tpu.memory_space<hbm>> -> memref<8x128xi32, #tpu.memory_space<hbm>>
        tpu.wait_dma2 semaphore(%run_scoped3A_2188 : memref<!tpu.dma_semaphore, #tpu.memory_space<semaphore_mem>>) src(%dma_wait3A_2196 : memref<8x128xi32, #tpu.memory_space<hbm>>) dst(%arg11 : memref<8x128xi32, #tpu.memory_space<vmem>>)
        tpu.yield
      }) : () -> ()
      %get3A = arith.constant 0 : i32
      %get3A_27 = arith.index_cast %get3A : i32 to index
      %get3A_28 = arith.constant 0 : index
      %get3A_29 = tpu.vector_load %arg10[%get3A_27, %get3A_28] {strides = array<i32>} : memref<8x128xi32, #tpu.memory_space<vmem>>, vector<1x16xi32>,
      %get3A_30 = vector.shape_cast %get3A_29 : vector<1x16xi32> to vector<16xi32>
      %get3A_31 = arith.constant 0 : i32
      %get3A_32 = arith.index_cast %get3A_31 : i32 to index
      %get3A_33 = arith.constant 0 : index
      %get3A_34 = tpu.vector_load %arg11[%get3A_32, %get3A_33] {strides = array<i32>} : memref<8x128xi32, #tpu.memory_space<vmem>>, vector<1x16xi32>,
      %get3A_35 = vector.shape_cast %get3A_34 : vector<1x16xi32> to vector<16xi32>
      %shift_right_arithmetic3A = arith.constant 1 : i32
      %shift_right_arithmetic3A_36 = vector.broadcast %shift_right_arithmetic3A : i32 to vector<16xi32>
      %shift_right_arithmetic3A_37 = arith.shrsi %get3A_30, %shift_right_arithmetic3A_36 : vector<16xi32>
      %swap3A = arith.constant 0 : i32
      %swap3A_38 = arith.index_cast %swap3A : i32 to index
      %swap3A_39 = arith.constant 0 : index
      %swap3A_40 = tpu.vector_load %arg12[%swap3A_38, %swap3A_39] {strides = array<i32>} : memref<8x128xi32, #tpu.memory_space<vmem>>, vector<1x16xi32>,
      %swap3A_41 = vector.shape_cast %swap3A_40 : vector<1x16xi32> to vector<16xi32>
      %swap3A_42 = vector.shape_cast %shift_right_arithmetic3A_37 : vector<16xi32> to vector<1x16xi32>
      tpu.vector_store %arg12[%swap3A_38, %swap3A_39], %swap3A_42 {strides = array<i32>} : memref<8x128xi32, #tpu.memory_space<vmem>>, vector<1x16xi32>,
      %and3A = arith.constant 1 : i32
      %and3A_43 = vector.broadcast %and3A : i32 to vector<16xi32>
      %and3A_44 = arith.andi %get3A_30, %and3A_43 : vector<16xi32>
      %mul3A_45 = arith.constant 64 : i32
      %mul3A_46 = vector.broadcast %mul3A_45 : i32 to vector<16xi32>
      %mul3A_47 = arith.muli %and3A_44, %mul3A_46 : vector<16xi32>
      %add3A_48 = arith.addi %mul3A_47, %get3A_35 : vector<16xi32>
      %swap3A_49 = arith.constant 0 : i32
      %swap3A_50 = arith.index_cast %swap3A_49 : i32 to index
      %swap3A_51 = arith.constant 0 : index
      %swap3A_52 = tpu.vector_load %arg13[%swap3A_50, %swap3A_51] {strides = array<i32>} : memref<8x128xi32, #tpu.memory_space<vmem>>, vector<1x16xi32>,
      %swap3A_53 = vector.shape_cast %swap3A_52 : vector<1x16xi32> to vector<16xi32>
      %swap3A_54 = vector.shape_cast %add3A_48 : vector<16xi32> to vector<1x16xi32>
      tpu.vector_store %arg13[%swap3A_50, %swap3A_51], %swap3A_54 {strides = array<i32>} : memref<8x128xi32, #tpu.memory_space<vmem>>, vector<1x16xi32>,
      %get3A_55 = arith.constant 0 : i32
      %get3A_56 = arith.index_cast %get3A_55 : i32 to index
      %get3A_57 = arith.constant 16 : index
      %get3A_58 = tpu.vector_load %arg10[%get3A_56, %get3A_57] {strides = array<i32>} : memref<8x128xi32, #tpu.memory_space<vmem>>, vector<1x16xi32>,
      %get3A_59 = vector.shape_cast %get3A_58 : vector<1x16xi32> to vector<16xi32>
      %get3A_60 = arith.constant 0 : i32
      %get3A_61 = arith.index_cast %get3A_60 : i32 to index
      %get3A_62 = arith.constant 16 : index
      %get3A_63 = tpu.vector_load %arg11[%get3A_61, %get3A_62] {strides = array<i32>} : memref<8x128xi32, #tpu.memory_space<vmem>>, vector<1x16xi32>,
      %get3A_64 = vector.shape_cast %get3A_63 : vector<1x16xi32> to vector<16xi32>
      %shift_right_arithmetic3A_65 = arith.constant 1 : i32
      %shift_right_arithmetic3A_66 = vector.broadcast %shift_right_arithmetic3A_65 : i32 to vector<16xi32>
      %shift_right_arithmetic3A_67 = arith.shrsi %get3A_59, %shift_right_arithmetic3A_66 : vector<16xi32>
      %swap3A_68 = arith.constant 0 : i32
      %swap3A_69 = arith.index_cast %swap3A_68 : i32 to index
      %swap3A_70 = arith.constant 16 : index
      %swap3A_71 = tpu.vector_load %arg12[%swap3A_69, %swap3A_70] {strides = array<i32>} : memref<8x128xi32, #tpu.memory_space<vmem>>, vector<1x16xi32>,
      %swap3A_72 = vector.shape_cast %swap3A_71 : vector<1x16xi32> to vector<16xi32>
      %swap3A_73 = vector.shape_cast %shift_right_arithmetic3A_67 : vector<16xi32> to vector<1x16xi32>
      tpu.vector_store %arg12[%swap3A_69, %swap3A_70], %swap3A_73 {strides = array<i32>} : memref<8x128xi32, #tpu.memory_space<vmem>>, vector<1x16xi32>,
      %and3A_74 = arith.constant 1 : i32
      %and3A_75 = vector.broadcast %and3A_74 : i32 to vector<16xi32>
      %and3A_76 = arith.andi %get3A_59, %and3A_75 : vector<16xi32>
      %mul3A_77 = arith.constant 64 : i32
      %mul3A_78 = vector.broadcast %mul3A_77 : i32 to vector<16xi32>
      %mul3A_79 = arith.muli %and3A_76, %mul3A_78 : vector<16xi32>
      %add3A_80 = arith.addi %mul3A_79, %get3A_64 : vector<16xi32>
      %swap3A_81 = arith.constant 0 : i32
      %swap3A_82 = arith.index_cast %swap3A_81 : i32 to index
      %swap3A_83 = arith.constant 16 : index
      %swap3A_84 = tpu.vector_load %arg13[%swap3A_82, %swap3A_83] {strides = array<i32>} : memref<8x128xi32, #tpu.memory_space<vmem>>, vector<1x16xi32>,
      %swap3A_85 = vector.shape_cast %swap3A_84 : vector<1x16xi32> to vector<16xi32>
      %swap3A_86 = vector.shape_cast %add3A_80 : vector<16xi32> to vector<1x16xi32>
      tpu.vector_store %arg13[%swap3A_82, %swap3A_83], %swap3A_86 {strides = array<i32>} : memref<8x128xi32, #tpu.memory_space<vmem>>, vector<1x16xi32>,
      %get3A_87 = arith.constant 0 : i32
      %get3A_88 = arith.index_cast %get3A_87 : i32 to index
      %get3A_89 = arith.constant 32 : index
      %get3A_90 = tpu.vector_load %arg10[%get3A_88, %get3A_89] {strides = array<i32>} : memref<8x128xi32, #tpu.memory_space<vmem>>, vector<1x16xi32>,
      %get3A_91 = vector.shape_cast %get3A_90 : vector<1x16xi32> to vector<16xi32>
      %get3A_92 = arith.constant 0 : i32
      %get3A_93 = arith.index_cast %get3A_92 : i32 to index
      %get3A_94 = arith.constant 32 : index
      %get3A_95 = tpu.vector_load %arg11[%get3A_93, %get3A_94] {strides = array<i32>} : memref<8x128xi32, #tpu.memory_space<vmem>>, vector<1x16xi32>,
      %get3A_96 = vector.shape_cast %get3A_95 : vector<1x16xi32> to vector<16xi32>
      %shift_right_arithmetic3A_97 = arith.constant 1 : i32
      %shift_right_arithmetic3A_98 = vector.broadcast %shift_right_arithmetic3A_97 : i32 to vector<16xi32>
      %shift_right_arithmetic3A_99 = arith.shrsi %get3A_91, %shift_right_arithmetic3A_98 : vector<16xi32>
      %swap3A_100 = arith.constant 0 : i32
      %swap3A_101 = arith.index_cast %swap3A_100 : i32 to index
      %swap3A_102 = arith.constant 32 : index
      %swap3A_103 = tpu.vector_load %arg12[%swap3A_101, %swap3A_102] {strides = array<i32>} : memref<8x128xi32, #tpu.memory_space<vmem>>, vector<1x16xi32>,
      %swap3A_104 = vector.shape_cast %swap3A_103 : vector<1x16xi32> to vector<16xi32>
      %swap3A_105 = vector.shape_cast %shift_right_arithmetic3A_99 : vector<16xi32> to vector<1x16xi32>
      tpu.vector_store %arg12[%swap3A_101, %swap3A_102], %swap3A_105 {strides = array<i32>} : memref<8x128xi32, #tpu.memory_space<vmem>>, vector<1x16xi32>,
      %and3A_106 = arith.constant 1 : i32
      %and3A_107 = vector.broadcast %and3A_106 : i32 to vector<16xi32>
      %and3A_108 = arith.andi %get3A_91, %and3A_107 : vector<16xi32>
      %mul3A_109 = arith.constant 64 : i32
      %mul3A_110 = vector.broadcast %mul3A_109 : i32 to vector<16xi32>
      %mul3A_111 = arith.muli %and3A_108, %mul3A_110 : vector<16xi32>
      %add3A_112 = arith.addi %mul3A_111, %get3A_96 : vector<16xi32>
      %swap3A_113 = arith.constant 0 : i32
      %swap3A_114 = arith.index_cast %swap3A_113 : i32 to index
      %swap3A_115 = arith.constant 32 : index
      %swap3A_116 = tpu.vector_load %arg13[%swap3A_114, %swap3A_115] {strides = array<i32>} : memref<8x128xi32, #tpu.memory_space<vmem>>, vector<1x16xi32>,
      %swap3A_117 = vector.shape_cast %swap3A_116 : vector<1x16xi32> to vector<16xi32>
      %swap3A_118 = vector.shape_cast %add3A_112 : vector<16xi32> to vector<1x16xi32>
      tpu.vector_store %arg13[%swap3A_114, %swap3A_115], %swap3A_118 {strides = array<i32>} : memref<8x128xi32, #tpu.memory_space<vmem>>, vector<1x16xi32>,
      %get3A_119 = arith.constant 0 : i32
      %get3A_120 = arith.index_cast %get3A_119 : i32 to index
      %get3A_121 = arith.constant 48 : index
      %get3A_122 = tpu.vector_load %arg10[%get3A_120, %get3A_121] {strides = array<i32>} : memref<8x128xi32, #tpu.memory_space<vmem>>, vector<1x16xi32>,
      %get3A_123 = vector.shape_cast %get3A_122 : vector<1x16xi32> to vector<16xi32>
      %get3A_124 = arith.constant 0 : i32
      %get3A_125 = arith.index_cast %get3A_124 : i32 to index
      %get3A_126 = arith.constant 48 : index
      %get3A_127 = tpu.vector_load %arg11[%get3A_125, %get3A_126] {strides = array<i32>} : memref<8x128xi32, #tpu.memory_space<vmem>>, vector<1x16xi32>,
      %get3A_128 = vector.shape_cast %get3A_127 : vector<1x16xi32> to vector<16xi32>
      %shift_right_arithmetic3A_129 = arith.constant 1 : i32
      %shift_right_arithmetic3A_130 = vector.broadcast %shift_right_arithmetic3A_129 : i32 to vector<16xi32>
      %shift_right_arithmetic3A_131 = arith.shrsi %get3A_123, %shift_right_arithmetic3A_130 : vector<16xi32>
      %swap3A_132 = arith.constant 0 : i32
      %swap3A_133 = arith.index_cast %swap3A_132 : i32 to index
      %swap3A_134 = arith.constant 48 : index
      %swap3A_135 = tpu.vector_load %arg12[%swap3A_133, %swap3A_134] {strides = array<i32>} : memref<8x128xi32, #tpu.memory_space<vmem>>, vector<1x16xi32>,
      %swap3A_136 = vector.shape_cast %swap3A_135 : vector<1x16xi32> to vector<16xi32>
      %swap3A_137 = vector.shape_cast %shift_right_arithmetic3A_131 : vector<16xi32> to vector<1x16xi32>
      tpu.vector_store %arg12[%swap3A_133, %swap3A_134], %swap3A_137 {strides = array<i32>} : memref<8x128xi32, #tpu.memory_space<vmem>>, vector<1x16xi32>,
      %and3A_138 = arith.constant 1 : i32
      %and3A_139 = vector.broadcast %and3A_138 : i32 to vector<16xi32>
      %and3A_140 = arith.andi %get3A_123, %and3A_139 : vector<16xi32>
      %mul3A_141 = arith.constant 64 : i32
      %mul3A_142 = vector.broadcast %mul3A_141 : i32 to vector<16xi32>
      %mul3A_143 = arith.muli %and3A_140, %mul3A_142 : vector<16xi32>
      %add3A_144 = arith.addi %mul3A_143, %get3A_128 : vector<16xi32>
      %swap3A_145 = arith.constant 0 : i32
      %swap3A_146 = arith.index_cast %swap3A_145 : i32 to index
      %swap3A_147 = arith.constant 48 : index
      %swap3A_148 = tpu.vector_load %arg13[%swap3A_146, %swap3A_147] {strides = array<i32>} : memref<8x128xi32, #tpu.memory_space<vmem>>, vector<1x16xi32>,
      %swap3A_149 = vector.shape_cast %swap3A_148 : vector<1x16xi32> to vector<16xi32>
      %swap3A_150 = vector.shape_cast %add3A_144 : vector<16xi32> to vector<1x16xi32>
      tpu.vector_store %arg13[%swap3A_146, %swap3A_147], %swap3A_150 {strides = array<i32>} : memref<8x128xi32, #tpu.memory_space<vmem>>, vector<1x16xi32>,
      %get3A_151 = arith.constant 0 : i32
      %get3A_152 = arith.index_cast %get3A_151 : i32 to index
      %get3A_153 = arith.constant 64 : index
      %get3A_154 = tpu.vector_load %arg10[%get3A_152, %get3A_153] {strides = array<i32>} : memref<8x128xi32, #tpu.memory_space<vmem>>, vector<1x16xi32>,
      %get3A_155 = vector.shape_cast %get3A_154 : vector<1x16xi32> to vector<16xi32>
      %get3A_156 = arith.constant 0 : i32
      %get3A_157 = arith.index_cast %get3A_156 : i32 to index
      %get3A_158 = arith.constant 64 : index
      %get3A_159 = tpu.vector_load %arg11[%get3A_157, %get3A_158] {strides = array<i32>} : memref<8x128xi32, #tpu.memory_space<vmem>>, vector<1x16xi32>,
      %get3A_160 = vector.shape_cast %get3A_159 : vector<1x16xi32> to vector<16xi32>
      %shift_right_arithmetic3A_161 = arith.constant 1 : i32
      %shift_right_arithmetic3A_162 = vector.broadcast %shift_right_arithmetic3A_161 : i32 to vector<16xi32>
      %shift_right_arithmetic3A_163 = arith.shrsi %get3A_155, %shift_right_arithmetic3A_162 : vector<16xi32>
      %swap3A_164 = arith.constant 0 : i32
      %swap3A_165 = arith.index_cast %swap3A_164 : i32 to index
      %swap3A_166 = arith.constant 64 : index
      %swap3A_167 = tpu.vector_load %arg12[%swap3A_165, %swap3A_166] {strides = array<i32>} : memref<8x128xi32, #tpu.memory_space<vmem>>, vector<1x16xi32>,
      %swap3A_168 = vector.shape_cast %swap3A_167 : vector<1x16xi32> to vector<16xi32>
      %swap3A_169 = vector.shape_cast %shift_right_arithmetic3A_163 : vector<16xi32> to vector<1x16xi32>
      tpu.vector_store %arg12[%swap3A_165, %swap3A_166], %swap3A_169 {strides = array<i32>} : memref<8x128xi32, #tpu.memory_space<vmem>>, vector<1x16xi32>,
      %and3A_170 = arith.constant 1 : i32
      %and3A_171 = vector.broadcast %and3A_170 : i32 to vector<16xi32>
      %and3A_172 = arith.andi %get3A_155, %and3A_171 : vector<16xi32>
      %mul3A_173 = arith.constant 64 : i32
      %mul3A_174 = vector.broadcast %mul3A_173 : i32 to vector<16xi32>
      %mul3A_175 = arith.muli %and3A_172, %mul3A_174 : vector<16xi32>
      %add3A_176 = arith.addi %mul3A_175, %get3A_160 : vector<16xi32>
      %swap3A_177 = arith.constant 0 : i32
      %swap3A_178 = arith.index_cast %swap3A_177 : i32 to index
      %swap3A_179 = arith.constant 64 : index
      %swap3A_180 = tpu.vector_load %arg13[%swap3A_178, %swap3A_179] {strides = array<i32>} : memref<8x128xi32, #tpu.memory_space<vmem>>, vector<1x16xi32>,
      %swap3A_181 = vector.shape_cast %swap3A_180 : vector<1x16xi32> to vector<16xi32>
      %swap3A_182 = vector.shape_cast %add3A_176 : vector<16xi32> to vector<1x16xi32>
      tpu.vector_store %arg13[%swap3A_178, %swap3A_179], %swap3A_182 {strides = array<i32>} : memref<8x128xi32, #tpu.memory_space<vmem>>, vector<1x16xi32>,
      %get3A_183 = arith.constant 0 : i32
      %get3A_184 = arith.index_cast %get3A_183 : i32 to index
      %get3A_185 = arith.constant 80 : index
      %get3A_186 = tpu.vector_load %arg10[%get3A_184, %get3A_185] {strides = array<i32>} : memref<8x128xi32, #tpu.memory_space<vmem>>, vector<1x16xi32>,
      %get3A_187 = vector.shape_cast %get3A_186 : vector<1x16xi32> to vector<16xi32>
      %get3A_188 = arith.constant 0 : i32
      %get3A_189 = arith.index_cast %get3A_188 : i32 to index
      %get3A_190 = arith.constant 80 : index
      %get3A_191 = tpu.vector_load %arg11[%get3A_189, %get3A_190] {strides = array<i32>} : memref<8x128xi32, #tpu.memory_space<vmem>>, vector<1x16xi32>,
      %get3A_192 = vector.shape_cast %get3A_191 : vector<1x16xi32> to vector<16xi32>
      %shift_right_arithmetic3A_193 = arith.constant 1 : i32
      %shift_right_arithmetic3A_194 = vector.broadcast %shift_right_arithmetic3A_193 : i32 to vector<16xi32>
      %shift_right_arithmetic3A_195 = arith.shrsi %get3A_187, %shift_right_arithmetic3A_194 : vector<16xi32>
      %swap3A_196 = arith.constant 0 : i32
      %swap3A_197 = arith.index_cast %swap3A_196 : i32 to index
      %swap3A_198 = arith.constant 80 : index
      %swap3A_199 = tpu.vector_load %arg12[%swap3A_197, %swap3A_198] {strides = array<i32>} : memref<8x128xi32, #tpu.memory_space<vmem>>, vector<1x16xi32>,
      %swap3A_200 = vector.shape_cast %swap3A_199 : vector<1x16xi32> to vector<16xi32>
      %swap3A_201 = vector.shape_cast %shift_right_arithmetic3A_195 : vector<16xi32> to vector<1x16xi32>
      tpu.vector_store %arg12[%swap3A_197, %swap3A_198], %swap3A_201 {strides = array<i32>} : memref<8x128xi32, #tpu.memory_space<vmem>>, vector<1x16xi32>,
      %and3A_202 = arith.constant 1 : i32
      %and3A_203 = vector.broadcast %and3A_202 : i32 to vector<16xi32>
      %and3A_204 = arith.andi %get3A_187, %and3A_203 : vector<16xi32>
      %mul3A_205 = arith.constant 64 : i32
      %mul3A_206 = vector.broadcast %mul3A_205 : i32 to vector<16xi32>
      %mul3A_207 = arith.muli %and3A_204, %mul3A_206 : vector<16xi32>
      %add3A_208 = arith.addi %mul3A_207, %get3A_192 : vector<16xi32>
      %swap3A_209 = arith.constant 0 : i32
      %swap3A_210 = arith.index_cast %swap3A_209 : i32 to index
      %swap3A_211 = arith.constant 80 : index
      %swap3A_212 = tpu.vector_load %arg13[%swap3A_210, %swap3A_211] {strides = array<i32>} : memref<8x128xi32, #tpu.memory_space<vmem>>, vector<1x16xi32>,
      %swap3A_213 = vector.shape_cast %swap3A_212 : vector<1x16xi32> to vector<16xi32>
      %swap3A_214 = vector.shape_cast %add3A_208 : vector<16xi32> to vector<1x16xi32>
      tpu.vector_store %arg13[%swap3A_210, %swap3A_211], %swap3A_214 {strides = array<i32>} : memref<8x128xi32, #tpu.memory_space<vmem>>, vector<1x16xi32>,
      %get3A_215 = arith.constant 0 : i32
      %get3A_216 = arith.index_cast %get3A_215 : i32 to index
      %get3A_217 = arith.constant 96 : index
      %get3A_218 = tpu.vector_load %arg10[%get3A_216, %get3A_217] {strides = array<i32>} : memref<8x128xi32, #tpu.memory_space<vmem>>, vector<1x16xi32>,
      %get3A_219 = vector.shape_cast %get3A_218 : vector<1x16xi32> to vector<16xi32>
      %get3A_220 = arith.constant 0 : i32
      %get3A_221 = arith.index_cast %get3A_220 : i32 to index
      %get3A_222 = arith.constant 96 : index
      %get3A_223 = tpu.vector_load %arg11[%get3A_221, %get3A_222] {strides = array<i32>} : memref<8x128xi32, #tpu.memory_space<vmem>>, vector<1x16xi32>,
      %get3A_224 = vector.shape_cast %get3A_223 : vector<1x16xi32> to vector<16xi32>
      %shift_right_arithmetic3A_225 = arith.constant 1 : i32
      %shift_right_arithmetic3A_226 = vector.broadcast %shift_right_arithmetic3A_225 : i32 to vector<16xi32>
      %shift_right_arithmetic3A_227 = arith.shrsi %get3A_219, %shift_right_arithmetic3A_226 : vector<16xi32>
      %swap3A_228 = arith.constant 0 : i32
      %swap3A_229 = arith.index_cast %swap3A_228 : i32 to index
      %swap3A_230 = arith.constant 96 : index
      %swap3A_231 = tpu.vector_load %arg12[%swap3A_229, %swap3A_230] {strides = array<i32>} : memref<8x128xi32, #tpu.memory_space<vmem>>, vector<1x16xi32>,
      %swap3A_232 = vector.shape_cast %swap3A_231 : vector<1x16xi32> to vector<16xi32>
      %swap3A_233 = vector.shape_cast %shift_right_arithmetic3A_227 : vector<16xi32> to vector<1x16xi32>
      tpu.vector_store %arg12[%swap3A_229, %swap3A_230], %swap3A_233 {strides = array<i32>} : memref<8x128xi32, #tpu.memory_space<vmem>>, vector<1x16xi32>,
      %and3A_234 = arith.constant 1 : i32
      %and3A_235 = vector.broadcast %and3A_234 : i32 to vector<16xi32>
      %and3A_236 = arith.andi %get3A_219, %and3A_235 : vector<16xi32>
      %mul3A_237 = arith.constant 64 : i32
      %mul3A_238 = vector.broadcast %mul3A_237 : i32 to vector<16xi32>
      %mul3A_239 = arith.muli %and3A_236, %mul3A_238 : vector<16xi32>
      %add3A_240 = arith.addi %mul3A_239, %get3A_224 : vector<16xi32>
      %swap3A_241 = arith.constant 0 : i32
      %swap3A_242 = arith.index_cast %swap3A_241 : i32 to index
      %swap3A_243 = arith.constant 96 : index
      %swap3A_244 = tpu.vector_load %arg13[%swap3A_242, %swap3A_243] {strides = array<i32>} : memref<8x128xi32, #tpu.memory_space<vmem>>, vector<1x16xi32>,
      %swap3A_245 = vector.shape_cast %swap3A_244 : vector<1x16xi32> to vector<16xi32>
      %swap3A_246 = vector.shape_cast %add3A_240 : vector<16xi32> to vector<1x16xi32>
      tpu.vector_store %arg13[%swap3A_242, %swap3A_243], %swap3A_246 {strides = array<i32>} : memref<8x128xi32, #tpu.memory_space<vmem>>, vector<1x16xi32>,
      %get3A_247 = arith.constant 0 : i32
      %get3A_248 = arith.index_cast %get3A_247 : i32 to index
      %get3A_249 = arith.constant 112 : index
      %get3A_250 = tpu.vector_load %arg10[%get3A_248, %get3A_249] {strides = array<i32>} : memref<8x128xi32, #tpu.memory_space<vmem>>, vector<1x16xi32>,
      %get3A_251 = vector.shape_cast %get3A_250 : vector<1x16xi32> to vector<16xi32>
      %get3A_252 = arith.constant 0 : i32
      %get3A_253 = arith.index_cast %get3A_252 : i32 to index
      %get3A_254 = arith.constant 112 : index
      %get3A_255 = tpu.vector_load %arg11[%get3A_253, %get3A_254] {strides = array<i32>} : memref<8x128xi32, #tpu.memory_space<vmem>>, vector<1x16xi32>,
      %get3A_256 = vector.shape_cast %get3A_255 : vector<1x16xi32> to vector<16xi32>
      %shift_right_arithmetic3A_257 = arith.constant 1 : i32
      %shift_right_arithmetic3A_258 = vector.broadcast %shift_right_arithmetic3A_257 : i32 to vector<16xi32>
      %shift_right_arithmetic3A_259 = arith.shrsi %get3A_251, %shift_right_arithmetic3A_258 : vector<16xi32>
      %swap3A_260 = arith.constant 0 : i32
      %swap3A_261 = arith.index_cast %swap3A_260 : i32 to index
      %swap3A_262 = arith.constant 112 : index
      %swap3A_263 = tpu.vector_load %arg12[%swap3A_261, %swap3A_262] {strides = array<i32>} : memref<8x128xi32, #tpu.memory_space<vmem>>, vector<1x16xi32>,
      %swap3A_264 = vector.shape_cast %swap3A_263 : vector<1x16xi32> to vector<16xi32>
      %swap3A_265 = vector.shape_cast %shift_right_arithmetic3A_259 : vector<16xi32> to vector<1x16xi32>
      tpu.vector_store %arg12[%swap3A_261, %swap3A_262], %swap3A_265 {strides = array<i32>} : memref<8x128xi32, #tpu.memory_space<vmem>>, vector<1x16xi32>,
      %and3A_266 = arith.constant 1 : i32
      %and3A_267 = vector.broadcast %and3A_266 : i32 to vector<16xi32>
      %and3A_268 = arith.andi %get3A_251, %and3A_267 : vector<16xi32>
      %mul3A_269 = arith.constant 64 : i32
      %mul3A_270 = vector.broadcast %mul3A_269 : i32 to vector<16xi32>
      %mul3A_271 = arith.muli %and3A_268, %mul3A_270 : vector<16xi32>
      %add3A_272 = arith.addi %mul3A_271, %get3A_256 : vector<16xi32>
      %swap3A_273 = arith.constant 0 : i32
      %swap3A_274 = arith.index_cast %swap3A_273 : i32 to index
      %swap3A_275 = arith.constant 112 : index
      %swap3A_276 = tpu.vector_load %arg13[%swap3A_274, %swap3A_275] {strides = array<i32>} : memref<8x128xi32, #tpu.memory_space<vmem>>, vector<1x16xi32>,
      %swap3A_277 = vector.shape_cast %swap3A_276 : vector<1x16xi32> to vector<16xi32>
      %swap3A_278 = vector.shape_cast %add3A_272 : vector<16xi32> to vector<1x16xi32>
      tpu.vector_store %arg13[%swap3A_274, %swap3A_275], %swap3A_278 {strides = array<i32>} : memref<8x128xi32, #tpu.memory_space<vmem>>, vector<1x16xi32>,
      %get3A_279 = arith.constant 1 : i32
      %get3A_280 = arith.index_cast %get3A_279 : i32 to index
      %get3A_281 = arith.constant 0 : index
      %get3A_282 = tpu.vector_load %arg10[%get3A_280, %get3A_281] {strides = array<i32>} : memref<8x128xi32, #tpu.memory_space<vmem>>, vector<1x16xi32>,
      %get3A_283 = vector.shape_cast %get3A_282 : vector<1x16xi32> to vector<16xi32>
      %get3A_284 = arith.constant 1 : i32
      %get3A_285 = arith.index_cast %get3A_284 : i32 to index
      %get3A_286 = arith.constant 0 : index
      %get3A_287 = tpu.vector_load %arg11[%get3A_285, %get3A_286] {strides = array<i32>} : memref<8x128xi32, #tpu.memory_space<vmem>>, vector<1x16xi32>,
      %get3A_288 = vector.shape_cast %get3A_287 : vector<1x16xi32> to vector<16xi32>
      %shift_right_arithmetic3A_289 = arith.constant 1 : i32
      %shift_right_arithmetic3A_290 = vector.broadcast %shift_right_arithmetic3A_289 : i32 to vector<16xi32>
      %shift_right_arithmetic3A_291 = arith.shrsi %get3A_283, %shift_right_arithmetic3A_290 : vector<16xi32>
      %swap3A_292 = arith.constant 1 : i32
      %swap3A_293 = arith.index_cast %swap3A_292 : i32 to index
      %swap3A_294 = arith.constant 0 : index
      %swap3A_295 = tpu.vector_load %arg12[%swap3A_293, %swap3A_294] {strides = array<i32>} : memref<8x128xi32, #tpu.memory_space<vmem>>, vector<1x16xi32>,
      %swap3A_296 = vector.shape_cast %swap3A_295 : vector<1x16xi32> to vector<16xi32>
      %swap3A_297 = vector.shape_cast %shift_right_arithmetic3A_291 : vector<16xi32> to vector<1x16xi32>
      tpu.vector_store %arg12[%swap3A_293, %swap3A_294], %swap3A_297 {strides = array<i32>} : memref<8x128xi32, #tpu.memory_space<vmem>>, vector<1x16xi32>,
      %and3A_298 = arith.constant 1 : i32
      %and3A_299 = vector.broadcast %and3A_298 : i32 to vector<16xi32>
      %and3A_300 = arith.andi %get3A_283, %and3A_299 : vector<16xi32>
      %mul3A_301 = arith.constant 64 : i32
      %mul3A_302 = vector.broadcast %mul3A_301 : i32 to vector<16xi32>
      %mul3A_303 = arith.muli %and3A_300, %mul3A_302 : vector<16xi32>
      %add3A_304 = arith.addi %mul3A_303, %get3A_288 : vector<16xi32>
      %swap3A_305 = arith.constant 1 : i32
      %swap3A_306 = arith.index_cast %swap3A_305 : i32 to index
      %swap3A_307 = arith.constant 0 : index
      %swap3A_308 = tpu.vector_load %arg13[%swap3A_306, %swap3A_307] {strides = array<i32>} : memref<8x128xi32, #tpu.memory_space<vmem>>, vector<1x16xi32>,
      %swap3A_309 = vector.shape_cast %swap3A_308 : vector<1x16xi32> to vector<16xi32>
      %swap3A_310 = vector.shape_cast %add3A_304 : vector<16xi32> to vector<1x16xi32>
      tpu.vector_store %arg13[%swap3A_306, %swap3A_307], %swap3A_310 {strides = array<i32>} : memref<8x128xi32, #tpu.memory_space<vmem>>, vector<1x16xi32>,
      %get3A_311 = arith.constant 1 : i32
      %get3A_312 = arith.index_cast %get3A_311 : i32 to index
      %get3A_313 = arith.constant 16 : index
      %get3A_314 = tpu.vector_load %arg10[%get3A_312, %get3A_313] {strides = array<i32>} : memref<8x128xi32, #tpu.memory_space<vmem>>, vector<1x16xi32>,
      %get3A_315 = vector.shape_cast %get3A_314 : vector<1x16xi32> to vector<16xi32>
      %get3A_316 = arith.constant 1 : i32
      %get3A_317 = arith.index_cast %get3A_316 : i32 to index
      %get3A_318 = arith.constant 16 : index
      %get3A_319 = tpu.vector_load %arg11[%get3A_317, %get3A_318] {strides = array<i32>} : memref<8x128xi32, #tpu.memory_space<vmem>>, vector<1x16xi32>,
      %get3A_320 = vector.shape_cast %get3A_319 : vector<1x16xi32> to vector<16xi32>
      %shift_right_arithmetic3A_321 = arith.constant 1 : i32
      %shift_right_arithmetic3A_322 = vector.broadcast %shift_right_arithmetic3A_321 : i32 to vector<16xi32>
      %shift_right_arithmetic3A_323 = arith.shrsi %get3A_315, %shift_right_arithmetic3A_322 : vector<16xi32>
      %swap3A_324 = arith.constant 1 : i32
      %swap3A_325 = arith.index_cast %swap3A_324 : i32 to index
      %swap3A_326 = arith.constant 16 : index
      %swap3A_327 = tpu.vector_load %arg12[%swap3A_325, %swap3A_326] {strides = array<i32>} : memref<8x128xi32, #tpu.memory_space<vmem>>, vector<1x16xi32>,
      %swap3A_328 = vector.shape_cast %swap3A_327 : vector<1x16xi32> to vector<16xi32>
      %swap3A_329 = vector.shape_cast %shift_right_arithmetic3A_323 : vector<16xi32> to vector<1x16xi32>
      tpu.vector_store %arg12[%swap3A_325, %swap3A_326], %swap3A_329 {strides = array<i32>} : memref<8x128xi32, #tpu.memory_space<vmem>>, vector<1x16xi32>,
      %and3A_330 = arith.constant 1 : i32
      %and3A_331 = vector.broadcast %and3A_330 : i32 to vector<16xi32>
      %and3A_332 = arith.andi %get3A_315, %and3A_331 : vector<16xi32>
      %mul3A_333 = arith.constant 64 : i32
      %mul3A_334 = vector.broadcast %mul3A_333 : i32 to vector<16xi32>
      %mul3A_335 = arith.muli %and3A_332, %mul3A_334 : vector<16xi32>
      %add3A_336 = arith.addi %mul3A_335, %get3A_320 : vector<16xi32>
      %swap3A_337 = arith.constant 1 : i32
      %swap3A_338 = arith.index_cast %swap3A_337 : i32 to index
      %swap3A_339 = arith.constant 16 : index
      %swap3A_340 = tpu.vector_load %arg13[%swap3A_338, %swap3A_339] {strides = array<i32>} : memref<8x128xi32, #tpu.memory_space<vmem>>, vector<1x16xi32>,
      %swap3A_341 = vector.shape_cast %swap3A_340 : vector<1x16xi32> to vector<16xi32>
      %swap3A_342 = vector.shape_cast %add3A_336 : vector<16xi32> to vector<1x16xi32>
      tpu.vector_store %arg13[%swap3A_338, %swap3A_339], %swap3A_342 {strides = array<i32>} : memref<8x128xi32, #tpu.memory_space<vmem>>, vector<1x16xi32>,
      %get3A_343 = arith.constant 1 : i32
      %get3A_344 = arith.index_cast %get3A_343 : i32 to index
      %get3A_345 = arith.constant 32 : index
      %get3A_346 = tpu.vector_load %arg10[%get3A_344, %get3A_345] {strides = array<i32>} : memref<8x128xi32, #tpu.memory_space<vmem>>, vector<1x16xi32>,
      %get3A_347 = vector.shape_cast %get3A_346 : vector<1x16xi32> to vector<16xi32>
      %get3A_348 = arith.constant 1 : i32
      %get3A_349 = arith.index_cast %get3A_348 : i32 to index
      %get3A_350 = arith.constant 32 : index
      %get3A_351 = tpu.vector_load %arg11[%get3A_349, %get3A_350] {strides = array<i32>} : memref<8x128xi32, #tpu.memory_space<vmem>>, vector<1x16xi32>,
      %get3A_352 = vector.shape_cast %get3A_351 : vector<1x16xi32> to vector<16xi32>
      %shift_right_arithmetic3A_353 = arith.constant 1 : i32
      %shift_right_arithmetic3A_354 = vector.broadcast %shift_right_arithmetic3A_353 : i32 to vector<16xi32>
      %shift_right_arithmetic3A_355 = arith.shrsi %get3A_347, %shift_right_arithmetic3A_354 : vector<16xi32>
      %swap3A_356 = arith.constant 1 : i32
      %swap3A_357 = arith.index_cast %swap3A_356 : i32 to index
      %swap3A_358 = arith.constant 32 : index
      %swap3A_359 = tpu.vector_load %arg12[%swap3A_357, %swap3A_358] {strides = array<i32>} : memref<8x128xi32, #tpu.memory_space<vmem>>, vector<1x16xi32>,
      %swap3A_360 = vector.shape_cast %swap3A_359 : vector<1x16xi32> to vector<16xi32>
      %swap3A_361 = vector.shape_cast %shift_right_arithmetic3A_355 : vector<16xi32> to vector<1x16xi32>
      tpu.vector_store %arg12[%swap3A_357, %swap3A_358], %swap3A_361 {strides = array<i32>} : memref<8x128xi32, #tpu.memory_space<vmem>>, vector<1x16xi32>,
      %and3A_362 = arith.constant 1 : i32
      %and3A_363 = vector.broadcast %and3A_362 : i32 to vector<16xi32>
      %and3A_364 = arith.andi %get3A_347, %and3A_363 : vector<16xi32>
      %mul3A_365 = arith.constant 64 : i32
      %mul3A_366 = vector.broadcast %mul3A_365 : i32 to vector<16xi32>
      %mul3A_367 = arith.muli %and3A_364, %mul3A_366 : vector<16xi32>
      %add3A_368 = arith.addi %mul3A_367, %get3A_352 : vector<16xi32>
      %swap3A_369 = arith.constant 1 : i32
      %swap3A_370 = arith.index_cast %swap3A_369 : i32 to index
      %swap3A_371 = arith.constant 32 : index
      %swap3A_372 = tpu.vector_load %arg13[%swap3A_370, %swap3A_371] {strides = array<i32>} : memref<8x128xi32, #tpu.memory_space<vmem>>, vector<1x16xi32>,
      %swap3A_373 = vector.shape_cast %swap3A_372 : vector<1x16xi32> to vector<16xi32>
      %swap3A_374 = vector.shape_cast %add3A_368 : vector<16xi32> to vector<1x16xi32>
      tpu.vector_store %arg13[%swap3A_370, %swap3A_371], %swap3A_374 {strides = array<i32>} : memref<8x128xi32, #tpu.memory_space<vmem>>, vector<1x16xi32>,
      %get3A_375 = arith.constant 1 : i32
      %get3A_376 = arith.index_cast %get3A_375 : i32 to index
      %get3A_377 = arith.constant 48 : index
      %get3A_378 = tpu.vector_load %arg10[%get3A_376, %get3A_377] {strides = array<i32>} : memref<8x128xi32, #tpu.memory_space<vmem>>, vector<1x16xi32>,
      %get3A_379 = vector.shape_cast %get3A_378 : vector<1x16xi32> to vector<16xi32>
      %get3A_380 = arith.constant 1 : i32
      %get3A_381 = arith.index_cast %get3A_380 : i32 to index
      %get3A_382 = arith.constant 48 : index
      %get3A_383 = tpu.vector_load %arg11[%get3A_381, %get3A_382] {strides = array<i32>} : memref<8x128xi32, #tpu.memory_space<vmem>>, vector<1x16xi32>,
      %get3A_384 = vector.shape_cast %get3A_383 : vector<1x16xi32> to vector<16xi32>
      %shift_right_arithmetic3A_385 = arith.constant 1 : i32
      %shift_right_arithmetic3A_386 = vector.broadcast %shift_right_arithmetic3A_385 : i32 to vector<16xi32>
      %shift_right_arithmetic3A_387 = arith.shrsi %get3A_379, %shift_right_arithmetic3A_386 : vector<16xi32>
      %swap3A_388 = arith.constant 1 : i32
      %swap3A_389 = arith.index_cast %swap3A_388 : i32 to index
      %swap3A_390 = arith.constant 48 : index
      %swap3A_391 = tpu.vector_load %arg12[%swap3A_389, %swap3A_390] {strides = array<i32>} : memref<8x128xi32, #tpu.memory_space<vmem>>, vector<1x16xi32>,
      %swap3A_392 = vector.shape_cast %swap3A_391 : vector<1x16xi32> to vector<16xi32>
      %swap3A_393 = vector.shape_cast %shift_right_arithmetic3A_387 : vector<16xi32> to vector<1x16xi32>
      tpu.vector_store %arg12[%swap3A_389, %swap3A_390], %swap3A_393 {strides = array<i32>} : memref<8x128xi32, #tpu.memory_space<vmem>>, vector<1x16xi32>,
      %and3A_394 = arith.constant 1 : i32
      %and3A_395 = vector.broadcast %and3A_394 : i32 to vector<16xi32>
      %and3A_396 = arith.andi %get3A_379, %and3A_395 : vector<16xi32>
      %mul3A_397 = arith.constant 64 : i32
      %mul3A_398 = vector.broadcast %mul3A_397 : i32 to vector<16xi32>
      %mul3A_399 = arith.muli %and3A_396, %mul3A_398 : vector<16xi32>
      %add3A_400 = arith.addi %mul3A_399, %get3A_384 : vector<16xi32>
      %swap3A_401 = arith.constant 1 : i32
      %swap3A_402 = arith.index_cast %swap3A_401 : i32 to index
      %swap3A_403 = arith.constant 48 : index
      %swap3A_404 = tpu.vector_load %arg13[%swap3A_402, %swap3A_403] {strides = array<i32>} : memref<8x128xi32, #tpu.memory_space<vmem>>, vector<1x16xi32>,
      %swap3A_405 = vector.shape_cast %swap3A_404 : vector<1x16xi32> to vector<16xi32>
      %swap3A_406 = vector.shape_cast %add3A_400 : vector<16xi32> to vector<1x16xi32>
      tpu.vector_store %arg13[%swap3A_402, %swap3A_403], %swap3A_406 {strides = array<i32>} : memref<8x128xi32, #tpu.memory_space<vmem>>, vector<1x16xi32>,
      %get3A_407 = arith.constant 1 : i32
      %get3A_408 = arith.index_cast %get3A_407 : i32 to index
      %get3A_409 = arith.constant 64 : index
      %get3A_410 = tpu.vector_load %arg10[%get3A_408, %get3A_409] {strides = array<i32>} : memref<8x128xi32, #tpu.memory_space<vmem>>, vector<1x16xi32>,
      %get3A_411 = vector.shape_cast %get3A_410 : vector<1x16xi32> to vector<16xi32>
      %get3A_412 = arith.constant 1 : i32
      %get3A_413 = arith.index_cast %get3A_412 : i32 to index
      %get3A_414 = arith.constant 64 : index
      %get3A_415 = tpu.vector_load %arg11[%get3A_413, %get3A_414] {strides = array<i32>} : memref<8x128xi32, #tpu.memory_space<vmem>>, vector<1x16xi32>,
      %get3A_416 = vector.shape_cast %get3A_415 : vector<1x16xi32> to vector<16xi32>
      %shift_right_arithmetic3A_417 = arith.constant 1 : i32
      %shift_right_arithmetic3A_418 = vector.broadcast %shift_right_arithmetic3A_417 : i32 to vector<16xi32>
      %shift_right_arithmetic3A_419 = arith.shrsi %get3A_411, %shift_right_arithmetic3A_418 : vector<16xi32>
      %swap3A_420 = arith.constant 1 : i32
      %swap3A_421 = arith.index_cast %swap3A_420 : i32 to index
      %swap3A_422 = arith.constant 64 : index
      %swap3A_423 = tpu.vector_load %arg12[%swap3A_421, %swap3A_422] {strides = array<i32>} : memref<8x128xi32, #tpu.memory_space<vmem>>, vector<1x16xi32>,
      %swap3A_424 = vector.shape_cast %swap3A_423 : vector<1x16xi32> to vector<16xi32>
      %swap3A_425 = vector.shape_cast %shift_right_arithmetic3A_419 : vector<16xi32> to vector<1x16xi32>
      tpu.vector_store %arg12[%swap3A_421, %swap3A_422], %swap3A_425 {strides = array<i32>} : memref<8x128xi32, #tpu.memory_space<vmem>>, vector<1x16xi32>,
      %and3A_426 = arith.constant 1 : i32
      %and3A_427 = vector.broadcast %and3A_426 : i32 to vector<16xi32>
      %and3A_428 = arith.andi %get3A_411, %and3A_427 : vector<16xi32>
      %mul3A_429 = arith.constant 64 : i32
      %mul3A_430 = vector.broadcast %mul3A_429 : i32 to vector<16xi32>
      %mul3A_431 = arith.muli %and3A_428, %mul3A_430 : vector<16xi32>
      %add3A_432 = arith.addi %mul3A_431, %get3A_416 : vector<16xi32>
      %swap3A_433 = arith.constant 1 : i32
      %swap3A_434 = arith.index_cast %swap3A_433 : i32 to index
      %swap3A_435 = arith.constant 64 : index
      %swap3A_436 = tpu.vector_load %arg13[%swap3A_434, %swap3A_435] {strides = array<i32>} : memref<8x128xi32, #tpu.memory_space<vmem>>, vector<1x16xi32>,
      %swap3A_437 = vector.shape_cast %swap3A_436 : vector<1x16xi32> to vector<16xi32>
      %swap3A_438 = vector.shape_cast %add3A_432 : vector<16xi32> to vector<1x16xi32>
      tpu.vector_store %arg13[%swap3A_434, %swap3A_435], %swap3A_438 {strides = array<i32>} : memref<8x128xi32, #tpu.memory_space<vmem>>, vector<1x16xi32>,
      %get3A_439 = arith.constant 1 : i32
      %get3A_440 = arith.index_cast %get3A_439 : i32 to index
      %get3A_441 = arith.constant 80 : index
      %get3A_442 = tpu.vector_load %arg10[%get3A_440, %get3A_441] {strides = array<i32>} : memref<8x128xi32, #tpu.memory_space<vmem>>, vector<1x16xi32>,
      %get3A_443 = vector.shape_cast %get3A_442 : vector<1x16xi32> to vector<16xi32>
      %get3A_444 = arith.constant 1 : i32
      %get3A_445 = arith.index_cast %get3A_444 : i32 to index
      %get3A_446 = arith.constant 80 : index
      %get3A_447 = tpu.vector_load %arg11[%get3A_445, %get3A_446] {strides = array<i32>} : memref<8x128xi32, #tpu.memory_space<vmem>>, vector<1x16xi32>,
      %get3A_448 = vector.shape_cast %get3A_447 : vector<1x16xi32> to vector<16xi32>
      %shift_right_arithmetic3A_449 = arith.constant 1 : i32
      %shift_right_arithmetic3A_450 = vector.broadcast %shift_right_arithmetic3A_449 : i32 to vector<16xi32>
      %shift_right_arithmetic3A_451 = arith.shrsi %get3A_443, %shift_right_arithmetic3A_450 : vector<16xi32>
      %swap3A_452 = arith.constant 1 : i32
      %swap3A_453 = arith.index_cast %swap3A_452 : i32 to index
      %swap3A_454 = arith.constant 80 : index
      %swap3A_455 = tpu.vector_load %arg12[%swap3A_453, %swap3A_454] {strides = array<i32>} : memref<8x128xi32, #tpu.memory_space<vmem>>, vector<1x16xi32>,
      %swap3A_456 = vector.shape_cast %swap3A_455 : vector<1x16xi32> to vector<16xi32>
      %swap3A_457 = vector.shape_cast %shift_right_arithmetic3A_451 : vector<16xi32> to vector<1x16xi32>
      tpu.vector_store %arg12[%swap3A_453, %swap3A_454], %swap3A_457 {strides = array<i32>} : memref<8x128xi32, #tpu.memory_space<vmem>>, vector<1x16xi32>,
      %and3A_458 = arith.constant 1 : i32
      %and3A_459 = vector.broadcast %and3A_458 : i32 to vector<16xi32>
      %and3A_460 = arith.andi %get3A_443, %and3A_459 : vector<16xi32>
      %mul3A_461 = arith.constant 64 : i32
      %mul3A_462 = vector.broadcast %mul3A_461 : i32 to vector<16xi32>
      %mul3A_463 = arith.muli %and3A_460, %mul3A_462 : vector<16xi32>
      %add3A_464 = arith.addi %mul3A_463, %get3A_448 : vector<16xi32>
      %swap3A_465 = arith.constant 1 : i32
      %swap3A_466 = arith.index_cast %swap3A_465 : i32 to index
      %swap3A_467 = arith.constant 80 : index
      %swap3A_468 = tpu.vector_load %arg13[%swap3A_466, %swap3A_467] {strides = array<i32>} : memref<8x128xi32, #tpu.memory_space<vmem>>, vector<1x16xi32>,
      %swap3A_469 = vector.shape_cast %swap3A_468 : vector<1x16xi32> to vector<16xi32>
      %swap3A_470 = vector.shape_cast %add3A_464 : vector<16xi32> to vector<1x16xi32>
      tpu.vector_store %arg13[%swap3A_466, %swap3A_467], %swap3A_470 {strides = array<i32>} : memref<8x128xi32, #tpu.memory_space<vmem>>, vector<1x16xi32>,
      %get3A_471 = arith.constant 1 : i32
      %get3A_472 = arith.index_cast %get3A_471 : i32 to index
      %get3A_473 = arith.constant 96 : index
      %get3A_474 = tpu.vector_load %arg10[%get3A_472, %get3A_473] {strides = array<i32>} : memref<8x128xi32, #tpu.memory_space<vmem>>, vector<1x16xi32>,
      %get3A_475 = vector.shape_cast %get3A_474 : vector<1x16xi32> to vector<16xi32>
      %get3A_476 = arith.constant 1 : i32
      %get3A_477 = arith.index_cast %get3A_476 : i32 to index
      %get3A_478 = arith.constant 96 : index
      %get3A_479 = tpu.vector_load %arg11[%get3A_477, %get3A_478] {strides = array<i32>} : memref<8x128xi32, #tpu.memory_space<vmem>>, vector<1x16xi32>,
      %get3A_480 = vector.shape_cast %get3A_479 : vector<1x16xi32> to vector<16xi32>
      %shift_right_arithmetic3A_481 = arith.constant 1 : i32
      %shift_right_arithmetic3A_482 = vector.broadcast %shift_right_arithmetic3A_481 : i32 to vector<16xi32>
      %shift_right_arithmetic3A_483 = arith.shrsi %get3A_475, %shift_right_arithmetic3A_482 : vector<16xi32>
      %swap3A_484 = arith.constant 1 : i32
      %swap3A_485 = arith.index_cast %swap3A_484 : i32 to index
      %swap3A_486 = arith.constant 96 : index
      %swap3A_487 = tpu.vector_load %arg12[%swap3A_485, %swap3A_486] {strides = array<i32>} : memref<8x128xi32, #tpu.memory_space<vmem>>, vector<1x16xi32>,
      %swap3A_488 = vector.shape_cast %swap3A_487 : vector<1x16xi32> to vector<16xi32>
      %swap3A_489 = vector.shape_cast %shift_right_arithmetic3A_483 : vector<16xi32> to vector<1x16xi32>
      tpu.vector_store %arg12[%swap3A_485, %swap3A_486], %swap3A_489 {strides = array<i32>} : memref<8x128xi32, #tpu.memory_space<vmem>>, vector<1x16xi32>,
      %and3A_490 = arith.constant 1 : i32
      %and3A_491 = vector.broadcast %and3A_490 : i32 to vector<16xi32>
      %and3A_492 = arith.andi %get3A_475, %and3A_491 : vector<16xi32>
      %mul3A_493 = arith.constant 64 : i32
      %mul3A_494 = vector.broadcast %mul3A_493 : i32 to vector<16xi32>
      %mul3A_495 = arith.muli %and3A_492, %mul3A_494 : vector<16xi32>
      %add3A_496 = arith.addi %mul3A_495, %get3A_480 : vector<16xi32>
      %swap3A_497 = arith.constant 1 : i32
      %swap3A_498 = arith.index_cast %swap3A_497 : i32 to index
      %swap3A_499 = arith.constant 96 : index
      %swap3A_500 = tpu.vector_load %arg13[%swap3A_498, %swap3A_499] {strides = array<i32>} : memref<8x128xi32, #tpu.memory_space<vmem>>, vector<1x16xi32>,
      %swap3A_501 = vector.shape_cast %swap3A_500 : vector<1x16xi32> to vector<16xi32>
      %swap3A_502 = vector.shape_cast %add3A_496 : vector<16xi32> to vector<1x16xi32>
      tpu.vector_store %arg13[%swap3A_498, %swap3A_499], %swap3A_502 {strides = array<i32>} : memref<8x128xi32, #tpu.memory_space<vmem>>, vector<1x16xi32>,
      %get3A_503 = arith.constant 1 : i32
      %get3A_504 = arith.index_cast %get3A_503 : i32 to index
      %get3A_505 = arith.constant 112 : index
      %get3A_506 = tpu.vector_load %arg10[%get3A_504, %get3A_505] {strides = array<i32>} : memref<8x128xi32, #tpu.memory_space<vmem>>, vector<1x16xi32>,
      %get3A_507 = vector.shape_cast %get3A_506 : vector<1x16xi32> to vector<16xi32>
      %get3A_508 = arith.constant 1 : i32
      %get3A_509 = arith.index_cast %get3A_508 : i32 to index
      %get3A_510 = arith.constant 112 : index
      %get3A_511 = tpu.vector_load %arg11[%get3A_509, %get3A_510] {strides = array<i32>} : memref<8x128xi32, #tpu.memory_space<vmem>>, vector<1x16xi32>,
      %get3A_512 = vector.shape_cast %get3A_511 : vector<1x16xi32> to vector<16xi32>
      %shift_right_arithmetic3A_513 = arith.constant 1 : i32
      %shift_right_arithmetic3A_514 = vector.broadcast %shift_right_arithmetic3A_513 : i32 to vector<16xi32>
      %shift_right_arithmetic3A_515 = arith.shrsi %get3A_507, %shift_right_arithmetic3A_514 : vector<16xi32>
      %swap3A_516 = arith.constant 1 : i32
      %swap3A_517 = arith.index_cast %swap3A_516 : i32 to index
      %swap3A_518 = arith.constant 112 : index
      %swap3A_519 = tpu.vector_load %arg12[%swap3A_517, %swap3A_518] {strides = array<i32>} : memref<8x128xi32, #tpu.memory_space<vmem>>, vector<1x16xi32>,
      %swap3A_520 = vector.shape_cast %swap3A_519 : vector<1x16xi32> to vector<16xi32>
      %swap3A_521 = vector.shape_cast %shift_right_arithmetic3A_515 : vector<16xi32> to vector<1x16xi32>
      tpu.vector_store %arg12[%swap3A_517, %swap3A_518], %swap3A_521 {strides = array<i32>} : memref<8x128xi32, #tpu.memory_space<vmem>>, vector<1x16xi32>,
      %and3A_522 = arith.constant 1 : i32
      %and3A_523 = vector.broadcast %and3A_522 : i32 to vector<16xi32>
      %and3A_524 = arith.andi %get3A_507, %and3A_523 : vector<16xi32>
      %mul3A_525 = arith.constant 64 : i32
      %mul3A_526 = vector.broadcast %mul3A_525 : i32 to vector<16xi32>
      %mul3A_527 = arith.muli %and3A_524, %mul3A_526 : vector<16xi32>
      %add3A_528 = arith.addi %mul3A_527, %get3A_512 : vector<16xi32>
      %swap3A_529 = arith.constant 1 : i32
      %swap3A_530 = arith.index_cast %swap3A_529 : i32 to index
      %swap3A_531 = arith.constant 112 : index
      %swap3A_532 = tpu.vector_load %arg13[%swap3A_530, %swap3A_531] {strides = array<i32>} : memref<8x128xi32, #tpu.memory_space<vmem>>, vector<1x16xi32>,
      %swap3A_533 = vector.shape_cast %swap3A_532 : vector<1x16xi32> to vector<16xi32>
      %swap3A_534 = vector.shape_cast %add3A_528 : vector<16xi32> to vector<1x16xi32>
      tpu.vector_store %arg13[%swap3A_530, %swap3A_531], %swap3A_534 {strides = array<i32>} : memref<8x128xi32, #tpu.memory_space<vmem>>, vector<1x16xi32>,
      %get3A_535 = arith.constant 2 : i32
      %get3A_536 = arith.index_cast %get3A_535 : i32 to index
      %get3A_537 = arith.constant 0 : index
      %get3A_538 = tpu.vector_load %arg10[%get3A_536, %get3A_537] {strides = array<i32>} : memref<8x128xi32, #tpu.memory_space<vmem>>, vector<1x16xi32>,
      %get3A_539 = vector.shape_cast %get3A_538 : vector<1x16xi32> to vector<16xi32>
      %get3A_540 = arith.constant 2 : i32
      %get3A_541 = arith.index_cast %get3A_540 : i32 to index
      %get3A_542 = arith.constant 0 : index
      %get3A_543 = tpu.vector_load %arg11[%get3A_541, %get3A_542] {strides = array<i32>} : memref<8x128xi32, #tpu.memory_space<vmem>>, vector<1x16xi32>,
      %get3A_544 = vector.shape_cast %get3A_543 : vector<1x16xi32> to vector<16xi32>
      %shift_right_arithmetic3A_545 = arith.constant 1 : i32
      %shift_right_arithmetic3A_546 = vector.broadcast %shift_right_arithmetic3A_545 : i32 to vector<16xi32>
      %shift_right_arithmetic3A_547 = arith.shrsi %get3A_539, %shift_right_arithmetic3A_546 : vector<16xi32>
      %swap3A_548 = arith.constant 2 : i32
      %swap3A_549 = arith.index_cast %swap3A_548 : i32 to index
      %swap3A_550 = arith.constant 0 : index
      %swap3A_551 = tpu.vector_load %arg12[%swap3A_549, %swap3A_550] {strides = array<i32>} : memref<8x128xi32, #tpu.memory_space<vmem>>, vector<1x16xi32>,
      %swap3A_552 = vector.shape_cast %swap3A_551 : vector<1x16xi32> to vector<16xi32>
      %swap3A_553 = vector.shape_cast %shift_right_arithmetic3A_547 : vector<16xi32> to vector<1x16xi32>
      tpu.vector_store %arg12[%swap3A_549, %swap3A_550], %swap3A_553 {strides = array<i32>} : memref<8x128xi32, #tpu.memory_space<vmem>>, vector<1x16xi32>,
      %and3A_554 = arith.constant 1 : i32
      %and3A_555 = vector.broadcast %and3A_554 : i32 to vector<16xi32>
      %and3A_556 = arith.andi %get3A_539, %and3A_555 : vector<16xi32>
      %mul3A_557 = arith.constant 64 : i32
      %mul3A_558 = vector.broadcast %mul3A_557 : i32 to vector<16xi32>
      %mul3A_559 = arith.muli %and3A_556, %mul3A_558 : vector<16xi32>
      %add3A_560 = arith.addi %mul3A_559, %get3A_544 : vector<16xi32>
      %swap3A_561 = arith.constant 2 : i32
      %swap3A_562 = arith.index_cast %swap3A_561 : i32 to index
      %swap3A_563 = arith.constant 0 : index
      %swap3A_564 = tpu.vector_load %arg13[%swap3A_562, %swap3A_563] {strides = array<i32>} : memref<8x128xi32, #tpu.memory_space<vmem>>, vector<1x16xi32>,
      %swap3A_565 = vector.shape_cast %swap3A_564 : vector<1x16xi32> to vector<16xi32>
      %swap3A_566 = vector.shape_cast %add3A_560 : vector<16xi32> to vector<1x16xi32>
      tpu.vector_store %arg13[%swap3A_562, %swap3A_563], %swap3A_566 {strides = array<i32>} : memref<8x128xi32, #tpu.memory_space<vmem>>, vector<1x16xi32>,
      %get3A_567 = arith.constant 2 : i32
      %get3A_568 = arith.index_cast %get3A_567 : i32 to index
      %get3A_569 = arith.constant 16 : index
      %get3A_570 = tpu.vector_load %arg10[%get3A_568, %get3A_569] {strides = array<i32>} : memref<8x128xi32, #tpu.memory_space<vmem>>, vector<1x16xi32>,
      %get3A_571 = vector.shape_cast %get3A_570 : vector<1x16xi32> to vector<16xi32>
      %get3A_572 = arith.constant 2 : i32
      %get3A_573 = arith.index_cast %get3A_572 : i32 to index
      %get3A_574 = arith.constant 16 : index
      %get3A_575 = tpu.vector_load %arg11[%get3A_573, %get3A_574] {strides = array<i32>} : memref<8x128xi32, #tpu.memory_space<vmem>>, vector<1x16xi32>,
      %get3A_576 = vector.shape_cast %get3A_575 : vector<1x16xi32> to vector<16xi32>
      %shift_right_arithmetic3A_577 = arith.constant 1 : i32
      %shift_right_arithmetic3A_578 = vector.broadcast %shift_right_arithmetic3A_577 : i32 to vector<16xi32>
      %shift_right_arithmetic3A_579 = arith.shrsi %get3A_571, %shift_right_arithmetic3A_578 : vector<16xi32>
      %swap3A_580 = arith.constant 2 : i32
      %swap3A_581 = arith.index_cast %swap3A_580 : i32 to index
      %swap3A_582 = arith.constant 16 : index
      %swap3A_583 = tpu.vector_load %arg12[%swap3A_581, %swap3A_582] {strides = array<i32>} : memref<8x128xi32, #tpu.memory_space<vmem>>, vector<1x16xi32>,
      %swap3A_584 = vector.shape_cast %swap3A_583 : vector<1x16xi32> to vector<16xi32>
      %swap3A_585 = vector.shape_cast %shift_right_arithmetic3A_579 : vector<16xi32> to vector<1x16xi32>
      tpu.vector_store %arg12[%swap3A_581, %swap3A_582], %swap3A_585 {strides = array<i32>} : memref<8x128xi32, #tpu.memory_space<vmem>>, vector<1x16xi32>,
      %and3A_586 = arith.constant 1 : i32
      %and3A_587 = vector.broadcast %and3A_586 : i32 to vector<16xi32>
      %and3A_588 = arith.andi %get3A_571, %and3A_587 : vector<16xi32>
      %mul3A_589 = arith.constant 64 : i32
      %mul3A_590 = vector.broadcast %mul3A_589 : i32 to vector<16xi32>
      %mul3A_591 = arith.muli %and3A_588, %mul3A_590 : vector<16xi32>
      %add3A_592 = arith.addi %mul3A_591, %get3A_576 : vector<16xi32>
      %swap3A_593 = arith.constant 2 : i32
      %swap3A_594 = arith.index_cast %swap3A_593 : i32 to index
      %swap3A_595 = arith.constant 16 : index
      %swap3A_596 = tpu.vector_load %arg13[%swap3A_594, %swap3A_595] {strides = array<i32>} : memref<8x128xi32, #tpu.memory_space<vmem>>, vector<1x16xi32>,
      %swap3A_597 = vector.shape_cast %swap3A_596 : vector<1x16xi32> to vector<16xi32>
      %swap3A_598 = vector.shape_cast %add3A_592 : vector<16xi32> to vector<1x16xi32>
      tpu.vector_store %arg13[%swap3A_594, %swap3A_595], %swap3A_598 {strides = array<i32>} : memref<8x128xi32, #tpu.memory_space<vmem>>, vector<1x16xi32>,
      %get3A_599 = arith.constant 2 : i32
      %get3A_600 = arith.index_cast %get3A_599 : i32 to index
      %get3A_601 = arith.constant 32 : index
      %get3A_602 = tpu.vector_load %arg10[%get3A_600, %get3A_601] {strides = array<i32>} : memref<8x128xi32, #tpu.memory_space<vmem>>, vector<1x16xi32>,
      %get3A_603 = vector.shape_cast %get3A_602 : vector<1x16xi32> to vector<16xi32>
      %get3A_604 = arith.constant 2 : i32
      %get3A_605 = arith.index_cast %get3A_604 : i32 to index
      %get3A_606 = arith.constant 32 : index
      %get3A_607 = tpu.vector_load %arg11[%get3A_605, %get3A_606] {strides = array<i32>} : memref<8x128xi32, #tpu.memory_space<vmem>>, vector<1x16xi32>,
      %get3A_608 = vector.shape_cast %get3A_607 : vector<1x16xi32> to vector<16xi32>
      %shift_right_arithmetic3A_609 = arith.constant 1 : i32
      %shift_right_arithmetic3A_610 = vector.broadcast %shift_right_arithmetic3A_609 : i32 to vector<16xi32>
      %shift_right_arithmetic3A_611 = arith.shrsi %get3A_603, %shift_right_arithmetic3A_610 : vector<16xi32>
      %swap3A_612 = arith.constant 2 : i32
      %swap3A_613 = arith.index_cast %swap3A_612 : i32 to index
      %swap3A_614 = arith.constant 32 : index
      %swap3A_615 = tpu.vector_load %arg12[%swap3A_613, %swap3A_614] {strides = array<i32>} : memref<8x128xi32, #tpu.memory_space<vmem>>, vector<1x16xi32>,
      %swap3A_616 = vector.shape_cast %swap3A_615 : vector<1x16xi32> to vector<16xi32>
      %swap3A_617 = vector.shape_cast %shift_right_arithmetic3A_611 : vector<16xi32> to vector<1x16xi32>
      tpu.vector_store %arg12[%swap3A_613, %swap3A_614], %swap3A_617 {strides = array<i32>} : memref<8x128xi32, #tpu.memory_space<vmem>>, vector<1x16xi32>,
      %and3A_618 = arith.constant 1 : i32
      %and3A_619 = vector.broadcast %and3A_618 : i32 to vector<16xi32>
      %and3A_620 = arith.andi %get3A_603, %and3A_619 : vector<16xi32>
      %mul3A_621 = arith.constant 64 : i32
      %mul3A_622 = vector.broadcast %mul3A_621 : i32 to vector<16xi32>
      %mul3A_623 = arith.muli %and3A_620, %mul3A_622 : vector<16xi32>
      %add3A_624 = arith.addi %mul3A_623, %get3A_608 : vector<16xi32>
      %swap3A_625 = arith.constant 2 : i32
      %swap3A_626 = arith.index_cast %swap3A_625 : i32 to index
      %swap3A_627 = arith.constant 32 : index
      %swap3A_628 = tpu.vector_load %arg13[%swap3A_626, %swap3A_627] {strides = array<i32>} : memref<8x128xi32, #tpu.memory_space<vmem>>, vector<1x16xi32>,
      %swap3A_629 = vector.shape_cast %swap3A_628 : vector<1x16xi32> to vector<16xi32>
      %swap3A_630 = vector.shape_cast %add3A_624 : vector<16xi32> to vector<1x16xi32>
      tpu.vector_store %arg13[%swap3A_626, %swap3A_627], %swap3A_630 {strides = array<i32>} : memref<8x128xi32, #tpu.memory_space<vmem>>, vector<1x16xi32>,
      %get3A_631 = arith.constant 2 : i32
      %get3A_632 = arith.index_cast %get3A_631 : i32 to index
      %get3A_633 = arith.constant 48 : index
      %get3A_634 = tpu.vector_load %arg10[%get3A_632, %get3A_633] {strides = array<i32>} : memref<8x128xi32, #tpu.memory_space<vmem>>, vector<1x16xi32>,
      %get3A_635 = vector.shape_cast %get3A_634 : vector<1x16xi32> to vector<16xi32>
      %get3A_636 = arith.constant 2 : i32
      %get3A_637 = arith.index_cast %get3A_636 : i32 to index
      %get3A_638 = arith.constant 48 : index
      %get3A_639 = tpu.vector_load %arg11[%get3A_637, %get3A_638] {strides = array<i32>} : memref<8x128xi32, #tpu.memory_space<vmem>>, vector<1x16xi32>,
      %get3A_640 = vector.shape_cast %get3A_639 : vector<1x16xi32> to vector<16xi32>
      %shift_right_arithmetic3A_641 = arith.constant 1 : i32
      %shift_right_arithmetic3A_642 = vector.broadcast %shift_right_arithmetic3A_641 : i32 to vector<16xi32>
      %shift_right_arithmetic3A_643 = arith.shrsi %get3A_635, %shift_right_arithmetic3A_642 : vector<16xi32>
      %swap3A_644 = arith.constant 2 : i32
      %swap3A_645 = arith.index_cast %swap3A_644 : i32 to index
      %swap3A_646 = arith.constant 48 : index
      %swap3A_647 = tpu.vector_load %arg12[%swap3A_645, %swap3A_646] {strides = array<i32>} : memref<8x128xi32, #tpu.memory_space<vmem>>, vector<1x16xi32>,
      %swap3A_648 = vector.shape_cast %swap3A_647 : vector<1x16xi32> to vector<16xi32>
      %swap3A_649 = vector.shape_cast %shift_right_arithmetic3A_643 : vector<16xi32> to vector<1x16xi32>
      tpu.vector_store %arg12[%swap3A_645, %swap3A_646], %swap3A_649 {strides = array<i32>} : memref<8x128xi32, #tpu.memory_space<vmem>>, vector<1x16xi32>,
      %and3A_650 = arith.constant 1 : i32
      %and3A_651 = vector.broadcast %and3A_650 : i32 to vector<16xi32>
      %and3A_652 = arith.andi %get3A_635, %and3A_651 : vector<16xi32>
      %mul3A_653 = arith.constant 64 : i32
      %mul3A_654 = vector.broadcast %mul3A_653 : i32 to vector<16xi32>
      %mul3A_655 = arith.muli %and3A_652, %mul3A_654 : vector<16xi32>
      %add3A_656 = arith.addi %mul3A_655, %get3A_640 : vector<16xi32>
      %swap3A_657 = arith.constant 2 : i32
      %swap3A_658 = arith.index_cast %swap3A_657 : i32 to index
      %swap3A_659 = arith.constant 48 : index
      %swap3A_660 = tpu.vector_load %arg13[%swap3A_658, %swap3A_659] {strides = array<i32>} : memref<8x128xi32, #tpu.memory_space<vmem>>, vector<1x16xi32>,
      %swap3A_661 = vector.shape_cast %swap3A_660 : vector<1x16xi32> to vector<16xi32>
      %swap3A_662 = vector.shape_cast %add3A_656 : vector<16xi32> to vector<1x16xi32>
      tpu.vector_store %arg13[%swap3A_658, %swap3A_659], %swap3A_662 {strides = array<i32>} : memref<8x128xi32, #tpu.memory_space<vmem>>, vector<1x16xi32>,
      %get3A_663 = arith.constant 2 : i32
      %get3A_664 = arith.index_cast %get3A_663 : i32 to index
      %get3A_665 = arith.constant 64 : index
      %get3A_666 = tpu.vector_load %arg10[%get3A_664, %get3A_665] {strides = array<i32>} : memref<8x128xi32, #tpu.memory_space<vmem>>, vector<1x16xi32>,
      %get3A_667 = vector.shape_cast %get3A_666 : vector<1x16xi32> to vector<16xi32>
      %get3A_668 = arith.constant 2 : i32
      %get3A_669 = arith.index_cast %get3A_668 : i32 to index
      %get3A_670 = arith.constant 64 : index
      %get3A_671 = tpu.vector_load %arg11[%get3A_669, %get3A_670] {strides = array<i32>} : memref<8x128xi32, #tpu.memory_space<vmem>>, vector<1x16xi32>,
      %get3A_672 = vector.shape_cast %get3A_671 : vector<1x16xi32> to vector<16xi32>
      %shift_right_arithmetic3A_673 = arith.constant 1 : i32
      %shift_right_arithmetic3A_674 = vector.broadcast %shift_right_arithmetic3A_673 : i32 to vector<16xi32>
      %shift_right_arithmetic3A_675 = arith.shrsi %get3A_667, %shift_right_arithmetic3A_674 : vector<16xi32>
      %swap3A_676 = arith.constant 2 : i32
      %swap3A_677 = arith.index_cast %swap3A_676 : i32 to index
      %swap3A_678 = arith.constant 64 : index
      %swap3A_679 = tpu.vector_load %arg12[%swap3A_677, %swap3A_678] {strides = array<i32>} : memref<8x128xi32, #tpu.memory_space<vmem>>, vector<1x16xi32>,
      %swap3A_680 = vector.shape_cast %swap3A_679 : vector<1x16xi32> to vector<16xi32>
      %swap3A_681 = vector.shape_cast %shift_right_arithmetic3A_675 : vector<16xi32> to vector<1x16xi32>
      tpu.vector_store %arg12[%swap3A_677, %swap3A_678], %swap3A_681 {strides = array<i32>} : memref<8x128xi32, #tpu.memory_space<vmem>>, vector<1x16xi32>,
      %and3A_682 = arith.constant 1 : i32
      %and3A_683 = vector.broadcast %and3A_682 : i32 to vector<16xi32>
      %and3A_684 = arith.andi %get3A_667, %and3A_683 : vector<16xi32>
      %mul3A_685 = arith.constant 64 : i32
      %mul3A_686 = vector.broadcast %mul3A_685 : i32 to vector<16xi32>
      %mul3A_687 = arith.muli %and3A_684, %mul3A_686 : vector<16xi32>
      %add3A_688 = arith.addi %mul3A_687, %get3A_672 : vector<16xi32>
      %swap3A_689 = arith.constant 2 : i32
      %swap3A_690 = arith.index_cast %swap3A_689 : i32 to index
      %swap3A_691 = arith.constant 64 : index
      %swap3A_692 = tpu.vector_load %arg13[%swap3A_690, %swap3A_691] {strides = array<i32>} : memref<8x128xi32, #tpu.memory_space<vmem>>, vector<1x16xi32>,
      %swap3A_693 = vector.shape_cast %swap3A_692 : vector<1x16xi32> to vector<16xi32>
      %swap3A_694 = vector.shape_cast %add3A_688 : vector<16xi32> to vector<1x16xi32>
      tpu.vector_store %arg13[%swap3A_690, %swap3A_691], %swap3A_694 {strides = array<i32>} : memref<8x128xi32, #tpu.memory_space<vmem>>, vector<1x16xi32>,
      %get3A_695 = arith.constant 2 : i32
      %get3A_696 = arith.index_cast %get3A_695 : i32 to index
      %get3A_697 = arith.constant 80 : index
      %get3A_698 = tpu.vector_load %arg10[%get3A_696, %get3A_697] {strides = array<i32>} : memref<8x128xi32, #tpu.memory_space<vmem>>, vector<1x16xi32>,
      %get3A_699 = vector.shape_cast %get3A_698 : vector<1x16xi32> to vector<16xi32>
      %get3A_700 = arith.constant 2 : i32
      %get3A_701 = arith.index_cast %get3A_700 : i32 to index
      %get3A_702 = arith.constant 80 : index
      %get3A_703 = tpu.vector_load %arg11[%get3A_701, %get3A_702] {strides = array<i32>} : memref<8x128xi32, #tpu.memory_space<vmem>>, vector<1x16xi32>,
      %get3A_704 = vector.shape_cast %get3A_703 : vector<1x16xi32> to vector<16xi32>
      %shift_right_arithmetic3A_705 = arith.constant 1 : i32
      %shift_right_arithmetic3A_706 = vector.broadcast %shift_right_arithmetic3A_705 : i32 to vector<16xi32>
      %shift_right_arithmetic3A_707 = arith.shrsi %get3A_699, %shift_right_arithmetic3A_706 : vector<16xi32>
      %swap3A_708 = arith.constant 2 : i32
      %swap3A_709 = arith.index_cast %swap3A_708 : i32 to index
      %swap3A_710 = arith.constant 80 : index
      %swap3A_711 = tpu.vector_load %arg12[%swap3A_709, %swap3A_710] {strides = array<i32>} : memref<8x128xi32, #tpu.memory_space<vmem>>, vector<1x16xi32>,
      %swap3A_712 = vector.shape_cast %swap3A_711 : vector<1x16xi32> to vector<16xi32>
      %swap3A_713 = vector.shape_cast %shift_right_arithmetic3A_707 : vector<16xi32> to vector<1x16xi32>
      tpu.vector_store %arg12[%swap3A_709, %swap3A_710], %swap3A_713 {strides = array<i32>} : memref<8x128xi32, #tpu.memory_space<vmem>>, vector<1x16xi32>,
      %and3A_714 = arith.constant 1 : i32
      %and3A_715 = vector.broadcast %and3A_714 : i32 to vector<16xi32>
      %and3A_716 = arith.andi %get3A_699, %and3A_715 : vector<16xi32>
      %mul3A_717 = arith.constant 64 : i32
      %mul3A_718 = vector.broadcast %mul3A_717 : i32 to vector<16xi32>
      %mul3A_719 = arith.muli %and3A_716, %mul3A_718 : vector<16xi32>
      %add3A_720 = arith.addi %mul3A_719, %get3A_704 : vector<16xi32>
      %swap3A_721 = arith.constant 2 : i32
      %swap3A_722 = arith.index_cast %swap3A_721 : i32 to index
      %swap3A_723 = arith.constant 80 : index
      %swap3A_724 = tpu.vector_load %arg13[%swap3A_722, %swap3A_723] {strides = array<i32>} : memref<8x128xi32, #tpu.memory_space<vmem>>, vector<1x16xi32>,
      %swap3A_725 = vector.shape_cast %swap3A_724 : vector<1x16xi32> to vector<16xi32>
      %swap3A_726 = vector.shape_cast %add3A_720 : vector<16xi32> to vector<1x16xi32>
      tpu.vector_store %arg13[%swap3A_722, %swap3A_723], %swap3A_726 {strides = array<i32>} : memref<8x128xi32, #tpu.memory_space<vmem>>, vector<1x16xi32>,
      %get3A_727 = arith.constant 2 : i32
      %get3A_728 = arith.index_cast %get3A_727 : i32 to index
      %get3A_729 = arith.constant 96 : index
      %get3A_730 = tpu.vector_load %arg10[%get3A_728, %get3A_729] {strides = array<i32>} : memref<8x128xi32, #tpu.memory_space<vmem>>, vector<1x16xi32>,
      %get3A_731 = vector.shape_cast %get3A_730 : vector<1x16xi32> to vector<16xi32>
      %get3A_732 = arith.constant 2 : i32
      %get3A_733 = arith.index_cast %get3A_732 : i32 to index
      %get3A_734 = arith.constant 96 : index
      %get3A_735 = tpu.vector_load %arg11[%get3A_733, %get3A_734] {strides = array<i32>} : memref<8x128xi32, #tpu.memory_space<vmem>>, vector<1x16xi32>,
      %get3A_736 = vector.shape_cast %get3A_735 : vector<1x16xi32> to vector<16xi32>
      %shift_right_arithmetic3A_737 = arith.constant 1 : i32
      %shift_right_arithmetic3A_738 = vector.broadcast %shift_right_arithmetic3A_737 : i32 to vector<16xi32>
      %shift_right_arithmetic3A_739 = arith.shrsi %get3A_731, %shift_right_arithmetic3A_738 : vector<16xi32>
      %swap3A_740 = arith.constant 2 : i32
      %swap3A_741 = arith.index_cast %swap3A_740 : i32 to index
      %swap3A_742 = arith.constant 96 : index
      %swap3A_743 = tpu.vector_load %arg12[%swap3A_741, %swap3A_742] {strides = array<i32>} : memref<8x128xi32, #tpu.memory_space<vmem>>, vector<1x16xi32>,
      %swap3A_744 = vector.shape_cast %swap3A_743 : vector<1x16xi32> to vector<16xi32>
      %swap3A_745 = vector.shape_cast %shift_right_arithmetic3A_739 : vector<16xi32> to vector<1x16xi32>
      tpu.vector_store %arg12[%swap3A_741, %swap3A_742], %swap3A_745 {strides = array<i32>} : memref<8x128xi32, #tpu.memory_space<vmem>>, vector<1x16xi32>,
      %and3A_746 = arith.constant 1 : i32
      %and3A_747 = vector.broadcast %and3A_746 : i32 to vector<16xi32>
      %and3A_748 = arith.andi %get3A_731, %and3A_747 : vector<16xi32>
      %mul3A_749 = arith.constant 64 : i32
      %mul3A_750 = vector.broadcast %mul3A_749 : i32 to vector<16xi32>
      %mul3A_751 = arith.muli %and3A_748, %mul3A_750 : vector<16xi32>
      %add3A_752 = arith.addi %mul3A_751, %get3A_736 : vector<16xi32>
      %swap3A_753 = arith.constant 2 : i32
      %swap3A_754 = arith.index_cast %swap3A_753 : i32 to index
      %swap3A_755 = arith.constant 96 : index
      %swap3A_756 = tpu.vector_load %arg13[%swap3A_754, %swap3A_755] {strides = array<i32>} : memref<8x128xi32, #tpu.memory_space<vmem>>, vector<1x16xi32>,
      %swap3A_757 = vector.shape_cast %swap3A_756 : vector<1x16xi32> to vector<16xi32>
      %swap3A_758 = vector.shape_cast %add3A_752 : vector<16xi32> to vector<1x16xi32>
      tpu.vector_store %arg13[%swap3A_754, %swap3A_755], %swap3A_758 {strides = array<i32>} : memref<8x128xi32, #tpu.memory_space<vmem>>, vector<1x16xi32>,
      %get3A_759 = arith.constant 2 : i32
      %get3A_760 = arith.index_cast %get3A_759 : i32 to index
      %get3A_761 = arith.constant 112 : index
      %get3A_762 = tpu.vector_load %arg10[%get3A_760, %get3A_761] {strides = array<i32>} : memref<8x128xi32, #tpu.memory_space<vmem>>, vector<1x16xi32>,
      %get3A_763 = vector.shape_cast %get3A_762 : vector<1x16xi32> to vector<16xi32>
      %get3A_764 = arith.constant 2 : i32
      %get3A_765 = arith.index_cast %get3A_764 : i32 to index
      %get3A_766 = arith.constant 112 : index
      %get3A_767 = tpu.vector_load %arg11[%get3A_765, %get3A_766] {strides = array<i32>} : memref<8x128xi32, #tpu.memory_space<vmem>>, vector<1x16xi32>,
      %get3A_768 = vector.shape_cast %get3A_767 : vector<1x16xi32> to vector<16xi32>
      %shift_right_arithmetic3A_769 = arith.constant 1 : i32
      %shift_right_arithmetic3A_770 = vector.broadcast %shift_right_arithmetic3A_769 : i32 to vector<16xi32>
      %shift_right_arithmetic3A_771 = arith.shrsi %get3A_763, %shift_right_arithmetic3A_770 : vector<16xi32>
      %swap3A_772 = arith.constant 2 : i32
      %swap3A_773 = arith.index_cast %swap3A_772 : i32 to index
      %swap3A_774 = arith.constant 112 : index
      %swap3A_775 = tpu.vector_load %arg12[%swap3A_773, %swap3A_774] {strides = array<i32>} : memref<8x128xi32, #tpu.memory_space<vmem>>, vector<1x16xi32>,
      %swap3A_776 = vector.shape_cast %swap3A_775 : vector<1x16xi32> to vector<16xi32>
      %swap3A_777 = vector.shape_cast %shift_right_arithmetic3A_771 : vector<16xi32> to vector<1x16xi32>
      tpu.vector_store %arg12[%swap3A_773, %swap3A_774], %swap3A_777 {strides = array<i32>} : memref<8x128xi32, #tpu.memory_space<vmem>>, vector<1x16xi32>,
      %and3A_778 = arith.constant 1 : i32
      %and3A_779 = vector.broadcast %and3A_778 : i32 to vector<16xi32>
      %and3A_780 = arith.andi %get3A_763, %and3A_779 : vector<16xi32>
      %mul3A_781 = arith.constant 64 : i32
      %mul3A_782 = vector.broadcast %mul3A_781 : i32 to vector<16xi32>
      %mul3A_783 = arith.muli %and3A_780, %mul3A_782 : vector<16xi32>
      %add3A_784 = arith.addi %mul3A_783, %get3A_768 : vector<16xi32>
      %swap3A_785 = arith.constant 2 : i32
      %swap3A_786 = arith.index_cast %swap3A_785 : i32 to index
      %swap3A_787 = arith.constant 112 : index
      %swap3A_788 = tpu.vector_load %arg13[%swap3A_786, %swap3A_787] {strides = array<i32>} : memref<8x128xi32, #tpu.memory_space<vmem>>, vector<1x16xi32>,
      %swap3A_789 = vector.shape_cast %swap3A_788 : vector<1x16xi32> to vector<16xi32>
      %swap3A_790 = vector.shape_cast %add3A_784 : vector<16xi32> to vector<1x16xi32>
      tpu.vector_store %arg13[%swap3A_786, %swap3A_787], %swap3A_790 {strides = array<i32>} : memref<8x128xi32, #tpu.memory_space<vmem>>, vector<1x16xi32>,
      %get3A_791 = arith.constant 3 : i32
      %get3A_792 = arith.index_cast %get3A_791 : i32 to index
      %get3A_793 = arith.constant 0 : index
      %get3A_794 = tpu.vector_load %arg10[%get3A_792, %get3A_793] {strides = array<i32>} : memref<8x128xi32, #tpu.memory_space<vmem>>, vector<1x16xi32>,
      %get3A_795 = vector.shape_cast %get3A_794 : vector<1x16xi32> to vector<16xi32>
      %get3A_796 = arith.constant 3 : i32
      %get3A_797 = arith.index_cast %get3A_796 : i32 to index
      %get3A_798 = arith.constant 0 : index
      %get3A_799 = tpu.vector_load %arg11[%get3A_797, %get3A_798] {strides = array<i32>} : memref<8x128xi32, #tpu.memory_space<vmem>>, vector<1x16xi32>,
      %get3A_800 = vector.shape_cast %get3A_799 : vector<1x16xi32> to vector<16xi32>
      %shift_right_arithmetic3A_801 = arith.constant 1 : i32
      %shift_right_arithmetic3A_802 = vector.broadcast %shift_right_arithmetic3A_801 : i32 to vector<16xi32>
      %shift_right_arithmetic3A_803 = arith.shrsi %get3A_795, %shift_right_arithmetic3A_802 : vector<16xi32>
      %swap3A_804 = arith.constant 3 : i32
      %swap3A_805 = arith.index_cast %swap3A_804 : i32 to index
      %swap3A_806 = arith.constant 0 : index
      %swap3A_807 = tpu.vector_load %arg12[%swap3A_805, %swap3A_806] {strides = array<i32>} : memref<8x128xi32, #tpu.memory_space<vmem>>, vector<1x16xi32>,
      %swap3A_808 = vector.shape_cast %swap3A_807 : vector<1x16xi32> to vector<16xi32>
      %swap3A_809 = vector.shape_cast %shift_right_arithmetic3A_803 : vector<16xi32> to vector<1x16xi32>
      tpu.vector_store %arg12[%swap3A_805, %swap3A_806], %swap3A_809 {strides = array<i32>} : memref<8x128xi32, #tpu.memory_space<vmem>>, vector<1x16xi32>,
      %and3A_810 = arith.constant 1 : i32
      %and3A_811 = vector.broadcast %and3A_810 : i32 to vector<16xi32>
      %and3A_812 = arith.andi %get3A_795, %and3A_811 : vector<16xi32>
      %mul3A_813 = arith.constant 64 : i32
      %mul3A_814 = vector.broadcast %mul3A_813 : i32 to vector<16xi32>
      %mul3A_815 = arith.muli %and3A_812, %mul3A_814 : vector<16xi32>
      %add3A_816 = arith.addi %mul3A_815, %get3A_800 : vector<16xi32>
      %swap3A_817 = arith.constant 3 : i32
      %swap3A_818 = arith.index_cast %swap3A_817 : i32 to index
      %swap3A_819 = arith.constant 0 : index
      %swap3A_820 = tpu.vector_load %arg13[%swap3A_818, %swap3A_819] {strides = array<i32>} : memref<8x128xi32, #tpu.memory_space<vmem>>, vector<1x16xi32>,
      %swap3A_821 = vector.shape_cast %swap3A_820 : vector<1x16xi32> to vector<16xi32>
      %swap3A_822 = vector.shape_cast %add3A_816 : vector<16xi32> to vector<1x16xi32>
      tpu.vector_store %arg13[%swap3A_818, %swap3A_819], %swap3A_822 {strides = array<i32>} : memref<8x128xi32, #tpu.memory_space<vmem>>, vector<1x16xi32>,
      %get3A_823 = arith.constant 3 : i32
      %get3A_824 = arith.index_cast %get3A_823 : i32 to index
      %get3A_825 = arith.constant 16 : index
      %get3A_826 = tpu.vector_load %arg10[%get3A_824, %get3A_825] {strides = array<i32>} : memref<8x128xi32, #tpu.memory_space<vmem>>, vector<1x16xi32>,
      %get3A_827 = vector.shape_cast %get3A_826 : vector<1x16xi32> to vector<16xi32>
      %get3A_828 = arith.constant 3 : i32
      %get3A_829 = arith.index_cast %get3A_828 : i32 to index
      %get3A_830 = arith.constant 16 : index
      %get3A_831 = tpu.vector_load %arg11[%get3A_829, %get3A_830] {strides = array<i32>} : memref<8x128xi32, #tpu.memory_space<vmem>>, vector<1x16xi32>,
      %get3A_832 = vector.shape_cast %get3A_831 : vector<1x16xi32> to vector<16xi32>
      %shift_right_arithmetic3A_833 = arith.constant 1 : i32
      %shift_right_arithmetic3A_834 = vector.broadcast %shift_right_arithmetic3A_833 : i32 to vector<16xi32>
      %shift_right_arithmetic3A_835 = arith.shrsi %get3A_827, %shift_right_arithmetic3A_834 : vector<16xi32>
      %swap3A_836 = arith.constant 3 : i32
      %swap3A_837 = arith.index_cast %swap3A_836 : i32 to index
      %swap3A_838 = arith.constant 16 : index
      %swap3A_839 = tpu.vector_load %arg12[%swap3A_837, %swap3A_838] {strides = array<i32>} : memref<8x128xi32, #tpu.memory_space<vmem>>, vector<1x16xi32>,
      %swap3A_840 = vector.shape_cast %swap3A_839 : vector<1x16xi32> to vector<16xi32>
      %swap3A_841 = vector.shape_cast %shift_right_arithmetic3A_835 : vector<16xi32> to vector<1x16xi32>
      tpu.vector_store %arg12[%swap3A_837, %swap3A_838], %swap3A_841 {strides = array<i32>} : memref<8x128xi32, #tpu.memory_space<vmem>>, vector<1x16xi32>,
      %and3A_842 = arith.constant 1 : i32
      %and3A_843 = vector.broadcast %and3A_842 : i32 to vector<16xi32>
      %and3A_844 = arith.andi %get3A_827, %and3A_843 : vector<16xi32>
      %mul3A_845 = arith.constant 64 : i32
      %mul3A_846 = vector.broadcast %mul3A_845 : i32 to vector<16xi32>
      %mul3A_847 = arith.muli %and3A_844, %mul3A_846 : vector<16xi32>
      %add3A_848 = arith.addi %mul3A_847, %get3A_832 : vector<16xi32>
      %swap3A_849 = arith.constant 3 : i32
      %swap3A_850 = arith.index_cast %swap3A_849 : i32 to index
      %swap3A_851 = arith.constant 16 : index
      %swap3A_852 = tpu.vector_load %arg13[%swap3A_850, %swap3A_851] {strides = array<i32>} : memref<8x128xi32, #tpu.memory_space<vmem>>, vector<1x16xi32>,
      %swap3A_853 = vector.shape_cast %swap3A_852 : vector<1x16xi32> to vector<16xi32>
      %swap3A_854 = vector.shape_cast %add3A_848 : vector<16xi32> to vector<1x16xi32>
      tpu.vector_store %arg13[%swap3A_850, %swap3A_851], %swap3A_854 {strides = array<i32>} : memref<8x128xi32, #tpu.memory_space<vmem>>, vector<1x16xi32>,
      %get3A_855 = arith.constant 3 : i32
      %get3A_856 = arith.index_cast %get3A_855 : i32 to index
      %get3A_857 = arith.constant 32 : index
      %get3A_858 = tpu.vector_load %arg10[%get3A_856, %get3A_857] {strides = array<i32>} : memref<8x128xi32, #tpu.memory_space<vmem>>, vector<1x16xi32>,
      %get3A_859 = vector.shape_cast %get3A_858 : vector<1x16xi32> to vector<16xi32>
      %get3A_860 = arith.constant 3 : i32
      %get3A_861 = arith.index_cast %get3A_860 : i32 to index
      %get3A_862 = arith.constant 32 : index
      %get3A_863 = tpu.vector_load %arg11[%get3A_861, %get3A_862] {strides = array<i32>} : memref<8x128xi32, #tpu.memory_space<vmem>>, vector<1x16xi32>,
      %get3A_864 = vector.shape_cast %get3A_863 : vector<1x16xi32> to vector<16xi32>
      %shift_right_arithmetic3A_865 = arith.constant 1 : i32
      %shift_right_arithmetic3A_866 = vector.broadcast %shift_right_arithmetic3A_865 : i32 to vector<16xi32>
      %shift_right_arithmetic3A_867 = arith.shrsi %get3A_859, %shift_right_arithmetic3A_866 : vector<16xi32>
      %swap3A_868 = arith.constant 3 : i32
      %swap3A_869 = arith.index_cast %swap3A_868 : i32 to index
      %swap3A_870 = arith.constant 32 : index
      %swap3A_871 = tpu.vector_load %arg12[%swap3A_869, %swap3A_870] {strides = array<i32>} : memref<8x128xi32, #tpu.memory_space<vmem>>, vector<1x16xi32>,
      %swap3A_872 = vector.shape_cast %swap3A_871 : vector<1x16xi32> to vector<16xi32>
      %swap3A_873 = vector.shape_cast %shift_right_arithmetic3A_867 : vector<16xi32> to vector<1x16xi32>
      tpu.vector_store %arg12[%swap3A_869, %swap3A_870], %swap3A_873 {strides = array<i32>} : memref<8x128xi32, #tpu.memory_space<vmem>>, vector<1x16xi32>,
      %and3A_874 = arith.constant 1 : i32
      %and3A_875 = vector.broadcast %and3A_874 : i32 to vector<16xi32>
      %and3A_876 = arith.andi %get3A_859, %and3A_875 : vector<16xi32>
      %mul3A_877 = arith.constant 64 : i32
      %mul3A_878 = vector.broadcast %mul3A_877 : i32 to vector<16xi32>
      %mul3A_879 = arith.muli %and3A_876, %mul3A_878 : vector<16xi32>
      %add3A_880 = arith.addi %mul3A_879, %get3A_864 : vector<16xi32>
      %swap3A_881 = arith.constant 3 : i32
      %swap3A_882 = arith.index_cast %swap3A_881 : i32 to index
      %swap3A_883 = arith.constant 32 : index
      %swap3A_884 = tpu.vector_load %arg13[%swap3A_882, %swap3A_883] {strides = array<i32>} : memref<8x128xi32, #tpu.memory_space<vmem>>, vector<1x16xi32>,
      %swap3A_885 = vector.shape_cast %swap3A_884 : vector<1x16xi32> to vector<16xi32>
      %swap3A_886 = vector.shape_cast %add3A_880 : vector<16xi32> to vector<1x16xi32>
      tpu.vector_store %arg13[%swap3A_882, %swap3A_883], %swap3A_886 {strides = array<i32>} : memref<8x128xi32, #tpu.memory_space<vmem>>, vector<1x16xi32>,
      %get3A_887 = arith.constant 3 : i32
      %get3A_888 = arith.index_cast %get3A_887 : i32 to index
      %get3A_889 = arith.constant 48 : index
      %get3A_890 = tpu.vector_load %arg10[%get3A_888, %get3A_889] {strides = array<i32>} : memref<8x128xi32, #tpu.memory_space<vmem>>, vector<1x16xi32>,
      %get3A_891 = vector.shape_cast %get3A_890 : vector<1x16xi32> to vector<16xi32>
      %get3A_892 = arith.constant 3 : i32
      %get3A_893 = arith.index_cast %get3A_892 : i32 to index
      %get3A_894 = arith.constant 48 : index
      %get3A_895 = tpu.vector_load %arg11[%get3A_893, %get3A_894] {strides = array<i32>} : memref<8x128xi32, #tpu.memory_space<vmem>>, vector<1x16xi32>,
      %get3A_896 = vector.shape_cast %get3A_895 : vector<1x16xi32> to vector<16xi32>
      %shift_right_arithmetic3A_897 = arith.constant 1 : i32
      %shift_right_arithmetic3A_898 = vector.broadcast %shift_right_arithmetic3A_897 : i32 to vector<16xi32>
      %shift_right_arithmetic3A_899 = arith.shrsi %get3A_891, %shift_right_arithmetic3A_898 : vector<16xi32>
      %swap3A_900 = arith.constant 3 : i32
      %swap3A_901 = arith.index_cast %swap3A_900 : i32 to index
      %swap3A_902 = arith.constant 48 : index
      %swap3A_903 = tpu.vector_load %arg12[%swap3A_901, %swap3A_902] {strides = array<i32>} : memref<8x128xi32, #tpu.memory_space<vmem>>, vector<1x16xi32>,
      %swap3A_904 = vector.shape_cast %swap3A_903 : vector<1x16xi32> to vector<16xi32>
      %swap3A_905 = vector.shape_cast %shift_right_arithmetic3A_899 : vector<16xi32> to vector<1x16xi32>
      tpu.vector_store %arg12[%swap3A_901, %swap3A_902], %swap3A_905 {strides = array<i32>} : memref<8x128xi32, #tpu.memory_space<vmem>>, vector<1x16xi32>,
      %and3A_906 = arith.constant 1 : i32
      %and3A_907 = vector.broadcast %and3A_906 : i32 to vector<16xi32>
      %and3A_908 = arith.andi %get3A_891, %and3A_907 : vector<16xi32>
      %mul3A_909 = arith.constant 64 : i32
      %mul3A_910 = vector.broadcast %mul3A_909 : i32 to vector<16xi32>
      %mul3A_911 = arith.muli %and3A_908, %mul3A_910 : vector<16xi32>
      %add3A_912 = arith.addi %mul3A_911, %get3A_896 : vector<16xi32>
      %swap3A_913 = arith.constant 3 : i32
      %swap3A_914 = arith.index_cast %swap3A_913 : i32 to index
      %swap3A_915 = arith.constant 48 : index
      %swap3A_916 = tpu.vector_load %arg13[%swap3A_914, %swap3A_915] {strides = array<i32>} : memref<8x128xi32, #tpu.memory_space<vmem>>, vector<1x16xi32>,
      %swap3A_917 = vector.shape_cast %swap3A_916 : vector<1x16xi32> to vector<16xi32>
      %swap3A_918 = vector.shape_cast %add3A_912 : vector<16xi32> to vector<1x16xi32>
      tpu.vector_store %arg13[%swap3A_914, %swap3A_915], %swap3A_918 {strides = array<i32>} : memref<8x128xi32, #tpu.memory_space<vmem>>, vector<1x16xi32>,
      %get3A_919 = arith.constant 3 : i32
      %get3A_920 = arith.index_cast %get3A_919 : i32 to index
      %get3A_921 = arith.constant 64 : index
      %get3A_922 = tpu.vector_load %arg10[%get3A_920, %get3A_921] {strides = array<i32>} : memref<8x128xi32, #tpu.memory_space<vmem>>, vector<1x16xi32>,
      %get3A_923 = vector.shape_cast %get3A_922 : vector<1x16xi32> to vector<16xi32>
      %get3A_924 = arith.constant 3 : i32
      %get3A_925 = arith.index_cast %get3A_924 : i32 to index
      %get3A_926 = arith.constant 64 : index
      %get3A_927 = tpu.vector_load %arg11[%get3A_925, %get3A_926] {strides = array<i32>} : memref<8x128xi32, #tpu.memory_space<vmem>>, vector<1x16xi32>,
      %get3A_928 = vector.shape_cast %get3A_927 : vector<1x16xi32> to vector<16xi32>
      %shift_right_arithmetic3A_929 = arith.constant 1 : i32
      %shift_right_arithmetic3A_930 = vector.broadcast %shift_right_arithmetic3A_929 : i32 to vector<16xi32>
      %shift_right_arithmetic3A_931 = arith.shrsi %get3A_923, %shift_right_arithmetic3A_930 : vector<16xi32>
      %swap3A_932 = arith.constant 3 : i32
      %swap3A_933 = arith.index_cast %swap3A_932 : i32 to index
      %swap3A_934 = arith.constant 64 : index
      %swap3A_935 = tpu.vector_load %arg12[%swap3A_933, %swap3A_934] {strides = array<i32>} : memref<8x128xi32, #tpu.memory_space<vmem>>, vector<1x16xi32>,
      %swap3A_936 = vector.shape_cast %swap3A_935 : vector<1x16xi32> to vector<16xi32>
      %swap3A_937 = vector.shape_cast %shift_right_arithmetic3A_931 : vector<16xi32> to vector<1x16xi32>
      tpu.vector_store %arg12[%swap3A_933, %swap3A_934], %swap3A_937 {strides = array<i32>} : memref<8x128xi32, #tpu.memory_space<vmem>>, vector<1x16xi32>,
      %and3A_938 = arith.constant 1 : i32
      %and3A_939 = vector.broadcast %and3A_938 : i32 to vector<16xi32>
      %and3A_940 = arith.andi %get3A_923, %and3A_939 : vector<16xi32>
      %mul3A_941 = arith.constant 64 : i32
      %mul3A_942 = vector.broadcast %mul3A_941 : i32 to vector<16xi32>
      %mul3A_943 = arith.muli %and3A_940, %mul3A_942 : vector<16xi32>
      %add3A_944 = arith.addi %mul3A_943, %get3A_928 : vector<16xi32>
      %swap3A_945 = arith.constant 3 : i32
      %swap3A_946 = arith.index_cast %swap3A_945 : i32 to index
      %swap3A_947 = arith.constant 64 : index
      %swap3A_948 = tpu.vector_load %arg13[%swap3A_946, %swap3A_947] {strides = array<i32>} : memref<8x128xi32, #tpu.memory_space<vmem>>, vector<1x16xi32>,
      %swap3A_949 = vector.shape_cast %swap3A_948 : vector<1x16xi32> to vector<16xi32>
      %swap3A_950 = vector.shape_cast %add3A_944 : vector<16xi32> to vector<1x16xi32>
      tpu.vector_store %arg13[%swap3A_946, %swap3A_947], %swap3A_950 {strides = array<i32>} : memref<8x128xi32, #tpu.memory_space<vmem>>, vector<1x16xi32>,
      %get3A_951 = arith.constant 3 : i32
      %get3A_952 = arith.index_cast %get3A_951 : i32 to index
      %get3A_953 = arith.constant 80 : index
      %get3A_954 = tpu.vector_load %arg10[%get3A_952, %get3A_953] {strides = array<i32>} : memref<8x128xi32, #tpu.memory_space<vmem>>, vector<1x16xi32>,
      %get3A_955 = vector.shape_cast %get3A_954 : vector<1x16xi32> to vector<16xi32>
      %get3A_956 = arith.constant 3 : i32
      %get3A_957 = arith.index_cast %get3A_956 : i32 to index
      %get3A_958 = arith.constant 80 : index
      %get3A_959 = tpu.vector_load %arg11[%get3A_957, %get3A_958] {strides = array<i32>} : memref<8x128xi32, #tpu.memory_space<vmem>>, vector<1x16xi32>,
      %get3A_960 = vector.shape_cast %get3A_959 : vector<1x16xi32> to vector<16xi32>
      %shift_right_arithmetic3A_961 = arith.constant 1 : i32
      %shift_right_arithmetic3A_962 = vector.broadcast %shift_right_arithmetic3A_961 : i32 to vector<16xi32>
      %shift_right_arithmetic3A_963 = arith.shrsi %get3A_955, %shift_right_arithmetic3A_962 : vector<16xi32>
      %swap3A_964 = arith.constant 3 : i32
      %swap3A_965 = arith.index_cast %swap3A_964 : i32 to index
      %swap3A_966 = arith.constant 80 : index
      %swap3A_967 = tpu.vector_load %arg12[%swap3A_965, %swap3A_966] {strides = array<i32>} : memref<8x128xi32, #tpu.memory_space<vmem>>, vector<1x16xi32>,
      %swap3A_968 = vector.shape_cast %swap3A_967 : vector<1x16xi32> to vector<16xi32>
      %swap3A_969 = vector.shape_cast %shift_right_arithmetic3A_963 : vector<16xi32> to vector<1x16xi32>
      tpu.vector_store %arg12[%swap3A_965, %swap3A_966], %swap3A_969 {strides = array<i32>} : memref<8x128xi32, #tpu.memory_space<vmem>>, vector<1x16xi32>,
      %and3A_970 = arith.constant 1 : i32
      %and3A_971 = vector.broadcast %and3A_970 : i32 to vector<16xi32>
      %and3A_972 = arith.andi %get3A_955, %and3A_971 : vector<16xi32>
      %mul3A_973 = arith.constant 64 : i32
      %mul3A_974 = vector.broadcast %mul3A_973 : i32 to vector<16xi32>
      %mul3A_975 = arith.muli %and3A_972, %mul3A_974 : vector<16xi32>
      %add3A_976 = arith.addi %mul3A_975, %get3A_960 : vector<16xi32>
      %swap3A_977 = arith.constant 3 : i32
      %swap3A_978 = arith.index_cast %swap3A_977 : i32 to index
      %swap3A_979 = arith.constant 80 : index
      %swap3A_980 = tpu.vector_load %arg13[%swap3A_978, %swap3A_979] {strides = array<i32>} : memref<8x128xi32, #tpu.memory_space<vmem>>, vector<1x16xi32>,
      %swap3A_981 = vector.shape_cast %swap3A_980 : vector<1x16xi32> to vector<16xi32>
      %swap3A_982 = vector.shape_cast %add3A_976 : vector<16xi32> to vector<1x16xi32>
      tpu.vector_store %arg13[%swap3A_978, %swap3A_979], %swap3A_982 {strides = array<i32>} : memref<8x128xi32, #tpu.memory_space<vmem>>, vector<1x16xi32>,
      %get3A_983 = arith.constant 3 : i32
      %get3A_984 = arith.index_cast %get3A_983 : i32 to index
      %get3A_985 = arith.constant 96 : index
      %get3A_986 = tpu.vector_load %arg10[%get3A_984, %get3A_985] {strides = array<i32>} : memref<8x128xi32, #tpu.memory_space<vmem>>, vector<1x16xi32>,
      %get3A_987 = vector.shape_cast %get3A_986 : vector<1x16xi32> to vector<16xi32>
      %get3A_988 = arith.constant 3 : i32
      %get3A_989 = arith.index_cast %get3A_988 : i32 to index
      %get3A_990 = arith.constant 96 : index
      %get3A_991 = tpu.vector_load %arg11[%get3A_989, %get3A_990] {strides = array<i32>} : memref<8x128xi32, #tpu.memory_space<vmem>>, vector<1x16xi32>,
      %get3A_992 = vector.shape_cast %get3A_991 : vector<1x16xi32> to vector<16xi32>
      %shift_right_arithmetic3A_993 = arith.constant 1 : i32
      %shift_right_arithmetic3A_994 = vector.broadcast %shift_right_arithmetic3A_993 : i32 to vector<16xi32>
      %shift_right_arithmetic3A_995 = arith.shrsi %get3A_987, %shift_right_arithmetic3A_994 : vector<16xi32>
      %swap3A_996 = arith.constant 3 : i32
      %swap3A_997 = arith.index_cast %swap3A_996 : i32 to index
      %swap3A_998 = arith.constant 96 : index
      %swap3A_999 = tpu.vector_load %arg12[%swap3A_997, %swap3A_998] {strides = array<i32>} : memref<8x128xi32, #tpu.memory_space<vmem>>, vector<1x16xi32>,
      %swap3A_1000 = vector.shape_cast %swap3A_999 : vector<1x16xi32> to vector<16xi32>
      %swap3A_1001 = vector.shape_cast %shift_right_arithmetic3A_995 : vector<16xi32> to vector<1x16xi32>
      tpu.vector_store %arg12[%swap3A_997, %swap3A_998], %swap3A_1001 {strides = array<i32>} : memref<8x128xi32, #tpu.memory_space<vmem>>, vector<1x16xi32>,
      %and3A_1002 = arith.constant 1 : i32
      %and3A_1003 = vector.broadcast %and3A_1002 : i32 to vector<16xi32>
      %and3A_1004 = arith.andi %get3A_987, %and3A_1003 : vector<16xi32>
      %mul3A_1005 = arith.constant 64 : i32
      %mul3A_1006 = vector.broadcast %mul3A_1005 : i32 to vector<16xi32>
      %mul3A_1007 = arith.muli %and3A_1004, %mul3A_1006 : vector<16xi32>
      %add3A_1008 = arith.addi %mul3A_1007, %get3A_992 : vector<16xi32>
      %swap3A_1009 = arith.constant 3 : i32
      %swap3A_1010 = arith.index_cast %swap3A_1009 : i32 to index
      %swap3A_1011 = arith.constant 96 : index
      %swap3A_1012 = tpu.vector_load %arg13[%swap3A_1010, %swap3A_1011] {strides = array<i32>} : memref<8x128xi32, #tpu.memory_space<vmem>>, vector<1x16xi32>,
      %swap3A_1013 = vector.shape_cast %swap3A_1012 : vector<1x16xi32> to vector<16xi32>
      %swap3A_1014 = vector.shape_cast %add3A_1008 : vector<16xi32> to vector<1x16xi32>
      tpu.vector_store %arg13[%swap3A_1010, %swap3A_1011], %swap3A_1014 {strides = array<i32>} : memref<8x128xi32, #tpu.memory_space<vmem>>, vector<1x16xi32>,
      %get3A_1015 = arith.constant 3 : i32
      %get3A_1016 = arith.index_cast %get3A_1015 : i32 to index
      %get3A_1017 = arith.constant 112 : index
      %get3A_1018 = tpu.vector_load %arg10[%get3A_1016, %get3A_1017] {strides = array<i32>} : memref<8x128xi32, #tpu.memory_space<vmem>>, vector<1x16xi32>,
      %get3A_1019 = vector.shape_cast %get3A_1018 : vector<1x16xi32> to vector<16xi32>
      %get3A_1020 = arith.constant 3 : i32
      %get3A_1021 = arith.index_cast %get3A_1020 : i32 to index
      %get3A_1022 = arith.constant 112 : index
      %get3A_1023 = tpu.vector_load %arg11[%get3A_1021, %get3A_1022] {strides = array<i32>} : memref<8x128xi32, #tpu.memory_space<vmem>>, vector<1x16xi32>,
      %get3A_1024 = vector.shape_cast %get3A_1023 : vector<1x16xi32> to vector<16xi32>
      %shift_right_arithmetic3A_1025 = arith.constant 1 : i32
      %shift_right_arithmetic3A_1026 = vector.broadcast %shift_right_arithmetic3A_1025 : i32 to vector<16xi32>
      %shift_right_arithmetic3A_1027 = arith.shrsi %get3A_1019, %shift_right_arithmetic3A_1026 : vector<16xi32>
      %swap3A_1028 = arith.constant 3 : i32
      %swap3A_1029 = arith.index_cast %swap3A_1028 : i32 to index
      %swap3A_1030 = arith.constant 112 : index
      %swap3A_1031 = tpu.vector_load %arg12[%swap3A_1029, %swap3A_1030] {strides = array<i32>} : memref<8x128xi32, #tpu.memory_space<vmem>>, vector<1x16xi32>,
      %swap3A_1032 = vector.shape_cast %swap3A_1031 : vector<1x16xi32> to vector<16xi32>
      %swap3A_1033 = vector.shape_cast %shift_right_arithmetic3A_1027 : vector<16xi32> to vector<1x16xi32>
      tpu.vector_store %arg12[%swap3A_1029, %swap3A_1030], %swap3A_1033 {strides = array<i32>} : memref<8x128xi32, #tpu.memory_space<vmem>>, vector<1x16xi32>,
      %and3A_1034 = arith.constant 1 : i32
      %and3A_1035 = vector.broadcast %and3A_1034 : i32 to vector<16xi32>
      %and3A_1036 = arith.andi %get3A_1019, %and3A_1035 : vector<16xi32>
      %mul3A_1037 = arith.constant 64 : i32
      %mul3A_1038 = vector.broadcast %mul3A_1037 : i32 to vector<16xi32>
      %mul3A_1039 = arith.muli %and3A_1036, %mul3A_1038 : vector<16xi32>
      %add3A_1040 = arith.addi %mul3A_1039, %get3A_1024 : vector<16xi32>
      %swap3A_1041 = arith.constant 3 : i32
      %swap3A_1042 = arith.index_cast %swap3A_1041 : i32 to index
      %swap3A_1043 = arith.constant 112 : index
      %swap3A_1044 = tpu.vector_load %arg13[%swap3A_1042, %swap3A_1043] {strides = array<i32>} : memref<8x128xi32, #tpu.memory_space<vmem>>, vector<1x16xi32>,
      %swap3A_1045 = vector.shape_cast %swap3A_1044 : vector<1x16xi32> to vector<16xi32>
      %swap3A_1046 = vector.shape_cast %add3A_1040 : vector<16xi32> to vector<1x16xi32>
      tpu.vector_store %arg13[%swap3A_1042, %swap3A_1043], %swap3A_1046 {strides = array<i32>} : memref<8x128xi32, #tpu.memory_space<vmem>>, vector<1x16xi32>,
      %get3A_1047 = arith.constant 4 : i32
      %get3A_1048 = arith.index_cast %get3A_1047 : i32 to index
      %get3A_1049 = arith.constant 0 : index
      %get3A_1050 = tpu.vector_load %arg10[%get3A_1048, %get3A_1049] {strides = array<i32>} : memref<8x128xi32, #tpu.memory_space<vmem>>, vector<1x16xi32>,
      %get3A_1051 = vector.shape_cast %get3A_1050 : vector<1x16xi32> to vector<16xi32>
      %get3A_1052 = arith.constant 4 : i32
      %get3A_1053 = arith.index_cast %get3A_1052 : i32 to index
      %get3A_1054 = arith.constant 0 : index
      %get3A_1055 = tpu.vector_load %arg11[%get3A_1053, %get3A_1054] {strides = array<i32>} : memref<8x128xi32, #tpu.memory_space<vmem>>, vector<1x16xi32>,
      %get3A_1056 = vector.shape_cast %get3A_1055 : vector<1x16xi32> to vector<16xi32>
      %shift_right_arithmetic3A_1057 = arith.constant 1 : i32
      %shift_right_arithmetic3A_1058 = vector.broadcast %shift_right_arithmetic3A_1057 : i32 to vector<16xi32>
      %shift_right_arithmetic3A_1059 = arith.shrsi %get3A_1051, %shift_right_arithmetic3A_1058 : vector<16xi32>
      %swap3A_1060 = arith.constant 4 : i32
      %swap3A_1061 = arith.index_cast %swap3A_1060 : i32 to index
      %swap3A_1062 = arith.constant 0 : index
      %swap3A_1063 = tpu.vector_load %arg12[%swap3A_1061, %swap3A_1062] {strides = array<i32>} : memref<8x128xi32, #tpu.memory_space<vmem>>, vector<1x16xi32>,
      %swap3A_1064 = vector.shape_cast %swap3A_1063 : vector<1x16xi32> to vector<16xi32>
      %swap3A_1065 = vector.shape_cast %shift_right_arithmetic3A_1059 : vector<16xi32> to vector<1x16xi32>
      tpu.vector_store %arg12[%swap3A_1061, %swap3A_1062], %swap3A_1065 {strides = array<i32>} : memref<8x128xi32, #tpu.memory_space<vmem>>, vector<1x16xi32>,
      %and3A_1066 = arith.constant 1 : i32
      %and3A_1067 = vector.broadcast %and3A_1066 : i32 to vector<16xi32>
      %and3A_1068 = arith.andi %get3A_1051, %and3A_1067 : vector<16xi32>
      %mul3A_1069 = arith.constant 64 : i32
      %mul3A_1070 = vector.broadcast %mul3A_1069 : i32 to vector<16xi32>
      %mul3A_1071 = arith.muli %and3A_1068, %mul3A_1070 : vector<16xi32>
      %add3A_1072 = arith.addi %mul3A_1071, %get3A_1056 : vector<16xi32>
      %swap3A_1073 = arith.constant 4 : i32
      %swap3A_1074 = arith.index_cast %swap3A_1073 : i32 to index
      %swap3A_1075 = arith.constant 0 : index
      %swap3A_1076 = tpu.vector_load %arg13[%swap3A_1074, %swap3A_1075] {strides = array<i32>} : memref<8x128xi32, #tpu.memory_space<vmem>>, vector<1x16xi32>,
      %swap3A_1077 = vector.shape_cast %swap3A_1076 : vector<1x16xi32> to vector<16xi32>
      %swap3A_1078 = vector.shape_cast %add3A_1072 : vector<16xi32> to vector<1x16xi32>
      tpu.vector_store %arg13[%swap3A_1074, %swap3A_1075], %swap3A_1078 {strides = array<i32>} : memref<8x128xi32, #tpu.memory_space<vmem>>, vector<1x16xi32>,
      %get3A_1079 = arith.constant 4 : i32
      %get3A_1080 = arith.index_cast %get3A_1079 : i32 to index
      %get3A_1081 = arith.constant 16 : index
      %get3A_1082 = tpu.vector_load %arg10[%get3A_1080, %get3A_1081] {strides = array<i32>} : memref<8x128xi32, #tpu.memory_space<vmem>>, vector<1x16xi32>,
      %get3A_1083 = vector.shape_cast %get3A_1082 : vector<1x16xi32> to vector<16xi32>
      %get3A_1084 = arith.constant 4 : i32
      %get3A_1085 = arith.index_cast %get3A_1084 : i32 to index
      %get3A_1086 = arith.constant 16 : index
      %get3A_1087 = tpu.vector_load %arg11[%get3A_1085, %get3A_1086] {strides = array<i32>} : memref<8x128xi32, #tpu.memory_space<vmem>>, vector<1x16xi32>,
      %get3A_1088 = vector.shape_cast %get3A_1087 : vector<1x16xi32> to vector<16xi32>
      %shift_right_arithmetic3A_1089 = arith.constant 1 : i32
      %shift_right_arithmetic3A_1090 = vector.broadcast %shift_right_arithmetic3A_1089 : i32 to vector<16xi32>
      %shift_right_arithmetic3A_1091 = arith.shrsi %get3A_1083, %shift_right_arithmetic3A_1090 : vector<16xi32>
      %swap3A_1092 = arith.constant 4 : i32
      %swap3A_1093 = arith.index_cast %swap3A_1092 : i32 to index
      %swap3A_1094 = arith.constant 16 : index
      %swap3A_1095 = tpu.vector_load %arg12[%swap3A_1093, %swap3A_1094] {strides = array<i32>} : memref<8x128xi32, #tpu.memory_space<vmem>>, vector<1x16xi32>,
      %swap3A_1096 = vector.shape_cast %swap3A_1095 : vector<1x16xi32> to vector<16xi32>
      %swap3A_1097 = vector.shape_cast %shift_right_arithmetic3A_1091 : vector<16xi32> to vector<1x16xi32>
      tpu.vector_store %arg12[%swap3A_1093, %swap3A_1094], %swap3A_1097 {strides = array<i32>} : memref<8x128xi32, #tpu.memory_space<vmem>>, vector<1x16xi32>,
      %and3A_1098 = arith.constant 1 : i32
      %and3A_1099 = vector.broadcast %and3A_1098 : i32 to vector<16xi32>
      %and3A_1100 = arith.andi %get3A_1083, %and3A_1099 : vector<16xi32>
      %mul3A_1101 = arith.constant 64 : i32
      %mul3A_1102 = vector.broadcast %mul3A_1101 : i32 to vector<16xi32>
      %mul3A_1103 = arith.muli %and3A_1100, %mul3A_1102 : vector<16xi32>
      %add3A_1104 = arith.addi %mul3A_1103, %get3A_1088 : vector<16xi32>
      %swap3A_1105 = arith.constant 4 : i32
      %swap3A_1106 = arith.index_cast %swap3A_1105 : i32 to index
      %swap3A_1107 = arith.constant 16 : index
      %swap3A_1108 = tpu.vector_load %arg13[%swap3A_1106, %swap3A_1107] {strides = array<i32>} : memref<8x128xi32, #tpu.memory_space<vmem>>, vector<1x16xi32>,
      %swap3A_1109 = vector.shape_cast %swap3A_1108 : vector<1x16xi32> to vector<16xi32>
      %swap3A_1110 = vector.shape_cast %add3A_1104 : vector<16xi32> to vector<1x16xi32>
      tpu.vector_store %arg13[%swap3A_1106, %swap3A_1107], %swap3A_1110 {strides = array<i32>} : memref<8x128xi32, #tpu.memory_space<vmem>>, vector<1x16xi32>,
      %get3A_1111 = arith.constant 4 : i32
      %get3A_1112 = arith.index_cast %get3A_1111 : i32 to index
      %get3A_1113 = arith.constant 32 : index
      %get3A_1114 = tpu.vector_load %arg10[%get3A_1112, %get3A_1113] {strides = array<i32>} : memref<8x128xi32, #tpu.memory_space<vmem>>, vector<1x16xi32>,
      %get3A_1115 = vector.shape_cast %get3A_1114 : vector<1x16xi32> to vector<16xi32>
      %get3A_1116 = arith.constant 4 : i32
      %get3A_1117 = arith.index_cast %get3A_1116 : i32 to index
      %get3A_1118 = arith.constant 32 : index
      %get3A_1119 = tpu.vector_load %arg11[%get3A_1117, %get3A_1118] {strides = array<i32>} : memref<8x128xi32, #tpu.memory_space<vmem>>, vector<1x16xi32>,
      %get3A_1120 = vector.shape_cast %get3A_1119 : vector<1x16xi32> to vector<16xi32>
      %shift_right_arithmetic3A_1121 = arith.constant 1 : i32
      %shift_right_arithmetic3A_1122 = vector.broadcast %shift_right_arithmetic3A_1121 : i32 to vector<16xi32>
      %shift_right_arithmetic3A_1123 = arith.shrsi %get3A_1115, %shift_right_arithmetic3A_1122 : vector<16xi32>
      %swap3A_1124 = arith.constant 4 : i32
      %swap3A_1125 = arith.index_cast %swap3A_1124 : i32 to index
      %swap3A_1126 = arith.constant 32 : index
      %swap3A_1127 = tpu.vector_load %arg12[%swap3A_1125, %swap3A_1126] {strides = array<i32>} : memref<8x128xi32, #tpu.memory_space<vmem>>, vector<1x16xi32>,
      %swap3A_1128 = vector.shape_cast %swap3A_1127 : vector<1x16xi32> to vector<16xi32>
      %swap3A_1129 = vector.shape_cast %shift_right_arithmetic3A_1123 : vector<16xi32> to vector<1x16xi32>
      tpu.vector_store %arg12[%swap3A_1125, %swap3A_1126], %swap3A_1129 {strides = array<i32>} : memref<8x128xi32, #tpu.memory_space<vmem>>, vector<1x16xi32>,
      %and3A_1130 = arith.constant 1 : i32
      %and3A_1131 = vector.broadcast %and3A_1130 : i32 to vector<16xi32>
      %and3A_1132 = arith.andi %get3A_1115, %and3A_1131 : vector<16xi32>
      %mul3A_1133 = arith.constant 64 : i32
      %mul3A_1134 = vector.broadcast %mul3A_1133 : i32 to vector<16xi32>
      %mul3A_1135 = arith.muli %and3A_1132, %mul3A_1134 : vector<16xi32>
      %add3A_1136 = arith.addi %mul3A_1135, %get3A_1120 : vector<16xi32>
      %swap3A_1137 = arith.constant 4 : i32
      %swap3A_1138 = arith.index_cast %swap3A_1137 : i32 to index
      %swap3A_1139 = arith.constant 32 : index
      %swap3A_1140 = tpu.vector_load %arg13[%swap3A_1138, %swap3A_1139] {strides = array<i32>} : memref<8x128xi32, #tpu.memory_space<vmem>>, vector<1x16xi32>,
      %swap3A_1141 = vector.shape_cast %swap3A_1140 : vector<1x16xi32> to vector<16xi32>
      %swap3A_1142 = vector.shape_cast %add3A_1136 : vector<16xi32> to vector<1x16xi32>
      tpu.vector_store %arg13[%swap3A_1138, %swap3A_1139], %swap3A_1142 {strides = array<i32>} : memref<8x128xi32, #tpu.memory_space<vmem>>, vector<1x16xi32>,
      %get3A_1143 = arith.constant 4 : i32
      %get3A_1144 = arith.index_cast %get3A_1143 : i32 to index
      %get3A_1145 = arith.constant 48 : index
      %get3A_1146 = tpu.vector_load %arg10[%get3A_1144, %get3A_1145] {strides = array<i32>} : memref<8x128xi32, #tpu.memory_space<vmem>>, vector<1x16xi32>,
      %get3A_1147 = vector.shape_cast %get3A_1146 : vector<1x16xi32> to vector<16xi32>
      %get3A_1148 = arith.constant 4 : i32
      %get3A_1149 = arith.index_cast %get3A_1148 : i32 to index
      %get3A_1150 = arith.constant 48 : index
      %get3A_1151 = tpu.vector_load %arg11[%get3A_1149, %get3A_1150] {strides = array<i32>} : memref<8x128xi32, #tpu.memory_space<vmem>>, vector<1x16xi32>,
      %get3A_1152 = vector.shape_cast %get3A_1151 : vector<1x16xi32> to vector<16xi32>
      %shift_right_arithmetic3A_1153 = arith.constant 1 : i32
      %shift_right_arithmetic3A_1154 = vector.broadcast %shift_right_arithmetic3A_1153 : i32 to vector<16xi32>
      %shift_right_arithmetic3A_1155 = arith.shrsi %get3A_1147, %shift_right_arithmetic3A_1154 : vector<16xi32>
      %swap3A_1156 = arith.constant 4 : i32
      %swap3A_1157 = arith.index_cast %swap3A_1156 : i32 to index
      %swap3A_1158 = arith.constant 48 : index
      %swap3A_1159 = tpu.vector_load %arg12[%swap3A_1157, %swap3A_1158] {strides = array<i32>} : memref<8x128xi32, #tpu.memory_space<vmem>>, vector<1x16xi32>,
      %swap3A_1160 = vector.shape_cast %swap3A_1159 : vector<1x16xi32> to vector<16xi32>
      %swap3A_1161 = vector.shape_cast %shift_right_arithmetic3A_1155 : vector<16xi32> to vector<1x16xi32>
      tpu.vector_store %arg12[%swap3A_1157, %swap3A_1158], %swap3A_1161 {strides = array<i32>} : memref<8x128xi32, #tpu.memory_space<vmem>>, vector<1x16xi32>,
      %and3A_1162 = arith.constant 1 : i32
      %and3A_1163 = vector.broadcast %and3A_1162 : i32 to vector<16xi32>
      %and3A_1164 = arith.andi %get3A_1147, %and3A_1163 : vector<16xi32>
      %mul3A_1165 = arith.constant 64 : i32
      %mul3A_1166 = vector.broadcast %mul3A_1165 : i32 to vector<16xi32>
      %mul3A_1167 = arith.muli %and3A_1164, %mul3A_1166 : vector<16xi32>
      %add3A_1168 = arith.addi %mul3A_1167, %get3A_1152 : vector<16xi32>
      %swap3A_1169 = arith.constant 4 : i32
      %swap3A_1170 = arith.index_cast %swap3A_1169 : i32 to index
      %swap3A_1171 = arith.constant 48 : index
      %swap3A_1172 = tpu.vector_load %arg13[%swap3A_1170, %swap3A_1171] {strides = array<i32>} : memref<8x128xi32, #tpu.memory_space<vmem>>, vector<1x16xi32>,
      %swap3A_1173 = vector.shape_cast %swap3A_1172 : vector<1x16xi32> to vector<16xi32>
      %swap3A_1174 = vector.shape_cast %add3A_1168 : vector<16xi32> to vector<1x16xi32>
      tpu.vector_store %arg13[%swap3A_1170, %swap3A_1171], %swap3A_1174 {strides = array<i32>} : memref<8x128xi32, #tpu.memory_space<vmem>>, vector<1x16xi32>,
      %get3A_1175 = arith.constant 4 : i32
      %get3A_1176 = arith.index_cast %get3A_1175 : i32 to index
      %get3A_1177 = arith.constant 64 : index
      %get3A_1178 = tpu.vector_load %arg10[%get3A_1176, %get3A_1177] {strides = array<i32>} : memref<8x128xi32, #tpu.memory_space<vmem>>, vector<1x16xi32>,
      %get3A_1179 = vector.shape_cast %get3A_1178 : vector<1x16xi32> to vector<16xi32>
      %get3A_1180 = arith.constant 4 : i32
      %get3A_1181 = arith.index_cast %get3A_1180 : i32 to index
      %get3A_1182 = arith.constant 64 : index
      %get3A_1183 = tpu.vector_load %arg11[%get3A_1181, %get3A_1182] {strides = array<i32>} : memref<8x128xi32, #tpu.memory_space<vmem>>, vector<1x16xi32>,
      %get3A_1184 = vector.shape_cast %get3A_1183 : vector<1x16xi32> to vector<16xi32>
      %shift_right_arithmetic3A_1185 = arith.constant 1 : i32
      %shift_right_arithmetic3A_1186 = vector.broadcast %shift_right_arithmetic3A_1185 : i32 to vector<16xi32>
      %shift_right_arithmetic3A_1187 = arith.shrsi %get3A_1179, %shift_right_arithmetic3A_1186 : vector<16xi32>
      %swap3A_1188 = arith.constant 4 : i32
      %swap3A_1189 = arith.index_cast %swap3A_1188 : i32 to index
      %swap3A_1190 = arith.constant 64 : index
      %swap3A_1191 = tpu.vector_load %arg12[%swap3A_1189, %swap3A_1190] {strides = array<i32>} : memref<8x128xi32, #tpu.memory_space<vmem>>, vector<1x16xi32>,
      %swap3A_1192 = vector.shape_cast %swap3A_1191 : vector<1x16xi32> to vector<16xi32>
      %swap3A_1193 = vector.shape_cast %shift_right_arithmetic3A_1187 : vector<16xi32> to vector<1x16xi32>
      tpu.vector_store %arg12[%swap3A_1189, %swap3A_1190], %swap3A_1193 {strides = array<i32>} : memref<8x128xi32, #tpu.memory_space<vmem>>, vector<1x16xi32>,
      %and3A_1194 = arith.constant 1 : i32
      %and3A_1195 = vector.broadcast %and3A_1194 : i32 to vector<16xi32>
      %and3A_1196 = arith.andi %get3A_1179, %and3A_1195 : vector<16xi32>
      %mul3A_1197 = arith.constant 64 : i32
      %mul3A_1198 = vector.broadcast %mul3A_1197 : i32 to vector<16xi32>
      %mul3A_1199 = arith.muli %and3A_1196, %mul3A_1198 : vector<16xi32>
      %add3A_1200 = arith.addi %mul3A_1199, %get3A_1184 : vector<16xi32>
      %swap3A_1201 = arith.constant 4 : i32
      %swap3A_1202 = arith.index_cast %swap3A_1201 : i32 to index
      %swap3A_1203 = arith.constant 64 : index
      %swap3A_1204 = tpu.vector_load %arg13[%swap3A_1202, %swap3A_1203] {strides = array<i32>} : memref<8x128xi32, #tpu.memory_space<vmem>>, vector<1x16xi32>,
      %swap3A_1205 = vector.shape_cast %swap3A_1204 : vector<1x16xi32> to vector<16xi32>
      %swap3A_1206 = vector.shape_cast %add3A_1200 : vector<16xi32> to vector<1x16xi32>
      tpu.vector_store %arg13[%swap3A_1202, %swap3A_1203], %swap3A_1206 {strides = array<i32>} : memref<8x128xi32, #tpu.memory_space<vmem>>, vector<1x16xi32>,
      %get3A_1207 = arith.constant 4 : i32
      %get3A_1208 = arith.index_cast %get3A_1207 : i32 to index
      %get3A_1209 = arith.constant 80 : index
      %get3A_1210 = tpu.vector_load %arg10[%get3A_1208, %get3A_1209] {strides = array<i32>} : memref<8x128xi32, #tpu.memory_space<vmem>>, vector<1x16xi32>,
      %get3A_1211 = vector.shape_cast %get3A_1210 : vector<1x16xi32> to vector<16xi32>
      %get3A_1212 = arith.constant 4 : i32
      %get3A_1213 = arith.index_cast %get3A_1212 : i32 to index
      %get3A_1214 = arith.constant 80 : index
      %get3A_1215 = tpu.vector_load %arg11[%get3A_1213, %get3A_1214] {strides = array<i32>} : memref<8x128xi32, #tpu.memory_space<vmem>>, vector<1x16xi32>,
      %get3A_1216 = vector.shape_cast %get3A_1215 : vector<1x16xi32> to vector<16xi32>
      %shift_right_arithmetic3A_1217 = arith.constant 1 : i32
      %shift_right_arithmetic3A_1218 = vector.broadcast %shift_right_arithmetic3A_1217 : i32 to vector<16xi32>
      %shift_right_arithmetic3A_1219 = arith.shrsi %get3A_1211, %shift_right_arithmetic3A_1218 : vector<16xi32>
      %swap3A_1220 = arith.constant 4 : i32
      %swap3A_1221 = arith.index_cast %swap3A_1220 : i32 to index
      %swap3A_1222 = arith.constant 80 : index
      %swap3A_1223 = tpu.vector_load %arg12[%swap3A_1221, %swap3A_1222] {strides = array<i32>} : memref<8x128xi32, #tpu.memory_space<vmem>>, vector<1x16xi32>,
      %swap3A_1224 = vector.shape_cast %swap3A_1223 : vector<1x16xi32> to vector<16xi32>
      %swap3A_1225 = vector.shape_cast %shift_right_arithmetic3A_1219 : vector<16xi32> to vector<1x16xi32>
      tpu.vector_store %arg12[%swap3A_1221, %swap3A_1222], %swap3A_1225 {strides = array<i32>} : memref<8x128xi32, #tpu.memory_space<vmem>>, vector<1x16xi32>,
      %and3A_1226 = arith.constant 1 : i32
      %and3A_1227 = vector.broadcast %and3A_1226 : i32 to vector<16xi32>
      %and3A_1228 = arith.andi %get3A_1211, %and3A_1227 : vector<16xi32>
      %mul3A_1229 = arith.constant 64 : i32
      %mul3A_1230 = vector.broadcast %mul3A_1229 : i32 to vector<16xi32>
      %mul3A_1231 = arith.muli %and3A_1228, %mul3A_1230 : vector<16xi32>
      %add3A_1232 = arith.addi %mul3A_1231, %get3A_1216 : vector<16xi32>
      %swap3A_1233 = arith.constant 4 : i32
      %swap3A_1234 = arith.index_cast %swap3A_1233 : i32 to index
      %swap3A_1235 = arith.constant 80 : index
      %swap3A_1236 = tpu.vector_load %arg13[%swap3A_1234, %swap3A_1235] {strides = array<i32>} : memref<8x128xi32, #tpu.memory_space<vmem>>, vector<1x16xi32>,
      %swap3A_1237 = vector.shape_cast %swap3A_1236 : vector<1x16xi32> to vector<16xi32>
      %swap3A_1238 = vector.shape_cast %add3A_1232 : vector<16xi32> to vector<1x16xi32>
      tpu.vector_store %arg13[%swap3A_1234, %swap3A_1235], %swap3A_1238 {strides = array<i32>} : memref<8x128xi32, #tpu.memory_space<vmem>>, vector<1x16xi32>,
      %get3A_1239 = arith.constant 4 : i32
      %get3A_1240 = arith.index_cast %get3A_1239 : i32 to index
      %get3A_1241 = arith.constant 96 : index
      %get3A_1242 = tpu.vector_load %arg10[%get3A_1240, %get3A_1241] {strides = array<i32>} : memref<8x128xi32, #tpu.memory_space<vmem>>, vector<1x16xi32>,
      %get3A_1243 = vector.shape_cast %get3A_1242 : vector<1x16xi32> to vector<16xi32>
      %get3A_1244 = arith.constant 4 : i32
      %get3A_1245 = arith.index_cast %get3A_1244 : i32 to index
      %get3A_1246 = arith.constant 96 : index
      %get3A_1247 = tpu.vector_load %arg11[%get3A_1245, %get3A_1246] {strides = array<i32>} : memref<8x128xi32, #tpu.memory_space<vmem>>, vector<1x16xi32>,
      %get3A_1248 = vector.shape_cast %get3A_1247 : vector<1x16xi32> to vector<16xi32>
      %shift_right_arithmetic3A_1249 = arith.constant 1 : i32
      %shift_right_arithmetic3A_1250 = vector.broadcast %shift_right_arithmetic3A_1249 : i32 to vector<16xi32>
      %shift_right_arithmetic3A_1251 = arith.shrsi %get3A_1243, %shift_right_arithmetic3A_1250 : vector<16xi32>
      %swap3A_1252 = arith.constant 4 : i32
      %swap3A_1253 = arith.index_cast %swap3A_1252 : i32 to index
      %swap3A_1254 = arith.constant 96 : index
      %swap3A_1255 = tpu.vector_load %arg12[%swap3A_1253, %swap3A_1254] {strides = array<i32>} : memref<8x128xi32, #tpu.memory_space<vmem>>, vector<1x16xi32>,
      %swap3A_1256 = vector.shape_cast %swap3A_1255 : vector<1x16xi32> to vector<16xi32>
      %swap3A_1257 = vector.shape_cast %shift_right_arithmetic3A_1251 : vector<16xi32> to vector<1x16xi32>
      tpu.vector_store %arg12[%swap3A_1253, %swap3A_1254], %swap3A_1257 {strides = array<i32>} : memref<8x128xi32, #tpu.memory_space<vmem>>, vector<1x16xi32>,
      %and3A_1258 = arith.constant 1 : i32
      %and3A_1259 = vector.broadcast %and3A_1258 : i32 to vector<16xi32>
      %and3A_1260 = arith.andi %get3A_1243, %and3A_1259 : vector<16xi32>
      %mul3A_1261 = arith.constant 64 : i32
      %mul3A_1262 = vector.broadcast %mul3A_1261 : i32 to vector<16xi32>
      %mul3A_1263 = arith.muli %and3A_1260, %mul3A_1262 : vector<16xi32>
      %add3A_1264 = arith.addi %mul3A_1263, %get3A_1248 : vector<16xi32>
      %swap3A_1265 = arith.constant 4 : i32
      %swap3A_1266 = arith.index_cast %swap3A_1265 : i32 to index
      %swap3A_1267 = arith.constant 96 : index
      %swap3A_1268 = tpu.vector_load %arg13[%swap3A_1266, %swap3A_1267] {strides = array<i32>} : memref<8x128xi32, #tpu.memory_space<vmem>>, vector<1x16xi32>,
      %swap3A_1269 = vector.shape_cast %swap3A_1268 : vector<1x16xi32> to vector<16xi32>
      %swap3A_1270 = vector.shape_cast %add3A_1264 : vector<16xi32> to vector<1x16xi32>
      tpu.vector_store %arg13[%swap3A_1266, %swap3A_1267], %swap3A_1270 {strides = array<i32>} : memref<8x128xi32, #tpu.memory_space<vmem>>, vector<1x16xi32>,
      %get3A_1271 = arith.constant 4 : i32
      %get3A_1272 = arith.index_cast %get3A_1271 : i32 to index
      %get3A_1273 = arith.constant 112 : index
      %get3A_1274 = tpu.vector_load %arg10[%get3A_1272, %get3A_1273] {strides = array<i32>} : memref<8x128xi32, #tpu.memory_space<vmem>>, vector<1x16xi32>,
      %get3A_1275 = vector.shape_cast %get3A_1274 : vector<1x16xi32> to vector<16xi32>
      %get3A_1276 = arith.constant 4 : i32
      %get3A_1277 = arith.index_cast %get3A_1276 : i32 to index
      %get3A_1278 = arith.constant 112 : index
      %get3A_1279 = tpu.vector_load %arg11[%get3A_1277, %get3A_1278] {strides = array<i32>} : memref<8x128xi32, #tpu.memory_space<vmem>>, vector<1x16xi32>,
      %get3A_1280 = vector.shape_cast %get3A_1279 : vector<1x16xi32> to vector<16xi32>
      %shift_right_arithmetic3A_1281 = arith.constant 1 : i32
      %shift_right_arithmetic3A_1282 = vector.broadcast %shift_right_arithmetic3A_1281 : i32 to vector<16xi32>
      %shift_right_arithmetic3A_1283 = arith.shrsi %get3A_1275, %shift_right_arithmetic3A_1282 : vector<16xi32>
      %swap3A_1284 = arith.constant 4 : i32
      %swap3A_1285 = arith.index_cast %swap3A_1284 : i32 to index
      %swap3A_1286 = arith.constant 112 : index
      %swap3A_1287 = tpu.vector_load %arg12[%swap3A_1285, %swap3A_1286] {strides = array<i32>} : memref<8x128xi32, #tpu.memory_space<vmem>>, vector<1x16xi32>,
      %swap3A_1288 = vector.shape_cast %swap3A_1287 : vector<1x16xi32> to vector<16xi32>
      %swap3A_1289 = vector.shape_cast %shift_right_arithmetic3A_1283 : vector<16xi32> to vector<1x16xi32>
      tpu.vector_store %arg12[%swap3A_1285, %swap3A_1286], %swap3A_1289 {strides = array<i32>} : memref<8x128xi32, #tpu.memory_space<vmem>>, vector<1x16xi32>,
      %and3A_1290 = arith.constant 1 : i32
      %and3A_1291 = vector.broadcast %and3A_1290 : i32 to vector<16xi32>
      %and3A_1292 = arith.andi %get3A_1275, %and3A_1291 : vector<16xi32>
      %mul3A_1293 = arith.constant 64 : i32
      %mul3A_1294 = vector.broadcast %mul3A_1293 : i32 to vector<16xi32>
      %mul3A_1295 = arith.muli %and3A_1292, %mul3A_1294 : vector<16xi32>
      %add3A_1296 = arith.addi %mul3A_1295, %get3A_1280 : vector<16xi32>
      %swap3A_1297 = arith.constant 4 : i32
      %swap3A_1298 = arith.index_cast %swap3A_1297 : i32 to index
      %swap3A_1299 = arith.constant 112 : index
      %swap3A_1300 = tpu.vector_load %arg13[%swap3A_1298, %swap3A_1299] {strides = array<i32>} : memref<8x128xi32, #tpu.memory_space<vmem>>, vector<1x16xi32>,
      %swap3A_1301 = vector.shape_cast %swap3A_1300 : vector<1x16xi32> to vector<16xi32>
      %swap3A_1302 = vector.shape_cast %add3A_1296 : vector<16xi32> to vector<1x16xi32>
      tpu.vector_store %arg13[%swap3A_1298, %swap3A_1299], %swap3A_1302 {strides = array<i32>} : memref<8x128xi32, #tpu.memory_space<vmem>>, vector<1x16xi32>,
      %get3A_1303 = arith.constant 5 : i32
      %get3A_1304 = arith.index_cast %get3A_1303 : i32 to index
      %get3A_1305 = arith.constant 0 : index
      %get3A_1306 = tpu.vector_load %arg10[%get3A_1304, %get3A_1305] {strides = array<i32>} : memref<8x128xi32, #tpu.memory_space<vmem>>, vector<1x16xi32>,
      %get3A_1307 = vector.shape_cast %get3A_1306 : vector<1x16xi32> to vector<16xi32>
      %get3A_1308 = arith.constant 5 : i32
      %get3A_1309 = arith.index_cast %get3A_1308 : i32 to index
      %get3A_1310 = arith.constant 0 : index
      %get3A_1311 = tpu.vector_load %arg11[%get3A_1309, %get3A_1310] {strides = array<i32>} : memref<8x128xi32, #tpu.memory_space<vmem>>, vector<1x16xi32>,
      %get3A_1312 = vector.shape_cast %get3A_1311 : vector<1x16xi32> to vector<16xi32>
      %shift_right_arithmetic3A_1313 = arith.constant 1 : i32
      %shift_right_arithmetic3A_1314 = vector.broadcast %shift_right_arithmetic3A_1313 : i32 to vector<16xi32>
      %shift_right_arithmetic3A_1315 = arith.shrsi %get3A_1307, %shift_right_arithmetic3A_1314 : vector<16xi32>
      %swap3A_1316 = arith.constant 5 : i32
      %swap3A_1317 = arith.index_cast %swap3A_1316 : i32 to index
      %swap3A_1318 = arith.constant 0 : index
      %swap3A_1319 = tpu.vector_load %arg12[%swap3A_1317, %swap3A_1318] {strides = array<i32>} : memref<8x128xi32, #tpu.memory_space<vmem>>, vector<1x16xi32>,
      %swap3A_1320 = vector.shape_cast %swap3A_1319 : vector<1x16xi32> to vector<16xi32>
      %swap3A_1321 = vector.shape_cast %shift_right_arithmetic3A_1315 : vector<16xi32> to vector<1x16xi32>
      tpu.vector_store %arg12[%swap3A_1317, %swap3A_1318], %swap3A_1321 {strides = array<i32>} : memref<8x128xi32, #tpu.memory_space<vmem>>, vector<1x16xi32>,
      %and3A_1322 = arith.constant 1 : i32
      %and3A_1323 = vector.broadcast %and3A_1322 : i32 to vector<16xi32>
      %and3A_1324 = arith.andi %get3A_1307, %and3A_1323 : vector<16xi32>
      %mul3A_1325 = arith.constant 64 : i32
      %mul3A_1326 = vector.broadcast %mul3A_1325 : i32 to vector<16xi32>
      %mul3A_1327 = arith.muli %and3A_1324, %mul3A_1326 : vector<16xi32>
      %add3A_1328 = arith.addi %mul3A_1327, %get3A_1312 : vector<16xi32>
      %swap3A_1329 = arith.constant 5 : i32
      %swap3A_1330 = arith.index_cast %swap3A_1329 : i32 to index
      %swap3A_1331 = arith.constant 0 : index
      %swap3A_1332 = tpu.vector_load %arg13[%swap3A_1330, %swap3A_1331] {strides = array<i32>} : memref<8x128xi32, #tpu.memory_space<vmem>>, vector<1x16xi32>,
      %swap3A_1333 = vector.shape_cast %swap3A_1332 : vector<1x16xi32> to vector<16xi32>
      %swap3A_1334 = vector.shape_cast %add3A_1328 : vector<16xi32> to vector<1x16xi32>
      tpu.vector_store %arg13[%swap3A_1330, %swap3A_1331], %swap3A_1334 {strides = array<i32>} : memref<8x128xi32, #tpu.memory_space<vmem>>, vector<1x16xi32>,
      %get3A_1335 = arith.constant 5 : i32
      %get3A_1336 = arith.index_cast %get3A_1335 : i32 to index
      %get3A_1337 = arith.constant 16 : index
      %get3A_1338 = tpu.vector_load %arg10[%get3A_1336, %get3A_1337] {strides = array<i32>} : memref<8x128xi32, #tpu.memory_space<vmem>>, vector<1x16xi32>,
      %get3A_1339 = vector.shape_cast %get3A_1338 : vector<1x16xi32> to vector<16xi32>
      %get3A_1340 = arith.constant 5 : i32
      %get3A_1341 = arith.index_cast %get3A_1340 : i32 to index
      %get3A_1342 = arith.constant 16 : index
      %get3A_1343 = tpu.vector_load %arg11[%get3A_1341, %get3A_1342] {strides = array<i32>} : memref<8x128xi32, #tpu.memory_space<vmem>>, vector<1x16xi32>,
      %get3A_1344 = vector.shape_cast %get3A_1343 : vector<1x16xi32> to vector<16xi32>
      %shift_right_arithmetic3A_1345 = arith.constant 1 : i32
      %shift_right_arithmetic3A_1346 = vector.broadcast %shift_right_arithmetic3A_1345 : i32 to vector<16xi32>
      %shift_right_arithmetic3A_1347 = arith.shrsi %get3A_1339, %shift_right_arithmetic3A_1346 : vector<16xi32>
      %swap3A_1348 = arith.constant 5 : i32
      %swap3A_1349 = arith.index_cast %swap3A_1348 : i32 to index
      %swap3A_1350 = arith.constant 16 : index
      %swap3A_1351 = tpu.vector_load %arg12[%swap3A_1349, %swap3A_1350] {strides = array<i32>} : memref<8x128xi32, #tpu.memory_space<vmem>>, vector<1x16xi32>,
      %swap3A_1352 = vector.shape_cast %swap3A_1351 : vector<1x16xi32> to vector<16xi32>
      %swap3A_1353 = vector.shape_cast %shift_right_arithmetic3A_1347 : vector<16xi32> to vector<1x16xi32>
      tpu.vector_store %arg12[%swap3A_1349, %swap3A_1350], %swap3A_1353 {strides = array<i32>} : memref<8x128xi32, #tpu.memory_space<vmem>>, vector<1x16xi32>,
      %and3A_1354 = arith.constant 1 : i32
      %and3A_1355 = vector.broadcast %and3A_1354 : i32 to vector<16xi32>
      %and3A_1356 = arith.andi %get3A_1339, %and3A_1355 : vector<16xi32>
      %mul3A_1357 = arith.constant 64 : i32
      %mul3A_1358 = vector.broadcast %mul3A_1357 : i32 to vector<16xi32>
      %mul3A_1359 = arith.muli %and3A_1356, %mul3A_1358 : vector<16xi32>
      %add3A_1360 = arith.addi %mul3A_1359, %get3A_1344 : vector<16xi32>
      %swap3A_1361 = arith.constant 5 : i32
      %swap3A_1362 = arith.index_cast %swap3A_1361 : i32 to index
      %swap3A_1363 = arith.constant 16 : index
      %swap3A_1364 = tpu.vector_load %arg13[%swap3A_1362, %swap3A_1363] {strides = array<i32>} : memref<8x128xi32, #tpu.memory_space<vmem>>, vector<1x16xi32>,
      %swap3A_1365 = vector.shape_cast %swap3A_1364 : vector<1x16xi32> to vector<16xi32>
      %swap3A_1366 = vector.shape_cast %add3A_1360 : vector<16xi32> to vector<1x16xi32>
      tpu.vector_store %arg13[%swap3A_1362, %swap3A_1363], %swap3A_1366 {strides = array<i32>} : memref<8x128xi32, #tpu.memory_space<vmem>>, vector<1x16xi32>,
      %get3A_1367 = arith.constant 5 : i32
      %get3A_1368 = arith.index_cast %get3A_1367 : i32 to index
      %get3A_1369 = arith.constant 32 : index
      %get3A_1370 = tpu.vector_load %arg10[%get3A_1368, %get3A_1369] {strides = array<i32>} : memref<8x128xi32, #tpu.memory_space<vmem>>, vector<1x16xi32>,
      %get3A_1371 = vector.shape_cast %get3A_1370 : vector<1x16xi32> to vector<16xi32>
      %get3A_1372 = arith.constant 5 : i32
      %get3A_1373 = arith.index_cast %get3A_1372 : i32 to index
      %get3A_1374 = arith.constant 32 : index
      %get3A_1375 = tpu.vector_load %arg11[%get3A_1373, %get3A_1374] {strides = array<i32>} : memref<8x128xi32, #tpu.memory_space<vmem>>, vector<1x16xi32>,
      %get3A_1376 = vector.shape_cast %get3A_1375 : vector<1x16xi32> to vector<16xi32>
      %shift_right_arithmetic3A_1377 = arith.constant 1 : i32
      %shift_right_arithmetic3A_1378 = vector.broadcast %shift_right_arithmetic3A_1377 : i32 to vector<16xi32>
      %shift_right_arithmetic3A_1379 = arith.shrsi %get3A_1371, %shift_right_arithmetic3A_1378 : vector<16xi32>
      %swap3A_1380 = arith.constant 5 : i32
      %swap3A_1381 = arith.index_cast %swap3A_1380 : i32 to index
      %swap3A_1382 = arith.constant 32 : index
      %swap3A_1383 = tpu.vector_load %arg12[%swap3A_1381, %swap3A_1382] {strides = array<i32>} : memref<8x128xi32, #tpu.memory_space<vmem>>, vector<1x16xi32>,
      %swap3A_1384 = vector.shape_cast %swap3A_1383 : vector<1x16xi32> to vector<16xi32>
      %swap3A_1385 = vector.shape_cast %shift_right_arithmetic3A_1379 : vector<16xi32> to vector<1x16xi32>
      tpu.vector_store %arg12[%swap3A_1381, %swap3A_1382], %swap3A_1385 {strides = array<i32>} : memref<8x128xi32, #tpu.memory_space<vmem>>, vector<1x16xi32>,
      %and3A_1386 = arith.constant 1 : i32
      %and3A_1387 = vector.broadcast %and3A_1386 : i32 to vector<16xi32>
      %and3A_1388 = arith.andi %get3A_1371, %and3A_1387 : vector<16xi32>
      %mul3A_1389 = arith.constant 64 : i32
      %mul3A_1390 = vector.broadcast %mul3A_1389 : i32 to vector<16xi32>
      %mul3A_1391 = arith.muli %and3A_1388, %mul3A_1390 : vector<16xi32>
      %add3A_1392 = arith.addi %mul3A_1391, %get3A_1376 : vector<16xi32>
      %swap3A_1393 = arith.constant 5 : i32
      %swap3A_1394 = arith.index_cast %swap3A_1393 : i32 to index
      %swap3A_1395 = arith.constant 32 : index
      %swap3A_1396 = tpu.vector_load %arg13[%swap3A_1394, %swap3A_1395] {strides = array<i32>} : memref<8x128xi32, #tpu.memory_space<vmem>>, vector<1x16xi32>,
      %swap3A_1397 = vector.shape_cast %swap3A_1396 : vector<1x16xi32> to vector<16xi32>
      %swap3A_1398 = vector.shape_cast %add3A_1392 : vector<16xi32> to vector<1x16xi32>
      tpu.vector_store %arg13[%swap3A_1394, %swap3A_1395], %swap3A_1398 {strides = array<i32>} : memref<8x128xi32, #tpu.memory_space<vmem>>, vector<1x16xi32>,
      %get3A_1399 = arith.constant 5 : i32
      %get3A_1400 = arith.index_cast %get3A_1399 : i32 to index
      %get3A_1401 = arith.constant 48 : index
      %get3A_1402 = tpu.vector_load %arg10[%get3A_1400, %get3A_1401] {strides = array<i32>} : memref<8x128xi32, #tpu.memory_space<vmem>>, vector<1x16xi32>,
      %get3A_1403 = vector.shape_cast %get3A_1402 : vector<1x16xi32> to vector<16xi32>
      %get3A_1404 = arith.constant 5 : i32
      %get3A_1405 = arith.index_cast %get3A_1404 : i32 to index
      %get3A_1406 = arith.constant 48 : index
      %get3A_1407 = tpu.vector_load %arg11[%get3A_1405, %get3A_1406] {strides = array<i32>} : memref<8x128xi32, #tpu.memory_space<vmem>>, vector<1x16xi32>,
      %get3A_1408 = vector.shape_cast %get3A_1407 : vector<1x16xi32> to vector<16xi32>
      %shift_right_arithmetic3A_1409 = arith.constant 1 : i32
      %shift_right_arithmetic3A_1410 = vector.broadcast %shift_right_arithmetic3A_1409 : i32 to vector<16xi32>
      %shift_right_arithmetic3A_1411 = arith.shrsi %get3A_1403, %shift_right_arithmetic3A_1410 : vector<16xi32>
      %swap3A_1412 = arith.constant 5 : i32
      %swap3A_1413 = arith.index_cast %swap3A_1412 : i32 to index
      %swap3A_1414 = arith.constant 48 : index
      %swap3A_1415 = tpu.vector_load %arg12[%swap3A_1413, %swap3A_1414] {strides = array<i32>} : memref<8x128xi32, #tpu.memory_space<vmem>>, vector<1x16xi32>,
      %swap3A_1416 = vector.shape_cast %swap3A_1415 : vector<1x16xi32> to vector<16xi32>
      %swap3A_1417 = vector.shape_cast %shift_right_arithmetic3A_1411 : vector<16xi32> to vector<1x16xi32>
      tpu.vector_store %arg12[%swap3A_1413, %swap3A_1414], %swap3A_1417 {strides = array<i32>} : memref<8x128xi32, #tpu.memory_space<vmem>>, vector<1x16xi32>,
      %and3A_1418 = arith.constant 1 : i32
      %and3A_1419 = vector.broadcast %and3A_1418 : i32 to vector<16xi32>
      %and3A_1420 = arith.andi %get3A_1403, %and3A_1419 : vector<16xi32>
      %mul3A_1421 = arith.constant 64 : i32
      %mul3A_1422 = vector.broadcast %mul3A_1421 : i32 to vector<16xi32>
      %mul3A_1423 = arith.muli %and3A_1420, %mul3A_1422 : vector<16xi32>
      %add3A_1424 = arith.addi %mul3A_1423, %get3A_1408 : vector<16xi32>
      %swap3A_1425 = arith.constant 5 : i32
      %swap3A_1426 = arith.index_cast %swap3A_1425 : i32 to index
      %swap3A_1427 = arith.constant 48 : index
      %swap3A_1428 = tpu.vector_load %arg13[%swap3A_1426, %swap3A_1427] {strides = array<i32>} : memref<8x128xi32, #tpu.memory_space<vmem>>, vector<1x16xi32>,
      %swap3A_1429 = vector.shape_cast %swap3A_1428 : vector<1x16xi32> to vector<16xi32>
      %swap3A_1430 = vector.shape_cast %add3A_1424 : vector<16xi32> to vector<1x16xi32>
      tpu.vector_store %arg13[%swap3A_1426, %swap3A_1427], %swap3A_1430 {strides = array<i32>} : memref<8x128xi32, #tpu.memory_space<vmem>>, vector<1x16xi32>,
      %get3A_1431 = arith.constant 5 : i32
      %get3A_1432 = arith.index_cast %get3A_1431 : i32 to index
      %get3A_1433 = arith.constant 64 : index
      %get3A_1434 = tpu.vector_load %arg10[%get3A_1432, %get3A_1433] {strides = array<i32>} : memref<8x128xi32, #tpu.memory_space<vmem>>, vector<1x16xi32>,
      %get3A_1435 = vector.shape_cast %get3A_1434 : vector<1x16xi32> to vector<16xi32>
      %get3A_1436 = arith.constant 5 : i32
      %get3A_1437 = arith.index_cast %get3A_1436 : i32 to index
      %get3A_1438 = arith.constant 64 : index
      %get3A_1439 = tpu.vector_load %arg11[%get3A_1437, %get3A_1438] {strides = array<i32>} : memref<8x128xi32, #tpu.memory_space<vmem>>, vector<1x16xi32>,
      %get3A_1440 = vector.shape_cast %get3A_1439 : vector<1x16xi32> to vector<16xi32>
      %shift_right_arithmetic3A_1441 = arith.constant 1 : i32
      %shift_right_arithmetic3A_1442 = vector.broadcast %shift_right_arithmetic3A_1441 : i32 to vector<16xi32>
      %shift_right_arithmetic3A_1443 = arith.shrsi %get3A_1435, %shift_right_arithmetic3A_1442 : vector<16xi32>
      %swap3A_1444 = arith.constant 5 : i32
      %swap3A_1445 = arith.index_cast %swap3A_1444 : i32 to index
      %swap3A_1446 = arith.constant 64 : index
      %swap3A_1447 = tpu.vector_load %arg12[%swap3A_1445, %swap3A_1446] {strides = array<i32>} : memref<8x128xi32, #tpu.memory_space<vmem>>, vector<1x16xi32>,
      %swap3A_1448 = vector.shape_cast %swap3A_1447 : vector<1x16xi32> to vector<16xi32>
      %swap3A_1449 = vector.shape_cast %shift_right_arithmetic3A_1443 : vector<16xi32> to vector<1x16xi32>
      tpu.vector_store %arg12[%swap3A_1445, %swap3A_1446], %swap3A_1449 {strides = array<i32>} : memref<8x128xi32, #tpu.memory_space<vmem>>, vector<1x16xi32>,
      %and3A_1450 = arith.constant 1 : i32
      %and3A_1451 = vector.broadcast %and3A_1450 : i32 to vector<16xi32>
      %and3A_1452 = arith.andi %get3A_1435, %and3A_1451 : vector<16xi32>
      %mul3A_1453 = arith.constant 64 : i32
      %mul3A_1454 = vector.broadcast %mul3A_1453 : i32 to vector<16xi32>
      %mul3A_1455 = arith.muli %and3A_1452, %mul3A_1454 : vector<16xi32>
      %add3A_1456 = arith.addi %mul3A_1455, %get3A_1440 : vector<16xi32>
      %swap3A_1457 = arith.constant 5 : i32
      %swap3A_1458 = arith.index_cast %swap3A_1457 : i32 to index
      %swap3A_1459 = arith.constant 64 : index
      %swap3A_1460 = tpu.vector_load %arg13[%swap3A_1458, %swap3A_1459] {strides = array<i32>} : memref<8x128xi32, #tpu.memory_space<vmem>>, vector<1x16xi32>,
      %swap3A_1461 = vector.shape_cast %swap3A_1460 : vector<1x16xi32> to vector<16xi32>
      %swap3A_1462 = vector.shape_cast %add3A_1456 : vector<16xi32> to vector<1x16xi32>
      tpu.vector_store %arg13[%swap3A_1458, %swap3A_1459], %swap3A_1462 {strides = array<i32>} : memref<8x128xi32, #tpu.memory_space<vmem>>, vector<1x16xi32>,
      %get3A_1463 = arith.constant 5 : i32
      %get3A_1464 = arith.index_cast %get3A_1463 : i32 to index
      %get3A_1465 = arith.constant 80 : index
      %get3A_1466 = tpu.vector_load %arg10[%get3A_1464, %get3A_1465] {strides = array<i32>} : memref<8x128xi32, #tpu.memory_space<vmem>>, vector<1x16xi32>,
      %get3A_1467 = vector.shape_cast %get3A_1466 : vector<1x16xi32> to vector<16xi32>
      %get3A_1468 = arith.constant 5 : i32
      %get3A_1469 = arith.index_cast %get3A_1468 : i32 to index
      %get3A_1470 = arith.constant 80 : index
      %get3A_1471 = tpu.vector_load %arg11[%get3A_1469, %get3A_1470] {strides = array<i32>} : memref<8x128xi32, #tpu.memory_space<vmem>>, vector<1x16xi32>,
      %get3A_1472 = vector.shape_cast %get3A_1471 : vector<1x16xi32> to vector<16xi32>
      %shift_right_arithmetic3A_1473 = arith.constant 1 : i32
      %shift_right_arithmetic3A_1474 = vector.broadcast %shift_right_arithmetic3A_1473 : i32 to vector<16xi32>
      %shift_right_arithmetic3A_1475 = arith.shrsi %get3A_1467, %shift_right_arithmetic3A_1474 : vector<16xi32>
      %swap3A_1476 = arith.constant 5 : i32
      %swap3A_1477 = arith.index_cast %swap3A_1476 : i32 to index
      %swap3A_1478 = arith.constant 80 : index
      %swap3A_1479 = tpu.vector_load %arg12[%swap3A_1477, %swap3A_1478] {strides = array<i32>} : memref<8x128xi32, #tpu.memory_space<vmem>>, vector<1x16xi32>,
      %swap3A_1480 = vector.shape_cast %swap3A_1479 : vector<1x16xi32> to vector<16xi32>
      %swap3A_1481 = vector.shape_cast %shift_right_arithmetic3A_1475 : vector<16xi32> to vector<1x16xi32>
      tpu.vector_store %arg12[%swap3A_1477, %swap3A_1478], %swap3A_1481 {strides = array<i32>} : memref<8x128xi32, #tpu.memory_space<vmem>>, vector<1x16xi32>,
      %and3A_1482 = arith.constant 1 : i32
      %and3A_1483 = vector.broadcast %and3A_1482 : i32 to vector<16xi32>
      %and3A_1484 = arith.andi %get3A_1467, %and3A_1483 : vector<16xi32>
      %mul3A_1485 = arith.constant 64 : i32
      %mul3A_1486 = vector.broadcast %mul3A_1485 : i32 to vector<16xi32>
      %mul3A_1487 = arith.muli %and3A_1484, %mul3A_1486 : vector<16xi32>
      %add3A_1488 = arith.addi %mul3A_1487, %get3A_1472 : vector<16xi32>
      %swap3A_1489 = arith.constant 5 : i32
      %swap3A_1490 = arith.index_cast %swap3A_1489 : i32 to index
      %swap3A_1491 = arith.constant 80 : index
      %swap3A_1492 = tpu.vector_load %arg13[%swap3A_1490, %swap3A_1491] {strides = array<i32>} : memref<8x128xi32, #tpu.memory_space<vmem>>, vector<1x16xi32>,
      %swap3A_1493 = vector.shape_cast %swap3A_1492 : vector<1x16xi32> to vector<16xi32>
      %swap3A_1494 = vector.shape_cast %add3A_1488 : vector<16xi32> to vector<1x16xi32>
      tpu.vector_store %arg13[%swap3A_1490, %swap3A_1491], %swap3A_1494 {strides = array<i32>} : memref<8x128xi32, #tpu.memory_space<vmem>>, vector<1x16xi32>,
      %get3A_1495 = arith.constant 5 : i32
      %get3A_1496 = arith.index_cast %get3A_1495 : i32 to index
      %get3A_1497 = arith.constant 96 : index
      %get3A_1498 = tpu.vector_load %arg10[%get3A_1496, %get3A_1497] {strides = array<i32>} : memref<8x128xi32, #tpu.memory_space<vmem>>, vector<1x16xi32>,
      %get3A_1499 = vector.shape_cast %get3A_1498 : vector<1x16xi32> to vector<16xi32>
      %get3A_1500 = arith.constant 5 : i32
      %get3A_1501 = arith.index_cast %get3A_1500 : i32 to index
      %get3A_1502 = arith.constant 96 : index
      %get3A_1503 = tpu.vector_load %arg11[%get3A_1501, %get3A_1502] {strides = array<i32>} : memref<8x128xi32, #tpu.memory_space<vmem>>, vector<1x16xi32>,
      %get3A_1504 = vector.shape_cast %get3A_1503 : vector<1x16xi32> to vector<16xi32>
      %shift_right_arithmetic3A_1505 = arith.constant 1 : i32
      %shift_right_arithmetic3A_1506 = vector.broadcast %shift_right_arithmetic3A_1505 : i32 to vector<16xi32>
      %shift_right_arithmetic3A_1507 = arith.shrsi %get3A_1499, %shift_right_arithmetic3A_1506 : vector<16xi32>
      %swap3A_1508 = arith.constant 5 : i32
      %swap3A_1509 = arith.index_cast %swap3A_1508 : i32 to index
      %swap3A_1510 = arith.constant 96 : index
      %swap3A_1511 = tpu.vector_load %arg12[%swap3A_1509, %swap3A_1510] {strides = array<i32>} : memref<8x128xi32, #tpu.memory_space<vmem>>, vector<1x16xi32>,
      %swap3A_1512 = vector.shape_cast %swap3A_1511 : vector<1x16xi32> to vector<16xi32>
      %swap3A_1513 = vector.shape_cast %shift_right_arithmetic3A_1507 : vector<16xi32> to vector<1x16xi32>
      tpu.vector_store %arg12[%swap3A_1509, %swap3A_1510], %swap3A_1513 {strides = array<i32>} : memref<8x128xi32, #tpu.memory_space<vmem>>, vector<1x16xi32>,
      %and3A_1514 = arith.constant 1 : i32
      %and3A_1515 = vector.broadcast %and3A_1514 : i32 to vector<16xi32>
      %and3A_1516 = arith.andi %get3A_1499, %and3A_1515 : vector<16xi32>
      %mul3A_1517 = arith.constant 64 : i32
      %mul3A_1518 = vector.broadcast %mul3A_1517 : i32 to vector<16xi32>
      %mul3A_1519 = arith.muli %and3A_1516, %mul3A_1518 : vector<16xi32>
      %add3A_1520 = arith.addi %mul3A_1519, %get3A_1504 : vector<16xi32>
      %swap3A_1521 = arith.constant 5 : i32
      %swap3A_1522 = arith.index_cast %swap3A_1521 : i32 to index
      %swap3A_1523 = arith.constant 96 : index
      %swap3A_1524 = tpu.vector_load %arg13[%swap3A_1522, %swap3A_1523] {strides = array<i32>} : memref<8x128xi32, #tpu.memory_space<vmem>>, vector<1x16xi32>,
      %swap3A_1525 = vector.shape_cast %swap3A_1524 : vector<1x16xi32> to vector<16xi32>
      %swap3A_1526 = vector.shape_cast %add3A_1520 : vector<16xi32> to vector<1x16xi32>
      tpu.vector_store %arg13[%swap3A_1522, %swap3A_1523], %swap3A_1526 {strides = array<i32>} : memref<8x128xi32, #tpu.memory_space<vmem>>, vector<1x16xi32>,
      %get3A_1527 = arith.constant 5 : i32
      %get3A_1528 = arith.index_cast %get3A_1527 : i32 to index
      %get3A_1529 = arith.constant 112 : index
      %get3A_1530 = tpu.vector_load %arg10[%get3A_1528, %get3A_1529] {strides = array<i32>} : memref<8x128xi32, #tpu.memory_space<vmem>>, vector<1x16xi32>,
      %get3A_1531 = vector.shape_cast %get3A_1530 : vector<1x16xi32> to vector<16xi32>
      %get3A_1532 = arith.constant 5 : i32
      %get3A_1533 = arith.index_cast %get3A_1532 : i32 to index
      %get3A_1534 = arith.constant 112 : index
      %get3A_1535 = tpu.vector_load %arg11[%get3A_1533, %get3A_1534] {strides = array<i32>} : memref<8x128xi32, #tpu.memory_space<vmem>>, vector<1x16xi32>,
      %get3A_1536 = vector.shape_cast %get3A_1535 : vector<1x16xi32> to vector<16xi32>
      %shift_right_arithmetic3A_1537 = arith.constant 1 : i32
      %shift_right_arithmetic3A_1538 = vector.broadcast %shift_right_arithmetic3A_1537 : i32 to vector<16xi32>
      %shift_right_arithmetic3A_1539 = arith.shrsi %get3A_1531, %shift_right_arithmetic3A_1538 : vector<16xi32>
      %swap3A_1540 = arith.constant 5 : i32
      %swap3A_1541 = arith.index_cast %swap3A_1540 : i32 to index
      %swap3A_1542 = arith.constant 112 : index
      %swap3A_1543 = tpu.vector_load %arg12[%swap3A_1541, %swap3A_1542] {strides = array<i32>} : memref<8x128xi32, #tpu.memory_space<vmem>>, vector<1x16xi32>,
      %swap3A_1544 = vector.shape_cast %swap3A_1543 : vector<1x16xi32> to vector<16xi32>
      %swap3A_1545 = vector.shape_cast %shift_right_arithmetic3A_1539 : vector<16xi32> to vector<1x16xi32>
      tpu.vector_store %arg12[%swap3A_1541, %swap3A_1542], %swap3A_1545 {strides = array<i32>} : memref<8x128xi32, #tpu.memory_space<vmem>>, vector<1x16xi32>,
      %and3A_1546 = arith.constant 1 : i32
      %and3A_1547 = vector.broadcast %and3A_1546 : i32 to vector<16xi32>
      %and3A_1548 = arith.andi %get3A_1531, %and3A_1547 : vector<16xi32>
      %mul3A_1549 = arith.constant 64 : i32
      %mul3A_1550 = vector.broadcast %mul3A_1549 : i32 to vector<16xi32>
      %mul3A_1551 = arith.muli %and3A_1548, %mul3A_1550 : vector<16xi32>
      %add3A_1552 = arith.addi %mul3A_1551, %get3A_1536 : vector<16xi32>
      %swap3A_1553 = arith.constant 5 : i32
      %swap3A_1554 = arith.index_cast %swap3A_1553 : i32 to index
      %swap3A_1555 = arith.constant 112 : index
      %swap3A_1556 = tpu.vector_load %arg13[%swap3A_1554, %swap3A_1555] {strides = array<i32>} : memref<8x128xi32, #tpu.memory_space<vmem>>, vector<1x16xi32>,
      %swap3A_1557 = vector.shape_cast %swap3A_1556 : vector<1x16xi32> to vector<16xi32>
      %swap3A_1558 = vector.shape_cast %add3A_1552 : vector<16xi32> to vector<1x16xi32>
      tpu.vector_store %arg13[%swap3A_1554, %swap3A_1555], %swap3A_1558 {strides = array<i32>} : memref<8x128xi32, #tpu.memory_space<vmem>>, vector<1x16xi32>,
      %get3A_1559 = arith.constant 6 : i32
      %get3A_1560 = arith.index_cast %get3A_1559 : i32 to index
      %get3A_1561 = arith.constant 0 : index
      %get3A_1562 = tpu.vector_load %arg10[%get3A_1560, %get3A_1561] {strides = array<i32>} : memref<8x128xi32, #tpu.memory_space<vmem>>, vector<1x16xi32>,
      %get3A_1563 = vector.shape_cast %get3A_1562 : vector<1x16xi32> to vector<16xi32>
      %get3A_1564 = arith.constant 6 : i32
      %get3A_1565 = arith.index_cast %get3A_1564 : i32 to index
      %get3A_1566 = arith.constant 0 : index
      %get3A_1567 = tpu.vector_load %arg11[%get3A_1565, %get3A_1566] {strides = array<i32>} : memref<8x128xi32, #tpu.memory_space<vmem>>, vector<1x16xi32>,
      %get3A_1568 = vector.shape_cast %get3A_1567 : vector<1x16xi32> to vector<16xi32>
      %shift_right_arithmetic3A_1569 = arith.constant 1 : i32
      %shift_right_arithmetic3A_1570 = vector.broadcast %shift_right_arithmetic3A_1569 : i32 to vector<16xi32>
      %shift_right_arithmetic3A_1571 = arith.shrsi %get3A_1563, %shift_right_arithmetic3A_1570 : vector<16xi32>
      %swap3A_1572 = arith.constant 6 : i32
      %swap3A_1573 = arith.index_cast %swap3A_1572 : i32 to index
      %swap3A_1574 = arith.constant 0 : index
      %swap3A_1575 = tpu.vector_load %arg12[%swap3A_1573, %swap3A_1574] {strides = array<i32>} : memref<8x128xi32, #tpu.memory_space<vmem>>, vector<1x16xi32>,
      %swap3A_1576 = vector.shape_cast %swap3A_1575 : vector<1x16xi32> to vector<16xi32>
      %swap3A_1577 = vector.shape_cast %shift_right_arithmetic3A_1571 : vector<16xi32> to vector<1x16xi32>
      tpu.vector_store %arg12[%swap3A_1573, %swap3A_1574], %swap3A_1577 {strides = array<i32>} : memref<8x128xi32, #tpu.memory_space<vmem>>, vector<1x16xi32>,
      %and3A_1578 = arith.constant 1 : i32
      %and3A_1579 = vector.broadcast %and3A_1578 : i32 to vector<16xi32>
      %and3A_1580 = arith.andi %get3A_1563, %and3A_1579 : vector<16xi32>
      %mul3A_1581 = arith.constant 64 : i32
      %mul3A_1582 = vector.broadcast %mul3A_1581 : i32 to vector<16xi32>
      %mul3A_1583 = arith.muli %and3A_1580, %mul3A_1582 : vector<16xi32>
      %add3A_1584 = arith.addi %mul3A_1583, %get3A_1568 : vector<16xi32>
      %swap3A_1585 = arith.constant 6 : i32
      %swap3A_1586 = arith.index_cast %swap3A_1585 : i32 to index
      %swap3A_1587 = arith.constant 0 : index
      %swap3A_1588 = tpu.vector_load %arg13[%swap3A_1586, %swap3A_1587] {strides = array<i32>} : memref<8x128xi32, #tpu.memory_space<vmem>>, vector<1x16xi32>,
      %swap3A_1589 = vector.shape_cast %swap3A_1588 : vector<1x16xi32> to vector<16xi32>
      %swap3A_1590 = vector.shape_cast %add3A_1584 : vector<16xi32> to vector<1x16xi32>
      tpu.vector_store %arg13[%swap3A_1586, %swap3A_1587], %swap3A_1590 {strides = array<i32>} : memref<8x128xi32, #tpu.memory_space<vmem>>, vector<1x16xi32>,
      %get3A_1591 = arith.constant 6 : i32
      %get3A_1592 = arith.index_cast %get3A_1591 : i32 to index
      %get3A_1593 = arith.constant 16 : index
      %get3A_1594 = tpu.vector_load %arg10[%get3A_1592, %get3A_1593] {strides = array<i32>} : memref<8x128xi32, #tpu.memory_space<vmem>>, vector<1x16xi32>,
      %get3A_1595 = vector.shape_cast %get3A_1594 : vector<1x16xi32> to vector<16xi32>
      %get3A_1596 = arith.constant 6 : i32
      %get3A_1597 = arith.index_cast %get3A_1596 : i32 to index
      %get3A_1598 = arith.constant 16 : index
      %get3A_1599 = tpu.vector_load %arg11[%get3A_1597, %get3A_1598] {strides = array<i32>} : memref<8x128xi32, #tpu.memory_space<vmem>>, vector<1x16xi32>,
      %get3A_1600 = vector.shape_cast %get3A_1599 : vector<1x16xi32> to vector<16xi32>
      %shift_right_arithmetic3A_1601 = arith.constant 1 : i32
      %shift_right_arithmetic3A_1602 = vector.broadcast %shift_right_arithmetic3A_1601 : i32 to vector<16xi32>
      %shift_right_arithmetic3A_1603 = arith.shrsi %get3A_1595, %shift_right_arithmetic3A_1602 : vector<16xi32>
      %swap3A_1604 = arith.constant 6 : i32
      %swap3A_1605 = arith.index_cast %swap3A_1604 : i32 to index
      %swap3A_1606 = arith.constant 16 : index
      %swap3A_1607 = tpu.vector_load %arg12[%swap3A_1605, %swap3A_1606] {strides = array<i32>} : memref<8x128xi32, #tpu.memory_space<vmem>>, vector<1x16xi32>,
      %swap3A_1608 = vector.shape_cast %swap3A_1607 : vector<1x16xi32> to vector<16xi32>
      %swap3A_1609 = vector.shape_cast %shift_right_arithmetic3A_1603 : vector<16xi32> to vector<1x16xi32>
      tpu.vector_store %arg12[%swap3A_1605, %swap3A_1606], %swap3A_1609 {strides = array<i32>} : memref<8x128xi32, #tpu.memory_space<vmem>>, vector<1x16xi32>,
      %and3A_1610 = arith.constant 1 : i32
      %and3A_1611 = vector.broadcast %and3A_1610 : i32 to vector<16xi32>
      %and3A_1612 = arith.andi %get3A_1595, %and3A_1611 : vector<16xi32>
      %mul3A_1613 = arith.constant 64 : i32
      %mul3A_1614 = vector.broadcast %mul3A_1613 : i32 to vector<16xi32>
      %mul3A_1615 = arith.muli %and3A_1612, %mul3A_1614 : vector<16xi32>
      %add3A_1616 = arith.addi %mul3A_1615, %get3A_1600 : vector<16xi32>
      %swap3A_1617 = arith.constant 6 : i32
      %swap3A_1618 = arith.index_cast %swap3A_1617 : i32 to index
      %swap3A_1619 = arith.constant 16 : index
      %swap3A_1620 = tpu.vector_load %arg13[%swap3A_1618, %swap3A_1619] {strides = array<i32>} : memref<8x128xi32, #tpu.memory_space<vmem>>, vector<1x16xi32>,
      %swap3A_1621 = vector.shape_cast %swap3A_1620 : vector<1x16xi32> to vector<16xi32>
      %swap3A_1622 = vector.shape_cast %add3A_1616 : vector<16xi32> to vector<1x16xi32>
      tpu.vector_store %arg13[%swap3A_1618, %swap3A_1619], %swap3A_1622 {strides = array<i32>} : memref<8x128xi32, #tpu.memory_space<vmem>>, vector<1x16xi32>,
      %get3A_1623 = arith.constant 6 : i32
      %get3A_1624 = arith.index_cast %get3A_1623 : i32 to index
      %get3A_1625 = arith.constant 32 : index
      %get3A_1626 = tpu.vector_load %arg10[%get3A_1624, %get3A_1625] {strides = array<i32>} : memref<8x128xi32, #tpu.memory_space<vmem>>, vector<1x16xi32>,
      %get3A_1627 = vector.shape_cast %get3A_1626 : vector<1x16xi32> to vector<16xi32>
      %get3A_1628 = arith.constant 6 : i32
      %get3A_1629 = arith.index_cast %get3A_1628 : i32 to index
      %get3A_1630 = arith.constant 32 : index
      %get3A_1631 = tpu.vector_load %arg11[%get3A_1629, %get3A_1630] {strides = array<i32>} : memref<8x128xi32, #tpu.memory_space<vmem>>, vector<1x16xi32>,
      %get3A_1632 = vector.shape_cast %get3A_1631 : vector<1x16xi32> to vector<16xi32>
      %shift_right_arithmetic3A_1633 = arith.constant 1 : i32
      %shift_right_arithmetic3A_1634 = vector.broadcast %shift_right_arithmetic3A_1633 : i32 to vector<16xi32>
      %shift_right_arithmetic3A_1635 = arith.shrsi %get3A_1627, %shift_right_arithmetic3A_1634 : vector<16xi32>
      %swap3A_1636 = arith.constant 6 : i32
      %swap3A_1637 = arith.index_cast %swap3A_1636 : i32 to index
      %swap3A_1638 = arith.constant 32 : index
      %swap3A_1639 = tpu.vector_load %arg12[%swap3A_1637, %swap3A_1638] {strides = array<i32>} : memref<8x128xi32, #tpu.memory_space<vmem>>, vector<1x16xi32>,
      %swap3A_1640 = vector.shape_cast %swap3A_1639 : vector<1x16xi32> to vector<16xi32>
      %swap3A_1641 = vector.shape_cast %shift_right_arithmetic3A_1635 : vector<16xi32> to vector<1x16xi32>
      tpu.vector_store %arg12[%swap3A_1637, %swap3A_1638], %swap3A_1641 {strides = array<i32>} : memref<8x128xi32, #tpu.memory_space<vmem>>, vector<1x16xi32>,
      %and3A_1642 = arith.constant 1 : i32
      %and3A_1643 = vector.broadcast %and3A_1642 : i32 to vector<16xi32>
      %and3A_1644 = arith.andi %get3A_1627, %and3A_1643 : vector<16xi32>
      %mul3A_1645 = arith.constant 64 : i32
      %mul3A_1646 = vector.broadcast %mul3A_1645 : i32 to vector<16xi32>
      %mul3A_1647 = arith.muli %and3A_1644, %mul3A_1646 : vector<16xi32>
      %add3A_1648 = arith.addi %mul3A_1647, %get3A_1632 : vector<16xi32>
      %swap3A_1649 = arith.constant 6 : i32
      %swap3A_1650 = arith.index_cast %swap3A_1649 : i32 to index
      %swap3A_1651 = arith.constant 32 : index
      %swap3A_1652 = tpu.vector_load %arg13[%swap3A_1650, %swap3A_1651] {strides = array<i32>} : memref<8x128xi32, #tpu.memory_space<vmem>>, vector<1x16xi32>,
      %swap3A_1653 = vector.shape_cast %swap3A_1652 : vector<1x16xi32> to vector<16xi32>
      %swap3A_1654 = vector.shape_cast %add3A_1648 : vector<16xi32> to vector<1x16xi32>
      tpu.vector_store %arg13[%swap3A_1650, %swap3A_1651], %swap3A_1654 {strides = array<i32>} : memref<8x128xi32, #tpu.memory_space<vmem>>, vector<1x16xi32>,
      %get3A_1655 = arith.constant 6 : i32
      %get3A_1656 = arith.index_cast %get3A_1655 : i32 to index
      %get3A_1657 = arith.constant 48 : index
      %get3A_1658 = tpu.vector_load %arg10[%get3A_1656, %get3A_1657] {strides = array<i32>} : memref<8x128xi32, #tpu.memory_space<vmem>>, vector<1x16xi32>,
      %get3A_1659 = vector.shape_cast %get3A_1658 : vector<1x16xi32> to vector<16xi32>
      %get3A_1660 = arith.constant 6 : i32
      %get3A_1661 = arith.index_cast %get3A_1660 : i32 to index
      %get3A_1662 = arith.constant 48 : index
      %get3A_1663 = tpu.vector_load %arg11[%get3A_1661, %get3A_1662] {strides = array<i32>} : memref<8x128xi32, #tpu.memory_space<vmem>>, vector<1x16xi32>,
      %get3A_1664 = vector.shape_cast %get3A_1663 : vector<1x16xi32> to vector<16xi32>
      %shift_right_arithmetic3A_1665 = arith.constant 1 : i32
      %shift_right_arithmetic3A_1666 = vector.broadcast %shift_right_arithmetic3A_1665 : i32 to vector<16xi32>
      %shift_right_arithmetic3A_1667 = arith.shrsi %get3A_1659, %shift_right_arithmetic3A_1666 : vector<16xi32>
      %swap3A_1668 = arith.constant 6 : i32
      %swap3A_1669 = arith.index_cast %swap3A_1668 : i32 to index
      %swap3A_1670 = arith.constant 48 : index
      %swap3A_1671 = tpu.vector_load %arg12[%swap3A_1669, %swap3A_1670] {strides = array<i32>} : memref<8x128xi32, #tpu.memory_space<vmem>>, vector<1x16xi32>,
      %swap3A_1672 = vector.shape_cast %swap3A_1671 : vector<1x16xi32> to vector<16xi32>
      %swap3A_1673 = vector.shape_cast %shift_right_arithmetic3A_1667 : vector<16xi32> to vector<1x16xi32>
      tpu.vector_store %arg12[%swap3A_1669, %swap3A_1670], %swap3A_1673 {strides = array<i32>} : memref<8x128xi32, #tpu.memory_space<vmem>>, vector<1x16xi32>,
      %and3A_1674 = arith.constant 1 : i32
      %and3A_1675 = vector.broadcast %and3A_1674 : i32 to vector<16xi32>
      %and3A_1676 = arith.andi %get3A_1659, %and3A_1675 : vector<16xi32>
      %mul3A_1677 = arith.constant 64 : i32
      %mul3A_1678 = vector.broadcast %mul3A_1677 : i32 to vector<16xi32>
      %mul3A_1679 = arith.muli %and3A_1676, %mul3A_1678 : vector<16xi32>
      %add3A_1680 = arith.addi %mul3A_1679, %get3A_1664 : vector<16xi32>
      %swap3A_1681 = arith.constant 6 : i32
      %swap3A_1682 = arith.index_cast %swap3A_1681 : i32 to index
      %swap3A_1683 = arith.constant 48 : index
      %swap3A_1684 = tpu.vector_load %arg13[%swap3A_1682, %swap3A_1683] {strides = array<i32>} : memref<8x128xi32, #tpu.memory_space<vmem>>, vector<1x16xi32>,
      %swap3A_1685 = vector.shape_cast %swap3A_1684 : vector<1x16xi32> to vector<16xi32>
      %swap3A_1686 = vector.shape_cast %add3A_1680 : vector<16xi32> to vector<1x16xi32>
      tpu.vector_store %arg13[%swap3A_1682, %swap3A_1683], %swap3A_1686 {strides = array<i32>} : memref<8x128xi32, #tpu.memory_space<vmem>>, vector<1x16xi32>,
      %get3A_1687 = arith.constant 6 : i32
      %get3A_1688 = arith.index_cast %get3A_1687 : i32 to index
      %get3A_1689 = arith.constant 64 : index
      %get3A_1690 = tpu.vector_load %arg10[%get3A_1688, %get3A_1689] {strides = array<i32>} : memref<8x128xi32, #tpu.memory_space<vmem>>, vector<1x16xi32>,
      %get3A_1691 = vector.shape_cast %get3A_1690 : vector<1x16xi32> to vector<16xi32>
      %get3A_1692 = arith.constant 6 : i32
      %get3A_1693 = arith.index_cast %get3A_1692 : i32 to index
      %get3A_1694 = arith.constant 64 : index
      %get3A_1695 = tpu.vector_load %arg11[%get3A_1693, %get3A_1694] {strides = array<i32>} : memref<8x128xi32, #tpu.memory_space<vmem>>, vector<1x16xi32>,
      %get3A_1696 = vector.shape_cast %get3A_1695 : vector<1x16xi32> to vector<16xi32>
      %shift_right_arithmetic3A_1697 = arith.constant 1 : i32
      %shift_right_arithmetic3A_1698 = vector.broadcast %shift_right_arithmetic3A_1697 : i32 to vector<16xi32>
      %shift_right_arithmetic3A_1699 = arith.shrsi %get3A_1691, %shift_right_arithmetic3A_1698 : vector<16xi32>
      %swap3A_1700 = arith.constant 6 : i32
      %swap3A_1701 = arith.index_cast %swap3A_1700 : i32 to index
      %swap3A_1702 = arith.constant 64 : index
      %swap3A_1703 = tpu.vector_load %arg12[%swap3A_1701, %swap3A_1702] {strides = array<i32>} : memref<8x128xi32, #tpu.memory_space<vmem>>, vector<1x16xi32>,
      %swap3A_1704 = vector.shape_cast %swap3A_1703 : vector<1x16xi32> to vector<16xi32>
      %swap3A_1705 = vector.shape_cast %shift_right_arithmetic3A_1699 : vector<16xi32> to vector<1x16xi32>
      tpu.vector_store %arg12[%swap3A_1701, %swap3A_1702], %swap3A_1705 {strides = array<i32>} : memref<8x128xi32, #tpu.memory_space<vmem>>, vector<1x16xi32>,
      %and3A_1706 = arith.constant 1 : i32
      %and3A_1707 = vector.broadcast %and3A_1706 : i32 to vector<16xi32>
      %and3A_1708 = arith.andi %get3A_1691, %and3A_1707 : vector<16xi32>
      %mul3A_1709 = arith.constant 64 : i32
      %mul3A_1710 = vector.broadcast %mul3A_1709 : i32 to vector<16xi32>
      %mul3A_1711 = arith.muli %and3A_1708, %mul3A_1710 : vector<16xi32>
      %add3A_1712 = arith.addi %mul3A_1711, %get3A_1696 : vector<16xi32>
      %swap3A_1713 = arith.constant 6 : i32
      %swap3A_1714 = arith.index_cast %swap3A_1713 : i32 to index
      %swap3A_1715 = arith.constant 64 : index
      %swap3A_1716 = tpu.vector_load %arg13[%swap3A_1714, %swap3A_1715] {strides = array<i32>} : memref<8x128xi32, #tpu.memory_space<vmem>>, vector<1x16xi32>,
      %swap3A_1717 = vector.shape_cast %swap3A_1716 : vector<1x16xi32> to vector<16xi32>
      %swap3A_1718 = vector.shape_cast %add3A_1712 : vector<16xi32> to vector<1x16xi32>
      tpu.vector_store %arg13[%swap3A_1714, %swap3A_1715], %swap3A_1718 {strides = array<i32>} : memref<8x128xi32, #tpu.memory_space<vmem>>, vector<1x16xi32>,
      %get3A_1719 = arith.constant 6 : i32
      %get3A_1720 = arith.index_cast %get3A_1719 : i32 to index
      %get3A_1721 = arith.constant 80 : index
      %get3A_1722 = tpu.vector_load %arg10[%get3A_1720, %get3A_1721] {strides = array<i32>} : memref<8x128xi32, #tpu.memory_space<vmem>>, vector<1x16xi32>,
      %get3A_1723 = vector.shape_cast %get3A_1722 : vector<1x16xi32> to vector<16xi32>
      %get3A_1724 = arith.constant 6 : i32
      %get3A_1725 = arith.index_cast %get3A_1724 : i32 to index
      %get3A_1726 = arith.constant 80 : index
      %get3A_1727 = tpu.vector_load %arg11[%get3A_1725, %get3A_1726] {strides = array<i32>} : memref<8x128xi32, #tpu.memory_space<vmem>>, vector<1x16xi32>,
      %get3A_1728 = vector.shape_cast %get3A_1727 : vector<1x16xi32> to vector<16xi32>
      %shift_right_arithmetic3A_1729 = arith.constant 1 : i32
      %shift_right_arithmetic3A_1730 = vector.broadcast %shift_right_arithmetic3A_1729 : i32 to vector<16xi32>
      %shift_right_arithmetic3A_1731 = arith.shrsi %get3A_1723, %shift_right_arithmetic3A_1730 : vector<16xi32>
      %swap3A_1732 = arith.constant 6 : i32
      %swap3A_1733 = arith.index_cast %swap3A_1732 : i32 to index
      %swap3A_1734 = arith.constant 80 : index
      %swap3A_1735 = tpu.vector_load %arg12[%swap3A_1733, %swap3A_1734] {strides = array<i32>} : memref<8x128xi32, #tpu.memory_space<vmem>>, vector<1x16xi32>,
      %swap3A_1736 = vector.shape_cast %swap3A_1735 : vector<1x16xi32> to vector<16xi32>
      %swap3A_1737 = vector.shape_cast %shift_right_arithmetic3A_1731 : vector<16xi32> to vector<1x16xi32>
      tpu.vector_store %arg12[%swap3A_1733, %swap3A_1734], %swap3A_1737 {strides = array<i32>} : memref<8x128xi32, #tpu.memory_space<vmem>>, vector<1x16xi32>,
      %and3A_1738 = arith.constant 1 : i32
      %and3A_1739 = vector.broadcast %and3A_1738 : i32 to vector<16xi32>
      %and3A_1740 = arith.andi %get3A_1723, %and3A_1739 : vector<16xi32>
      %mul3A_1741 = arith.constant 64 : i32
      %mul3A_1742 = vector.broadcast %mul3A_1741 : i32 to vector<16xi32>
      %mul3A_1743 = arith.muli %and3A_1740, %mul3A_1742 : vector<16xi32>
      %add3A_1744 = arith.addi %mul3A_1743, %get3A_1728 : vector<16xi32>
      %swap3A_1745 = arith.constant 6 : i32
      %swap3A_1746 = arith.index_cast %swap3A_1745 : i32 to index
      %swap3A_1747 = arith.constant 80 : index
      %swap3A_1748 = tpu.vector_load %arg13[%swap3A_1746, %swap3A_1747] {strides = array<i32>} : memref<8x128xi32, #tpu.memory_space<vmem>>, vector<1x16xi32>,
      %swap3A_1749 = vector.shape_cast %swap3A_1748 : vector<1x16xi32> to vector<16xi32>
      %swap3A_1750 = vector.shape_cast %add3A_1744 : vector<16xi32> to vector<1x16xi32>
      tpu.vector_store %arg13[%swap3A_1746, %swap3A_1747], %swap3A_1750 {strides = array<i32>} : memref<8x128xi32, #tpu.memory_space<vmem>>, vector<1x16xi32>,
      %get3A_1751 = arith.constant 6 : i32
      %get3A_1752 = arith.index_cast %get3A_1751 : i32 to index
      %get3A_1753 = arith.constant 96 : index
      %get3A_1754 = tpu.vector_load %arg10[%get3A_1752, %get3A_1753] {strides = array<i32>} : memref<8x128xi32, #tpu.memory_space<vmem>>, vector<1x16xi32>,
      %get3A_1755 = vector.shape_cast %get3A_1754 : vector<1x16xi32> to vector<16xi32>
      %get3A_1756 = arith.constant 6 : i32
      %get3A_1757 = arith.index_cast %get3A_1756 : i32 to index
      %get3A_1758 = arith.constant 96 : index
      %get3A_1759 = tpu.vector_load %arg11[%get3A_1757, %get3A_1758] {strides = array<i32>} : memref<8x128xi32, #tpu.memory_space<vmem>>, vector<1x16xi32>,
      %get3A_1760 = vector.shape_cast %get3A_1759 : vector<1x16xi32> to vector<16xi32>
      %shift_right_arithmetic3A_1761 = arith.constant 1 : i32
      %shift_right_arithmetic3A_1762 = vector.broadcast %shift_right_arithmetic3A_1761 : i32 to vector<16xi32>
      %shift_right_arithmetic3A_1763 = arith.shrsi %get3A_1755, %shift_right_arithmetic3A_1762 : vector<16xi32>
      %swap3A_1764 = arith.constant 6 : i32
      %swap3A_1765 = arith.index_cast %swap3A_1764 : i32 to index
      %swap3A_1766 = arith.constant 96 : index
      %swap3A_1767 = tpu.vector_load %arg12[%swap3A_1765, %swap3A_1766] {strides = array<i32>} : memref<8x128xi32, #tpu.memory_space<vmem>>, vector<1x16xi32>,
      %swap3A_1768 = vector.shape_cast %swap3A_1767 : vector<1x16xi32> to vector<16xi32>
      %swap3A_1769 = vector.shape_cast %shift_right_arithmetic3A_1763 : vector<16xi32> to vector<1x16xi32>
      tpu.vector_store %arg12[%swap3A_1765, %swap3A_1766], %swap3A_1769 {strides = array<i32>} : memref<8x128xi32, #tpu.memory_space<vmem>>, vector<1x16xi32>,
      %and3A_1770 = arith.constant 1 : i32
      %and3A_1771 = vector.broadcast %and3A_1770 : i32 to vector<16xi32>
      %and3A_1772 = arith.andi %get3A_1755, %and3A_1771 : vector<16xi32>
      %mul3A_1773 = arith.constant 64 : i32
      %mul3A_1774 = vector.broadcast %mul3A_1773 : i32 to vector<16xi32>
      %mul3A_1775 = arith.muli %and3A_1772, %mul3A_1774 : vector<16xi32>
      %add3A_1776 = arith.addi %mul3A_1775, %get3A_1760 : vector<16xi32>
      %swap3A_1777 = arith.constant 6 : i32
      %swap3A_1778 = arith.index_cast %swap3A_1777 : i32 to index
      %swap3A_1779 = arith.constant 96 : index
      %swap3A_1780 = tpu.vector_load %arg13[%swap3A_1778, %swap3A_1779] {strides = array<i32>} : memref<8x128xi32, #tpu.memory_space<vmem>>, vector<1x16xi32>,
      %swap3A_1781 = vector.shape_cast %swap3A_1780 : vector<1x16xi32> to vector<16xi32>
      %swap3A_1782 = vector.shape_cast %add3A_1776 : vector<16xi32> to vector<1x16xi32>
      tpu.vector_store %arg13[%swap3A_1778, %swap3A_1779], %swap3A_1782 {strides = array<i32>} : memref<8x128xi32, #tpu.memory_space<vmem>>, vector<1x16xi32>,
      %get3A_1783 = arith.constant 6 : i32
      %get3A_1784 = arith.index_cast %get3A_1783 : i32 to index
      %get3A_1785 = arith.constant 112 : index
      %get3A_1786 = tpu.vector_load %arg10[%get3A_1784, %get3A_1785] {strides = array<i32>} : memref<8x128xi32, #tpu.memory_space<vmem>>, vector<1x16xi32>,
      %get3A_1787 = vector.shape_cast %get3A_1786 : vector<1x16xi32> to vector<16xi32>
      %get3A_1788 = arith.constant 6 : i32
      %get3A_1789 = arith.index_cast %get3A_1788 : i32 to index
      %get3A_1790 = arith.constant 112 : index
      %get3A_1791 = tpu.vector_load %arg11[%get3A_1789, %get3A_1790] {strides = array<i32>} : memref<8x128xi32, #tpu.memory_space<vmem>>, vector<1x16xi32>,
      %get3A_1792 = vector.shape_cast %get3A_1791 : vector<1x16xi32> to vector<16xi32>
      %shift_right_arithmetic3A_1793 = arith.constant 1 : i32
      %shift_right_arithmetic3A_1794 = vector.broadcast %shift_right_arithmetic3A_1793 : i32 to vector<16xi32>
      %shift_right_arithmetic3A_1795 = arith.shrsi %get3A_1787, %shift_right_arithmetic3A_1794 : vector<16xi32>
      %swap3A_1796 = arith.constant 6 : i32
      %swap3A_1797 = arith.index_cast %swap3A_1796 : i32 to index
      %swap3A_1798 = arith.constant 112 : index
      %swap3A_1799 = tpu.vector_load %arg12[%swap3A_1797, %swap3A_1798] {strides = array<i32>} : memref<8x128xi32, #tpu.memory_space<vmem>>, vector<1x16xi32>,
      %swap3A_1800 = vector.shape_cast %swap3A_1799 : vector<1x16xi32> to vector<16xi32>
      %swap3A_1801 = vector.shape_cast %shift_right_arithmetic3A_1795 : vector<16xi32> to vector<1x16xi32>
      tpu.vector_store %arg12[%swap3A_1797, %swap3A_1798], %swap3A_1801 {strides = array<i32>} : memref<8x128xi32, #tpu.memory_space<vmem>>, vector<1x16xi32>,
      %and3A_1802 = arith.constant 1 : i32
      %and3A_1803 = vector.broadcast %and3A_1802 : i32 to vector<16xi32>
      %and3A_1804 = arith.andi %get3A_1787, %and3A_1803 : vector<16xi32>
      %mul3A_1805 = arith.constant 64 : i32
      %mul3A_1806 = vector.broadcast %mul3A_1805 : i32 to vector<16xi32>
      %mul3A_1807 = arith.muli %and3A_1804, %mul3A_1806 : vector<16xi32>
      %add3A_1808 = arith.addi %mul3A_1807, %get3A_1792 : vector<16xi32>
      %swap3A_1809 = arith.constant 6 : i32
      %swap3A_1810 = arith.index_cast %swap3A_1809 : i32 to index
      %swap3A_1811 = arith.constant 112 : index
      %swap3A_1812 = tpu.vector_load %arg13[%swap3A_1810, %swap3A_1811] {strides = array<i32>} : memref<8x128xi32, #tpu.memory_space<vmem>>, vector<1x16xi32>,
      %swap3A_1813 = vector.shape_cast %swap3A_1812 : vector<1x16xi32> to vector<16xi32>
      %swap3A_1814 = vector.shape_cast %add3A_1808 : vector<16xi32> to vector<1x16xi32>
      tpu.vector_store %arg13[%swap3A_1810, %swap3A_1811], %swap3A_1814 {strides = array<i32>} : memref<8x128xi32, #tpu.memory_space<vmem>>, vector<1x16xi32>,
      %get3A_1815 = arith.constant 7 : i32
      %get3A_1816 = arith.index_cast %get3A_1815 : i32 to index
      %get3A_1817 = arith.constant 0 : index
      %get3A_1818 = tpu.vector_load %arg10[%get3A_1816, %get3A_1817] {strides = array<i32>} : memref<8x128xi32, #tpu.memory_space<vmem>>, vector<1x16xi32>,
      %get3A_1819 = vector.shape_cast %get3A_1818 : vector<1x16xi32> to vector<16xi32>
      %get3A_1820 = arith.constant 7 : i32
      %get3A_1821 = arith.index_cast %get3A_1820 : i32 to index
      %get3A_1822 = arith.constant 0 : index
      %get3A_1823 = tpu.vector_load %arg11[%get3A_1821, %get3A_1822] {strides = array<i32>} : memref<8x128xi32, #tpu.memory_space<vmem>>, vector<1x16xi32>,
      %get3A_1824 = vector.shape_cast %get3A_1823 : vector<1x16xi32> to vector<16xi32>
      %shift_right_arithmetic3A_1825 = arith.constant 1 : i32
      %shift_right_arithmetic3A_1826 = vector.broadcast %shift_right_arithmetic3A_1825 : i32 to vector<16xi32>
      %shift_right_arithmetic3A_1827 = arith.shrsi %get3A_1819, %shift_right_arithmetic3A_1826 : vector<16xi32>
      %swap3A_1828 = arith.constant 7 : i32
      %swap3A_1829 = arith.index_cast %swap3A_1828 : i32 to index
      %swap3A_1830 = arith.constant 0 : index
      %swap3A_1831 = tpu.vector_load %arg12[%swap3A_1829, %swap3A_1830] {strides = array<i32>} : memref<8x128xi32, #tpu.memory_space<vmem>>, vector<1x16xi32>,
      %swap3A_1832 = vector.shape_cast %swap3A_1831 : vector<1x16xi32> to vector<16xi32>
      %swap3A_1833 = vector.shape_cast %shift_right_arithmetic3A_1827 : vector<16xi32> to vector<1x16xi32>
      tpu.vector_store %arg12[%swap3A_1829, %swap3A_1830], %swap3A_1833 {strides = array<i32>} : memref<8x128xi32, #tpu.memory_space<vmem>>, vector<1x16xi32>,
      %and3A_1834 = arith.constant 1 : i32
      %and3A_1835 = vector.broadcast %and3A_1834 : i32 to vector<16xi32>
      %and3A_1836 = arith.andi %get3A_1819, %and3A_1835 : vector<16xi32>
      %mul3A_1837 = arith.constant 64 : i32
      %mul3A_1838 = vector.broadcast %mul3A_1837 : i32 to vector<16xi32>
      %mul3A_1839 = arith.muli %and3A_1836, %mul3A_1838 : vector<16xi32>
      %add3A_1840 = arith.addi %mul3A_1839, %get3A_1824 : vector<16xi32>
      %swap3A_1841 = arith.constant 7 : i32
      %swap3A_1842 = arith.index_cast %swap3A_1841 : i32 to index
      %swap3A_1843 = arith.constant 0 : index
      %swap3A_1844 = tpu.vector_load %arg13[%swap3A_1842, %swap3A_1843] {strides = array<i32>} : memref<8x128xi32, #tpu.memory_space<vmem>>, vector<1x16xi32>,
      %swap3A_1845 = vector.shape_cast %swap3A_1844 : vector<1x16xi32> to vector<16xi32>
      %swap3A_1846 = vector.shape_cast %add3A_1840 : vector<16xi32> to vector<1x16xi32>
      tpu.vector_store %arg13[%swap3A_1842, %swap3A_1843], %swap3A_1846 {strides = array<i32>} : memref<8x128xi32, #tpu.memory_space<vmem>>, vector<1x16xi32>,
      %get3A_1847 = arith.constant 7 : i32
      %get3A_1848 = arith.index_cast %get3A_1847 : i32 to index
      %get3A_1849 = arith.constant 16 : index
      %get3A_1850 = tpu.vector_load %arg10[%get3A_1848, %get3A_1849] {strides = array<i32>} : memref<8x128xi32, #tpu.memory_space<vmem>>, vector<1x16xi32>,
      %get3A_1851 = vector.shape_cast %get3A_1850 : vector<1x16xi32> to vector<16xi32>
      %get3A_1852 = arith.constant 7 : i32
      %get3A_1853 = arith.index_cast %get3A_1852 : i32 to index
      %get3A_1854 = arith.constant 16 : index
      %get3A_1855 = tpu.vector_load %arg11[%get3A_1853, %get3A_1854] {strides = array<i32>} : memref<8x128xi32, #tpu.memory_space<vmem>>, vector<1x16xi32>,
      %get3A_1856 = vector.shape_cast %get3A_1855 : vector<1x16xi32> to vector<16xi32>
      %shift_right_arithmetic3A_1857 = arith.constant 1 : i32
      %shift_right_arithmetic3A_1858 = vector.broadcast %shift_right_arithmetic3A_1857 : i32 to vector<16xi32>
      %shift_right_arithmetic3A_1859 = arith.shrsi %get3A_1851, %shift_right_arithmetic3A_1858 : vector<16xi32>
      %swap3A_1860 = arith.constant 7 : i32
      %swap3A_1861 = arith.index_cast %swap3A_1860 : i32 to index
      %swap3A_1862 = arith.constant 16 : index
      %swap3A_1863 = tpu.vector_load %arg12[%swap3A_1861, %swap3A_1862] {strides = array<i32>} : memref<8x128xi32, #tpu.memory_space<vmem>>, vector<1x16xi32>,
      %swap3A_1864 = vector.shape_cast %swap3A_1863 : vector<1x16xi32> to vector<16xi32>
      %swap3A_1865 = vector.shape_cast %shift_right_arithmetic3A_1859 : vector<16xi32> to vector<1x16xi32>
      tpu.vector_store %arg12[%swap3A_1861, %swap3A_1862], %swap3A_1865 {strides = array<i32>} : memref<8x128xi32, #tpu.memory_space<vmem>>, vector<1x16xi32>,
      %and3A_1866 = arith.constant 1 : i32
      %and3A_1867 = vector.broadcast %and3A_1866 : i32 to vector<16xi32>
      %and3A_1868 = arith.andi %get3A_1851, %and3A_1867 : vector<16xi32>
      %mul3A_1869 = arith.constant 64 : i32
      %mul3A_1870 = vector.broadcast %mul3A_1869 : i32 to vector<16xi32>
      %mul3A_1871 = arith.muli %and3A_1868, %mul3A_1870 : vector<16xi32>
      %add3A_1872 = arith.addi %mul3A_1871, %get3A_1856 : vector<16xi32>
      %swap3A_1873 = arith.constant 7 : i32
      %swap3A_1874 = arith.index_cast %swap3A_1873 : i32 to index
      %swap3A_1875 = arith.constant 16 : index
      %swap3A_1876 = tpu.vector_load %arg13[%swap3A_1874, %swap3A_1875] {strides = array<i32>} : memref<8x128xi32, #tpu.memory_space<vmem>>, vector<1x16xi32>,
      %swap3A_1877 = vector.shape_cast %swap3A_1876 : vector<1x16xi32> to vector<16xi32>
      %swap3A_1878 = vector.shape_cast %add3A_1872 : vector<16xi32> to vector<1x16xi32>
      tpu.vector_store %arg13[%swap3A_1874, %swap3A_1875], %swap3A_1878 {strides = array<i32>} : memref<8x128xi32, #tpu.memory_space<vmem>>, vector<1x16xi32>,
      %get3A_1879 = arith.constant 7 : i32
      %get3A_1880 = arith.index_cast %get3A_1879 : i32 to index
      %get3A_1881 = arith.constant 32 : index
      %get3A_1882 = tpu.vector_load %arg10[%get3A_1880, %get3A_1881] {strides = array<i32>} : memref<8x128xi32, #tpu.memory_space<vmem>>, vector<1x16xi32>,
      %get3A_1883 = vector.shape_cast %get3A_1882 : vector<1x16xi32> to vector<16xi32>
      %get3A_1884 = arith.constant 7 : i32
      %get3A_1885 = arith.index_cast %get3A_1884 : i32 to index
      %get3A_1886 = arith.constant 32 : index
      %get3A_1887 = tpu.vector_load %arg11[%get3A_1885, %get3A_1886] {strides = array<i32>} : memref<8x128xi32, #tpu.memory_space<vmem>>, vector<1x16xi32>,
      %get3A_1888 = vector.shape_cast %get3A_1887 : vector<1x16xi32> to vector<16xi32>
      %shift_right_arithmetic3A_1889 = arith.constant 1 : i32
      %shift_right_arithmetic3A_1890 = vector.broadcast %shift_right_arithmetic3A_1889 : i32 to vector<16xi32>
      %shift_right_arithmetic3A_1891 = arith.shrsi %get3A_1883, %shift_right_arithmetic3A_1890 : vector<16xi32>
      %swap3A_1892 = arith.constant 7 : i32
      %swap3A_1893 = arith.index_cast %swap3A_1892 : i32 to index
      %swap3A_1894 = arith.constant 32 : index
      %swap3A_1895 = tpu.vector_load %arg12[%swap3A_1893, %swap3A_1894] {strides = array<i32>} : memref<8x128xi32, #tpu.memory_space<vmem>>, vector<1x16xi32>,
      %swap3A_1896 = vector.shape_cast %swap3A_1895 : vector<1x16xi32> to vector<16xi32>
      %swap3A_1897 = vector.shape_cast %shift_right_arithmetic3A_1891 : vector<16xi32> to vector<1x16xi32>
      tpu.vector_store %arg12[%swap3A_1893, %swap3A_1894], %swap3A_1897 {strides = array<i32>} : memref<8x128xi32, #tpu.memory_space<vmem>>, vector<1x16xi32>,
      %and3A_1898 = arith.constant 1 : i32
      %and3A_1899 = vector.broadcast %and3A_1898 : i32 to vector<16xi32>
      %and3A_1900 = arith.andi %get3A_1883, %and3A_1899 : vector<16xi32>
      %mul3A_1901 = arith.constant 64 : i32
      %mul3A_1902 = vector.broadcast %mul3A_1901 : i32 to vector<16xi32>
      %mul3A_1903 = arith.muli %and3A_1900, %mul3A_1902 : vector<16xi32>
      %add3A_1904 = arith.addi %mul3A_1903, %get3A_1888 : vector<16xi32>
      %swap3A_1905 = arith.constant 7 : i32
      %swap3A_1906 = arith.index_cast %swap3A_1905 : i32 to index
      %swap3A_1907 = arith.constant 32 : index
      %swap3A_1908 = tpu.vector_load %arg13[%swap3A_1906, %swap3A_1907] {strides = array<i32>} : memref<8x128xi32, #tpu.memory_space<vmem>>, vector<1x16xi32>,
      %swap3A_1909 = vector.shape_cast %swap3A_1908 : vector<1x16xi32> to vector<16xi32>
      %swap3A_1910 = vector.shape_cast %add3A_1904 : vector<16xi32> to vector<1x16xi32>
      tpu.vector_store %arg13[%swap3A_1906, %swap3A_1907], %swap3A_1910 {strides = array<i32>} : memref<8x128xi32, #tpu.memory_space<vmem>>, vector<1x16xi32>,
      %get3A_1911 = arith.constant 7 : i32
      %get3A_1912 = arith.index_cast %get3A_1911 : i32 to index
      %get3A_1913 = arith.constant 48 : index
      %get3A_1914 = tpu.vector_load %arg10[%get3A_1912, %get3A_1913] {strides = array<i32>} : memref<8x128xi32, #tpu.memory_space<vmem>>, vector<1x16xi32>,
      %get3A_1915 = vector.shape_cast %get3A_1914 : vector<1x16xi32> to vector<16xi32>
      %get3A_1916 = arith.constant 7 : i32
      %get3A_1917 = arith.index_cast %get3A_1916 : i32 to index
      %get3A_1918 = arith.constant 48 : index
      %get3A_1919 = tpu.vector_load %arg11[%get3A_1917, %get3A_1918] {strides = array<i32>} : memref<8x128xi32, #tpu.memory_space<vmem>>, vector<1x16xi32>,
      %get3A_1920 = vector.shape_cast %get3A_1919 : vector<1x16xi32> to vector<16xi32>
      %shift_right_arithmetic3A_1921 = arith.constant 1 : i32
      %shift_right_arithmetic3A_1922 = vector.broadcast %shift_right_arithmetic3A_1921 : i32 to vector<16xi32>
      %shift_right_arithmetic3A_1923 = arith.shrsi %get3A_1915, %shift_right_arithmetic3A_1922 : vector<16xi32>
      %swap3A_1924 = arith.constant 7 : i32
      %swap3A_1925 = arith.index_cast %swap3A_1924 : i32 to index
      %swap3A_1926 = arith.constant 48 : index
      %swap3A_1927 = tpu.vector_load %arg12[%swap3A_1925, %swap3A_1926] {strides = array<i32>} : memref<8x128xi32, #tpu.memory_space<vmem>>, vector<1x16xi32>,
      %swap3A_1928 = vector.shape_cast %swap3A_1927 : vector<1x16xi32> to vector<16xi32>
      %swap3A_1929 = vector.shape_cast %shift_right_arithmetic3A_1923 : vector<16xi32> to vector<1x16xi32>
      tpu.vector_store %arg12[%swap3A_1925, %swap3A_1926], %swap3A_1929 {strides = array<i32>} : memref<8x128xi32, #tpu.memory_space<vmem>>, vector<1x16xi32>,
      %and3A_1930 = arith.constant 1 : i32
      %and3A_1931 = vector.broadcast %and3A_1930 : i32 to vector<16xi32>
      %and3A_1932 = arith.andi %get3A_1915, %and3A_1931 : vector<16xi32>
      %mul3A_1933 = arith.constant 64 : i32
      %mul3A_1934 = vector.broadcast %mul3A_1933 : i32 to vector<16xi32>
      %mul3A_1935 = arith.muli %and3A_1932, %mul3A_1934 : vector<16xi32>
      %add3A_1936 = arith.addi %mul3A_1935, %get3A_1920 : vector<16xi32>
      %swap3A_1937 = arith.constant 7 : i32
      %swap3A_1938 = arith.index_cast %swap3A_1937 : i32 to index
      %swap3A_1939 = arith.constant 48 : index
      %swap3A_1940 = tpu.vector_load %arg13[%swap3A_1938, %swap3A_1939] {strides = array<i32>} : memref<8x128xi32, #tpu.memory_space<vmem>>, vector<1x16xi32>,
      %swap3A_1941 = vector.shape_cast %swap3A_1940 : vector<1x16xi32> to vector<16xi32>
      %swap3A_1942 = vector.shape_cast %add3A_1936 : vector<16xi32> to vector<1x16xi32>
      tpu.vector_store %arg13[%swap3A_1938, %swap3A_1939], %swap3A_1942 {strides = array<i32>} : memref<8x128xi32, #tpu.memory_space<vmem>>, vector<1x16xi32>,
      %get3A_1943 = arith.constant 7 : i32
      %get3A_1944 = arith.index_cast %get3A_1943 : i32 to index
      %get3A_1945 = arith.constant 64 : index
      %get3A_1946 = tpu.vector_load %arg10[%get3A_1944, %get3A_1945] {strides = array<i32>} : memref<8x128xi32, #tpu.memory_space<vmem>>, vector<1x16xi32>,
      %get3A_1947 = vector.shape_cast %get3A_1946 : vector<1x16xi32> to vector<16xi32>
      %get3A_1948 = arith.constant 7 : i32
      %get3A_1949 = arith.index_cast %get3A_1948 : i32 to index
      %get3A_1950 = arith.constant 64 : index
      %get3A_1951 = tpu.vector_load %arg11[%get3A_1949, %get3A_1950] {strides = array<i32>} : memref<8x128xi32, #tpu.memory_space<vmem>>, vector<1x16xi32>,
      %get3A_1952 = vector.shape_cast %get3A_1951 : vector<1x16xi32> to vector<16xi32>
      %shift_right_arithmetic3A_1953 = arith.constant 1 : i32
      %shift_right_arithmetic3A_1954 = vector.broadcast %shift_right_arithmetic3A_1953 : i32 to vector<16xi32>
      %shift_right_arithmetic3A_1955 = arith.shrsi %get3A_1947, %shift_right_arithmetic3A_1954 : vector<16xi32>
      %swap3A_1956 = arith.constant 7 : i32
      %swap3A_1957 = arith.index_cast %swap3A_1956 : i32 to index
      %swap3A_1958 = arith.constant 64 : index
      %swap3A_1959 = tpu.vector_load %arg12[%swap3A_1957, %swap3A_1958] {strides = array<i32>} : memref<8x128xi32, #tpu.memory_space<vmem>>, vector<1x16xi32>,
      %swap3A_1960 = vector.shape_cast %swap3A_1959 : vector<1x16xi32> to vector<16xi32>
      %swap3A_1961 = vector.shape_cast %shift_right_arithmetic3A_1955 : vector<16xi32> to vector<1x16xi32>
      tpu.vector_store %arg12[%swap3A_1957, %swap3A_1958], %swap3A_1961 {strides = array<i32>} : memref<8x128xi32, #tpu.memory_space<vmem>>, vector<1x16xi32>,
      %and3A_1962 = arith.constant 1 : i32
      %and3A_1963 = vector.broadcast %and3A_1962 : i32 to vector<16xi32>
      %and3A_1964 = arith.andi %get3A_1947, %and3A_1963 : vector<16xi32>
      %mul3A_1965 = arith.constant 64 : i32
      %mul3A_1966 = vector.broadcast %mul3A_1965 : i32 to vector<16xi32>
      %mul3A_1967 = arith.muli %and3A_1964, %mul3A_1966 : vector<16xi32>
      %add3A_1968 = arith.addi %mul3A_1967, %get3A_1952 : vector<16xi32>
      %swap3A_1969 = arith.constant 7 : i32
      %swap3A_1970 = arith.index_cast %swap3A_1969 : i32 to index
      %swap3A_1971 = arith.constant 64 : index
      %swap3A_1972 = tpu.vector_load %arg13[%swap3A_1970, %swap3A_1971] {strides = array<i32>} : memref<8x128xi32, #tpu.memory_space<vmem>>, vector<1x16xi32>,
      %swap3A_1973 = vector.shape_cast %swap3A_1972 : vector<1x16xi32> to vector<16xi32>
      %swap3A_1974 = vector.shape_cast %add3A_1968 : vector<16xi32> to vector<1x16xi32>
      tpu.vector_store %arg13[%swap3A_1970, %swap3A_1971], %swap3A_1974 {strides = array<i32>} : memref<8x128xi32, #tpu.memory_space<vmem>>, vector<1x16xi32>,
      %get3A_1975 = arith.constant 7 : i32
      %get3A_1976 = arith.index_cast %get3A_1975 : i32 to index
      %get3A_1977 = arith.constant 80 : index
      %get3A_1978 = tpu.vector_load %arg10[%get3A_1976, %get3A_1977] {strides = array<i32>} : memref<8x128xi32, #tpu.memory_space<vmem>>, vector<1x16xi32>,
      %get3A_1979 = vector.shape_cast %get3A_1978 : vector<1x16xi32> to vector<16xi32>
      %get3A_1980 = arith.constant 7 : i32
      %get3A_1981 = arith.index_cast %get3A_1980 : i32 to index
      %get3A_1982 = arith.constant 80 : index
      %get3A_1983 = tpu.vector_load %arg11[%get3A_1981, %get3A_1982] {strides = array<i32>} : memref<8x128xi32, #tpu.memory_space<vmem>>, vector<1x16xi32>,
      %get3A_1984 = vector.shape_cast %get3A_1983 : vector<1x16xi32> to vector<16xi32>
      %shift_right_arithmetic3A_1985 = arith.constant 1 : i32
      %shift_right_arithmetic3A_1986 = vector.broadcast %shift_right_arithmetic3A_1985 : i32 to vector<16xi32>
      %shift_right_arithmetic3A_1987 = arith.shrsi %get3A_1979, %shift_right_arithmetic3A_1986 : vector<16xi32>
      %swap3A_1988 = arith.constant 7 : i32
      %swap3A_1989 = arith.index_cast %swap3A_1988 : i32 to index
      %swap3A_1990 = arith.constant 80 : index
      %swap3A_1991 = tpu.vector_load %arg12[%swap3A_1989, %swap3A_1990] {strides = array<i32>} : memref<8x128xi32, #tpu.memory_space<vmem>>, vector<1x16xi32>,
      %swap3A_1992 = vector.shape_cast %swap3A_1991 : vector<1x16xi32> to vector<16xi32>
      %swap3A_1993 = vector.shape_cast %shift_right_arithmetic3A_1987 : vector<16xi32> to vector<1x16xi32>
      tpu.vector_store %arg12[%swap3A_1989, %swap3A_1990], %swap3A_1993 {strides = array<i32>} : memref<8x128xi32, #tpu.memory_space<vmem>>, vector<1x16xi32>,
      %and3A_1994 = arith.constant 1 : i32
      %and3A_1995 = vector.broadcast %and3A_1994 : i32 to vector<16xi32>
      %and3A_1996 = arith.andi %get3A_1979, %and3A_1995 : vector<16xi32>
      %mul3A_1997 = arith.constant 64 : i32
      %mul3A_1998 = vector.broadcast %mul3A_1997 : i32 to vector<16xi32>
      %mul3A_1999 = arith.muli %and3A_1996, %mul3A_1998 : vector<16xi32>
      %add3A_2000 = arith.addi %mul3A_1999, %get3A_1984 : vector<16xi32>
      %swap3A_2001 = arith.constant 7 : i32
      %swap3A_2002 = arith.index_cast %swap3A_2001 : i32 to index
      %swap3A_2003 = arith.constant 80 : index
      %swap3A_2004 = tpu.vector_load %arg13[%swap3A_2002, %swap3A_2003] {strides = array<i32>} : memref<8x128xi32, #tpu.memory_space<vmem>>, vector<1x16xi32>,
      %swap3A_2005 = vector.shape_cast %swap3A_2004 : vector<1x16xi32> to vector<16xi32>
      %swap3A_2006 = vector.shape_cast %add3A_2000 : vector<16xi32> to vector<1x16xi32>
      tpu.vector_store %arg13[%swap3A_2002, %swap3A_2003], %swap3A_2006 {strides = array<i32>} : memref<8x128xi32, #tpu.memory_space<vmem>>, vector<1x16xi32>,
      %get3A_2007 = arith.constant 7 : i32
      %get3A_2008 = arith.index_cast %get3A_2007 : i32 to index
      %get3A_2009 = arith.constant 96 : index
      %get3A_2010 = tpu.vector_load %arg10[%get3A_2008, %get3A_2009] {strides = array<i32>} : memref<8x128xi32, #tpu.memory_space<vmem>>, vector<1x16xi32>,
      %get3A_2011 = vector.shape_cast %get3A_2010 : vector<1x16xi32> to vector<16xi32>
      %get3A_2012 = arith.constant 7 : i32
      %get3A_2013 = arith.index_cast %get3A_2012 : i32 to index
      %get3A_2014 = arith.constant 96 : index
      %get3A_2015 = tpu.vector_load %arg11[%get3A_2013, %get3A_2014] {strides = array<i32>} : memref<8x128xi32, #tpu.memory_space<vmem>>, vector<1x16xi32>,
      %get3A_2016 = vector.shape_cast %get3A_2015 : vector<1x16xi32> to vector<16xi32>
      %shift_right_arithmetic3A_2017 = arith.constant 1 : i32
      %shift_right_arithmetic3A_2018 = vector.broadcast %shift_right_arithmetic3A_2017 : i32 to vector<16xi32>
      %shift_right_arithmetic3A_2019 = arith.shrsi %get3A_2011, %shift_right_arithmetic3A_2018 : vector<16xi32>
      %swap3A_2020 = arith.constant 7 : i32
      %swap3A_2021 = arith.index_cast %swap3A_2020 : i32 to index
      %swap3A_2022 = arith.constant 96 : index
      %swap3A_2023 = tpu.vector_load %arg12[%swap3A_2021, %swap3A_2022] {strides = array<i32>} : memref<8x128xi32, #tpu.memory_space<vmem>>, vector<1x16xi32>,
      %swap3A_2024 = vector.shape_cast %swap3A_2023 : vector<1x16xi32> to vector<16xi32>
      %swap3A_2025 = vector.shape_cast %shift_right_arithmetic3A_2019 : vector<16xi32> to vector<1x16xi32>
      tpu.vector_store %arg12[%swap3A_2021, %swap3A_2022], %swap3A_2025 {strides = array<i32>} : memref<8x128xi32, #tpu.memory_space<vmem>>, vector<1x16xi32>,
      %and3A_2026 = arith.constant 1 : i32
      %and3A_2027 = vector.broadcast %and3A_2026 : i32 to vector<16xi32>
      %and3A_2028 = arith.andi %get3A_2011, %and3A_2027 : vector<16xi32>
      %mul3A_2029 = arith.constant 64 : i32
      %mul3A_2030 = vector.broadcast %mul3A_2029 : i32 to vector<16xi32>
      %mul3A_2031 = arith.muli %and3A_2028, %mul3A_2030 : vector<16xi32>
      %add3A_2032 = arith.addi %mul3A_2031, %get3A_2016 : vector<16xi32>
      %swap3A_2033 = arith.constant 7 : i32
      %swap3A_2034 = arith.index_cast %swap3A_2033 : i32 to index
      %swap3A_2035 = arith.constant 96 : index
      %swap3A_2036 = tpu.vector_load %arg13[%swap3A_2034, %swap3A_2035] {strides = array<i32>} : memref<8x128xi32, #tpu.memory_space<vmem>>, vector<1x16xi32>,
      %swap3A_2037 = vector.shape_cast %swap3A_2036 : vector<1x16xi32> to vector<16xi32>
      %swap3A_2038 = vector.shape_cast %add3A_2032 : vector<16xi32> to vector<1x16xi32>
      tpu.vector_store %arg13[%swap3A_2034, %swap3A_2035], %swap3A_2038 {strides = array<i32>} : memref<8x128xi32, #tpu.memory_space<vmem>>, vector<1x16xi32>,
      %get3A_2039 = arith.constant 7 : i32
      %get3A_2040 = arith.index_cast %get3A_2039 : i32 to index
      %get3A_2041 = arith.constant 112 : index
      %get3A_2042 = tpu.vector_load %arg10[%get3A_2040, %get3A_2041] {strides = array<i32>} : memref<8x128xi32, #tpu.memory_space<vmem>>, vector<1x16xi32>,
      %get3A_2043 = vector.shape_cast %get3A_2042 : vector<1x16xi32> to vector<16xi32>
      %get3A_2044 = arith.constant 7 : i32
      %get3A_2045 = arith.index_cast %get3A_2044 : i32 to index
      %get3A_2046 = arith.constant 112 : index
      %get3A_2047 = tpu.vector_load %arg11[%get3A_2045, %get3A_2046] {strides = array<i32>} : memref<8x128xi32, #tpu.memory_space<vmem>>, vector<1x16xi32>,
      %get3A_2048 = vector.shape_cast %get3A_2047 : vector<1x16xi32> to vector<16xi32>
      %shift_right_arithmetic3A_2049 = arith.constant 1 : i32
      %shift_right_arithmetic3A_2050 = vector.broadcast %shift_right_arithmetic3A_2049 : i32 to vector<16xi32>
      %shift_right_arithmetic3A_2051 = arith.shrsi %get3A_2043, %shift_right_arithmetic3A_2050 : vector<16xi32>
      %swap3A_2052 = arith.constant 7 : i32
      %swap3A_2053 = arith.index_cast %swap3A_2052 : i32 to index
      %swap3A_2054 = arith.constant 112 : index
      %swap3A_2055 = tpu.vector_load %arg12[%swap3A_2053, %swap3A_2054] {strides = array<i32>} : memref<8x128xi32, #tpu.memory_space<vmem>>, vector<1x16xi32>,
      %swap3A_2056 = vector.shape_cast %swap3A_2055 : vector<1x16xi32> to vector<16xi32>
      %swap3A_2057 = vector.shape_cast %shift_right_arithmetic3A_2051 : vector<16xi32> to vector<1x16xi32>
      tpu.vector_store %arg12[%swap3A_2053, %swap3A_2054], %swap3A_2057 {strides = array<i32>} : memref<8x128xi32, #tpu.memory_space<vmem>>, vector<1x16xi32>,
      %and3A_2058 = arith.constant 1 : i32
      %and3A_2059 = vector.broadcast %and3A_2058 : i32 to vector<16xi32>
      %and3A_2060 = arith.andi %get3A_2043, %and3A_2059 : vector<16xi32>
      %mul3A_2061 = arith.constant 64 : i32
      %mul3A_2062 = vector.broadcast %mul3A_2061 : i32 to vector<16xi32>
      %mul3A_2063 = arith.muli %and3A_2060, %mul3A_2062 : vector<16xi32>
      %add3A_2064 = arith.addi %mul3A_2063, %get3A_2048 : vector<16xi32>
      %swap3A_2065 = arith.constant 7 : i32
      %swap3A_2066 = arith.index_cast %swap3A_2065 : i32 to index
      %swap3A_2067 = arith.constant 112 : index
      %swap3A_2068 = tpu.vector_load %arg13[%swap3A_2066, %swap3A_2067] {strides = array<i32>} : memref<8x128xi32, #tpu.memory_space<vmem>>, vector<1x16xi32>,
      %swap3A_2069 = vector.shape_cast %swap3A_2068 : vector<1x16xi32> to vector<16xi32>
      %swap3A_2070 = vector.shape_cast %add3A_2064 : vector<16xi32> to vector<1x16xi32>
      tpu.vector_store %arg13[%swap3A_2066, %swap3A_2067], %swap3A_2070 {strides = array<i32>} : memref<8x128xi32, #tpu.memory_space<vmem>>, vector<1x16xi32>,
      %dma_start3A = arith.constant 0 : i32
      %dma_start3A_2071 = arith.constant 0 : i32
      %dma_start3A_2072 = tpu.memref_slice %arg13[%dma_start3A, %dma_start3A_2071] : memref<8x128xi32, #tpu.memory_space<vmem>> -> memref<1x128xi32, #tpu.memory_space<vmem>>
      %dma_start3A_2073 = tpu.memref_squeeze %dma_start3A_2072 : memref<1x128xi32, #tpu.memory_space<vmem>> -> memref<128xi32, #tpu.memory_space<vmem>>
      %dma_start3A_2074 = arith.constant 0 : i32
      %dma_start3A_2075 = arith.constant 0 : i32
      %dma_start3A_2076 = tpu.memref_slice %arg7[%dma_start3A_2074, %dma_start3A_2075] : memref<128x128xf32, #tpu.memory_space<vmem_shared>> -> memref<128x128xf32, #tpu.memory_space<vmem_shared>>
      tpu.enqueue_indirect_dma source(%dma_start3A_2076 : memref<128x128xf32, #tpu.memory_space<vmem_shared>>) target(%arg8 : memref<128x128xf32, #tpu.memory_space<vmem>>) offsets(%dma_start3A_2073 : memref<128xi32, #tpu.memory_space<vmem>>) semaphore(%arg14 : memref<!tpu.dma_semaphore, #tpu.memory_space<semaphore_mem>>)
      %dma_start3A_2077 = arith.constant 1 : i32
      %dma_start3A_2078 = arith.constant 0 : i32
      %dma_start3A_2079 = tpu.memref_slice %arg13[%dma_start3A_2077, %dma_start3A_2078] : memref<8x128xi32, #tpu.memory_space<vmem>> -> memref<1x128xi32, #tpu.memory_space<vmem>>
      %dma_start3A_2080 = tpu.memref_squeeze %dma_start3A_2079 : memref<1x128xi32, #tpu.memory_space<vmem>> -> memref<128xi32, #tpu.memory_space<vmem>>
      %dma_start3A_2081 = arith.constant 0 : i32
      %dma_start3A_2082 = arith.constant 0 : i32
      %dma_start3A_2083 = tpu.memref_slice %arg7[%dma_start3A_2081, %dma_start3A_2082] : memref<128x128xf32, #tpu.memory_space<vmem_shared>> -> memref<128x128xf32, #tpu.memory_space<vmem_shared>>
      tpu.enqueue_indirect_dma source(%dma_start3A_2083 : memref<128x128xf32, #tpu.memory_space<vmem_shared>>) target(%arg9 : memref<128x128xf32, #tpu.memory_space<vmem>>) offsets(%dma_start3A_2080 : memref<128xi32, #tpu.memory_space<vmem>>) semaphore(%arg15 : memref<!tpu.dma_semaphore, #tpu.memory_space<semaphore_mem>>)
      %dma_wait3A = arith.constant 0 : i32
      %dma_wait3A_2084 = arith.constant 0 : i32
      %dma_wait3A_2085 = tpu.memref_slice %arg13[%dma_wait3A, %dma_wait3A_2084] : memref<8x128xi32, #tpu.memory_space<vmem>> -> memref<1x128xi32, #tpu.memory_space<vmem>>
      %dma_wait3A_2086 = tpu.memref_squeeze %dma_wait3A_2085 : memref<1x128xi32, #tpu.memory_space<vmem>> -> memref<128xi32, #tpu.memory_space<vmem>>
      %dma_wait3A_2087 = arith.constant 0 : i32
      %dma_wait3A_2088 = arith.constant 0 : i32
      %dma_wait3A_2089 = tpu.memref_slice %arg7[%dma_wait3A_2087, %dma_wait3A_2088] : memref<128x128xf32, #tpu.memory_space<vmem_shared>> -> memref<128x128xf32, #tpu.memory_space<vmem_shared>>
      tpu.wait_indirect_dma semaphore(%arg14 : memref<!tpu.dma_semaphore, #tpu.memory_space<semaphore_mem>>) src(%dma_wait3A_2089 : memref<128x128xf32, #tpu.memory_space<vmem_shared>>) dst(%arg8 : memref<128x128xf32, #tpu.memory_space<vmem>>)
      %run_scoped3A = arith.constant 0 : i32
      "tpu.region"() ({
        %run_scoped3A_2188 = tpu.sem_alloc : memref<!tpu.dma_semaphore, #tpu.memory_space<semaphore_mem>>
        %dma_start3A_2189 = arith.constant 0 : i32
        %dma_start3A_2190 = tpu.memref_slice %arg12[%run_scoped3A, %dma_start3A_2189] : memref<8x128xi32, #tpu.memory_space<vmem>> -> memref<1x128xi32, #tpu.memory_space<vmem>>
        %dma_start3A_2191 = tpu.memref_squeeze %dma_start3A_2190 : memref<1x128xi32, #tpu.memory_space<vmem>> -> memref<128xi32, #tpu.memory_space<vmem>>
        %dma_start3A_2192 = arith.constant 0 : i32
        %dma_start3A_2193 = arith.constant 0 : i32
        %dma_start3A_2194 = tpu.memref_slice %arg6[%dma_start3A_2192, %dma_start3A_2193] : memref<5120x128xf32, #tpu.memory_space<vmem_shared>> -> memref<5120x128xf32, #tpu.memory_space<vmem_shared>>
        tpu.enqueue_indirect_dma source(%arg8 : memref<128x128xf32, #tpu.memory_space<vmem>>) target(%dma_start3A_2194 : memref<5120x128xf32, #tpu.memory_space<vmem_shared>>) offsets(%dma_start3A_2191 : memref<128xi32, #tpu.memory_space<vmem>>) semaphore(%run_scoped3A_2188 : memref<!tpu.dma_semaphore, #tpu.memory_space<semaphore_mem>>) {add = true}
        %dma_wait3A_2195 = arith.constant 0 : i32
        %dma_wait3A_2196 = tpu.memref_slice %arg12[%run_scoped3A, %dma_wait3A_2195] : memref<8x128xi32, #tpu.memory_space<vmem>> -> memref<1x128xi32, #tpu.memory_space<vmem>>
        %dma_wait3A_2197 = tpu.memref_squeeze %dma_wait3A_2196 : memref<1x128xi32, #tpu.memory_space<vmem>> -> memref<128xi32, #tpu.memory_space<vmem>>
        %dma_wait3A_2198 = arith.constant 0 : i32
        %dma_wait3A_2199 = arith.constant 0 : i32
        %dma_wait3A_2200 = tpu.memref_slice %arg6[%dma_wait3A_2198, %dma_wait3A_2199] : memref<5120x128xf32, #tpu.memory_space<vmem_shared>> -> memref<5120x128xf32, #tpu.memory_space<vmem_shared>>
        tpu.wait_indirect_dma semaphore(%run_scoped3A_2188 : memref<!tpu.dma_semaphore, #tpu.memory_space<semaphore_mem>>) src(%arg8 : memref<128x128xf32, #tpu.memory_space<vmem>>) dst(%dma_wait3A_2200 : memref<5120x128xf32, #tpu.memory_space<vmem_shared>>)
        tpu.yield
      }) : () -> ()
      %dma_wait3A_2090 = arith.constant 1 : i32
      %dma_wait3A_2091 = arith.constant 0 : i32
      %dma_wait3A_2092 = tpu.memref_slice %arg13[%dma_wait3A_2090, %dma_wait3A_2091] : memref<8x128xi32, #tpu.memory_space<vmem>> -> memref<1x128xi32, #tpu.memory_space<vmem>>
      %dma_wait3A_2093 = tpu.memref_squeeze %dma_wait3A_2092 : memref<1x128xi32, #tpu.memory_space<vmem>> -> memref<128xi32, #tpu.memory_space<vmem>>
      %dma_wait3A_2094 = arith.constant 0 : i32
      %dma_wait3A_2095 = arith.constant 0 : i32
      %dma_wait3A_2096 = tpu.memref_slice %arg7[%dma_wait3A_2094, %dma_wait3A_2095] : memref<128x128xf32, #tpu.memory_space<vmem_shared>> -> memref<128x128xf32, #tpu.memory_space<vmem_shared>>
      tpu.wait_indirect_dma semaphore(%arg15 : memref<!tpu.dma_semaphore, #tpu.memory_space<semaphore_mem>>) src(%dma_wait3A_2096 : memref<128x128xf32, #tpu.memory_space<vmem_shared>>) dst(%arg9 : memref<128x128xf32, #tpu.memory_space<vmem>>)
      %run_scoped3A_2097 = arith.constant 1 : i32
      "tpu.region"() ({
        %run_scoped3A_2188 = tpu.sem_alloc : memref<!tpu.dma_semaphore, #tpu.memory_space<semaphore_mem>>
        %dma_start3A_2189 = arith.constant 0 : i32
        %dma_start3A_2190 = tpu.memref_slice %arg12[%run_scoped3A_2097, %dma_start3A_2189] : memref<8x128xi32, #tpu.memory_space<vmem>> -> memref<1x128xi32, #tpu.memory_space<vmem>>
        %dma_start3A_2191 = tpu.memref_squeeze %dma_start3A_2190 : memref<1x128xi32, #tpu.memory_space<vmem>> -> memref<128xi32, #tpu.memory_space<vmem>>
        %dma_start3A_2192 = arith.constant 0 : i32
        %dma_start3A_2193 = arith.constant 0 : i32
        %dma_start3A_2194 = tpu.memref_slice %arg6[%dma_start3A_2192, %dma_start3A_2193] : memref<5120x128xf32, #tpu.memory_space<vmem_shared>> -> memref<5120x128xf32, #tpu.memory_space<vmem_shared>>
        tpu.enqueue_indirect_dma source(%arg9 : memref<128x128xf32, #tpu.memory_space<vmem>>) target(%dma_start3A_2194 : memref<5120x128xf32, #tpu.memory_space<vmem_shared>>) offsets(%dma_start3A_2191 : memref<128xi32, #tpu.memory_space<vmem>>) semaphore(%run_scoped3A_2188 : memref<!tpu.dma_semaphore, #tpu.memory_space<semaphore_mem>>) {add = true}
        %dma_wait3A_2195 = arith.constant 0 : i32
        %dma_wait3A_2196 = tpu.memref_slice %arg12[%run_scoped3A_2097, %dma_wait3A_2195] : memref<8x128xi32, #tpu.memory_space<vmem>> -> memref<1x128xi32, #tpu.memory_space<vmem>>
        %dma_wait3A_2197 = tpu.memref_squeeze %dma_wait3A_2196 : memref<1x128xi32, #tpu.memory_space<vmem>> -> memref<128xi32, #tpu.memory_space<vmem>>
        %dma_wait3A_2198 = arith.constant 0 : i32
        %dma_wait3A_2199 = arith.constant 0 : i32
        %dma_wait3A_2200 = tpu.memref_slice %arg6[%dma_wait3A_2198, %dma_wait3A_2199] : memref<5120x128xf32, #tpu.memory_space<vmem_shared>> -> memref<5120x128xf32, #tpu.memory_space<vmem_shared>>
        tpu.wait_indirect_dma semaphore(%run_scoped3A_2188 : memref<!tpu.dma_semaphore, #tpu.memory_space<semaphore_mem>>) src(%arg9 : memref<128x128xf32, #tpu.memory_space<vmem>>) dst(%dma_wait3A_2200 : memref<5120x128xf32, #tpu.memory_space<vmem_shared>>)
        tpu.yield
      }) : () -> ()
      %dma_start3A_2098 = arith.constant 2 : i32
      %dma_start3A_2099 = arith.constant 0 : i32
      %dma_start3A_2100 = tpu.memref_slice %arg13[%dma_start3A_2098, %dma_start3A_2099] : memref<8x128xi32, #tpu.memory_space<vmem>> -> memref<1x128xi32, #tpu.memory_space<vmem>>
      %dma_start3A_2101 = tpu.memref_squeeze %dma_start3A_2100 : memref<1x128xi32, #tpu.memory_space<vmem>> -> memref<128xi32, #tpu.memory_space<vmem>>
      %dma_start3A_2102 = arith.constant 0 : i32
      %dma_start3A_2103 = arith.constant 0 : i32
      %dma_start3A_2104 = tpu.memref_slice %arg7[%dma_start3A_2102, %dma_start3A_2103] : memref<128x128xf32, #tpu.memory_space<vmem_shared>> -> memref<128x128xf32, #tpu.memory_space<vmem_shared>>
      tpu.enqueue_indirect_dma source(%dma_start3A_2104 : memref<128x128xf32, #tpu.memory_space<vmem_shared>>) target(%arg8 : memref<128x128xf32, #tpu.memory_space<vmem>>) offsets(%dma_start3A_2101 : memref<128xi32, #tpu.memory_space<vmem>>) semaphore(%arg14 : memref<!tpu.dma_semaphore, #tpu.memory_space<semaphore_mem>>)
      %dma_start3A_2105 = arith.constant 3 : i32
      %dma_start3A_2106 = arith.constant 0 : i32
      %dma_start3A_2107 = tpu.memref_slice %arg13[%dma_start3A_2105, %dma_start3A_2106] : memref<8x128xi32, #tpu.memory_space<vmem>> -> memref<1x128xi32, #tpu.memory_space<vmem>>
      %dma_start3A_2108 = tpu.memref_squeeze %dma_start3A_2107 : memref<1x128xi32, #tpu.memory_space<vmem>> -> memref<128xi32, #tpu.memory_space<vmem>>
      %dma_start3A_2109 = arith.constant 0 : i32
      %dma_start3A_2110 = arith.constant 0 : i32
      %dma_start3A_2111 = tpu.memref_slice %arg7[%dma_start3A_2109, %dma_start3A_2110] : memref<128x128xf32, #tpu.memory_space<vmem_shared>> -> memref<128x128xf32, #tpu.memory_space<vmem_shared>>
      tpu.enqueue_indirect_dma source(%dma_start3A_2111 : memref<128x128xf32, #tpu.memory_space<vmem_shared>>) target(%arg9 : memref<128x128xf32, #tpu.memory_space<vmem>>) offsets(%dma_start3A_2108 : memref<128xi32, #tpu.memory_space<vmem>>) semaphore(%arg15 : memref<!tpu.dma_semaphore, #tpu.memory_space<semaphore_mem>>)
      %dma_wait3A_2112 = arith.constant 2 : i32
      %dma_wait3A_2113 = arith.constant 0 : i32
      %dma_wait3A_2114 = tpu.memref_slice %arg13[%dma_wait3A_2112, %dma_wait3A_2113] : memref<8x128xi32, #tpu.memory_space<vmem>> -> memref<1x128xi32, #tpu.memory_space<vmem>>
      %dma_wait3A_2115 = tpu.memref_squeeze %dma_wait3A_2114 : memref<1x128xi32, #tpu.memory_space<vmem>> -> memref<128xi32, #tpu.memory_space<vmem>>
      %dma_wait3A_2116 = arith.constant 0 : i32
      %dma_wait3A_2117 = arith.constant 0 : i32
      %dma_wait3A_2118 = tpu.memref_slice %arg7[%dma_wait3A_2116, %dma_wait3A_2117] : memref<128x128xf32, #tpu.memory_space<vmem_shared>> -> memref<128x128xf32, #tpu.memory_space<vmem_shared>>
      tpu.wait_indirect_dma semaphore(%arg14 : memref<!tpu.dma_semaphore, #tpu.memory_space<semaphore_mem>>) src(%dma_wait3A_2118 : memref<128x128xf32, #tpu.memory_space<vmem_shared>>) dst(%arg8 : memref<128x128xf32, #tpu.memory_space<vmem>>)
      %run_scoped3A_2119 = arith.constant 2 : i32
      "tpu.region"() ({
        %run_scoped3A_2188 = tpu.sem_alloc : memref<!tpu.dma_semaphore, #tpu.memory_space<semaphore_mem>>
        %dma_start3A_2189 = arith.constant 0 : i32
        %dma_start3A_2190 = tpu.memref_slice %arg12[%run_scoped3A_2119, %dma_start3A_2189] : memref<8x128xi32, #tpu.memory_space<vmem>> -> memref<1x128xi32, #tpu.memory_space<vmem>>
        %dma_start3A_2191 = tpu.memref_squeeze %dma_start3A_2190 : memref<1x128xi32, #tpu.memory_space<vmem>> -> memref<128xi32, #tpu.memory_space<vmem>>
        %dma_start3A_2192 = arith.constant 0 : i32
        %dma_start3A_2193 = arith.constant 0 : i32
        %dma_start3A_2194 = tpu.memref_slice %arg6[%dma_start3A_2192, %dma_start3A_2193] : memref<5120x128xf32, #tpu.memory_space<vmem_shared>> -> memref<5120x128xf32, #tpu.memory_space<vmem_shared>>
        tpu.enqueue_indirect_dma source(%arg8 : memref<128x128xf32, #tpu.memory_space<vmem>>) target(%dma_start3A_2194 : memref<5120x128xf32, #tpu.memory_space<vmem_shared>>) offsets(%dma_start3A_2191 : memref<128xi32, #tpu.memory_space<vmem>>) semaphore(%run_scoped3A_2188 : memref<!tpu.dma_semaphore, #tpu.memory_space<semaphore_mem>>) {add = true}
        %dma_wait3A_2195 = arith.constant 0 : i32
        %dma_wait3A_2196 = tpu.memref_slice %arg12[%run_scoped3A_2119, %dma_wait3A_2195] : memref<8x128xi32, #tpu.memory_space<vmem>> -> memref<1x128xi32, #tpu.memory_space<vmem>>
        %dma_wait3A_2197 = tpu.memref_squeeze %dma_wait3A_2196 : memref<1x128xi32, #tpu.memory_space<vmem>> -> memref<128xi32, #tpu.memory_space<vmem>>
        %dma_wait3A_2198 = arith.constant 0 : i32
        %dma_wait3A_2199 = arith.constant 0 : i32
        %dma_wait3A_2200 = tpu.memref_slice %arg6[%dma_wait3A_2198, %dma_wait3A_2199] : memref<5120x128xf32, #tpu.memory_space<vmem_shared>> -> memref<5120x128xf32, #tpu.memory_space<vmem_shared>>
        tpu.wait_indirect_dma semaphore(%run_scoped3A_2188 : memref<!tpu.dma_semaphore, #tpu.memory_space<semaphore_mem>>) src(%arg8 : memref<128x128xf32, #tpu.memory_space<vmem>>) dst(%dma_wait3A_2200 : memref<5120x128xf32, #tpu.memory_space<vmem_shared>>)
        tpu.yield
      }) : () -> ()
      %dma_wait3A_2120 = arith.constant 3 : i32
      %dma_wait3A_2121 = arith.constant 0 : i32
      %dma_wait3A_2122 = tpu.memref_slice %arg13[%dma_wait3A_2120, %dma_wait3A_2121] : memref<8x128xi32, #tpu.memory_space<vmem>> -> memref<1x128xi32, #tpu.memory_space<vmem>>
      %dma_wait3A_2123 = tpu.memref_squeeze %dma_wait3A_2122 : memref<1x128xi32, #tpu.memory_space<vmem>> -> memref<128xi32, #tpu.memory_space<vmem>>
      %dma_wait3A_2124 = arith.constant 0 : i32
      %dma_wait3A_2125 = arith.constant 0 : i32
      %dma_wait3A_2126 = tpu.memref_slice %arg7[%dma_wait3A_2124, %dma_wait3A_2125] : memref<128x128xf32, #tpu.memory_space<vmem_shared>> -> memref<128x128xf32, #tpu.memory_space<vmem_shared>>
      tpu.wait_indirect_dma semaphore(%arg15 : memref<!tpu.dma_semaphore, #tpu.memory_space<semaphore_mem>>) src(%dma_wait3A_2126 : memref<128x128xf32, #tpu.memory_space<vmem_shared>>) dst(%arg9 : memref<128x128xf32, #tpu.memory_space<vmem>>)
      %run_scoped3A_2127 = arith.constant 3 : i32
      "tpu.region"() ({
        %run_scoped3A_2188 = tpu.sem_alloc : memref<!tpu.dma_semaphore, #tpu.memory_space<semaphore_mem>>
        %dma_start3A_2189 = arith.constant 0 : i32
        %dma_start3A_2190 = tpu.memref_slice %arg12[%run_scoped3A_2127, %dma_start3A_2189] : memref<8x128xi32, #tpu.memory_space<vmem>> -> memref<1x128xi32, #tpu.memory_space<vmem>>
        %dma_start3A_2191 = tpu.memref_squeeze %dma_start3A_2190 : memref<1x128xi32, #tpu.memory_space<vmem>> -> memref<128xi32, #tpu.memory_space<vmem>>
        %dma_start3A_2192 = arith.constant 0 : i32
        %dma_start3A_2193 = arith.constant 0 : i32
        %dma_start3A_2194 = tpu.memref_slice %arg6[%dma_start3A_2192, %dma_start3A_2193] : memref<5120x128xf32, #tpu.memory_space<vmem_shared>> -> memref<5120x128xf32, #tpu.memory_space<vmem_shared>>
        tpu.enqueue_indirect_dma source(%arg9 : memref<128x128xf32, #tpu.memory_space<vmem>>) target(%dma_start3A_2194 : memref<5120x128xf32, #tpu.memory_space<vmem_shared>>) offsets(%dma_start3A_2191 : memref<128xi32, #tpu.memory_space<vmem>>) semaphore(%run_scoped3A_2188 : memref<!tpu.dma_semaphore, #tpu.memory_space<semaphore_mem>>) {add = true}
        %dma_wait3A_2195 = arith.constant 0 : i32
        %dma_wait3A_2196 = tpu.memref_slice %arg12[%run_scoped3A_2127, %dma_wait3A_2195] : memref<8x128xi32, #tpu.memory_space<vmem>> -> memref<1x128xi32, #tpu.memory_space<vmem>>
        %dma_wait3A_2197 = tpu.memref_squeeze %dma_wait3A_2196 : memref<1x128xi32, #tpu.memory_space<vmem>> -> memref<128xi32, #tpu.memory_space<vmem>>
        %dma_wait3A_2198 = arith.constant 0 : i32
        %dma_wait3A_2199 = arith.constant 0 : i32
        %dma_wait3A_2200 = tpu.memref_slice %arg6[%dma_wait3A_2198, %dma_wait3A_2199] : memref<5120x128xf32, #tpu.memory_space<vmem_shared>> -> memref<5120x128xf32, #tpu.memory_space<vmem_shared>>
        tpu.wait_indirect_dma semaphore(%run_scoped3A_2188 : memref<!tpu.dma_semaphore, #tpu.memory_space<semaphore_mem>>) src(%arg9 : memref<128x128xf32, #tpu.memory_space<vmem>>) dst(%dma_wait3A_2200 : memref<5120x128xf32, #tpu.memory_space<vmem_shared>>)
        tpu.yield
      }) : () -> ()
      %dma_start3A_2128 = arith.constant 4 : i32
      %dma_start3A_2129 = arith.constant 0 : i32
      %dma_start3A_2130 = tpu.memref_slice %arg13[%dma_start3A_2128, %dma_start3A_2129] : memref<8x128xi32, #tpu.memory_space<vmem>> -> memref<1x128xi32, #tpu.memory_space<vmem>>
      %dma_start3A_2131 = tpu.memref_squeeze %dma_start3A_2130 : memref<1x128xi32, #tpu.memory_space<vmem>> -> memref<128xi32, #tpu.memory_space<vmem>>
      %dma_start3A_2132 = arith.constant 0 : i32
      %dma_start3A_2133 = arith.constant 0 : i32
      %dma_start3A_2134 = tpu.memref_slice %arg7[%dma_start3A_2132, %dma_start3A_2133] : memref<128x128xf32, #tpu.memory_space<vmem_shared>> -> memref<128x128xf32, #tpu.memory_space<vmem_shared>>
      tpu.enqueue_indirect_dma source(%dma_start3A_2134 : memref<128x128xf32, #tpu.memory_space<vmem_shared>>) target(%arg8 : memref<128x128xf32, #tpu.memory_space<vmem>>) offsets(%dma_start3A_2131 : memref<128xi32, #tpu.memory_space<vmem>>) semaphore(%arg14 : memref<!tpu.dma_semaphore, #tpu.memory_space<semaphore_mem>>)
      %dma_start3A_2135 = arith.constant 5 : i32
      %dma_start3A_2136 = arith.constant 0 : i32
      %dma_start3A_2137 = tpu.memref_slice %arg13[%dma_start3A_2135, %dma_start3A_2136] : memref<8x128xi32, #tpu.memory_space<vmem>> -> memref<1x128xi32, #tpu.memory_space<vmem>>
      %dma_start3A_2138 = tpu.memref_squeeze %dma_start3A_2137 : memref<1x128xi32, #tpu.memory_space<vmem>> -> memref<128xi32, #tpu.memory_space<vmem>>
      %dma_start3A_2139 = arith.constant 0 : i32
      %dma_start3A_2140 = arith.constant 0 : i32
      %dma_start3A_2141 = tpu.memref_slice %arg7[%dma_start3A_2139, %dma_start3A_2140] : memref<128x128xf32, #tpu.memory_space<vmem_shared>> -> memref<128x128xf32, #tpu.memory_space<vmem_shared>>
      tpu.enqueue_indirect_dma source(%dma_start3A_2141 : memref<128x128xf32, #tpu.memory_space<vmem_shared>>) target(%arg9 : memref<128x128xf32, #tpu.memory_space<vmem>>) offsets(%dma_start3A_2138 : memref<128xi32, #tpu.memory_space<vmem>>) semaphore(%arg15 : memref<!tpu.dma_semaphore, #tpu.memory_space<semaphore_mem>>)
      %dma_wait3A_2142 = arith.constant 4 : i32
      %dma_wait3A_2143 = arith.constant 0 : i32
      %dma_wait3A_2144 = tpu.memref_slice %arg13[%dma_wait3A_2142, %dma_wait3A_2143] : memref<8x128xi32, #tpu.memory_space<vmem>> -> memref<1x128xi32, #tpu.memory_space<vmem>>
      %dma_wait3A_2145 = tpu.memref_squeeze %dma_wait3A_2144 : memref<1x128xi32, #tpu.memory_space<vmem>> -> memref<128xi32, #tpu.memory_space<vmem>>
      %dma_wait3A_2146 = arith.constant 0 : i32
      %dma_wait3A_2147 = arith.constant 0 : i32
      %dma_wait3A_2148 = tpu.memref_slice %arg7[%dma_wait3A_2146, %dma_wait3A_2147] : memref<128x128xf32, #tpu.memory_space<vmem_shared>> -> memref<128x128xf32, #tpu.memory_space<vmem_shared>>
      tpu.wait_indirect_dma semaphore(%arg14 : memref<!tpu.dma_semaphore, #tpu.memory_space<semaphore_mem>>) src(%dma_wait3A_2148 : memref<128x128xf32, #tpu.memory_space<vmem_shared>>) dst(%arg8 : memref<128x128xf32, #tpu.memory_space<vmem>>)
      %run_scoped3A_2149 = arith.constant 4 : i32
      "tpu.region"() ({
        %run_scoped3A_2188 = tpu.sem_alloc : memref<!tpu.dma_semaphore, #tpu.memory_space<semaphore_mem>>
        %dma_start3A_2189 = arith.constant 0 : i32
        %dma_start3A_2190 = tpu.memref_slice %arg12[%run_scoped3A_2149, %dma_start3A_2189] : memref<8x128xi32, #tpu.memory_space<vmem>> -> memref<1x128xi32, #tpu.memory_space<vmem>>
        %dma_start3A_2191 = tpu.memref_squeeze %dma_start3A_2190 : memref<1x128xi32, #tpu.memory_space<vmem>> -> memref<128xi32, #tpu.memory_space<vmem>>
        %dma_start3A_2192 = arith.constant 0 : i32
        %dma_start3A_2193 = arith.constant 0 : i32
        %dma_start3A_2194 = tpu.memref_slice %arg6[%dma_start3A_2192, %dma_start3A_2193] : memref<5120x128xf32, #tpu.memory_space<vmem_shared>> -> memref<5120x128xf32, #tpu.memory_space<vmem_shared>>
        tpu.enqueue_indirect_dma source(%arg8 : memref<128x128xf32, #tpu.memory_space<vmem>>) target(%dma_start3A_2194 : memref<5120x128xf32, #tpu.memory_space<vmem_shared>>) offsets(%dma_start3A_2191 : memref<128xi32, #tpu.memory_space<vmem>>) semaphore(%run_scoped3A_2188 : memref<!tpu.dma_semaphore, #tpu.memory_space<semaphore_mem>>) {add = true}
        %dma_wait3A_2195 = arith.constant 0 : i32
        %dma_wait3A_2196 = tpu.memref_slice %arg12[%run_scoped3A_2149, %dma_wait3A_2195] : memref<8x128xi32, #tpu.memory_space<vmem>> -> memref<1x128xi32, #tpu.memory_space<vmem>>
        %dma_wait3A_2197 = tpu.memref_squeeze %dma_wait3A_2196 : memref<1x128xi32, #tpu.memory_space<vmem>> -> memref<128xi32, #tpu.memory_space<vmem>>
        %dma_wait3A_2198 = arith.constant 0 : i32
        %dma_wait3A_2199 = arith.constant 0 : i32
        %dma_wait3A_2200 = tpu.memref_slice %arg6[%dma_wait3A_2198, %dma_wait3A_2199] : memref<5120x128xf32, #tpu.memory_space<vmem_shared>> -> memref<5120x128xf32, #tpu.memory_space<vmem_shared>>
        tpu.wait_indirect_dma semaphore(%run_scoped3A_2188 : memref<!tpu.dma_semaphore, #tpu.memory_space<semaphore_mem>>) src(%arg8 : memref<128x128xf32, #tpu.memory_space<vmem>>) dst(%dma_wait3A_2200 : memref<5120x128xf32, #tpu.memory_space<vmem_shared>>)
        tpu.yield
      }) : () -> ()
      %dma_wait3A_2150 = arith.constant 5 : i32
      %dma_wait3A_2151 = arith.constant 0 : i32
      %dma_wait3A_2152 = tpu.memref_slice %arg13[%dma_wait3A_2150, %dma_wait3A_2151] : memref<8x128xi32, #tpu.memory_space<vmem>> -> memref<1x128xi32, #tpu.memory_space<vmem>>
      %dma_wait3A_2153 = tpu.memref_squeeze %dma_wait3A_2152 : memref<1x128xi32, #tpu.memory_space<vmem>> -> memref<128xi32, #tpu.memory_space<vmem>>
      %dma_wait3A_2154 = arith.constant 0 : i32
      %dma_wait3A_2155 = arith.constant 0 : i32
      %dma_wait3A_2156 = tpu.memref_slice %arg7[%dma_wait3A_2154, %dma_wait3A_2155] : memref<128x128xf32, #tpu.memory_space<vmem_shared>> -> memref<128x128xf32, #tpu.memory_space<vmem_shared>>
      tpu.wait_indirect_dma semaphore(%arg15 : memref<!tpu.dma_semaphore, #tpu.memory_space<semaphore_mem>>) src(%dma_wait3A_2156 : memref<128x128xf32, #tpu.memory_space<vmem_shared>>) dst(%arg9 : memref<128x128xf32, #tpu.memory_space<vmem>>)
      %run_scoped3A_2157 = arith.constant 5 : i32
      "tpu.region"() ({
        %run_scoped3A_2188 = tpu.sem_alloc : memref<!tpu.dma_semaphore, #tpu.memory_space<semaphore_mem>>
        %dma_start3A_2189 = arith.constant 0 : i32
        %dma_start3A_2190 = tpu.memref_slice %arg12[%run_scoped3A_2157, %dma_start3A_2189] : memref<8x128xi32, #tpu.memory_space<vmem>> -> memref<1x128xi32, #tpu.memory_space<vmem>>
        %dma_start3A_2191 = tpu.memref_squeeze %dma_start3A_2190 : memref<1x128xi32, #tpu.memory_space<vmem>> -> memref<128xi32, #tpu.memory_space<vmem>>
        %dma_start3A_2192 = arith.constant 0 : i32
        %dma_start3A_2193 = arith.constant 0 : i32
        %dma_start3A_2194 = tpu.memref_slice %arg6[%dma_start3A_2192, %dma_start3A_2193] : memref<5120x128xf32, #tpu.memory_space<vmem_shared>> -> memref<5120x128xf32, #tpu.memory_space<vmem_shared>>
        tpu.enqueue_indirect_dma source(%arg9 : memref<128x128xf32, #tpu.memory_space<vmem>>) target(%dma_start3A_2194 : memref<5120x128xf32, #tpu.memory_space<vmem_shared>>) offsets(%dma_start3A_2191 : memref<128xi32, #tpu.memory_space<vmem>>) semaphore(%run_scoped3A_2188 : memref<!tpu.dma_semaphore, #tpu.memory_space<semaphore_mem>>) {add = true}
        %dma_wait3A_2195 = arith.constant 0 : i32
        %dma_wait3A_2196 = tpu.memref_slice %arg12[%run_scoped3A_2157, %dma_wait3A_2195] : memref<8x128xi32, #tpu.memory_space<vmem>> -> memref<1x128xi32, #tpu.memory_space<vmem>>
        %dma_wait3A_2197 = tpu.memref_squeeze %dma_wait3A_2196 : memref<1x128xi32, #tpu.memory_space<vmem>> -> memref<128xi32, #tpu.memory_space<vmem>>
        %dma_wait3A_2198 = arith.constant 0 : i32
        %dma_wait3A_2199 = arith.constant 0 : i32
        %dma_wait3A_2200 = tpu.memref_slice %arg6[%dma_wait3A_2198, %dma_wait3A_2199] : memref<5120x128xf32, #tpu.memory_space<vmem_shared>> -> memref<5120x128xf32, #tpu.memory_space<vmem_shared>>
        tpu.wait_indirect_dma semaphore(%run_scoped3A_2188 : memref<!tpu.dma_semaphore, #tpu.memory_space<semaphore_mem>>) src(%arg9 : memref<128x128xf32, #tpu.memory_space<vmem>>) dst(%dma_wait3A_2200 : memref<5120x128xf32, #tpu.memory_space<vmem_shared>>)
        tpu.yield
      }) : () -> ()
      %dma_start3A_2158 = arith.constant 6 : i32
      %dma_start3A_2159 = arith.constant 0 : i32
      %dma_start3A_2160 = tpu.memref_slice %arg13[%dma_start3A_2158, %dma_start3A_2159] : memref<8x128xi32, #tpu.memory_space<vmem>> -> memref<1x128xi32, #tpu.memory_space<vmem>>
      %dma_start3A_2161 = tpu.memref_squeeze %dma_start3A_2160 : memref<1x128xi32, #tpu.memory_space<vmem>> -> memref<128xi32, #tpu.memory_space<vmem>>
      %dma_start3A_2162 = arith.constant 0 : i32
      %dma_start3A_2163 = arith.constant 0 : i32
      %dma_start3A_2164 = tpu.memref_slice %arg7[%dma_start3A_2162, %dma_start3A_2163] : memref<128x128xf32, #tpu.memory_space<vmem_shared>> -> memref<128x128xf32, #tpu.memory_space<vmem_shared>>
      tpu.enqueue_indirect_dma source(%dma_start3A_2164 : memref<128x128xf32, #tpu.memory_space<vmem_shared>>) target(%arg8 : memref<128x128xf32, #tpu.memory_space<vmem>>) offsets(%dma_start3A_2161 : memref<128xi32, #tpu.memory_space<vmem>>) semaphore(%arg14 : memref<!tpu.dma_semaphore, #tpu.memory_space<semaphore_mem>>)
      %dma_start3A_2165 = arith.constant 7 : i32
      %dma_start3A_2166 = arith.constant 0 : i32
      %dma_start3A_2167 = tpu.memref_slice %arg13[%dma_start3A_2165, %dma_start3A_2166] : memref<8x128xi32, #tpu.memory_space<vmem>> -> memref<1x128xi32, #tpu.memory_space<vmem>>
      %dma_start3A_2168 = tpu.memref_squeeze %dma_start3A_2167 : memref<1x128xi32, #tpu.memory_space<vmem>> -> memref<128xi32, #tpu.memory_space<vmem>>
      %dma_start3A_2169 = arith.constant 0 : i32
      %dma_start3A_2170 = arith.constant 0 : i32
      %dma_start3A_2171 = tpu.memref_slice %arg7[%dma_start3A_2169, %dma_start3A_2170] : memref<128x128xf32, #tpu.memory_space<vmem_shared>> -> memref<128x128xf32, #tpu.memory_space<vmem_shared>>
      tpu.enqueue_indirect_dma source(%dma_start3A_2171 : memref<128x128xf32, #tpu.memory_space<vmem_shared>>) target(%arg9 : memref<128x128xf32, #tpu.memory_space<vmem>>) offsets(%dma_start3A_2168 : memref<128xi32, #tpu.memory_space<vmem>>) semaphore(%arg15 : memref<!tpu.dma_semaphore, #tpu.memory_space<semaphore_mem>>)
      %dma_wait3A_2172 = arith.constant 6 : i32
      %dma_wait3A_2173 = arith.constant 0 : i32
      %dma_wait3A_2174 = tpu.memref_slice %arg13[%dma_wait3A_2172, %dma_wait3A_2173] : memref<8x128xi32, #tpu.memory_space<vmem>> -> memref<1x128xi32, #tpu.memory_space<vmem>>
      %dma_wait3A_2175 = tpu.memref_squeeze %dma_wait3A_2174 : memref<1x128xi32, #tpu.memory_space<vmem>> -> memref<128xi32, #tpu.memory_space<vmem>>
      %dma_wait3A_2176 = arith.constant 0 : i32
      %dma_wait3A_2177 = arith.constant 0 : i32
      %dma_wait3A_2178 = tpu.memref_slice %arg7[%dma_wait3A_2176, %dma_wait3A_2177] : memref<128x128xf32, #tpu.memory_space<vmem_shared>> -> memref<128x128xf32, #tpu.memory_space<vmem_shared>>
      tpu.wait_indirect_dma semaphore(%arg14 : memref<!tpu.dma_semaphore, #tpu.memory_space<semaphore_mem>>) src(%dma_wait3A_2178 : memref<128x128xf32, #tpu.memory_space<vmem_shared>>) dst(%arg8 : memref<128x128xf32, #tpu.memory_space<vmem>>)
      %run_scoped3A_2179 = arith.constant 6 : i32
      "tpu.region"() ({
        %run_scoped3A_2188 = tpu.sem_alloc : memref<!tpu.dma_semaphore, #tpu.memory_space<semaphore_mem>>
        %dma_start3A_2189 = arith.constant 0 : i32
        %dma_start3A_2190 = tpu.memref_slice %arg12[%run_scoped3A_2179, %dma_start3A_2189] : memref<8x128xi32, #tpu.memory_space<vmem>> -> memref<1x128xi32, #tpu.memory_space<vmem>>
        %dma_start3A_2191 = tpu.memref_squeeze %dma_start3A_2190 : memref<1x128xi32, #tpu.memory_space<vmem>> -> memref<128xi32, #tpu.memory_space<vmem>>
        %dma_start3A_2192 = arith.constant 0 : i32
        %dma_start3A_2193 = arith.constant 0 : i32
        %dma_start3A_2194 = tpu.memref_slice %arg6[%dma_start3A_2192, %dma_start3A_2193] : memref<5120x128xf32, #tpu.memory_space<vmem_shared>> -> memref<5120x128xf32, #tpu.memory_space<vmem_shared>>
        tpu.enqueue_indirect_dma source(%arg8 : memref<128x128xf32, #tpu.memory_space<vmem>>) target(%dma_start3A_2194 : memref<5120x128xf32, #tpu.memory_space<vmem_shared>>) offsets(%dma_start3A_2191 : memref<128xi32, #tpu.memory_space<vmem>>) semaphore(%run_scoped3A_2188 : memref<!tpu.dma_semaphore, #tpu.memory_space<semaphore_mem>>) {add = true}
        %dma_wait3A_2195 = arith.constant 0 : i32
        %dma_wait3A_2196 = tpu.memref_slice %arg12[%run_scoped3A_2179, %dma_wait3A_2195] : memref<8x128xi32, #tpu.memory_space<vmem>> -> memref<1x128xi32, #tpu.memory_space<vmem>>
        %dma_wait3A_2197 = tpu.memref_squeeze %dma_wait3A_2196 : memref<1x128xi32, #tpu.memory_space<vmem>> -> memref<128xi32, #tpu.memory_space<vmem>>
        %dma_wait3A_2198 = arith.constant 0 : i32
        %dma_wait3A_2199 = arith.constant 0 : i32
        %dma_wait3A_2200 = tpu.memref_slice %arg6[%dma_wait3A_2198, %dma_wait3A_2199] : memref<5120x128xf32, #tpu.memory_space<vmem_shared>> -> memref<5120x128xf32, #tpu.memory_space<vmem_shared>>
        tpu.wait_indirect_dma semaphore(%run_scoped3A_2188 : memref<!tpu.dma_semaphore, #tpu.memory_space<semaphore_mem>>) src(%arg8 : memref<128x128xf32, #tpu.memory_space<vmem>>) dst(%dma_wait3A_2200 : memref<5120x128xf32, #tpu.memory_space<vmem_shared>>)
        tpu.yield
      }) : () -> ()
      %dma_wait3A_2180 = arith.constant 7 : i32
      %dma_wait3A_2181 = arith.constant 0 : i32
      %dma_wait3A_2182 = tpu.memref_slice %arg13[%dma_wait3A_2180, %dma_wait3A_2181] : memref<8x128xi32, #tpu.memory_space<vmem>> -> memref<1x128xi32, #tpu.memory_space<vmem>>
      %dma_wait3A_2183 = tpu.memref_squeeze %dma_wait3A_2182 : memref<1x128xi32, #tpu.memory_space<vmem>> -> memref<128xi32, #tpu.memory_space<vmem>>
      %dma_wait3A_2184 = arith.constant 0 : i32
      %dma_wait3A_2185 = arith.constant 0 : i32
      %dma_wait3A_2186 = tpu.memref_slice %arg7[%dma_wait3A_2184, %dma_wait3A_2185] : memref<128x128xf32, #tpu.memory_space<vmem_shared>> -> memref<128x128xf32, #tpu.memory_space<vmem_shared>>
      tpu.wait_indirect_dma semaphore(%arg15 : memref<!tpu.dma_semaphore, #tpu.memory_space<semaphore_mem>>) src(%dma_wait3A_2186 : memref<128x128xf32, #tpu.memory_space<vmem_shared>>) dst(%arg9 : memref<128x128xf32, #tpu.memory_space<vmem>>)
      %run_scoped3A_2187 = arith.constant 7 : i32
      "tpu.region"() ({
        %run_scoped3A_2188 = tpu.sem_alloc : memref<!tpu.dma_semaphore, #tpu.memory_space<semaphore_mem>>
        %dma_start3A_2189 = arith.constant 0 : i32
        %dma_start3A_2190 = tpu.memref_slice %arg12[%run_scoped3A_2187, %dma_start3A_2189] : memref<8x128xi32, #tpu.memory_space<vmem>> -> memref<1x128xi32, #tpu.memory_space<vmem>>
        %dma_start3A_2191 = tpu.memref_squeeze %dma_start3A_2190 : memref<1x128xi32, #tpu.memory_space<vmem>> -> memref<128xi32, #tpu.memory_space<vmem>>
        %dma_start3A_2192 = arith.constant 0 : i32
        %dma_start3A_2193 = arith.constant 0 : i32
        %dma_start3A_2194 = tpu.memref_slice %arg6[%dma_start3A_2192, %dma_start3A_2193] : memref<5120x128xf32, #tpu.memory_space<vmem_shared>> -> memref<5120x128xf32, #tpu.memory_space<vmem_shared>>
        tpu.enqueue_indirect_dma source(%arg9 : memref<128x128xf32, #tpu.memory_space<vmem>>) target(%dma_start3A_2194 : memref<5120x128xf32, #tpu.memory_space<vmem_shared>>) offsets(%dma_start3A_2191 : memref<128xi32, #tpu.memory_space<vmem>>) semaphore(%run_scoped3A_2188 : memref<!tpu.dma_semaphore, #tpu.memory_space<semaphore_mem>>) {add = true}
        %dma_wait3A_2195 = arith.constant 0 : i32
        %dma_wait3A_2196 = tpu.memref_slice %arg12[%run_scoped3A_2187, %dma_wait3A_2195] : memref<8x128xi32, #tpu.memory_space<vmem>> -> memref<1x128xi32, #tpu.memory_space<vmem>>
        %dma_wait3A_2197 = tpu.memref_squeeze %dma_wait3A_2196 : memref<1x128xi32, #tpu.memory_space<vmem>> -> memref<128xi32, #tpu.memory_space<vmem>>
        %dma_wait3A_2198 = arith.constant 0 : i32
        %dma_wait3A_2199 = arith.constant 0 : i32
        %dma_wait3A_2200 = tpu.memref_slice %arg6[%dma_wait3A_2198, %dma_wait3A_2199] : memref<5120x128xf32, #tpu.memory_space<vmem_shared>> -> memref<5120x128xf32, #tpu.memory_space<vmem_shared>>
        tpu.wait_indirect_dma semaphore(%run_scoped3A_2188 : memref<!tpu.dma_semaphore, #tpu.memory_space<semaphore_mem>>) src(%arg9 : memref<128x128xf32, #tpu.memory_space<vmem>>) dst(%dma_wait3A_2200 : memref<5120x128xf32, #tpu.memory_space<vmem_shared>>)
        tpu.yield
      }) : () -> ()
    }
    %scan3A_19 = arith.constant 20 : i32
    %barrier3A_20 = arith.constant 0 : index
    tpu.barrier barrier_id(%barrier3A_20)
    "tpu.region"() ({
      %run_scoped3A = tpu.sem_alloc : memref<!tpu.dma_semaphore, #tpu.memory_space<semaphore_mem>>
      %dma_start3A = arith.constant 0 : i32
      %dma_start3A_21 = tpu.memref_slice %arg5[%arg0, %mul3A_6, %dma_start3A] : memref<2x5120x128xf32, #tpu.memory_space<hbm>> -> memref<1x320x128xf32, #tpu.memory_space<hbm>>
      %dma_start3A_22 = tpu.memref_squeeze %dma_start3A_21 : memref<1x320x128xf32, #tpu.memory_space<hbm>> -> memref<320x128xf32, #tpu.memory_space<hbm>>
      %dma_start3A_23 = arith.constant 0 : i32
      %dma_start3A_24 = tpu.memref_slice %arg6[%mul3A_6, %dma_start3A_23] : memref<5120x128xf32, #tpu.memory_space<vmem_shared>> -> memref<320x128xf32, #tpu.memory_space<vmem_shared>>
      tpu.enqueue_dma source(%dma_start3A_24 : memref<320x128xf32, #tpu.memory_space<vmem_shared>>) target(%dma_start3A_22 : memref<320x128xf32, #tpu.memory_space<hbm>>) target_semaphore(%run_scoped3A : memref<!tpu.dma_semaphore, #tpu.memory_space<semaphore_mem>>)
      %dma_wait3A = arith.constant 0 : i32
      %dma_wait3A_25 = tpu.memref_slice %arg5[%arg0, %mul3A_6, %dma_wait3A] : memref<2x5120x128xf32, #tpu.memory_space<hbm>> -> memref<1x320x128xf32, #tpu.memory_space<hbm>>
      %dma_wait3A_26 = tpu.memref_squeeze %dma_wait3A_25 : memref<1x320x128xf32, #tpu.memory_space<hbm>> -> memref<320x128xf32, #tpu.memory_space<hbm>>
      %dma_wait3A_27 = arith.constant 0 : i32
      %dma_wait3A_28 = tpu.memref_slice %arg6[%mul3A_6, %dma_wait3A_27] : memref<5120x128xf32, #tpu.memory_space<vmem_shared>> -> memref<320x128xf32, #tpu.memory_space<vmem_shared>>
      tpu.wait_dma2 semaphore(%run_scoped3A : memref<!tpu.dma_semaphore, #tpu.memory_space<semaphore_mem>>) src(%dma_wait3A_28 : memref<320x128xf32, #tpu.memory_space<vmem_shared>>) dst(%dma_wait3A_26 : memref<320x128xf32, #tpu.memory_space<hbm>>)
      tpu.yield
    }) : () -> ()
    return
  }
}

module attributes {stable_mosaic.version = 14 : i64} {
  func.func @_tc_body(%arg0: memref<10000x128xf32, #tpu.memory_space<vmem>>, %arg1: memref<2x10000x128xf32, #tpu.memory_space<vmem>>, %arg2: memref<2x10000x64xf32, #tpu.memory_space<vmem>>, %arg3: memref<64x128xf32, #tpu.memory_space<vmem>>, %arg4: memref<128x128xf32, #tpu.memory_space<vmem>>, %arg5: memref<128x128xf32, #tpu.memory_space<vmem>>, %arg6: memref<128x128xf32, #tpu.memory_space<vmem>>, %arg7: memref<128x128xf32, #tpu.memory_space<vmem>>, %arg8: memref<1x128xf32, #tpu.memory_space<vmem>>, %arg9: memref<1x128xf32, #tpu.memory_space<vmem>>, %arg10: memref<10000x128xf32, #tpu.memory_space<vmem>>, %arg11: memref<64x128xf32, #tpu.memory_space<vmem>>) attributes {dimension_semantics = [], scalar_prefetch = 0 : i64, scratch_operands = 0 : i64, tpu.core_type = #tpu.core_type<tc>} {
    %get3A = arith.constant 0 : index
    %get3A_0 = arith.constant 0 : index
    %get3A_1 = arith.constant 0 : index
    %get3A_2 = vector.load %arg2[%get3A, %get3A_0, %get3A_1] : memref<2x10000x64xf32, #tpu.memory_space<vmem>>, vector<1x10000x64xf32>
    %get3A_3 = vector.shape_cast %get3A_2 : vector<1x10000x64xf32> to vector<10000x64xf32>
    %get3A_4 = arith.constant 1 : index
    %get3A_5 = arith.constant 0 : index
    %get3A_6 = arith.constant 0 : index
    %get3A_7 = vector.load %arg2[%get3A_4, %get3A_5, %get3A_6] : memref<2x10000x64xf32, #tpu.memory_space<vmem>>, vector<1x10000x64xf32>
    %get3A_8 = vector.shape_cast %get3A_7 : vector<1x10000x64xf32> to vector<10000x64xf32>
    %get3A_9 = arith.constant 0 : index
    %get3A_10 = arith.constant 0 : index
    %get3A_11 = vector.load %arg3[%get3A_9, %get3A_10] : memref<64x128xf32, #tpu.memory_space<vmem>>, vector<64x128xf32>
    %get3A_12 = arith.constant 0 : index
    %get3A_13 = arith.constant 0 : index
    %get3A_14 = vector.load %arg4[%get3A_12, %get3A_13] : memref<128x128xf32, #tpu.memory_space<vmem>>, vector<128x128xf32>
    %dot_general3A = arith.constant dense<0.000000e+00> : vector<64x128xf32>
    %dot_general3A_15 = tpu.matmul %get3A_11, %get3A_14, %dot_general3A {dimension_numbers = #tpu.dot_dimension_numbers<[1], [1], [0], [0], [0, 0, 1, 0], [], []>, transpose_lhs_hint = false} : vector<64x128xf32>, vector<128x128xf32>, vector<64x128xf32> -> vector<64x128xf32>
    %get3A_16 = arith.constant 0 : index
    %get3A_17 = arith.constant 0 : index
    %get3A_18 = vector.load %arg3[%get3A_16, %get3A_17] : memref<64x128xf32, #tpu.memory_space<vmem>>, vector<64x128xf32>
    %get3A_19 = arith.constant 0 : index
    %get3A_20 = arith.constant 0 : index
    %get3A_21 = vector.load %arg5[%get3A_19, %get3A_20] : memref<128x128xf32, #tpu.memory_space<vmem>>, vector<128x128xf32>
    %dot_general3A_22 = arith.constant dense<0.000000e+00> : vector<64x128xf32>
    %dot_general3A_23 = tpu.matmul %get3A_18, %get3A_21, %dot_general3A_22 {dimension_numbers = #tpu.dot_dimension_numbers<[1], [1], [0], [0], [0, 0, 1, 0], [], []>, transpose_lhs_hint = false} : vector<64x128xf32>, vector<128x128xf32>, vector<64x128xf32> -> vector<64x128xf32>
    %get3A_24 = arith.constant 0 : index
    %get3A_25 = arith.constant 0 : index
    %get3A_26 = vector.load %arg0[%get3A_24, %get3A_25] : memref<10000x128xf32, #tpu.memory_space<vmem>>, vector<10000x128xf32>
    %get3A_27 = arith.constant 0 : index
    %get3A_28 = arith.constant 0 : index
    %get3A_29 = vector.load %arg6[%get3A_27, %get3A_28] : memref<128x128xf32, #tpu.memory_space<vmem>>, vector<128x128xf32>
    %dot_general3A_30 = arith.constant dense<0.000000e+00> : vector<10000x128xf32>
    %dot_general3A_31 = tpu.matmul %get3A_26, %get3A_29, %dot_general3A_30 {dimension_numbers = #tpu.dot_dimension_numbers<[1], [1], [0], [0], [0, 0, 1, 0], [], []>, transpose_lhs_hint = false} : vector<10000x128xf32>, vector<128x128xf32>, vector<10000x128xf32> -> vector<10000x128xf32>
    %get3A_32 = arith.constant 0 : index
    %get3A_33 = arith.constant 0 : index
    %get3A_34 = arith.constant 0 : index
    %get3A_35 = vector.load %arg1[%get3A_32, %get3A_33, %get3A_34] : memref<2x10000x128xf32, #tpu.memory_space<vmem>>, vector<1x10000x128xf32>
    %get3A_36 = vector.shape_cast %get3A_35 : vector<1x10000x128xf32> to vector<10000x128xf32>
    %get3A_37 = arith.constant 0 : index
    %get3A_38 = arith.constant 0 : index
    %get3A_39 = vector.load %arg4[%get3A_37, %get3A_38] : memref<128x128xf32, #tpu.memory_space<vmem>>, vector<128x128xf32>
    %dot_general3A_40 = arith.constant dense<0.000000e+00> : vector<10000x128xf32>
    %dot_general3A_41 = tpu.matmul %get3A_36, %get3A_39, %dot_general3A_40 {dimension_numbers = #tpu.dot_dimension_numbers<[1], [1], [0], [0], [0, 0, 1, 0], [], []>, transpose_lhs_hint = false} : vector<10000x128xf32>, vector<128x128xf32>, vector<10000x128xf32> -> vector<10000x128xf32>
    %add3A = arith.addf %dot_general3A_31, %dot_general3A_41 : vector<10000x128xf32>
    %get3A_42 = arith.constant 1 : index
    %get3A_43 = arith.constant 0 : index
    %get3A_44 = arith.constant 0 : index
    %get3A_45 = vector.load %arg1[%get3A_42, %get3A_43, %get3A_44] : memref<2x10000x128xf32, #tpu.memory_space<vmem>>, vector<1x10000x128xf32>
    %get3A_46 = vector.shape_cast %get3A_45 : vector<1x10000x128xf32> to vector<10000x128xf32>
    %get3A_47 = arith.constant 0 : index
    %get3A_48 = arith.constant 0 : index
    %get3A_49 = vector.load %arg5[%get3A_47, %get3A_48] : memref<128x128xf32, #tpu.memory_space<vmem>>, vector<128x128xf32>
    %dot_general3A_50 = arith.constant dense<0.000000e+00> : vector<10000x128xf32>
    %dot_general3A_51 = tpu.matmul %get3A_46, %get3A_49, %dot_general3A_50 {dimension_numbers = #tpu.dot_dimension_numbers<[1], [1], [0], [0], [0, 0, 1, 0], [], []>, transpose_lhs_hint = false} : vector<10000x128xf32>, vector<128x128xf32>, vector<10000x128xf32> -> vector<10000x128xf32>
    %add3A_52 = arith.addf %add3A, %dot_general3A_51 : vector<10000x128xf32>
    %dot_general3A_53 = arith.constant dense<0.000000e+00> : vector<10000x128xf32>
    %dot_general3A_54 = tpu.matmul %get3A_3, %dot_general3A_15, %dot_general3A_53 {dimension_numbers = #tpu.dot_dimension_numbers<[1], [0], [0], [1], [0, 0, 1, 1], [], []>, transpose_lhs_hint = false} : vector<10000x64xf32>, vector<64x128xf32>, vector<10000x128xf32> -> vector<10000x128xf32>
    %sub3A = arith.subf %add3A_52, %dot_general3A_54 : vector<10000x128xf32>
    %dot_general3A_55 = arith.constant dense<0.000000e+00> : vector<10000x128xf32>
    %dot_general3A_56 = tpu.matmul %get3A_8, %dot_general3A_23, %dot_general3A_55 {dimension_numbers = #tpu.dot_dimension_numbers<[1], [0], [0], [1], [0, 0, 1, 1], [], []>, transpose_lhs_hint = false} : vector<10000x64xf32>, vector<64x128xf32>, vector<10000x128xf32> -> vector<10000x128xf32>
    %sub3A_57 = arith.subf %sub3A, %dot_general3A_56 : vector<10000x128xf32>
    %reduce_sum3A = arith.constant dense<0.000000e+00> : vector<10000xf32>
    %reduce_sum3A_58 = vector.multi_reduction <add>, %get3A_3, %reduce_sum3A [1] : vector<10000x64xf32> to vector<10000xf32>
    %broadcast_in_dim3A = vector.shape_cast %reduce_sum3A_58 : vector<10000xf32> to vector<10000x1xf32>
    %reduce_sum3A_59 = arith.constant dense<0.000000e+00> : vector<10000xf32>
    %reduce_sum3A_60 = vector.multi_reduction <add>, %get3A_8, %reduce_sum3A_59 [1] : vector<10000x64xf32> to vector<10000xf32>
    %broadcast_in_dim3A_61 = vector.shape_cast %reduce_sum3A_60 : vector<10000xf32> to vector<10000x1xf32>
    %add3A_62 = arith.addf %broadcast_in_dim3A, %broadcast_in_dim3A_61 : vector<10000x1xf32>
    %max3A = arith.constant 1.000000e+00 : f32
    %max3A_63 = vector.broadcast %max3A : f32 to vector<10000x1xf32>
    %max3A_64 = arith.maximumf %add3A_62, %max3A_63 : vector<10000x1xf32>
    %div3A = vector.broadcast %max3A_64 : vector<10000x1xf32> to vector<10000x128xf32>
    %div3A_65 = arith.divf %sub3A_57, %div3A : vector<10000x128xf32>
    %reduce_sum3A_66 = arith.constant dense<0.000000e+00> : vector<128xf32>
    %reduce_sum3A_67 = vector.multi_reduction <add>, %div3A_65, %reduce_sum3A_66 [0] : vector<10000x128xf32> to vector<128xf32>
    %broadcast_in_dim3A_68 = vector.shape_cast %reduce_sum3A_67 : vector<128xf32> to vector<1x128xf32>
    %div3A_69 = arith.constant 1.000000e+04 : f32
    %div3A_70 = vector.broadcast %div3A_69 : f32 to vector<1x128xf32>
    %div3A_71 = arith.divf %broadcast_in_dim3A_68, %div3A_70 : vector<1x128xf32>
    %sub3A_72 = vector.broadcast %div3A_71 : vector<1x128xf32> to vector<10000x128xf32>
    %sub3A_73 = arith.subf %div3A_65, %sub3A_72 : vector<10000x128xf32>
    %mul3A = arith.mulf %sub3A_73, %sub3A_73 : vector<10000x128xf32>
    %reduce_sum3A_74 = arith.constant dense<0.000000e+00> : vector<128xf32>
    %reduce_sum3A_75 = vector.multi_reduction <add>, %mul3A, %reduce_sum3A_74 [0] : vector<10000x128xf32> to vector<128xf32>
    %broadcast_in_dim3A_76 = vector.shape_cast %reduce_sum3A_75 : vector<128xf32> to vector<1x128xf32>
    %div3A_77 = arith.constant 1.000000e+04 : f32
    %div3A_78 = vector.broadcast %div3A_77 : f32 to vector<1x128xf32>
    %div3A_79 = arith.divf %broadcast_in_dim3A_76, %div3A_78 : vector<1x128xf32>
    %add3A_80 = arith.constant 9.99999974E-6 : f32
    %add3A_81 = vector.broadcast %add3A_80 : f32 to vector<1x128xf32>
    %add3A_82 = arith.addf %div3A_79, %add3A_81 : vector<1x128xf32>
    %rsqrt3A = math.rsqrt %add3A_82 : vector<1x128xf32>
    %mul3A_83 = vector.broadcast %rsqrt3A : vector<1x128xf32> to vector<10000x128xf32>
    %mul3A_84 = arith.mulf %sub3A_73, %mul3A_83 : vector<10000x128xf32>
    %get3A_85 = arith.constant 0 : index
    %get3A_86 = arith.constant 0 : index
    %get3A_87 = vector.load %arg8[%get3A_85, %get3A_86] : memref<1x128xf32, #tpu.memory_space<vmem>>, vector<1x128xf32>
    %mul3A_88 = vector.broadcast %get3A_87 : vector<1x128xf32> to vector<10000x128xf32>
    %mul3A_89 = arith.mulf %mul3A_84, %mul3A_88 : vector<10000x128xf32>
    %get3A_90 = arith.constant 0 : index
    %get3A_91 = arith.constant 0 : index
    %get3A_92 = vector.load %arg9[%get3A_90, %get3A_91] : memref<1x128xf32, #tpu.memory_space<vmem>>, vector<1x128xf32>
    %add3A_93 = vector.broadcast %get3A_92 : vector<1x128xf32> to vector<10000x128xf32>
    %add3A_94 = arith.addf %mul3A_89, %add3A_93 : vector<10000x128xf32>
    %max3A_95 = arith.constant 0.000000e+00 : f32
    %max3A_96 = vector.broadcast %max3A_95 : f32 to vector<10000x128xf32>
    %max3A_97 = arith.maximumf %add3A_94, %max3A_96 : vector<10000x128xf32>
    %swap3A = arith.constant 0 : index
    %swap3A_98 = arith.constant 0 : index
    %swap3A_99 = vector.load %arg10[%swap3A, %swap3A_98] : memref<10000x128xf32, #tpu.memory_space<vmem>>, vector<10000x128xf32>
    tpu.vector_store %arg10[%swap3A, %swap3A_98], %max3A_97 {strides = array<i32>} : memref<10000x128xf32, #tpu.memory_space<vmem>>, vector<10000x128xf32>,
    %get3A_100 = arith.constant 0 : index
    %get3A_101 = arith.constant 0 : index
    %get3A_102 = vector.load %arg3[%get3A_100, %get3A_101] : memref<64x128xf32, #tpu.memory_space<vmem>>, vector<64x128xf32>
    %get3A_103 = arith.constant 0 : index
    %get3A_104 = arith.constant 0 : index
    %get3A_105 = vector.load %arg7[%get3A_103, %get3A_104] : memref<128x128xf32, #tpu.memory_space<vmem>>, vector<128x128xf32>
    %dot_general3A_106 = arith.constant dense<0.000000e+00> : vector<64x128xf32>
    %dot_general3A_107 = tpu.matmul %get3A_102, %get3A_105, %dot_general3A_106 {dimension_numbers = #tpu.dot_dimension_numbers<[1], [1], [0], [0], [0, 0, 1, 0], [], []>, transpose_lhs_hint = false} : vector<64x128xf32>, vector<128x128xf32>, vector<64x128xf32> -> vector<64x128xf32>
    %swap3A_108 = arith.constant 0 : index
    %swap3A_109 = arith.constant 0 : index
    %swap3A_110 = vector.load %arg11[%swap3A_108, %swap3A_109] : memref<64x128xf32, #tpu.memory_space<vmem>>, vector<64x128xf32>
    tpu.vector_store %arg11[%swap3A_108, %swap3A_109], %dot_general3A_107 {strides = array<i32>} : memref<64x128xf32, #tpu.memory_space<vmem>>, vector<64x128xf32>,
    return
  }
}

</mosaic_0001>

<sc_bundles>
// kernel: kernel.5.cloned.1.call-start
scs
__scs_entry_jumppad:
0x0: {  	(pc) =	sbr.rel $0x88, $3  }
0x1: {  	(tag) =	ssettag $0x0;
	lr =	simm.s32 $0x1  }
0x2: {  	[smem:$0x3F97] =	sst lr;
	_ =	strace $0xD0000000  }
0x3: {  	_ = 	snop  }
0x4: {  	_ = 	snop  }
0x5: {  	_ = 	snop  }
0x6: {  	_ = 	snop  }
0x7: {  	_ = 	snop  }
__scs_overlays_trampoline_lowered:
0x8: {  	[smem:$0x3FA6] =	sst s0  }
0x9: {  	[smem:$0x3FA7] =	sst s1  }
0xa: {  	[smem:$0x3FA8] =	sst s2  }
0xb: {  	[smem:$0x3FA9] =	sst s3  }
0xc: {  	[smem:$0x3FAA] =	sst s4  }
0xd: {  	[smem:$0x3FAB] =	sst s5  }
0xe: {  	[smem:$0x3FAC] =	sst s6  }
0xf: {  	[smem:$0x3FAD] =	sst s7  }
0x10: {  	[smem:$0x3FAE] =	sst s8  }
0x11: {  	[smem:$0x3FAF] =	sst s9;
	s0 =	simm.s32 @!p0 $0x0  }
0x12: {  	s1 =	sld [smem:$0x3F95];
	s0 =	simm.s32 @p0 $0x1  }
0x13: {  	[smem:$0x3FB0] =	sst s0;
	s0 =	simm.s32 @!p1 $0x0  }
0x14: {  	s2 =	sld [smem:$0x3F94];
	s0 =	simm.s32 @p1 $0x1  }
0x15: {  	[smem:$0x3FB1] =	sst s0;
	s0 =	simm.s32 @!p2 $0x0  }
0x16: {  	s3 =	sld [smem:$0x3FDB];
	s0 =	simm.s32 @p2 $0x1  }
0x17: {  	s4 =	simm.s32 $0x1BF5;
	[smem:$0x3FB3] =	sst s0  }
0x18: {  	s0 =	sld [smem:$0x3F96];
	_ =	swait.ge [sflag:s4], $0x0  }
0x19: {  	s7 =	sld [smem:$0x3F97]  }
0x1a: {  	s8 =	sadd.s32 $0xFFFFE003, lr  }
0x1b: {  	s9 =	sadd.s32 $0xFFFFFEF7, lr;
	s5 =	simm.s32 $0xFFFFFFFF;
	p2 =	slt.u32 s8, $0xFFFFF086  }
0x1c: {  	p1 =	slt.u32 s9, $0xF7A;
	s5 =	simm.s32 @!p2 $0x0  }
0x1d: {  	s5 =	simm.s32 @p1 $0x1;
	p0 =	seq.s32 s7, s2  }
0x1e: {  	s7 =	smul.u32 @!p0 $0xF7A, s2;
	p2 =	seq.s32 @!p0 s5, $0x0  }
0x1f: {  	s9 =	smul.u32 $0xF7A, s1;
	s8 =	simm.s32 @!p0 $0x1BF5;
	p2 =	por !p2, p0  }
0x20: {  	[sflag:s8] =	ssyncset.s32 @!p0 $0xFFFFF086;
	s6 =	sadd.s32 @!p0 s3, s7;
	s7 =	simm.s32 @!p0 $0x108  }
0x21: {  	s3 =	sadd.s32 s3, s9;
	s6 =	sadd.s32 @!p0 $0x88, s6;
	s7 =	simm.s32 @p2 $0x1082  }
0x22: {  	[simem:s7], [sflag:s8] =	dma.local @!p0 [hbm:s6], $0xF7A  }
0x23: {  	s9 =	sor.u32 $0xD0000000, s2;
	s6 =	simm.s32 $0x108;
	_ =	swait.ge @!p0 [sflag:s8], $0x0  }
0x24: {  	s3 =	sadd.s32 $0x88, s3;
	s6 =	simm.s32 @!p1 $0x1082;
	[sflag:s4] =	ssyncset.s32 $0xFFFFF086  }
0x25: {  	[simem:s6], [sflag:s4] =	dma.local [hbm:s3], $0xF7A  }
0x26: {  	[smem:$0x3F97] =	sst s1;
	(tag) =	ssettag s2;
	_ =	strace s9  }
0x27: {  	s1 =	sld [smem:$0x3FA7]  }
0x28: {  	s2 =	sld [smem:$0x3FA8]  }
0x29: {  	s4 =	sld [smem:$0x3FAA]  }
0x2a: {  	p0 =	seq.s32 s5, $0x0;
	s5 =	sld [smem:$0x3FAB]  }
0x2b: {  	s6 =	sld [smem:$0x3FAC]  }
0x2c: {  	s7 =	sld [smem:$0x3FAD]  }
0x2d: {  	s3 =	simm.s32 $0x108;
	s8 =	sld [smem:$0x3FAE]  }
0x2e: {  	s3 =	simm.s32 @!p0 $0x1082;
	s9 =	sld [smem:$0x3FAF]  }
0x2f: {  	lr =	sadd.s32 s0, s3;
	s0 =	sld [smem:$0x3FA6]  }
0x30: {  	s3 =	sld [smem:$0x3FA9]  }
0x31: {  	[smem:$0x3FB2] =	sst s10  }
0x32: {  	s10 =	sld [smem:$0x3FB0];
	_ =	sdelay $0x3  }
0x33: {  	p0 =	seq.s32 s10, $0x1;
	s10 =	sld [smem:$0x3FB2];
	_ =	sdelay $0x3  }
0x34: {  	[smem:$0x3FB2] =	sst s10  }
0x35: {  	s10 =	sld [smem:$0x3FB1];
	_ =	sdelay $0x3  }
0x36: {  	p1 =	seq.s32 s10, $0x1;
	s10 =	sld [smem:$0x3FB2];
	_ =	sdelay $0x3  }
0x37: {  	[smem:$0x3FB2] =	sst s10  }
0x38: {  	s10 =	sld [smem:$0x3FB3]  }
0x39: {  	_ = 	snop;
	(pc) =	sbr.ind lr, $3  }
0x3a: {  	_ = 	snop  }
0x3b: {  	_ = 	snop  }
0x3c: {  	p2 =	seq.s32 s10, $0x1;
	s10 =	sld [smem:$0x3FB2]  }
0x3d: {  	_ =	shalt  }
0x3e: {  	_ =	shalt  }
0x3f: {  	_ =	shalt  }
0x40: {  	_ =	shalt  }
0x41: {  	_ =	shalt  }
0x42: {  	_ =	shalt  }
0x43: {  	_ =	shalt  }
0x44: {  	_ =	shalt  }
0x45: {  	_ =	shalt  }
0x46: {  	_ =	shalt  }
0x47: {  	_ =	shalt  }
0x48: {  	_ =	shalt  }
0x49: {  	_ =	shalt  }
0x4a: {  	_ =	shalt  }
0x4b: {  	_ =	shalt  }
0x4c: {  	_ =	shalt  }
0x4d: {  	_ =	shalt  }
0x4e: {  	_ =	shalt  }
0x4f: {  	_ =	shalt  }
0x50: {  	_ =	shalt  }
0x51: {  	_ =	shalt  }
0x52: {  	_ =	shalt  }
0x53: {  	_ =	shalt  }
0x54: {  	_ =	shalt  }
0x55: {  	_ =	shalt  }
0x56: {  	_ =	shalt  }
0x57: {  	_ =	shalt  }
0x58: {  	_ =	shalt  }
0x59: {  	_ =	shalt  }
0x5a: {  	_ =	shalt  }
0x5b: {  	_ =	shalt  }
0x5c: {  	_ =	shalt  }
0x5d: {  	_ =	shalt  }
0x5e: {  	_ =	shalt  }
0x5f: {  	_ =	shalt  }
0x60: {  	_ =	shalt  }
0x61: {  	_ =	shalt  }
0x62: {  	_ =	shalt  }
0x63: {  	_ =	shalt  }
0x64: {  	_ =	shalt  }
0x65: {  	_ =	shalt  }
0x66: {  	_ =	shalt  }
0x67: {  	_ =	shalt  }
0x68: {  	_ =	shalt  }
0x69: {  	_ =	shalt  }
0x6a: {  	_ =	shalt  }
0x6b: {  	_ =	shalt  }
0x6c: {  	_ =	shalt  }
0x6d: {  	_ =	shalt  }
0x6e: {  	_ =	shalt  }
0x6f: {  	_ =	shalt  }
0x70: {  	_ =	shalt  }
0x71: {  	_ =	shalt  }
0x72: {  	_ =	shalt  }
0x73: {  	_ =	shalt  }
0x74: {  	_ =	shalt  }
0x75: {  	_ =	shalt  }
0x76: {  	_ =	shalt  }
0x77: {  	_ =	shalt  }
0x78: {  	_ =	shalt  }
0x79: {  	_ =	shalt  }
0x7a: {  	_ =	shalt  }
0x7b: {  	_ =	shalt  }
0x7c: {  	_ =	shalt  }
0x7d: {  	_ =	shalt  }
0x7e: {  	_ =	shalt  }
0x7f: {  	_ =	shalt  }
0x80: {  	_ =	shalt  }
0x81: {  	_ =	shalt  }
0x82: {  	_ =	shalt  }
0x83: {  	_ =	shalt  }
0x84: {  	_ =	shalt  }
0x85: {  	_ =	shalt  }
0x86: {  	_ =	shalt  }
0x87: {  	_ =	shalt  }
.Lfunc_end0:
.L_simem_size_0:
called_computation_lowered:
.L_overlay_start_0:
0x88: {  	s2 =	sld [smem:$0x3FD9]  }
0x89: {  	s3 =	sld [smem:$0x3FFE];
	_ =	sdelay $0x1  }
0x8a: {  	s1 =	srdreg.scid  }
0x8b: {  	s0 =	sand.u32 $0x1, s1  }
0x8c: {  	s15 =	sshll.u32 s0, $0xA;
	s2 =	sadd.s32 s3, s2  }
0x8d: {  	s2 =	sadd.s32 s2, s15  }
0x8e: {  	[smem:$0x3FBE] =	sst s2  }
0x8f: {  	_ = 	snop  }
0x90: {  	s16 =	sld [smem:$0x3FD0];
	_ =	sdelay $0x2  }
0x91: {  	s4 =	simm.s32 $0xB;
	s5 =	simm.s32 $0x10;
	s2 =	sld [smem:$0x3FC9]  }
0x92: {  	[smem:s5], [sflag:s4] =	dma.local [hbm:s16], $0x1  }
0x93: {  	_ =	swait.eq [sflag:s4], $0x1  }
0x94: {  	[sflag:s4] =	ssyncset.done $0x0  }
0x95: {  	[sflag:s4] =	ssyncadd.s32 $0xFFFFFFFF  }
0x96: {  	s17 =	sld [smem:$0x10];
	(tm) =	ssettm $0x1  }
0x97: {  	s18 =	sld [smem:$0x3FFB];
	_ =	sdelay $0x3  }
0x98: {  	_ =	strace s18  }
0x99: {  	s3 =	sld [smem:$0x3FFC];
	_ =	sdelay $0x3  }
0x9a: {  	_ =	strace s3  }
0x9b: {  	s3 =	sld [smem:$0x3FFD];
	_ =	sdelay $0x3  }
0x9c: {  	_ =	strace s3  }
0x9d: {  	_ =	strace $0x8FFFFFFF  }
0x9e: {  	s19 =	sld [smem:$0x3FDB];
	_ =	sdelay $0x1  }
0x9f: {  	s20 =	simm.s32 $_scs_section_size  }
0xa0: {  	s6 =	simm.s32 $_size__tile_overlayer_lowered;
	s7 =	simm.s32 $_tile_overlayer_lowered  }
0xa1: {  	s8 =	simm.s32 $0x1BFF;
	s21 =	sshll.u32 s7, $0x1;
	s5 =	sadd.s32 s20, s19  }
0xa2: {  	s22 =	simm.s32 $0x0;
	s6 =	sshll.u32 s6, $0x1;
	s7 =	sadd.s32 s21, s5  }
0xa3: {  	[timem:s22], [sflag:s8] =	dma.local [hbm:s7], s6  }
0xa4: {  	_ =	swait.ge [sflag:s8], s6  }
0xa5: {  	s6 =	ssub.s32 $0x0, s6;
	[sflag:s8] =	ssyncset.done $0x0  }
0xa6: {  	[sflag:s8] =	ssyncadd.s32 s6;
	_ =	sdelay $0x1  }
0xa7: {  	s23 =	simm.s32 $0x1B8B  }
0xa8: {  	_ =	swait.ge [sflag:s23], $0x1  }
0xa9: {  	[sflag:s23] =	ssyncset.done $0x0  }
0xaa: {  	[sflag:s23] =	ssyncadd.s32 $0xFFFFFFFF  }
0xab: {  	s6 =	sld [smem:$0x0]  }
0xac: {  	s7 =	sand.u32 $0xFFFFFFFE, s1  }
0xad: {  	p0 =	sne.s32 s1, s7  }
0xae: {  	s7 =	sshll.u32 @p0 s7, $0xE  }
0xaf: {  	s7 =	sadd.s32 @p0 $0x11B8D, s7;
	s8 =	sshll.u32 @p0 s6, $0x11  }
0xb0: {  	s7 =	sor.u32 @p0 s8, s7  }
0xb1: {  	[sflag:s7] =	ssyncadd.remote.s32 @p0 $0x1;
	_ =	sdelay $0x1  }
0xb2: {  	s7 =	simm.s32 @p0 $0x1B8D  }
0xb3: {  	_ =	swait.eq @p0 [sflag:s7], $0x1  }
0xb4: {  	[sflag:s7] =	ssyncadd.s32 @p0 $0xFFFFFFFF  }
0xb5: {  	s8 =	sshll.u32 @!p0 s1, $0xE  }
0xb6: {  	s8 =	sor.u32 @!p0 $0x4000, s8;
	s7 =	simm.s32 @!p0 $0x1B8D  }
0xb7: {  	s6 =	sshll.u32 @!p0 s6, $0x11;
	s8 =	sadd.s32 @!p0 $0x11B8D, s8;
	_ =	swait.eq @!p0 [sflag:s7], $0x1  }
0xb8: {  	s6 =	sor.u32 @!p0 s6, s8;
	[sflag:s7] =	ssyncadd.s32 @!p0 $0xFFFFFFFF  }
0xb9: {  	s25 =	simm.s32 $0x1B8E;
	s24 =	sld [smem:$0x3FFE];
	[sflag:s6] =	ssyncadd.remote.s32 @!p0 $0x1  }
0xba: {  	s26 =	simm.s32 $execute0_lowered;
	[smem:$0x3FD2] =	sst s25  }
0xbb: {  	s7 =	sshll.u32 s26, $0x1;
	_ =	strace $0x80000049;
	[dreg:$0x1] =	wrdreg $0xFFFFFFFF  }
0xbc: {  	s28 =	simm.s32 $_size_execute0_lowered;
	s5 =	sadd.s32 s5, s7;
	[dreg:$0x0] =	wrdreg $0x0  }
0xbd: {  	s7 =	sshll.u32 s28, $0x1;
	[dreg:$0x2] =	wrdreg s5  }
0xbe: {  	[dreg:$0x3] =	wrdreg s7  }
0xbf: {  	[dreg:$0x4] =	wrdreg $0xC0  }
0xc0: {  	_ =	task [dreg:s22], $0x5FFFF  }
0xc1: {  	[dreg:$0x1] =	wrdreg $0xFFFFFFFF  }
0xc2: {  	[dreg:$0x0] =	wrdreg $0x60  }
0xc3: {  	[dreg:$0x2] =	wrdreg s17  }
0xc4: {  	[dreg:$0x3] =	wrdreg s24  }
0xc5: {  	[dreg:$0x4] =	wrdreg s2  }
0xc6: {  	[dreg:$0x5] =	wrdreg $0x0  }
0xc7: {  	[dreg:$0x6] =	wrdreg $0x9  }
0xc8: {  	_ =	task.clear_ibuf [dreg:s22], $0x7FFFF;
	_ =	strace $0x90000049  }
0xc9: {  	s29 =	simm.s32 $0x9;
	_ =	strace $0x8000004B  }
0xca: {  	_ =	swait.ge [sflag:s29], $0x1  }
0xcb: {  	[sflag:s29] =	ssyncadd.s32 $0xFFFFFFFF  }
0xcc: {  	_ =	strace $0x9000004B  }
0xcd: {  	_ =	sfence  }
0xce: {  	s30 =	sld [smem:$0x0];
	_ =	sdelay $0x2  }
0xcf: {  	s31 =	sshll.u32 s1, $0xD;
	s1 =	sshrl.u32 s1, $0x2  }
0xd0: {  	s4 =	sand.u32 $0x4000, s31;
	s1 =	sadd.s32 s1, s30  }
0xd1: {  	s0 =	sor.u32 s4, s0;
	s1 =	sshll.u32 s1, $0x11  }
0xd2: {  	s0 =	sor.u32 s1, s0  }
0xd3: {  	s0 =	sadd.s32 $0x8F2B, s0  }
0xd4: {  	[sflag:s0] =	ssyncadd.remote.s32 $0x1  }
0xd5: {  	_ =	sfence.sel $0xFFFF  }
0xd6: {  	[dreg:$0x0] =	wrdreg $0xFFFFFFFF;
	(pc) =	sbr.abs _section_cstart, $3  }
0xd7: {  	[dreg:$0x1] =	wrdreg $0xFFFFFFFF  }
0xd8: {  	_ =	task.clear_ibuf [dreg:s22], $0x2FFFF;
	_ =	strace $0x9FFFFFFF  }
0xd9: {  	(tm) =	ssettm $0x7FFFFFFF  }
tec
execute0_lowered:
.L_overlay_start_1:
0x0: {  	(tag) =	ssettag $0x1  }
0x1: {  	s0 =	rddreg [dreg:$0x0]  }
0x2: {  	s1 =	rddreg [dreg:$0x1]  }
0x3: {  	s2 =	rddreg [dreg:$0x2];
	s4 =	srdreg.scid  }
0x4: {  	s3 =	rddreg [dreg:$0x3];
	s11 =	stileid.u32  }
0x5: {  	s28 =	simm.s32 $0x1BD80;
	s29 =	simm.s32 $0x1BA00;
	s30 =	simm.s32 $0x1BA80  }
0x6: {  	s31 =	simm.s32 $0x1BE00;
	s12 =	simm.s32 $0x1C000;
	s6 =	sand.u32 $0x1, s4  }
0x7: {  	s4 =	simm.s32 $0x0;
	s7 =	sshll.u32 s11, $0xA;
	s13 =	smul.u32 $0x50000, s11  }
0x8: {  	s18 =	smul.u32 $0x14000, s11;
	s20 =	sadd.s32 $0x12C000, s3;
	s21 =	sadd.s32 $0x130000, s3  }
0x9: {  	s22 =	sadd.s32 $0x134000, s3;
	s23 =	sadd.s32 $0x138000, s3;
	[smem:$0x7FF] =	sst s4  }
0xa: {  	p0 =	seq.s32 s11, $0xF;
	_ =	strace $0x8000004A;
	[dreg:$0xb] =	wrdreg s20  }
0xb: {  	s11 =	simm.s32 $0x1BC80;
	s5 =	smul.u32 $0x50000, s6;
	[dreg:$0xc] =	wrdreg s21  }
0xc: {  	s10 =	ssub.s32 $0x2, s6;
	s6 =	smul.u32 $0x138800, s6;
	[dreg:$0xd] =	wrdreg s22  }
0xd: {  	s14 =	sshrl.u32 s13, $0x2;
	s15 =	sshrl.u32 s10, $0x1;
	[dreg:$0xe] =	wrdreg s23  }
0xe: {  	s20 =	simm.s32 $0x1BD00;
	s21 =	simm.s32 $0x80;
	s22 =	simm.s32 $0x13900  }
0xf: {  	s23 =	simm.s32 $0x1B980;
	s13 =	simm.s32 $0x1C080;
	s5 =	sor.u32 s7, s5  }
0x10: {  	s14 =	sadd.s32 s14, s3;
	s7 =	ssub.s32 s10, s15;
	s10 =	sadd.s32 s18, s6  }
0x11: {  	s6 =	sshrl.u32 s6, $0x3;
	s18 =	simm.s32 $0x1B900;
	s15 =	simm.s32 $0x0  }
0x12: {  	s8 =	sshrl.u32 s5, $0x3;
	s5 =	sadd.s32 $0x4000, s14;
	[dreg:$0x6] =	wrdreg s14  }
0x13: {  	s16 =	sadd.s32 $0x8000, s14;
	s17 =	sadd.s32 $0xC000, s14;
	[dreg:$0x7] =	wrdreg s5  }
0x14: {  	s19 =	sadd.s32 $0x10000, s14;
	s10 =	sshrl.u32 s10, $0x3;
	[dreg:$0x8] =	wrdreg s16  }
0x15: {  	s26 =	smax.u32 s7, $0x1;
	s7 =	simm.s32 $0x1BF00;
	[dreg:$0x9] =	wrdreg s17  }
0x16: {  	s9 =	sadd.s32 s8, s1;
	s1 =	sadd.s32 $0x48400, s1;
	[dreg:$0xa] =	wrdreg s19  }
0x17: {  	[dreg:$0x11] =	wrdreg s26;
	s17 =	sadd.s32 s8, s0;
	s19 =	simm.s32 $0x3  }
0x18: {  	s26 =	simm.s32 $0x2;
	s0 =	simm.s32 $0x1BE80;
	s8 =	simm.s32 $0x1BF80  }
0x19: {  	s6 =	sadd.s32 s1, s6;
	s1 =	sadd.s32 s1, s10;
	s25 =	sadd.s32 $0xC400, s9  }
0x1a: {  	s9 =	simm.s32 $0x1BC00;
	[dreg:$0xf] =	wrdreg s1;
	s24 =	sadd.s32 $0x25800, s6  }
0x1b: {  	[dreg:$0x5] =	wrdreg s25;
	s25 =	simm.s32 $0x1;
	s1 =	simm.s32 $0x1BB00  }
0x1c: {  	v0 =	vimm.f32 $0.0e+00;
	s6 =	simm.s32 $0x1BB80;
	[dreg:$0x10] =	wrdreg s24;
	s24 =	simm.s32 $0x17900  }
.LBB2_1:
0x1d: {  	[dreg:$0x12] =	wrdreg s15;
	s15 =	simm.s32 $0x0;
	s16 =	simm.s32 $0x200  }
.LBB2_2:
0x1e: {  	p1 =	sne.s32 s16, $0xFE00;
	[tilespmem:s15+$0x13970] =	vst v0  }
0x1f: {  	[tilespmem:s15+$0x13900] =	vst v0  }
0x20: {  	[tilespmem:s15+$0x13910] =	vst v0  }
.Ltmp0:
0x21: {  	[tilespmem:s15+$0x13920] =	vst v0;
	(pc) =	sbr.rel @p1 .LBB2_2-.Ltmp0, $4  }
0x22: {  	[tilespmem:s15+$0x13930] =	vst v0  }
0x23: {  	[tilespmem:s15+$0x13940] =	vst v0  }
0x24: {  	[tilespmem:s15+$0x13950] =	vst v0  }
0x25: {  	[tilespmem:s15+$0x13960] =	vst v0;
	s15 =	sshra.s32 s16, $0x2;
	s16 =	sadd.s32 $0x200, s16  }
0x26: {  	[tilespmem:s15+$0x13970] =	vst v0  }
0x27: {  	[tilespmem:s15+$0x13900] =	vst v0  }
0x28: {  	[tilespmem:s15+$0x13910] =	vst v0  }
0x29: {  	[tilespmem:s15+$0x13920] =	vst v0  }
0x2a: {  	[tilespmem:s15+$0x13930] =	vst v0  }
0x2b: {  	[tilespmem:s15+$0x13940] =	vst v0  }
0x2c: {  	[tilespmem:s15+$0x13950] =	vst v0  }
0x2d: {  	[tilespmem:s15+$0x13960] =	vst v0;
	s10 =	simm.s32 @p0 $0x13900;
	s5 =	rddreg [dreg:$0xb];
	s15 =	simm.s32 @p0 $0x3  }
0x2e: {  	[spmem:s5] =	stream.linear.scatter @p0 [tilespmem:s10], [sflag:$0x3], $0x4000, $0x38;
	[tilespmem:$0x1C100] =	vst v63  }
0x2f: {  	_ =	swait.ge @p0 [sflag:s15], $0x4000  }
0x30: {  	[sflag:s15] =	ssyncset.done @p0 $0x0  }
0x31: {  	s5 =	rddreg [dreg:$0xc];
	[sflag:s15] =	ssyncadd.s32 @p0 $0xFFFFC000  }
0x32: {  	[spmem:s5] =	stream.linear.scatter @p0 [tilespmem:s10], [sflag:$0x3], $0x4000, $0x38;
	[tilespmem:$0x1C100] =	vst v63  }
0x33: {  	_ =	swait.ge @p0 [sflag:s15], $0x4000  }
0x34: {  	[sflag:s15] =	ssyncset.done @p0 $0x0  }
0x35: {  	s5 =	rddreg [dreg:$0xd];
	[sflag:s15] =	ssyncadd.s32 @p0 $0xFFFFC000  }
0x36: {  	[spmem:s5] =	stream.linear.scatter @p0 [tilespmem:s10], [sflag:$0x3], $0x4000, $0x38;
	[tilespmem:$0x1C100] =	vst v63  }
0x37: {  	_ =	swait.ge @p0 [sflag:s15], $0x4000  }
0x38: {  	[sflag:s15] =	ssyncset.done @p0 $0x0  }
0x39: {  	s5 =	rddreg [dreg:$0xe];
	[sflag:s15] =	ssyncadd.s32 @p0 $0xFFFFC000  }
0x3a: {  	[spmem:s5] =	stream.linear.scatter @p0 [tilespmem:s10], [sflag:$0x3], $0x1000, $0x38;
	[tilespmem:$0x1C100] =	vst v63  }
0x3b: {  	_ =	swait.ge @p0 [sflag:s15], $0x1000  }
0x3c: {  	[sflag:s15] =	ssyncset.done @p0 $0x0  }
0x3d: {  	s10 =	simm.s32 @!p0 $0x13900;
	[sflag:s15] =	ssyncadd.s32 @p0 $0xFFFFF000;
	s15 =	simm.s32 @!p0 $0x3  }
0x3e: {  	[spmem:s14] =	stream.linear.scatter @!p0 [tilespmem:s10], [sflag:$0x3], $0x4000, $0x38;
	[tilespmem:$0x1C100] =	vst v63  }
0x3f: {  	_ =	swait.ge @!p0 [sflag:s15], $0x4000  }
0x40: {  	[sflag:s15] =	ssyncset.done @!p0 $0x0  }
0x41: {  	s5 =	rddreg [dreg:$0x7];
	[sflag:s15] =	ssyncadd.s32 @!p0 $0xFFFFC000  }
0x42: {  	[spmem:s5] =	stream.linear.scatter @!p0 [tilespmem:s10], [sflag:$0x3], $0x4000, $0x38;
	[tilespmem:$0x1C100] =	vst v63  }
0x43: {  	_ =	swait.ge @!p0 [sflag:s15], $0x4000  }
0x44: {  	[sflag:s15] =	ssyncset.done @!p0 $0x0  }
0x45: {  	s5 =	rddreg [dreg:$0x8];
	[sflag:s15] =	ssyncadd.s32 @!p0 $0xFFFFC000  }
0x46: {  	[spmem:s5] =	stream.linear.scatter @!p0 [tilespmem:s10], [sflag:$0x3], $0x4000, $0x38;
	[tilespmem:$0x1C100] =	vst v63  }
0x47: {  	_ =	swait.ge @!p0 [sflag:s15], $0x4000  }
0x48: {  	[sflag:s15] =	ssyncset.done @!p0 $0x0  }
0x49: {  	s5 =	rddreg [dreg:$0x9];
	[sflag:s15] =	ssyncadd.s32 @!p0 $0xFFFFC000  }
0x4a: {  	[spmem:s5] =	stream.linear.scatter @!p0 [tilespmem:s10], [sflag:$0x3], $0x4000, $0x38;
	[tilespmem:$0x1C100] =	vst v63  }
0x4b: {  	_ =	swait.ge @!p0 [sflag:s15], $0x4000  }
0x4c: {  	[sflag:s15] =	ssyncset.done @!p0 $0x0  }
0x4d: {  	s5 =	rddreg [dreg:$0xa];
	[sflag:s15] =	ssyncadd.s32 @!p0 $0xFFFFC000  }
0x4e: {  	[spmem:s5] =	stream.linear.scatter @!p0 [tilespmem:s10], [sflag:$0x3], $0x4000, $0x38;
	[tilespmem:$0x1C100] =	vst v63  }
0x4f: {  	_ =	swait.ge @!p0 [sflag:s15], $0x4000  }
0x50: {  	[sflag:s15] =	ssyncset.done @!p0 $0x0  }
0x51: {  	[sflag:s15] =	ssyncadd.s32 @!p0 $0xFFFFC000  }
0x52: {  	s15 =	sadd.s32 $0x0, s17;
	[bflag:$0x0] =	sbarrier.arrive $0xFFFF  }
0x53: {  	[tilespmem:s18], [sflag:$0x3] =	stream.linear.gather [hbm4b:s15+s4], $0x400, $0x38;
	[tilespmem:$0x1C100] =	vst v63  }
0x54: {  	_ =	swait.ge [sflag:s19], $0x400  }
0x55: {  	s16 =	rddreg [dreg:$0x5];
	[sflag:s19] =	ssyncset.done $0x0  }
0x56: {  	[sflag:s19] =	ssyncadd.s32 $0xFFFFFC00;
	s10 =	sadd.s32 $0x0, s16  }
0x57: {  	[tilespmem:s20], [sflag:$0x3] =	stream.linear.gather [hbm4b:s10+s4], $0x400, $0x38;
	[tilespmem:$0x1C100] =	vst v63  }
0x58: {  	_ =	swait.ge [sflag:s19], $0x400  }
0x59: {  	[sflag:s19] =	ssyncset.done $0x0  }
0x5a: {  	[sflag:s19] =	ssyncadd.s32 $0xFFFFFC00  }
0x5b: {  	[tilespmem:s22], [sflag:$0x1] =	stream.indirect.gather [hbm4b:s2+s21], $0x80, s18, s21, $0xb8;
	[tilespmem:$0x1C100] =	vst v63  }
0x5c: {  	_ = 	snop  }
0x5d: {  	[tilespmem:s24], [sflag:$0x2] =	stream.indirect.gather [hbm4b:s2+s21], $0x80, s23, s21, $0xb8;
	[tilespmem:$0x1C100] =	vst v63  }
0x5e: {  	_ =	swait.ge [sflag:s25], $0x4000  }
0x5f: {  	[sflag:s25] =	ssyncset.done $0x0  }
0x60: {  	[sflag:s25] =	ssyncadd.s32 $0xFFFFC000  }
0x61: {  	[spmem:s3] =	stream.indirect.scatter.add.f32 [tilespmem:s22], [sflag:$0x3], $0x80, s20, s21, $0xb8;
	[tilespmem:$0x1C100] =	vst v63  }
0x62: {  	_ =	swait.ge [sflag:s19], $0x4000  }
0x63: {  	[sflag:s19] =	ssyncset.done $0x0  }
0x64: {  	[sflag:s19] =	ssyncadd.s32 $0xFFFFC000  }
0x65: {  	_ =	swait.ge [sflag:s26], $0x4000  }
0x66: {  	[sflag:s26] =	ssyncset.done $0x0  }
0x67: {  	[sflag:s26] =	ssyncadd.s32 $0xFFFFC000  }
0x68: {  	[spmem:s3] =	stream.indirect.scatter.add.f32 [tilespmem:s24], [sflag:$0x3], $0x80, s28, s21, $0xb8;
	[tilespmem:$0x1C100] =	vst v63  }
0x69: {  	_ =	swait.ge [sflag:s19], $0x4000  }
0x6a: {  	[sflag:s19] =	ssyncset.done $0x0  }
0x6b: {  	[sflag:s19] =	ssyncadd.s32 $0xFFFFC000  }
0x6c: {  	[tilespmem:s22], [sflag:$0x1] =	stream.indirect.gather [hbm4b:s2+s21], $0x80, s29, s21, $0xb8;
	[tilespmem:$0x1C100] =	vst v63  }
0x6d: {  	_ = 	snop  }
0x6e: {  	[tilespmem:s24], [sflag:$0x2] =	stream.indirect.gather [hbm4b:s2+s21], $0x80, s30, s21, $0xb8;
	[tilespmem:$0x1C100] =	vst v63  }
0x6f: {  	_ =	swait.ge [sflag:s25], $0x4000  }
0x70: {  	[sflag:s25] =	ssyncset.done $0x0  }
0x71: {  	[sflag:s25] =	ssyncadd.s32 $0xFFFFC000  }
0x72: {  	[spmem:s3] =	stream.indirect.scatter.add.f32 [tilespmem:s22], [sflag:$0x3], $0x80, s31, s21, $0xb8;
	[tilespmem:$0x1C100] =	vst v63  }
0x73: {  	_ =	swait.ge [sflag:s19], $0x4000  }
0x74: {  	[sflag:s19] =	ssyncset.done $0x0  }
0x75: {  	[sflag:s19] =	ssyncadd.s32 $0xFFFFC000  }
0x76: {  	_ =	swait.ge [sflag:s26], $0x4000  }
0x77: {  	[sflag:s26] =	ssyncset.done $0x0  }
0x78: {  	[sflag:s26] =	ssyncadd.s32 $0xFFFFC000  }
0x79: {  	[spmem:s3] =	stream.indirect.scatter.add.f32 [tilespmem:s24], [sflag:$0x3], $0x80, s0, s21, $0xb8;
	[tilespmem:$0x1C100] =	vst v63  }
0x7a: {  	_ =	swait.ge [sflag:s19], $0x4000  }
0x7b: {  	[sflag:s19] =	ssyncset.done $0x0  }
0x7c: {  	[sflag:s19] =	ssyncadd.s32 $0xFFFFC000  }
0x7d: {  	[tilespmem:s22], [sflag:$0x1] =	stream.indirect.gather [hbm4b:s2+s21], $0x80, s1, s21, $0xb8;
	[tilespmem:$0x1C100] =	vst v63  }
0x7e: {  	_ = 	snop  }
0x7f: {  	[tilespmem:s24], [sflag:$0x2] =	stream.indirect.gather [hbm4b:s2+s21], $0x80, s6, s21, $0xb8;
	[tilespmem:$0x1C100] =	vst v63  }
0x80: {  	_ =	swait.ge [sflag:s25], $0x4000  }
0x81: {  	[sflag:s25] =	ssyncset.done $0x0  }
0x82: {  	[sflag:s25] =	ssyncadd.s32 $0xFFFFC000  }
0x83: {  	[spmem:s3] =	stream.indirect.scatter.add.f32 [tilespmem:s22], [sflag:$0x3], $0x80, s7, s21, $0xb8;
	[tilespmem:$0x1C100] =	vst v63  }
0x84: {  	_ =	swait.ge [sflag:s19], $0x4000  }
0x85: {  	[sflag:s19] =	ssyncset.done $0x0  }
0x86: {  	[sflag:s19] =	ssyncadd.s32 $0xFFFFC000  }
0x87: {  	_ =	swait.ge [sflag:s26], $0x4000  }
0x88: {  	[sflag:s26] =	ssyncset.done $0x0  }
0x89: {  	[sflag:s26] =	ssyncadd.s32 $0xFFFFC000  }
0x8a: {  	[spmem:s3] =	stream.indirect.scatter.add.f32 [tilespmem:s24], [sflag:$0x3], $0x80, s8, s21, $0xb8;
	[tilespmem:$0x1C100] =	vst v63  }
0x8b: {  	_ =	swait.ge [sflag:s19], $0x4000  }
0x8c: {  	[sflag:s19] =	ssyncset.done $0x0  }
0x8d: {  	[sflag:s19] =	ssyncadd.s32 $0xFFFFC000  }
0x8e: {  	[tilespmem:s22], [sflag:$0x1] =	stream.indirect.gather [hbm4b:s2+s21], $0x80, s9, s21, $0xb8;
	[tilespmem:$0x1C100] =	vst v63  }
0x8f: {  	_ = 	snop  }
0x90: {  	[tilespmem:s24], [sflag:$0x2] =	stream.indirect.gather [hbm4b:s2+s21], $0x80, s11, s21, $0xb8;
	[tilespmem:$0x1C100] =	vst v63  }
0x91: {  	_ =	swait.ge [sflag:s25], $0x4000  }
0x92: {  	[sflag:s25] =	ssyncset.done $0x0  }
0x93: {  	[sflag:s25] =	ssyncadd.s32 $0xFFFFC000  }
0x94: {  	[spmem:s3] =	stream.indirect.scatter.add.f32 [tilespmem:s22], [sflag:$0x3], $0x80, s12, s21, $0xb8;
	[tilespmem:$0x1C100] =	vst v63  }
0x95: {  	_ =	swait.ge [sflag:s19], $0x4000  }
0x96: {  	[sflag:s19] =	ssyncset.done $0x0  }
0x97: {  	[sflag:s19] =	ssyncadd.s32 $0xFFFFC000  }
0x98: {  	_ =	swait.ge [sflag:s26], $0x4000  }
0x99: {  	[sflag:s26] =	ssyncset.done $0x0  }
0x9a: {  	[sflag:s26] =	ssyncadd.s32 $0xFFFFC000  }
0x9b: {  	[spmem:s3] =	stream.indirect.scatter.add.f32 [tilespmem:s24], [sflag:$0x3], $0x80, s13, s21, $0xb8;
	[tilespmem:$0x1C100] =	vst v63  }
0x9c: {  	_ =	swait.ge [sflag:s19], $0x4000  }
0x9d: {  	s15 =	simm.s32 $0x800;
	s16 =	simm.s32 $0x1000;
	[sflag:s19] =	ssyncset.done $0x0  }
.LBB2_4:
0x9e: {  	s5 =	sadd.s32 s15, s17;
	[sflag:s19] =	ssyncadd.s32 $0xFFFFC000  }
0x9f: {  	[tilespmem:s18], [sflag:$0x3] =	stream.linear.gather [hbm4b:s5+s4], $0x400, $0x38;
	[tilespmem:$0x1C100] =	vst v63  }
0xa0: {  	s14 =	smov.u32 s16;
	s10 =	sadd.s32 $0x800, s16;
	_ =	swait.ge [sflag:s19], $0x400  }
0xa1: {  	p1 =	sne.s32 s16, $0x9800;
	s16 =	rddreg [dreg:$0x5];
	[sflag:s19] =	ssyncset.done $0x0  }
0xa2: {  	[sflag:s19] =	ssyncadd.s32 $0xFFFFFC00;
	s5 =	sadd.s32 s15, s16  }
0xa3: {  	[tilespmem:s20], [sflag:$0x3] =	stream.linear.gather [hbm4b:s5+s4], $0x400, $0x38;
	[tilespmem:$0x1C100] =	vst v63  }
0xa4: {  	_ =	swait.ge [sflag:s19], $0x400  }
0xa5: {  	[sflag:s19] =	ssyncset.done $0x0  }
0xa6: {  	[sflag:s19] =	ssyncadd.s32 $0xFFFFFC00  }
0xa7: {  	[tilespmem:s22], [sflag:$0x1] =	stream.indirect.gather [hbm4b:s2+s21], $0x80, s18, s21, $0xb8;
	[tilespmem:$0x1C100] =	vst v63  }
0xa8: {  	_ = 	snop  }
0xa9: {  	[tilespmem:s24], [sflag:$0x2] =	stream.indirect.gather [hbm4b:s2+s21], $0x80, s23, s21, $0xb8;
	[tilespmem:$0x1C100] =	vst v63  }
0xaa: {  	_ =	swait.ge [sflag:s25], $0x4000  }
0xab: {  	[sflag:s25] =	ssyncset.done $0x0  }
0xac: {  	[sflag:s25] =	ssyncadd.s32 $0xFFFFC000  }
0xad: {  	[spmem:s3] =	stream.indirect.scatter.add.f32 [tilespmem:s22], [sflag:$0x3], $0x80, s20, s21, $0xb8;
	[tilespmem:$0x1C100] =	vst v63  }
0xae: {  	_ =	swait.ge [sflag:s19], $0x4000  }
0xaf: {  	[sflag:s19] =	ssyncset.done $0x0  }
0xb0: {  	[sflag:s19] =	ssyncadd.s32 $0xFFFFC000  }
0xb1: {  	_ =	swait.ge [sflag:s26], $0x4000  }
0xb2: {  	[sflag:s26] =	ssyncset.done $0x0  }
0xb3: {  	[sflag:s26] =	ssyncadd.s32 $0xFFFFC000  }
0xb4: {  	[spmem:s3] =	stream.indirect.scatter.add.f32 [tilespmem:s24], [sflag:$0x3], $0x80, s28, s21, $0xb8;
	[tilespmem:$0x1C100] =	vst v63  }
0xb5: {  	_ =	swait.ge [sflag:s19], $0x4000  }
0xb6: {  	[sflag:s19] =	ssyncset.done $0x0  }
0xb7: {  	[sflag:s19] =	ssyncadd.s32 $0xFFFFC000  }
0xb8: {  	[tilespmem:s22], [sflag:$0x1] =	stream.indirect.gather [hbm4b:s2+s21], $0x80, s29, s21, $0xb8;
	[tilespmem:$0x1C100] =	vst v63  }
0xb9: {  	_ = 	snop  }
0xba: {  	[tilespmem:s24], [sflag:$0x2] =	stream.indirect.gather [hbm4b:s2+s21], $0x80, s30, s21, $0xb8;
	[tilespmem:$0x1C100] =	vst v63  }
0xbb: {  	_ =	swait.ge [sflag:s25], $0x4000  }
0xbc: {  	[sflag:s25] =	ssyncset.done $0x0  }
0xbd: {  	[sflag:s25] =	ssyncadd.s32 $0xFFFFC000  }
0xbe: {  	[spmem:s3] =	stream.indirect.scatter.add.f32 [tilespmem:s22], [sflag:$0x3], $0x80, s31, s21, $0xb8;
	[tilespmem:$0x1C100] =	vst v63  }
0xbf: {  	_ =	swait.ge [sflag:s19], $0x4000  }
0xc0: {  	[sflag:s19] =	ssyncset.done $0x0  }
0xc1: {  	[sflag:s19] =	ssyncadd.s32 $0xFFFFC000  }
0xc2: {  	_ =	swait.ge [sflag:s26], $0x4000  }
0xc3: {  	[sflag:s26] =	ssyncset.done $0x0  }
0xc4: {  	[sflag:s26] =	ssyncadd.s32 $0xFFFFC000  }
0xc5: {  	[spmem:s3] =	stream.indirect.scatter.add.f32 [tilespmem:s24], [sflag:$0x3], $0x80, s0, s21, $0xb8;
	[tilespmem:$0x1C100] =	vst v63  }
0xc6: {  	_ =	swait.ge [sflag:s19], $0x4000  }
0xc7: {  	[sflag:s19] =	ssyncset.done $0x0  }
0xc8: {  	[sflag:s19] =	ssyncadd.s32 $0xFFFFC000  }
0xc9: {  	[tilespmem:s22], [sflag:$0x1] =	stream.indirect.gather [hbm4b:s2+s21], $0x80, s1, s21, $0xb8;
	[tilespmem:$0x1C100] =	vst v63  }
0xca: {  	_ = 	snop  }
0xcb: {  	[tilespmem:s24], [sflag:$0x2] =	stream.indirect.gather [hbm4b:s2+s21], $0x80, s6, s21, $0xb8;
	[tilespmem:$0x1C100] =	vst v63  }
0xcc: {  	_ =	swait.ge [sflag:s25], $0x4000  }
0xcd: {  	[sflag:s25] =	ssyncset.done $0x0  }
0xce: {  	[sflag:s25] =	ssyncadd.s32 $0xFFFFC000  }
0xcf: {  	[spmem:s3] =	stream.indirect.scatter.add.f32 [tilespmem:s22], [sflag:$0x3], $0x80, s7, s21, $0xb8;
	[tilespmem:$0x1C100] =	vst v63  }
0xd0: {  	_ =	swait.ge [sflag:s19], $0x4000  }
0xd1: {  	[sflag:s19] =	ssyncset.done $0x0  }
0xd2: {  	[sflag:s19] =	ssyncadd.s32 $0xFFFFC000  }
0xd3: {  	_ =	swait.ge [sflag:s26], $0x4000  }
0xd4: {  	[sflag:s26] =	ssyncset.done $0x0  }
0xd5: {  	[sflag:s26] =	ssyncadd.s32 $0xFFFFC000  }
0xd6: {  	[spmem:s3] =	stream.indirect.scatter.add.f32 [tilespmem:s24], [sflag:$0x3], $0x80, s8, s21, $0xb8;
	[tilespmem:$0x1C100] =	vst v63  }
0xd7: {  	_ =	swait.ge [sflag:s19], $0x4000  }
0xd8: {  	[sflag:s19] =	ssyncset.done $0x0  }
0xd9: {  	[sflag:s19] =	ssyncadd.s32 $0xFFFFC000  }
0xda: {  	[tilespmem:s22], [sflag:$0x1] =	stream.indirect.gather [hbm4b:s2+s21], $0x80, s9, s21, $0xb8;
	[tilespmem:$0x1C100] =	vst v63  }
0xdb: {  	_ = 	snop  }
0xdc: {  	[tilespmem:s24], [sflag:$0x2] =	stream.indirect.gather [hbm4b:s2+s21], $0x80, s11, s21, $0xb8;
	[tilespmem:$0x1C100] =	vst v63  }
0xdd: {  	_ =	swait.ge [sflag:s25], $0x4000  }
0xde: {  	[sflag:s25] =	ssyncset.done $0x0  }
0xdf: {  	[sflag:s25] =	ssyncadd.s32 $0xFFFFC000  }
0xe0: {  	[spmem:s3] =	stream.indirect.scatter.add.f32 [tilespmem:s22], [sflag:$0x3], $0x80, s12, s21, $0xb8;
	[tilespmem:$0x1C100] =	vst v63  }
0xe1: {  	_ =	swait.ge [sflag:s19], $0x4000  }
0xe2: {  	[sflag:s19] =	ssyncset.done $0x0  }
0xe3: {  	[sflag:s19] =	ssyncadd.s32 $0xFFFFC000  }
0xe4: {  	_ =	swait.ge [sflag:s26], $0x4000  }
.Ltmp1:
0xe5: {  	[sflag:s26] =	ssyncset.done $0x0;
	(pc) =	sbr.rel @p1 .LBB2_4-.Ltmp1, $4  }
0xe6: {  	[sflag:s26] =	ssyncadd.s32 $0xFFFFC000  }
0xe7: {  	[spmem:s3] =	stream.indirect.scatter.add.f32 [tilespmem:s24], [sflag:$0x3], $0x80, s13, s21, $0xb8;
	[tilespmem:$0x1C100] =	vst v63  }
0xe8: {  	_ =	swait.ge [sflag:s19], $0x4000  }
0xe9: {  	s15 =	smov.u32 s14;
	s16 =	smov.u32 s10;
	[sflag:s19] =	ssyncset.done $0x0  }
0xea: {  	s5 =	sadd.s32 s15, s17;
	[sflag:s19] =	ssyncadd.s32 $0xFFFFC000  }
0xeb: {  	[tilespmem:s18], [sflag:$0x3] =	stream.linear.gather [hbm4b:s5+s4], $0x400, $0x38;
	[tilespmem:$0x1C100] =	vst v63  }
0xec: {  	_ =	swait.ge [sflag:s19], $0x400  }
0xed: {  	s16 =	rddreg [dreg:$0x5];
	[sflag:s19] =	ssyncset.done $0x0  }
0xee: {  	[sflag:s19] =	ssyncadd.s32 $0xFFFFFC00;
	s5 =	sadd.s32 s15, s16  }
0xef: {  	[tilespmem:s20], [sflag:$0x3] =	stream.linear.gather [hbm4b:s5+s4], $0x400, $0x38;
	[tilespmem:$0x1C100] =	vst v63  }
0xf0: {  	_ =	swait.ge [sflag:s19], $0x400  }
0xf1: {  	[sflag:s19] =	ssyncset.done $0x0  }
0xf2: {  	[sflag:s19] =	ssyncadd.s32 $0xFFFFFC00  }
0xf3: {  	[tilespmem:s22], [sflag:$0x1] =	stream.indirect.gather [hbm4b:s2+s21], $0x80, s18, s21, $0xb8;
	[tilespmem:$0x1C100] =	vst v63  }
0xf4: {  	_ = 	snop  }
0xf5: {  	[tilespmem:s24], [sflag:$0x2] =	stream.indirect.gather [hbm4b:s2+s21], $0x80, s23, s21, $0xb8;
	[tilespmem:$0x1C100] =	vst v63  }
0xf6: {  	_ =	swait.ge [sflag:s25], $0x4000  }
0xf7: {  	[sflag:s25] =	ssyncset.done $0x0  }
0xf8: {  	[sflag:s25] =	ssyncadd.s32 $0xFFFFC000  }
0xf9: {  	[spmem:s3] =	stream.indirect.scatter.add.f32 [tilespmem:s22], [sflag:$0x3], $0x80, s20, s21, $0xb8;
	[tilespmem:$0x1C100] =	vst v63  }
0xfa: {  	_ =	swait.ge [sflag:s19], $0x4000  }
0xfb: {  	[sflag:s19] =	ssyncset.done $0x0  }
0xfc: {  	[sflag:s19] =	ssyncadd.s32 $0xFFFFC000  }
0xfd: {  	_ =	swait.ge [sflag:s26], $0x4000  }
0xfe: {  	[sflag:s26] =	ssyncset.done $0x0  }
0xff: {  	[sflag:s26] =	ssyncadd.s32 $0xFFFFC000  }
0x100: {  	[spmem:s3] =	stream.indirect.scatter.add.f32 [tilespmem:s24], [sflag:$0x3], $0x80, s28, s21, $0xb8;
	[tilespmem:$0x1C100] =	vst v63  }
0x101: {  	_ =	swait.ge [sflag:s19], $0x4000  }
0x102: {  	[sflag:s19] =	ssyncset.done $0x0  }
0x103: {  	[sflag:s19] =	ssyncadd.s32 $0xFFFFC000  }
0x104: {  	[tilespmem:s22], [sflag:$0x1] =	stream.indirect.gather [hbm4b:s2+s21], $0x80, s29, s21, $0xb8;
	[tilespmem:$0x1C100] =	vst v63  }
0x105: {  	_ = 	snop  }
0x106: {  	[tilespmem:s24], [sflag:$0x2] =	stream.indirect.gather [hbm4b:s2+s21], $0x80, s30, s21, $0xb8;
	[tilespmem:$0x1C100] =	vst v63  }
0x107: {  	_ =	swait.ge [sflag:s25], $0x4000  }
0x108: {  	[sflag:s25] =	ssyncset.done $0x0  }
0x109: {  	[sflag:s25] =	ssyncadd.s32 $0xFFFFC000  }
0x10a: {  	[spmem:s3] =	stream.indirect.scatter.add.f32 [tilespmem:s22], [sflag:$0x3], $0x80, s31, s21, $0xb8;
	[tilespmem:$0x1C100] =	vst v63  }
0x10b: {  	_ =	swait.ge [sflag:s19], $0x4000  }
0x10c: {  	[sflag:s19] =	ssyncset.done $0x0  }
0x10d: {  	[sflag:s19] =	ssyncadd.s32 $0xFFFFC000  }
0x10e: {  	_ =	swait.ge [sflag:s26], $0x4000  }
0x10f: {  	[sflag:s26] =	ssyncset.done $0x0  }
0x110: {  	[sflag:s26] =	ssyncadd.s32 $0xFFFFC000  }
0x111: {  	[spmem:s3] =	stream.indirect.scatter.add.f32 [tilespmem:s24], [sflag:$0x3], $0x80, s0, s21, $0xb8;
	[tilespmem:$0x1C100] =	vst v63  }
0x112: {  	_ =	swait.ge [sflag:s19], $0x4000  }
0x113: {  	[sflag:s19] =	ssyncset.done $0x0  }
0x114: {  	[sflag:s19] =	ssyncadd.s32 $0xFFFFC000  }
0x115: {  	[tilespmem:s22], [sflag:$0x1] =	stream.indirect.gather [hbm4b:s2+s21], $0x80, s1, s21, $0xb8;
	[tilespmem:$0x1C100] =	vst v63  }
0x116: {  	_ = 	snop  }
0x117: {  	[tilespmem:s24], [sflag:$0x2] =	stream.indirect.gather [hbm4b:s2+s21], $0x80, s6, s21, $0xb8;
	[tilespmem:$0x1C100] =	vst v63  }
0x118: {  	_ =	swait.ge [sflag:s25], $0x4000  }
0x119: {  	[sflag:s25] =	ssyncset.done $0x0  }
0x11a: {  	[sflag:s25] =	ssyncadd.s32 $0xFFFFC000  }
0x11b: {  	[spmem:s3] =	stream.indirect.scatter.add.f32 [tilespmem:s22], [sflag:$0x3], $0x80, s7, s21, $0xb8;
	[tilespmem:$0x1C100] =	vst v63  }
0x11c: {  	_ =	swait.ge [sflag:s19], $0x4000  }
0x11d: {  	[sflag:s19] =	ssyncset.done $0x0  }
0x11e: {  	[sflag:s19] =	ssyncadd.s32 $0xFFFFC000  }
0x11f: {  	_ =	swait.ge [sflag:s26], $0x4000  }
0x120: {  	[sflag:s26] =	ssyncset.done $0x0  }
0x121: {  	[sflag:s26] =	ssyncadd.s32 $0xFFFFC000  }
0x122: {  	[spmem:s3] =	stream.indirect.scatter.add.f32 [tilespmem:s24], [sflag:$0x3], $0x80, s8, s21, $0xb8;
	[tilespmem:$0x1C100] =	vst v63  }
0x123: {  	_ =	swait.ge [sflag:s19], $0x4000  }
0x124: {  	[sflag:s19] =	ssyncset.done $0x0  }
0x125: {  	[sflag:s19] =	ssyncadd.s32 $0xFFFFC000  }
0x126: {  	[tilespmem:s22], [sflag:$0x1] =	stream.indirect.gather [hbm4b:s2+s21], $0x80, s9, s21, $0xb8;
	[tilespmem:$0x1C100] =	vst v63  }
0x127: {  	_ = 	snop  }
0x128: {  	[tilespmem:s24], [sflag:$0x2] =	stream.indirect.gather [hbm4b:s2+s21], $0x80, s11, s21, $0xb8;
	[tilespmem:$0x1C100] =	vst v63  }
0x129: {  	_ =	swait.ge [sflag:s25], $0x4000  }
0x12a: {  	[sflag:s25] =	ssyncset.done $0x0  }
0x12b: {  	[sflag:s25] =	ssyncadd.s32 $0xFFFFC000  }
0x12c: {  	[spmem:s3] =	stream.indirect.scatter.add.f32 [tilespmem:s22], [sflag:$0x3], $0x80, s12, s21, $0xb8;
	[tilespmem:$0x1C100] =	vst v63  }
0x12d: {  	_ =	swait.ge [sflag:s19], $0x4000  }
0x12e: {  	[sflag:s19] =	ssyncset.done $0x0  }
0x12f: {  	[sflag:s19] =	ssyncadd.s32 $0xFFFFC000  }
0x130: {  	_ =	swait.ge [sflag:s26], $0x4000  }
0x131: {  	[sflag:s26] =	ssyncset.done $0x0  }
0x132: {  	[sflag:s26] =	ssyncadd.s32 $0xFFFFC000  }
0x133: {  	[spmem:s3] =	stream.indirect.scatter.add.f32 [tilespmem:s24], [sflag:$0x3], $0x80, s13, s21, $0xb8;
	[tilespmem:$0x1C100] =	vst v63  }
0x134: {  	_ =	swait.ge [sflag:s19], $0x4000  }
0x135: {  	[sflag:s19] =	ssyncset.done $0x0  }
0x136: {  	[sflag:s19] =	ssyncadd.s32 $0xFFFFC000  }
0x137: {  	[bflag:$0x0] =	sbarrier.arrive $0xFFFF  }
0x138: {  	s5 =	rddreg [dreg:$0xb]  }
0x139: {  	s10 =	simm.s32 @p0 $0x1FC3;
	s14 =	rddreg [dreg:$0x10];
	s5 =	sshrl.u32 @p0 s5, $0x3  }
0x13a: {  	[hbm:s14], [sflag:s10] =	dma.local @p0 [spmem:s5], $0x1900  }
0x13b: {  	s5 =	simm.s32 @p0 $0x3  }
0x13c: {  	_ =	swait.ge @p0 [sflag:s5], $0x1900  }
0x13d: {  	s10 =	stileid.u32;
	s14 =	rddreg [dreg:$0x6]  }
0x13e: {  	s10 =	sshll.u32 @!p0 s10, $0x6;
	[sflag:s5] =	ssyncset.done @p0 $0x0;
	s15 =	rddreg [dreg:$0xf]  }
0x13f: {  	[sflag:s5] =	ssyncadd.s32 @p0 $0xFFFFE700;
	s5 =	sor.u32 @!p0 $0x1C03, s10;
	s10 =	sshrl.u32 @!p0 s14, $0x3  }
0x140: {  	[hbm:s15], [sflag:s5] =	dma.local @!p0 [spmem:s10], $0x2800  }
0x141: {  	s5 =	simm.s32 @!p0 $0x3  }
0x142: {  	_ =	swait.ge @!p0 [sflag:s5], $0x2800  }
0x143: {  	s10 =	rddreg [dreg:$0x12]  }
0x144: {  	s16 =	rddreg [dreg:$0x11];
	s15 =	sadd.s32 $0x1, s10  }
0x145: {  	p1 =	sne.s32 s15, s16  }
.Ltmp2:
0x146: {  	_ = 	snop;
	(pc) =	sbr.rel @p1 .LBB2_1-.Ltmp2, $3  }
0x147: {  	_ =	sdelay $0x1  }
0x148: {  	[sflag:s5] =	ssyncset.done @!p0 $0x0  }
0x149: {  	[sflag:s5] =	ssyncadd.s32 @!p0 $0xFFFFD800  }
0x14a: {  	_ =	sfence.sel $0x180000  }
0x14b: {  	[bflag:$0x0] =	sbarrier.arrive $0xFFFF  }
0x14c: {  	_ =	strace $0x9000004A  }
0x14d: {  	s0 =	stileid.u32;
	[bflag:$0x2] =	sbarrier.arrive $0xFFFF  }
0x14e: {  	p0 =	sne.s32 s0, $0x0;
	s0 =	rddreg [dreg:$0x4]  }
0x14f: {  	s0 =	sadd.s32 @!p0 $0x100000, s0  }
0x150: {  	[sflag:s0] =	ssyncadd.tile.s32 @!p0 $0x1;
	_ =	shalt  }
.Lfunc_end2:
_tile_overlayer_lowered:
.L_overlay_start_2:
0x151: {  	(tag) =	ssettag $0x2  }
0x152: {  	s0 =	rddreg [dreg:$0x0];
	s2 =	stileid.u32  }
0x153: {  	s1 =	rddreg [dreg:$0x1];
	p0 =	sne.s32 s2, $0x0  }
0x154: {  	s3 =	rddreg [dreg:$0x2];
	[bflag:$0x3] =	sbarrier.arrive $0xFFFF;
	s2 =	simm.s32 @!p0 $0x1C03  }
0x155: {  	[timem:s3], [sflag:s2] =	dma.local @!p0 [hbm:s0], s1  }
0x156: {  	s0 =	simm.s32 @!p0 $0x3  }
0x157: {  	_ =	swait.ge @!p0 [sflag:s0], s1  }
0x158: {  	s1 =	ssub.s32 @!p0 $0x0, s1;
	[sflag:s0] =	ssyncset.done @!p0 $0x0  }
0x159: {  	[sflag:s0] =	ssyncadd.s32 @!p0 s1  }
0x15a: {  	[bflag:$0x3] =	sbarrier.arrive $0xFFFF  }
0x15b: {  	_ =	shalt  }

// kernel: kernel.8.cloned.1.call-start
scs
__scs_entry_jumppad:
0x0: {  	(pc) =	sbr.rel $0x88, $3  }
0x1: {  	(tag) =	ssettag $0x0;
	lr =	simm.s32 $0x1  }
0x2: {  	[smem:$0x3F97] =	sst lr;
	_ =	strace $0xD0000000  }
0x3: {  	_ = 	snop  }
0x4: {  	_ = 	snop  }
0x5: {  	_ = 	snop  }
0x6: {  	_ = 	snop  }
0x7: {  	_ = 	snop  }
__scs_overlays_trampoline_lowered:
0x8: {  	[smem:$0x3FA6] =	sst s0  }
0x9: {  	[smem:$0x3FA7] =	sst s1  }
0xa: {  	[smem:$0x3FA8] =	sst s2  }
0xb: {  	[smem:$0x3FA9] =	sst s3  }
0xc: {  	[smem:$0x3FAA] =	sst s4  }
0xd: {  	[smem:$0x3FAB] =	sst s5  }
0xe: {  	[smem:$0x3FAC] =	sst s6  }
0xf: {  	[smem:$0x3FAD] =	sst s7  }
0x10: {  	[smem:$0x3FAE] =	sst s8  }
0x11: {  	[smem:$0x3FAF] =	sst s9;
	s0 =	simm.s32 @!p0 $0x0  }
0x12: {  	s1 =	sld [smem:$0x3F95];
	s0 =	simm.s32 @p0 $0x1  }
0x13: {  	[smem:$0x3FB0] =	sst s0;
	s0 =	simm.s32 @!p1 $0x0  }
0x14: {  	s2 =	sld [smem:$0x3F94];
	s0 =	simm.s32 @p1 $0x1  }
0x15: {  	[smem:$0x3FB1] =	sst s0;
	s0 =	simm.s32 @!p2 $0x0  }
0x16: {  	s3 =	sld [smem:$0x3FDB];
	s0 =	simm.s32 @p2 $0x1  }
0x17: {  	s4 =	simm.s32 $0x1BF5;
	[smem:$0x3FB3] =	sst s0  }
0x18: {  	s0 =	sld [smem:$0x3F96];
	_ =	swait.ge [sflag:s4], $0x0  }
0x19: {  	s7 =	sld [smem:$0x3F97]  }
0x1a: {  	s8 =	sadd.s32 $0xFFFFE003, lr  }
0x1b: {  	s9 =	sadd.s32 $0xFFFFFEF7, lr;
	s5 =	simm.s32 $0xFFFFFFFF;
	p2 =	slt.u32 s8, $0xFFFFF086  }
0x1c: {  	p1 =	slt.u32 s9, $0xF7A;
	s5 =	simm.s32 @!p2 $0x0  }
0x1d: {  	s5 =	simm.s32 @p1 $0x1;
	p0 =	seq.s32 s7, s2  }
0x1e: {  	s7 =	smul.u32 @!p0 $0xF7A, s2;
	p2 =	seq.s32 @!p0 s5, $0x0  }
0x1f: {  	s9 =	smul.u32 $0xF7A, s1;
	s8 =	simm.s32 @!p0 $0x1BF5;
	p2 =	por !p2, p0  }
0x20: {  	[sflag:s8] =	ssyncset.s32 @!p0 $0xFFFFF086;
	s6 =	sadd.s32 @!p0 s3, s7;
	s7 =	simm.s32 @!p0 $0x108  }
0x21: {  	s3 =	sadd.s32 s3, s9;
	s6 =	sadd.s32 @!p0 $0x88, s6;
	s7 =	simm.s32 @p2 $0x1082  }
0x22: {  	[simem:s7], [sflag:s8] =	dma.local @!p0 [hbm:s6], $0xF7A  }
0x23: {  	s9 =	sor.u32 $0xD0000000, s2;
	s6 =	simm.s32 $0x108;
	_ =	swait.ge @!p0 [sflag:s8], $0x0  }
0x24: {  	s3 =	sadd.s32 $0x88, s3;
	s6 =	simm.s32 @!p1 $0x1082;
	[sflag:s4] =	ssyncset.s32 $0xFFFFF086  }
0x25: {  	[simem:s6], [sflag:s4] =	dma.local [hbm:s3], $0xF7A  }
0x26: {  	[smem:$0x3F97] =	sst s1;
	(tag) =	ssettag s2;
	_ =	strace s9  }
0x27: {  	s1 =	sld [smem:$0x3FA7]  }
0x28: {  	s2 =	sld [smem:$0x3FA8]  }
0x29: {  	s4 =	sld [smem:$0x3FAA]  }
0x2a: {  	p0 =	seq.s32 s5, $0x0;
	s5 =	sld [smem:$0x3FAB]  }
0x2b: {  	s6 =	sld [smem:$0x3FAC]  }
0x2c: {  	s7 =	sld [smem:$0x3FAD]  }
0x2d: {  	s3 =	simm.s32 $0x108;
	s8 =	sld [smem:$0x3FAE]  }
0x2e: {  	s3 =	simm.s32 @!p0 $0x1082;
	s9 =	sld [smem:$0x3FAF]  }
0x2f: {  	lr =	sadd.s32 s0, s3;
	s0 =	sld [smem:$0x3FA6]  }
0x30: {  	s3 =	sld [smem:$0x3FA9]  }
0x31: {  	[smem:$0x3FB2] =	sst s10  }
0x32: {  	s10 =	sld [smem:$0x3FB0];
	_ =	sdelay $0x3  }
0x33: {  	p0 =	seq.s32 s10, $0x1;
	s10 =	sld [smem:$0x3FB2];
	_ =	sdelay $0x3  }
0x34: {  	[smem:$0x3FB2] =	sst s10  }
0x35: {  	s10 =	sld [smem:$0x3FB1];
	_ =	sdelay $0x3  }
0x36: {  	p1 =	seq.s32 s10, $0x1;
	s10 =	sld [smem:$0x3FB2];
	_ =	sdelay $0x3  }
0x37: {  	[smem:$0x3FB2] =	sst s10  }
0x38: {  	s10 =	sld [smem:$0x3FB3]  }
0x39: {  	_ = 	snop;
	(pc) =	sbr.ind lr, $3  }
0x3a: {  	_ = 	snop  }
0x3b: {  	_ = 	snop  }
0x3c: {  	p2 =	seq.s32 s10, $0x1;
	s10 =	sld [smem:$0x3FB2]  }
0x3d: {  	_ =	shalt  }
0x3e: {  	_ =	shalt  }
0x3f: {  	_ =	shalt  }
0x40: {  	_ =	shalt  }
0x41: {  	_ =	shalt  }
0x42: {  	_ =	shalt  }
0x43: {  	_ =	shalt  }
0x44: {  	_ =	shalt  }
0x45: {  	_ =	shalt  }
0x46: {  	_ =	shalt  }
0x47: {  	_ =	shalt  }
0x48: {  	_ =	shalt  }
0x49: {  	_ =	shalt  }
0x4a: {  	_ =	shalt  }
0x4b: {  	_ =	shalt  }
0x4c: {  	_ =	shalt  }
0x4d: {  	_ =	shalt  }
0x4e: {  	_ =	shalt  }
0x4f: {  	_ =	shalt  }
0x50: {  	_ =	shalt  }
0x51: {  	_ =	shalt  }
0x52: {  	_ =	shalt  }
0x53: {  	_ =	shalt  }
0x54: {  	_ =	shalt  }
0x55: {  	_ =	shalt  }
0x56: {  	_ =	shalt  }
0x57: {  	_ =	shalt  }
0x58: {  	_ =	shalt  }
0x59: {  	_ =	shalt  }
0x5a: {  	_ =	shalt  }
0x5b: {  	_ =	shalt  }
0x5c: {  	_ =	shalt  }
0x5d: {  	_ =	shalt  }
0x5e: {  	_ =	shalt  }
0x5f: {  	_ =	shalt  }
0x60: {  	_ =	shalt  }
0x61: {  	_ =	shalt  }
0x62: {  	_ =	shalt  }
0x63: {  	_ =	shalt  }
0x64: {  	_ =	shalt  }
0x65: {  	_ =	shalt  }
0x66: {  	_ =	shalt  }
0x67: {  	_ =	shalt  }
0x68: {  	_ =	shalt  }
0x69: {  	_ =	shalt  }
0x6a: {  	_ =	shalt  }
0x6b: {  	_ =	shalt  }
0x6c: {  	_ =	shalt  }
0x6d: {  	_ =	shalt  }
0x6e: {  	_ =	shalt  }
0x6f: {  	_ =	shalt  }
0x70: {  	_ =	shalt  }
0x71: {  	_ =	shalt  }
0x72: {  	_ =	shalt  }
0x73: {  	_ =	shalt  }
0x74: {  	_ =	shalt  }
0x75: {  	_ =	shalt  }
0x76: {  	_ =	shalt  }
0x77: {  	_ =	shalt  }
0x78: {  	_ =	shalt  }
0x79: {  	_ =	shalt  }
0x7a: {  	_ =	shalt  }
0x7b: {  	_ =	shalt  }
0x7c: {  	_ =	shalt  }
0x7d: {  	_ =	shalt  }
0x7e: {  	_ =	shalt  }
0x7f: {  	_ =	shalt  }
0x80: {  	_ =	shalt  }
0x81: {  	_ =	shalt  }
0x82: {  	_ =	shalt  }
0x83: {  	_ =	shalt  }
0x84: {  	_ =	shalt  }
0x85: {  	_ =	shalt  }
0x86: {  	_ =	shalt  }
0x87: {  	_ =	shalt  }
.Lfunc_end0:
.L_simem_size_0:
called_computation.1_lowered:
.L_overlay_start_0:
0x88: {  	s2 =	sld [smem:$0x3FD9]  }
0x89: {  	s3 =	sld [smem:$0x3FFE];
	_ =	sdelay $0x1  }
0x8a: {  	s1 =	srdreg.scid  }
0x8b: {  	s0 =	sand.u32 $0x1, s1  }
0x8c: {  	s16 =	sshll.u32 s0, $0xA;
	s2 =	sadd.s32 s3, s2  }
0x8d: {  	s2 =	sadd.s32 s2, s16  }
0x8e: {  	[smem:$0x3FBE] =	sst s2  }
0x8f: {  	_ = 	snop  }
0x90: {  	(tm) =	ssettm $0x1  }
0x91: {  	s17 =	sld [smem:$0x3FFB];
	_ =	sdelay $0x3  }
0x92: {  	_ =	strace s17  }
0x93: {  	s2 =	sld [smem:$0x3FFC];
	_ =	sdelay $0x3  }
0x94: {  	_ =	strace s2  }
0x95: {  	s2 =	sld [smem:$0x3FFD];
	_ =	sdelay $0x3  }
0x96: {  	_ =	strace s2  }
0x97: {  	_ =	strace $0x8FFFFFFF  }
0x98: {  	s18 =	sld [smem:$0x3FDB];
	_ =	sdelay $0x1  }
0x99: {  	s19 =	simm.s32 $_scs_section_size  }
0x9a: {  	s4 =	simm.s32 $_size__tile_overlayer_lowered;
	s5 =	simm.s32 $_tile_overlayer_lowered  }
0x9b: {  	s22 =	simm.s32 $0x1BFF;
	s21 =	sshll.u32 s5, $0x1;
	s2 =	sadd.s32 s19, s18  }
0x9c: {  	s6 =	simm.s32 $0x0;
	s20 =	sshll.u32 s4, $0x1;
	s4 =	sadd.s32 s21, s2  }
0x9d: {  	[timem:s6], [sflag:s22] =	dma.local [hbm:s4], s20  }
0x9e: {  	_ =	swait.ge [sflag:s22], s20  }
0x9f: {  	s3 =	ssub.s32 $0x0, s20;
	[sflag:s22] =	ssyncset.done $0x0  }
0xa0: {  	[sflag:s22] =	ssyncadd.s32 s3;
	_ =	sdelay $0x1  }
0xa1: {  	s23 =	simm.s32 $0x1B8B  }
0xa2: {  	_ =	swait.ge [sflag:s23], $0x1  }
0xa3: {  	[sflag:s23] =	ssyncset.done $0x0  }
0xa4: {  	s25 =	simm.s32 $0x1B8E;
	s24 =	sld [smem:$0x3FFE];
	[sflag:s23] =	ssyncadd.s32 $0xFFFFFFFF  }
0xa5: {  	s26 =	simm.s32 $execute0_lowered;
	[smem:$0x3FD2] =	sst s25  }
0xa6: {  	s4 =	sshll.u32 s26, $0x1;
	_ =	strace $0x80000046;
	[dreg:$0x1] =	wrdreg $0xFFFFFFFF  }
0xa7: {  	s28 =	simm.s32 $_size_execute0_lowered;
	s2 =	sadd.s32 s2, s4;
	[dreg:$0x0] =	wrdreg $0x0  }
0xa8: {  	s4 =	sshll.u32 s28, $0x1;
	[dreg:$0x2] =	wrdreg s2  }
0xa9: {  	[dreg:$0x3] =	wrdreg s4  }
0xaa: {  	[dreg:$0x4] =	wrdreg $0xC0  }
0xab: {  	_ =	task [dreg:s6], $0x5FFFF  }
0xac: {  	[dreg:$0x1] =	wrdreg $0xFFFFFFFF  }
0xad: {  	[dreg:$0x0] =	wrdreg $0x60  }
0xae: {  	[dreg:$0x2] =	wrdreg s24  }
0xaf: {  	[dreg:$0x3] =	wrdreg $0x0  }
0xb0: {  	[dreg:$0x4] =	wrdreg $0xA0000  }
0xb1: {  	[dreg:$0x5] =	wrdreg $0xA  }
0xb2: {  	_ =	task.clear_ibuf [dreg:s6], $0x6FFFF;
	_ =	strace $0x90000046  }
0xb3: {  	s29 =	simm.s32 $0xA;
	_ =	strace $0x80000048  }
0xb4: {  	_ =	swait.ge [sflag:s29], $0x1  }
0xb5: {  	[sflag:s29] =	ssyncadd.s32 $0xFFFFFFFF  }
0xb6: {  	_ =	strace $0x90000048  }
0xb7: {  	_ =	sfence  }
0xb8: {  	s30 =	sld [smem:$0x0];
	_ =	sdelay $0x2  }
0xb9: {  	s31 =	sshll.u32 s1, $0xD;
	s1 =	sshrl.u32 s1, $0x2  }
0xba: {  	s3 =	sand.u32 $0x4000, s31;
	s1 =	sadd.s32 s1, s30  }
0xbb: {  	s0 =	sor.u32 s3, s0;
	s1 =	sshll.u32 s1, $0x11  }
0xbc: {  	s0 =	sor.u32 s1, s0  }
0xbd: {  	s0 =	sadd.s32 $0x8F2B, s0  }
0xbe: {  	[sflag:s0] =	ssyncadd.remote.s32 $0x1  }
0xbf: {  	_ =	sfence.sel $0xFFFF  }
0xc0: {  	[dreg:$0x0] =	wrdreg $0xFFFFFFFF;
	(pc) =	sbr.abs _section_cstart, $3  }
0xc1: {  	[dreg:$0x1] =	wrdreg $0xFFFFFFFF  }
0xc2: {  	_ =	task.clear_ibuf [dreg:s6], $0x2FFFF;
	_ =	strace $0x9FFFFFFF  }
0xc3: {  	(tm) =	ssettm $0x7FFFFFFF  }
tec
execute0_lowered:
.L_overlay_start_1:
0x0: {  	(tag) =	ssettag $0x1  }
0x1: {  	s0 =	rddreg [dreg:$0x0]  }
0x2: {  	s1 =	rddreg [dreg:$0x1]  }
0x3: {  	s2 =	rddreg [dreg:$0x2]  }
0x4: {  	s3 =	srdreg.scid;
	s11 =	stileid.u32  }
0x5: {  	s12 =	simm.s32 $0x3;
	s13 =	simm.s32 $0x12400;
	s14 =	simm.s32 $0x12800  }
0x6: {  	s15 =	simm.s32 $0x80;
	s16 =	simm.s32 $0x13000;
	s17 =	simm.s32 $0x13080  }
0x7: {  	s18 =	simm.s32 $0xE400;
	s19 =	simm.s32 $0x1;
	s28 =	simm.s32 $0x13200  }
0x8: {  	s29 =	simm.s32 $0x13280;
	s30 =	simm.s32 $0x12E00;
	s31 =	simm.s32 $0x12E80  }
0x9: {  	s4 =	sand.u32 $0x1, s3;
	s3 =	simm.s32 $0x0;
	s20 =	smul.u32 $0xA000, s11  }
0xa: {  	s6 =	sshll.u32 s11, $0xA;
	s8 =	sshll.u32 s11, $0x7;
	s9 =	smul.u32 $0x28000, s11  }
0xb: {  	s10 =	sadd.s32 $0x1C00, s0;
	p0 =	sne.s32 s11, $0x0;
	s5 =	smul.u32 $0x50000, s4  }
0xc: {  	s11 =	simm.s32 $0xA400;
	[smem:$0x7FF] =	sst s3;
	s7 =	smul.u32 $0xA0000, s4  }
0xd: {  	s8 =	sadd.s32 s8, s0;
	s4 =	ssub.s32 $0x2, s4;
	_ =	strace $0x80000047  }
0xe: {  	[dreg:$0x6] =	wrdreg s10;
	s21 =	sshrl.u32 s9, $0x2;
	s23 =	sshrl.u32 s4, $0x1  }
0xf: {  	s26 =	sadd.s32 $0x2400, s8;
	s9 =	simm.s32 $0x0;
	s5 =	sor.u32 s6, s5  }
0x10: {  	s6 =	sadd.s32 s20, s7;
	s4 =	ssub.s32 s4, s23;
	[dreg:$0x5] =	wrdreg s26  }
0x11: {  	s20 =	simm.s32 $0x12C00;
	s23 =	simm.s32 $0x13100;
	s26 =	simm.s32 $0x12D80  }
0x12: {  	s5 =	sshrl.u32 s5, $0x3;
	s22 =	sshrl.u32 s6, $0x3;
	s4 =	smax.u32 s4, $0x1  }
0x13: {  	s6 =	sadd.s32 s21, s1;
	s21 =	simm.s32 $0x2;
	[dreg:$0xb] =	wrdreg s4  }
0x14: {  	s5 =	sadd.s32 s5, s0;
	s7 =	sadd.s32 $0x4000, s6;
	[dreg:$0x7] =	wrdreg s6  }
0x15: {  	s0 =	sadd.s32 s22, s0;
	s24 =	sadd.s32 $0x8000, s6;
	[dreg:$0x8] =	wrdreg s7  }
0x16: {  	s22 =	simm.s32 $0x12C80;
	s4 =	simm.s32 $0x13380;
	[dreg:$0x9] =	wrdreg s24  }
0x17: {  	s0 =	sadd.s32 $0x20400, s0;
	s25 =	sadd.s32 $0xC400, s5;
	s24 =	simm.s32 $0x13180  }
0x18: {  	s5 =	simm.s32 $0x12F00;
	s7 =	simm.s32 $0x12F80;
	[dreg:$0xa] =	wrdreg s0  }
0x19: {  	v0 =	vimm.f32 $0.0e+00;
	[dreg:$0x4] =	wrdreg s25;
	s25 =	simm.s32 $0x12D00;
	s0 =	simm.s32 $0x13300  }
.LBB2_1:
0x1a: {  	[dreg:$0xc] =	wrdreg s9;
	s9 =	simm.s32 $0x0;
	s10 =	simm.s32 $0x200  }
.LBB2_2:
0x1b: {  	p1 =	sne.s32 s10, $0xFE00;
	[tilespmem:s9+$0xA470] =	vst v0  }
0x1c: {  	[tilespmem:s9+$0xA400] =	vst v0  }
0x1d: {  	[tilespmem:s9+$0xA410] =	vst v0  }
.Ltmp0:
0x1e: {  	[tilespmem:s9+$0xA420] =	vst v0;
	(pc) =	sbr.rel @p1 .LBB2_2-.Ltmp0, $4  }
0x1f: {  	[tilespmem:s9+$0xA430] =	vst v0  }
0x20: {  	[tilespmem:s9+$0xA440] =	vst v0  }
0x21: {  	[tilespmem:s9+$0xA450] =	vst v0  }
0x22: {  	[tilespmem:s9+$0xA460] =	vst v0;
	s9 =	sshra.s32 s10, $0x2;
	s10 =	sadd.s32 $0x200, s10  }
0x23: {  	[tilespmem:s9+$0xA470] =	vst v0  }
0x24: {  	[tilespmem:s9+$0xA400] =	vst v0  }
0x25: {  	[tilespmem:s9+$0xA410] =	vst v0  }
0x26: {  	[tilespmem:s9+$0xA420] =	vst v0  }
0x27: {  	[tilespmem:s9+$0xA430] =	vst v0  }
0x28: {  	[tilespmem:s9+$0xA440] =	vst v0  }
0x29: {  	[tilespmem:s9+$0xA450] =	vst v0  }
0x2a: {  	[tilespmem:s9+$0xA460] =	vst v0  }
0x2b: {  	[spmem:s6] =	stream.linear.scatter [tilespmem:s11], [sflag:$0x3], $0x4000, $0x38;
	[tilespmem:$0x13400] =	vst v63  }
0x2c: {  	_ =	swait.ge [sflag:s12], $0x4000  }
0x2d: {  	[sflag:s12] =	ssyncset.done $0x0  }
0x2e: {  	s9 =	rddreg [dreg:$0x8];
	[sflag:s12] =	ssyncadd.s32 $0xFFFFC000  }
0x2f: {  	[spmem:s9] =	stream.linear.scatter [tilespmem:s11], [sflag:$0x3], $0x4000, $0x38;
	[tilespmem:$0x13400] =	vst v63  }
0x30: {  	_ =	swait.ge [sflag:s12], $0x4000  }
0x31: {  	[sflag:s12] =	ssyncset.done $0x0  }
0x32: {  	s10 =	rddreg [dreg:$0x9];
	[sflag:s12] =	ssyncadd.s32 $0xFFFFC000  }
0x33: {  	[spmem:s10] =	stream.linear.scatter [tilespmem:s11], [sflag:$0x3], $0x2000, $0x38;
	[tilespmem:$0x13400] =	vst v63  }
0x34: {  	_ =	swait.ge [sflag:s12], $0x2000  }
0x35: {  	s9 =	simm.s32 @!p0 $0x0;
	[sflag:s12] =	ssyncset.done $0x0  }
0x36: {  	s10 =	simm.s32 @!p0 $0xA400;
	s6 =	rddreg [dreg:$0x6];
	[sflag:s12] =	ssyncadd.s32 $0xFFFFE000  }
0x37: {  	[tilespmem:s10], [sflag:$0x3] =	stream.linear.gather @!p0 [hbm4b:s6+s9], $0x4000, $0x38;
	[tilespmem:$0x13400] =	vst v63  }
0x38: {  	s9 =	simm.s32 @!p0 $0x3  }
0x39: {  	_ =	swait.ge @!p0 [sflag:s9], $0x4000  }
0x3a: {  	[sflag:s9] =	ssyncset.done @!p0 $0x0  }
0x3b: {  	[sflag:s9] =	ssyncadd.s32 @!p0 $0xFFFFC000  }
0x3c: {  	[spmem:s2] =	stream.linear.scatter @!p0 [tilespmem:s10], [sflag:$0x3], $0x4000, $0x38;
	[tilespmem:$0x13400] =	vst v63  }
0x3d: {  	_ =	swait.ge @!p0 [sflag:s9], $0x4000  }
0x3e: {  	[sflag:s9] =	ssyncset.done @!p0 $0x0  }
0x3f: {  	[sflag:s9] =	ssyncadd.s32 @!p0 $0xFFFFC000  }
0x40: {  	s9 =	simm.s32 $0x0;
	[bflag:$0x0] =	sbarrier.arrive $0xFFFF  }
.LBB2_4:
0x41: {  	s10 =	rddreg [dreg:$0x4]  }
0x42: {  	s10 =	sadd.s32 s9, s10  }
0x43: {  	[tilespmem:s13], [sflag:$0x3] =	stream.linear.gather [hbm4b:s10+s3], $0x400, $0x38;
	[tilespmem:$0x13400] =	vst v63  }
0x44: {  	_ =	swait.ge [sflag:s12], $0x400  }
0x45: {  	s8 =	rddreg [dreg:$0x5];
	[sflag:s12] =	ssyncset.done $0x0  }
0x46: {  	[sflag:s12] =	ssyncadd.s32 $0xFFFFFC00;
	s10 =	sadd.s32 s9, s8  }
0x47: {  	[tilespmem:s14], [sflag:$0x3] =	stream.linear.gather [hbm4b:s10+s3], $0x400, $0x38;
	[tilespmem:$0x13400] =	vst v63  }
0x48: {  	_ =	swait.ge [sflag:s12], $0x400  }
0x49: {  	[sflag:s12] =	ssyncset.done $0x0  }
0x4a: {  	[sflag:s12] =	ssyncadd.s32 $0xFFFFFC00  }
0x4b: {  	v1 =	vld [tilespmem:$0x12400]  }
0x4c: {  	v2 =	vld [tilespmem:$0x12800]  }
0x4d: {  	v3 =	vld [tilespmem:$0x12410]  }
0x4e: {  	v4 =	vld [tilespmem:$0x12810]  }
0x4f: {  	v5 =	vld [tilespmem:$0x12420]  }
0x50: {  	v7 =	vld [tilespmem:$0x12820];
	v6 =	vshll.u32 v1, $0x6  }
0x51: {  	v8 =	vld [tilespmem:$0x12430];
	v1 =	vshra.s32 v1, $0x1;
	v6 =	vand.u32 $0x40, v6  }
0x52: {  	v16 =	vld [tilespmem:$0x12830];
	[tilespmem:$0x12C00] =	vst v1;
	v1 =	vadd.s32 v2, v6;
	v2 =	vshll.u32 v3, $0x6  }
0x53: {  	[tilespmem:$0x13000] =	vst v1;
	v1 =	vshra.s32 v3, $0x1;
	v2 =	vand.u32 $0x40, v2;
	v3 =	vld [tilespmem:$0x12440]  }
0x54: {  	v17 =	vld [tilespmem:$0x12840];
	[tilespmem:$0x12C10] =	vst v1;
	v1 =	vadd.s32 v4, v2;
	v2 =	vshll.u32 v5, $0x6  }
0x55: {  	v18 =	vld [tilespmem:$0x12450];
	[tilespmem:$0x13010] =	vst v1;
	v1 =	vshra.s32 v5, $0x1;
	v2 =	vand.u32 $0x40, v2  }
0x56: {  	v19 =	vld [tilespmem:$0x12850];
	[tilespmem:$0x12C20] =	vst v1;
	v1 =	vadd.s32 v7, v2;
	v2 =	vshll.u32 v8, $0x6  }
0x57: {  	v20 =	vld [tilespmem:$0x12460];
	[tilespmem:$0x13020] =	vst v1;
	v1 =	vshra.s32 v8, $0x1;
	v2 =	vand.u32 $0x40, v2  }
0x58: {  	v21 =	vld [tilespmem:$0x12860];
	[tilespmem:$0x12C30] =	vst v1;
	v1 =	vadd.s32 v16, v2;
	v2 =	vshll.u32 v3, $0x6  }
0x59: {  	[tilespmem:$0x13030] =	vst v1;
	v1 =	vshra.s32 v3, $0x1;
	v2 =	vand.u32 $0x40, v2;
	v3 =	vld [tilespmem:$0x12470]  }
0x5a: {  	v22 =	vld [tilespmem:$0x12870];
	[tilespmem:$0x12C40] =	vst v1;
	v1 =	vadd.s32 v17, v2;
	v2 =	vshll.u32 v18, $0x6  }
0x5b: {  	v23 =	vld [tilespmem:$0x12480];
	[tilespmem:$0x13040] =	vst v1;
	v1 =	vshra.s32 v18, $0x1;
	v2 =	vand.u32 $0x40, v2  }
0x5c: {  	v24 =	vld [tilespmem:$0x12880];
	[tilespmem:$0x12C50] =	vst v1;
	v1 =	vadd.s32 v19, v2;
	v2 =	vshll.u32 v20, $0x6  }
0x5d: {  	v25 =	vld [tilespmem:$0x12490];
	[tilespmem:$0x13050] =	vst v1;
	v1 =	vshra.s32 v20, $0x1;
	v2 =	vand.u32 $0x40, v2  }
0x5e: {  	v26 =	vld [tilespmem:$0x12890];
	[tilespmem:$0x12C60] =	vst v1;
	v1 =	vadd.s32 v21, v2;
	v2 =	vshll.u32 v3, $0x6  }
0x5f: {  	[tilespmem:$0x13060] =	vst v1;
	v1 =	vshra.s32 v3, $0x1;
	v2 =	vand.u32 $0x40, v2;
	v3 =	vld [tilespmem:$0x124A0]  }
0x60: {  	v27 =	vld [tilespmem:$0x128A0];
	[tilespmem:$0x12C70] =	vst v1;
	v1 =	vadd.s32 v22, v2;
	v2 =	vshll.u32 v23, $0x6  }
0x61: {  	v28 =	vld [tilespmem:$0x124B0];
	[tilespmem:$0x13070] =	vst v1;
	v1 =	vshra.s32 v23, $0x1;
	v2 =	vand.u32 $0x40, v2  }
0x62: {  	v29 =	vld [tilespmem:$0x128B0];
	[tilespmem:$0x12C80] =	vst v1;
	v1 =	vadd.s32 v24, v2;
	v2 =	vshll.u32 v25, $0x6  }
0x63: {  	v30 =	vld [tilespmem:$0x124C0];
	[tilespmem:$0x13080] =	vst v1;
	v1 =	vshra.s32 v25, $0x1;
	v2 =	vand.u32 $0x40, v2  }
0x64: {  	v31 =	vld [tilespmem:$0x128C0];
	[tilespmem:$0x12C90] =	vst v1;
	v1 =	vadd.s32 v26, v2;
	v2 =	vshll.u32 v3, $0x6  }
0x65: {  	[tilespmem:$0x13090] =	vst v1;
	v1 =	vshra.s32 v3, $0x1;
	v2 =	vand.u32 $0x40, v2;
	v3 =	vld [tilespmem:$0x124D0]  }
0x66: {  	v32 =	vld [tilespmem:$0x128D0];
	[tilespmem:$0x12CA0] =	vst v1;
	v1 =	vadd.s32 v27, v2;
	v2 =	vshll.u32 v28, $0x6  }
0x67: {  	v33 =	vld [tilespmem:$0x124E0];
	[tilespmem:$0x130A0] =	vst v1;
	v1 =	vshra.s32 v28, $0x1;
	v2 =	vand.u32 $0x40, v2  }
0x68: {  	v34 =	vld [tilespmem:$0x128E0];
	[tilespmem:$0x12CB0] =	vst v1;
	v1 =	vadd.s32 v29, v2;
	v2 =	vshll.u32 v30, $0x6  }
0x69: {  	v35 =	vld [tilespmem:$0x124F0];
	[tilespmem:$0x130B0] =	vst v1;
	v1 =	vshra.s32 v30, $0x1;
	v2 =	vand.u32 $0x40, v2  }
0x6a: {  	v36 =	vld [tilespmem:$0x128F0];
	[tilespmem:$0x12CC0] =	vst v1;
	v1 =	vadd.s32 v31, v2;
	v2 =	vshll.u32 v3, $0x6  }
0x6b: {  	[tilespmem:$0x130C0] =	vst v1;
	v1 =	vshra.s32 v3, $0x1;
	v2 =	vand.u32 $0x40, v2;
	v3 =	vld [tilespmem:$0x12500]  }
0x6c: {  	v37 =	vld [tilespmem:$0x12900];
	[tilespmem:$0x12CD0] =	vst v1;
	v1 =	vadd.s32 v32, v2;
	v2 =	vshll.u32 v33, $0x6  }
0x6d: {  	v38 =	vld [tilespmem:$0x12510];
	[tilespmem:$0x130D0] =	vst v1;
	v1 =	vshra.s32 v33, $0x1;
	v2 =	vand.u32 $0x40, v2  }
0x6e: {  	v39 =	vld [tilespmem:$0x12910];
	[tilespmem:$0x12CE0] =	vst v1;
	v1 =	vadd.s32 v34, v2;
	v2 =	vshll.u32 v35, $0x6  }
0x6f: {  	v40 =	vld [tilespmem:$0x12520];
	[tilespmem:$0x130E0] =	vst v1;
	v1 =	vshra.s32 v35, $0x1;
	v2 =	vand.u32 $0x40, v2  }
0x70: {  	v41 =	vld [tilespmem:$0x12920];
	[tilespmem:$0x12CF0] =	vst v1;
	v1 =	vadd.s32 v36, v2;
	v2 =	vshll.u32 v3, $0x6  }
0x71: {  	[tilespmem:$0x130F0] =	vst v1;
	v1 =	vshra.s32 v3, $0x1;
	v2 =	vand.u32 $0x40, v2;
	v3 =	vld [tilespmem:$0x12530]  }
0x72: {  	v42 =	vld [tilespmem:$0x12930];
	[tilespmem:$0x12D00] =	vst v1;
	v1 =	vadd.s32 v37, v2;
	v2 =	vshll.u32 v38, $0x6  }
0x73: {  	v43 =	vld [tilespmem:$0x12540];
	[tilespmem:$0x13100] =	vst v1;
	v1 =	vshra.s32 v38, $0x1;
	v2 =	vand.u32 $0x40, v2  }
0x74: {  	v44 =	vld [tilespmem:$0x12940];
	[tilespmem:$0x12D10] =	vst v1;
	v1 =	vadd.s32 v39, v2;
	v2 =	vshll.u32 v40, $0x6  }
0x75: {  	v45 =	vld [tilespmem:$0x12550];
	[tilespmem:$0x13110] =	vst v1;
	v1 =	vshra.s32 v40, $0x1;
	v2 =	vand.u32 $0x40, v2  }
0x76: {  	v46 =	vld [tilespmem:$0x12950];
	[tilespmem:$0x12D20] =	vst v1;
	v1 =	vadd.s32 v41, v2;
	v2 =	vshll.u32 v3, $0x6  }
0x77: {  	[tilespmem:$0x13120] =	vst v1;
	v1 =	vshra.s32 v3, $0x1;
	v2 =	vand.u32 $0x40, v2;
	v3 =	vld [tilespmem:$0x12560]  }
0x78: {  	v47 =	vld [tilespmem:$0x12960];
	[tilespmem:$0x12D30] =	vst v1;
	v1 =	vadd.s32 v42, v2;
	v2 =	vshll.u32 v43, $0x6  }
0x79: {  	v48 =	vld [tilespmem:$0x12570];
	[tilespmem:$0x13130] =	vst v1;
	v1 =	vshra.s32 v43, $0x1;
	v2 =	vand.u32 $0x40, v2  }
0x7a: {  	v49 =	vld [tilespmem:$0x12970];
	[tilespmem:$0x12D40] =	vst v1;
	v1 =	vadd.s32 v44, v2;
	v2 =	vshll.u32 v45, $0x6  }
0x7b: {  	v50 =	vld [tilespmem:$0x12580];
	[tilespmem:$0x13140] =	vst v1;
	v1 =	vshra.s32 v45, $0x1;
	v2 =	vand.u32 $0x40, v2  }
0x7c: {  	v51 =	vld [tilespmem:$0x12980];
	[tilespmem:$0x12D50] =	vst v1;
	v1 =	vadd.s32 v46, v2;
	v2 =	vshll.u32 v3, $0x6  }
0x7d: {  	[tilespmem:$0x13150] =	vst v1;
	v1 =	vshra.s32 v3, $0x1;
	v2 =	vand.u32 $0x40, v2;
	v3 =	vld [tilespmem:$0x12590]  }
0x7e: {  	v52 =	vld [tilespmem:$0x12990];
	[tilespmem:$0x12D60] =	vst v1;
	v1 =	vadd.s32 v47, v2;
	v2 =	vshll.u32 v48, $0x6  }
0x7f: {  	v53 =	vld [tilespmem:$0x125A0];
	[tilespmem:$0x13160] =	vst v1;
	v1 =	vshra.s32 v48, $0x1;
	v2 =	vand.u32 $0x40, v2  }
0x80: {  	v54 =	vld [tilespmem:$0x129A0];
	[tilespmem:$0x12D70] =	vst v1;
	v1 =	vadd.s32 v49, v2;
	v2 =	vshll.u32 v50, $0x6  }
0x81: {  	v55 =	vld [tilespmem:$0x125B0];
	[tilespmem:$0x13170] =	vst v1;
	v1 =	vshra.s32 v50, $0x1;
	v2 =	vand.u32 $0x40, v2  }
0x82: {  	v56 =	vld [tilespmem:$0x129B0];
	[tilespmem:$0x12D80] =	vst v1;
	v1 =	vadd.s32 v51, v2;
	v2 =	vshll.u32 v3, $0x6  }
0x83: {  	[tilespmem:$0x13180] =	vst v1;
	v1 =	vshra.s32 v3, $0x1;
	v2 =	vand.u32 $0x40, v2;
	v3 =	vld [tilespmem:$0x125C0]  }
0x84: {  	v57 =	vld [tilespmem:$0x129C0];
	[tilespmem:$0x12D90] =	vst v1;
	v1 =	vadd.s32 v52, v2;
	v2 =	vshll.u32 v53, $0x6  }
0x85: {  	v58 =	vld [tilespmem:$0x125D0];
	[tilespmem:$0x13190] =	vst v1;
	v1 =	vshra.s32 v53, $0x1;
	v2 =	vand.u32 $0x40, v2  }
0x86: {  	v59 =	vld [tilespmem:$0x129D0];
	[tilespmem:$0x12DA0] =	vst v1;
	v1 =	vadd.s32 v54, v2;
	v2 =	vshll.u32 v55, $0x6  }
0x87: {  	v60 =	vld [tilespmem:$0x125E0];
	[tilespmem:$0x131A0] =	vst v1;
	v1 =	vshra.s32 v55, $0x1;
	v2 =	vand.u32 $0x40, v2  }
0x88: {  	v61 =	vld [tilespmem:$0x129E0];
	[tilespmem:$0x12DB0] =	vst v1;
	v1 =	vadd.s32 v56, v2;
	v2 =	vshll.u32 v3, $0x6  }
0x89: {  	[tilespmem:$0x131B0] =	vst v1;
	v1 =	vshra.s32 v3, $0x1;
	v2 =	vand.u32 $0x40, v2;
	v3 =	vld [tilespmem:$0x125F0]  }
0x8a: {  	v62 =	vld [tilespmem:$0x129F0];
	[tilespmem:$0x12DC0] =	vst v1;
	v1 =	vadd.s32 v57, v2;
	v2 =	vshll.u32 v58, $0x6  }
0x8b: {  	v63 =	vld [tilespmem:$0x12600];
	[tilespmem:$0x131C0] =	vst v1;
	v1 =	vshra.s32 v58, $0x1;
	v2 =	vand.u32 $0x40, v2  }
0x8c: {  	v12 =	vld [tilespmem:$0x12A00];
	[tilespmem:$0x12DD0] =	vst v1;
	v1 =	vadd.s32 v59, v2;
	v2 =	vshll.u32 v60, $0x6  }
0x8d: {  	v13 =	vld [tilespmem:$0x12610];
	[tilespmem:$0x131D0] =	vst v1;
	v1 =	vshra.s32 v60, $0x1;
	v2 =	vand.u32 $0x40, v2  }
0x8e: {  	v14 =	vld [tilespmem:$0x12A10];
	[tilespmem:$0x12DE0] =	vst v1;
	v1 =	vadd.s32 v61, v2;
	v2 =	vshll.u32 v3, $0x6  }
0x8f: {  	[tilespmem:$0x131E0] =	vst v1;
	v1 =	vshra.s32 v3, $0x1;
	v2 =	vand.u32 $0x40, v2;
	v3 =	vld [tilespmem:$0x12620]  }
0x90: {  	v15 =	vld [tilespmem:$0x12A20];
	[tilespmem:$0x12DF0] =	vst v1;
	v1 =	vadd.s32 v62, v2;
	v2 =	vshll.u32 v63, $0x6  }
0x91: {  	v16 =	vld [tilespmem:$0x12630];
	[tilespmem:$0x131F0] =	vst v1;
	v1 =	vshra.s32 v63, $0x1;
	v2 =	vand.u32 $0x40, v2  }
0x92: {  	v17 =	vld [tilespmem:$0x12A30];
	[tilespmem:$0x12E00] =	vst v1;
	v1 =	vadd.s32 v12, v2;
	v2 =	vshll.u32 v13, $0x6  }
0x93: {  	v18 =	vld [tilespmem:$0x12640];
	[tilespmem:$0x13200] =	vst v1;
	v1 =	vshra.s32 v13, $0x1;
	v2 =	vand.u32 $0x40, v2  }
0x94: {  	v19 =	vld [tilespmem:$0x12A40];
	[tilespmem:$0x12E10] =	vst v1;
	v1 =	vadd.s32 v14, v2;
	v2 =	vshll.u32 v3, $0x6  }
0x95: {  	[tilespmem:$0x13210] =	vst v1;
	v1 =	vshra.s32 v3, $0x1;
	v2 =	vand.u32 $0x40, v2;
	v3 =	vld [tilespmem:$0x12650]  }
0x96: {  	v20 =	vld [tilespmem:$0x12A50];
	[tilespmem:$0x12E20] =	vst v1;
	v1 =	vadd.s32 v15, v2;
	v2 =	vshll.u32 v16, $0x6  }
0x97: {  	v21 =	vld [tilespmem:$0x12660];
	[tilespmem:$0x13220] =	vst v1;
	v1 =	vshra.s32 v16, $0x1;
	v2 =	vand.u32 $0x40, v2  }
0x98: {  	v22 =	vld [tilespmem:$0x12A60];
	[tilespmem:$0x12E30] =	vst v1;
	v1 =	vadd.s32 v17, v2;
	v2 =	vshll.u32 v18, $0x6  }
0x99: {  	v23 =	vld [tilespmem:$0x12670];
	[tilespmem:$0x13230] =	vst v1;
	v1 =	vshra.s32 v18, $0x1;
	v2 =	vand.u32 $0x40, v2  }
0x9a: {  	v24 =	vld [tilespmem:$0x12A70];
	[tilespmem:$0x12E40] =	vst v1;
	v1 =	vadd.s32 v19, v2;
	v2 =	vshll.u32 v3, $0x6  }
0x9b: {  	[tilespmem:$0x13240] =	vst v1;
	v1 =	vshra.s32 v3, $0x1;
	v2 =	vand.u32 $0x40, v2;
	v3 =	vld [tilespmem:$0x12680]  }
0x9c: {  	v25 =	vld [tilespmem:$0x12A80];
	[tilespmem:$0x12E50] =	vst v1;
	v1 =	vadd.s32 v20, v2;
	v2 =	vshll.u32 v21, $0x6  }
0x9d: {  	v26 =	vld [tilespmem:$0x12690];
	[tilespmem:$0x13250] =	vst v1;
	v1 =	vshra.s32 v21, $0x1;
	v2 =	vand.u32 $0x40, v2  }
0x9e: {  	v27 =	vld [tilespmem:$0x12A90];
	[tilespmem:$0x12E60] =	vst v1;
	v1 =	vadd.s32 v22, v2;
	v2 =	vshll.u32 v23, $0x6  }
0x9f: {  	v28 =	vld [tilespmem:$0x126A0];
	[tilespmem:$0x13260] =	vst v1;
	v1 =	vshra.s32 v23, $0x1;
	v2 =	vand.u32 $0x40, v2  }
0xa0: {  	v29 =	vld [tilespmem:$0x12AA0];
	[tilespmem:$0x12E70] =	vst v1;
	v1 =	vadd.s32 v24, v2;
	v2 =	vshll.u32 v3, $0x6  }
0xa1: {  	[tilespmem:$0x13270] =	vst v1;
	v1 =	vshra.s32 v3, $0x1;
	v2 =	vand.u32 $0x40, v2;
	v3 =	vld [tilespmem:$0x126B0]  }
0xa2: {  	v30 =	vld [tilespmem:$0x12AB0];
	[tilespmem:$0x12E80] =	vst v1;
	v1 =	vadd.s32 v25, v2;
	v2 =	vshll.u32 v26, $0x6  }
0xa3: {  	v31 =	vld [tilespmem:$0x126C0];
	[tilespmem:$0x13280] =	vst v1;
	v1 =	vshra.s32 v26, $0x1;
	v2 =	vand.u32 $0x40, v2  }
0xa4: {  	v32 =	vld [tilespmem:$0x12AC0];
	[tilespmem:$0x12E90] =	vst v1;
	v1 =	vadd.s32 v27, v2;
	v2 =	vshll.u32 v28, $0x6  }
0xa5: {  	v33 =	vld [tilespmem:$0x126D0];
	[tilespmem:$0x13290] =	vst v1;
	v1 =	vshra.s32 v28, $0x1;
	v2 =	vand.u32 $0x40, v2  }
0xa6: {  	v34 =	vld [tilespmem:$0x12AD0];
	[tilespmem:$0x12EA0] =	vst v1;
	v1 =	vadd.s32 v29, v2;
	v2 =	vshll.u32 v3, $0x6  }
0xa7: {  	[tilespmem:$0x132A0] =	vst v1;
	v1 =	vshra.s32 v3, $0x1;
	v2 =	vand.u32 $0x40, v2;
	v3 =	vld [tilespmem:$0x126E0]  }
0xa8: {  	v35 =	vld [tilespmem:$0x12AE0];
	[tilespmem:$0x12EB0] =	vst v1;
	v1 =	vadd.s32 v30, v2;
	v2 =	vshll.u32 v31, $0x6  }
0xa9: {  	v36 =	vld [tilespmem:$0x126F0];
	[tilespmem:$0x132B0] =	vst v1;
	v1 =	vshra.s32 v31, $0x1;
	v2 =	vand.u32 $0x40, v2  }
0xaa: {  	v37 =	vld [tilespmem:$0x12AF0];
	[tilespmem:$0x12EC0] =	vst v1;
	v1 =	vadd.s32 v32, v2;
	v2 =	vshll.u32 v33, $0x6  }
0xab: {  	v38 =	vld [tilespmem:$0x12700];
	[tilespmem:$0x132C0] =	vst v1;
	v1 =	vshra.s32 v33, $0x1;
	v2 =	vand.u32 $0x40, v2  }
0xac: {  	v39 =	vld [tilespmem:$0x12B00];
	[tilespmem:$0x12ED0] =	vst v1;
	v1 =	vadd.s32 v34, v2;
	v2 =	vshll.u32 v3, $0x6  }
0xad: {  	[tilespmem:$0x132D0] =	vst v1;
	v1 =	vshra.s32 v3, $0x1;
	v2 =	vand.u32 $0x40, v2;
	v3 =	vld [tilespmem:$0x12710]  }
0xae: {  	v40 =	vld [tilespmem:$0x12B10];
	[tilespmem:$0x12EE0] =	vst v1;
	v1 =	vadd.s32 v35, v2;
	v2 =	vshll.u32 v36, $0x6  }
0xaf: {  	v41 =	vld [tilespmem:$0x12720];
	[tilespmem:$0x132E0] =	vst v1;
	v1 =	vshra.s32 v36, $0x1;
	v2 =	vand.u32 $0x40, v2  }
0xb0: {  	v42 =	vld [tilespmem:$0x12B20];
	[tilespmem:$0x12EF0] =	vst v1;
	v1 =	vadd.s32 v37, v2;
	v2 =	vshll.u32 v38, $0x6  }
0xb1: {  	v43 =	vld [tilespmem:$0x12730];
	[tilespmem:$0x132F0] =	vst v1;
	v1 =	vshra.s32 v38, $0x1;
	v2 =	vand.u32 $0x40, v2  }
0xb2: {  	v44 =	vld [tilespmem:$0x12B30];
	[tilespmem:$0x12F00] =	vst v1;
	v1 =	vadd.s32 v39, v2;
	v2 =	vshll.u32 v3, $0x6  }
0xb3: {  	[tilespmem:$0x13300] =	vst v1;
	v1 =	vshra.s32 v3, $0x1;
	v2 =	vand.u32 $0x40, v2;
	v3 =	vld [tilespmem:$0x12740]  }
0xb4: {  	v45 =	vld [tilespmem:$0x12B40];
	[tilespmem:$0x12F10] =	vst v1;
	v1 =	vadd.s32 v40, v2;
	v2 =	vshll.u32 v41, $0x6  }
0xb5: {  	v46 =	vld [tilespmem:$0x12750];
	[tilespmem:$0x13310] =	vst v1;
	v1 =	vshra.s32 v41, $0x1;
	v2 =	vand.u32 $0x40, v2  }
0xb6: {  	v47 =	vld [tilespmem:$0x12B50];
	[tilespmem:$0x12F20] =	vst v1;
	v1 =	vadd.s32 v42, v2;
	v2 =	vshll.u32 v43, $0x6  }
0xb7: {  	v48 =	vld [tilespmem:$0x12760];
	[tilespmem:$0x13320] =	vst v1;
	v1 =	vshra.s32 v43, $0x1;
	v2 =	vand.u32 $0x40, v2  }
0xb8: {  	v49 =	vld [tilespmem:$0x12B60];
	[tilespmem:$0x12F30] =	vst v1;
	v1 =	vadd.s32 v44, v2;
	v2 =	vshll.u32 v3, $0x6  }
0xb9: {  	[tilespmem:$0x13330] =	vst v1;
	v1 =	vshra.s32 v3, $0x1;
	v2 =	vand.u32 $0x40, v2;
	v3 =	vld [tilespmem:$0x12770]  }
0xba: {  	v50 =	vld [tilespmem:$0x12B70];
	[tilespmem:$0x12F40] =	vst v1;
	v1 =	vadd.s32 v45, v2;
	v2 =	vshll.u32 v46, $0x6  }
0xbb: {  	v51 =	vld [tilespmem:$0x12780];
	[tilespmem:$0x13340] =	vst v1;
	v1 =	vshra.s32 v46, $0x1;
	v2 =	vand.u32 $0x40, v2  }
0xbc: {  	v52 =	vld [tilespmem:$0x12B80];
	[tilespmem:$0x12F50] =	vst v1;
	v1 =	vadd.s32 v47, v2;
	v2 =	vshll.u32 v48, $0x6  }
0xbd: {  	v53 =	vld [tilespmem:$0x12790];
	[tilespmem:$0x13350] =	vst v1;
	v1 =	vshra.s32 v48, $0x1;
	v2 =	vand.u32 $0x40, v2  }
0xbe: {  	v54 =	vld [tilespmem:$0x12B90];
	[tilespmem:$0x12F60] =	vst v1;
	v1 =	vadd.s32 v49, v2;
	v2 =	vshll.u32 v3, $0x6  }
0xbf: {  	[tilespmem:$0x13360] =	vst v1;
	v1 =	vshra.s32 v3, $0x1;
	v2 =	vand.u32 $0x40, v2;
	v3 =	vld [tilespmem:$0x127A0]  }
0xc0: {  	v55 =	vld [tilespmem:$0x12BA0];
	[tilespmem:$0x12F70] =	vst v1;
	v1 =	vadd.s32 v50, v2;
	v2 =	vshll.u32 v51, $0x6  }
0xc1: {  	v56 =	vld [tilespmem:$0x127B0];
	[tilespmem:$0x13370] =	vst v1;
	v1 =	vshra.s32 v51, $0x1;
	v2 =	vand.u32 $0x40, v2  }
0xc2: {  	v57 =	vld [tilespmem:$0x12BB0];
	[tilespmem:$0x12F80] =	vst v1;
	v1 =	vadd.s32 v52, v2;
	v2 =	vshll.u32 v53, $0x6  }
0xc3: {  	v58 =	vld [tilespmem:$0x127C0];
	[tilespmem:$0x13380] =	vst v1;
	v1 =	vshra.s32 v53, $0x1;
	v2 =	vand.u32 $0x40, v2  }
0xc4: {  	v59 =	vld [tilespmem:$0x12BC0];
	[tilespmem:$0x12F90] =	vst v1;
	v1 =	vadd.s32 v54, v2;
	v2 =	vshll.u32 v3, $0x6  }
0xc5: {  	[tilespmem:$0x13390] =	vst v1;
	v1 =	vshra.s32 v3, $0x1;
	v2 =	vand.u32 $0x40, v2;
	v3 =	vld [tilespmem:$0x127D0]  }
0xc6: {  	v60 =	vld [tilespmem:$0x12BD0];
	[tilespmem:$0x12FA0] =	vst v1;
	v1 =	vadd.s32 v55, v2;
	v2 =	vshll.u32 v56, $0x6  }
0xc7: {  	v61 =	vld [tilespmem:$0x127E0];
	[tilespmem:$0x133A0] =	vst v1;
	v1 =	vshra.s32 v56, $0x1;
	v2 =	vand.u32 $0x40, v2  }
0xc8: {  	v62 =	vld [tilespmem:$0x12BE0];
	[tilespmem:$0x12FB0] =	vst v1;
	v1 =	vadd.s32 v57, v2;
	v2 =	vshll.u32 v58, $0x6  }
0xc9: {  	v63 =	vld [tilespmem:$0x127F0];
	[tilespmem:$0x133B0] =	vst v1;
	v1 =	vshra.s32 v58, $0x1;
	v2 =	vand.u32 $0x40, v2  }
0xca: {  	[tilespmem:$0x12FC0] =	vst v1;
	v1 =	vadd.s32 v59, v2;
	v2 =	vshll.u32 v3, $0x6  }
0xcb: {  	[tilespmem:$0x133C0] =	vst v1;
	v1 =	vshra.s32 v3, $0x1;
	v2 =	vand.u32 $0x40, v2;
	v3 =	vld [tilespmem:$0x12BF0]  }
0xcc: {  	[tilespmem:$0x12FD0] =	vst v1;
	v1 =	vadd.s32 v60, v2;
	v2 =	vshll.u32 v61, $0x6  }
0xcd: {  	[tilespmem:$0x133D0] =	vst v1;
	v1 =	vshra.s32 v61, $0x1;
	v2 =	vand.u32 $0x40, v2  }
0xce: {  	[tilespmem:$0x12FE0] =	vst v1;
	v1 =	vadd.s32 v62, v2;
	v2 =	vshll.u32 v63, $0x6  }
0xcf: {  	[tilespmem:$0x133E0] =	vst v1;
	v1 =	vshra.s32 v63, $0x1;
	v2 =	vand.u32 $0x40, v2  }
0xd0: {  	[tilespmem:$0x12FF0] =	vst v1;
	v1 =	vadd.s32 v3, v2  }
0xd1: {  	[tilespmem:$0x133F0] =	vst v1  }
0xd2: {  	[tilespmem:s11], [sflag:$0x1] =	stream.indirect.gather [spmem:s2], $0x80, s16, s15, $0xb8;
	[tilespmem:$0x13400] =	vst v63  }
0xd3: {  	_ = 	snop  }
0xd4: {  	[tilespmem:s18], [sflag:$0x2] =	stream.indirect.gather [spmem:s2], $0x80, s17, s15, $0xb8;
	[tilespmem:$0x13400] =	vst v63  }
0xd5: {  	_ =	swait.ge [sflag:s19], $0x4000  }
0xd6: {  	[sflag:s19] =	ssyncset.done $0x0  }
0xd7: {  	[sflag:s19] =	ssyncadd.s32 $0xFFFFC000  }
0xd8: {  	[spmem:s1] =	stream.indirect.scatter.add.f32 [tilespmem:s11], [sflag:$0x3], $0x80, s20, s15, $0xb8;
	[tilespmem:$0x13400] =	vst v63  }
0xd9: {  	_ =	swait.ge [sflag:s12], $0x4000  }
0xda: {  	[sflag:s12] =	ssyncset.done $0x0  }
0xdb: {  	[sflag:s12] =	ssyncadd.s32 $0xFFFFC000  }
0xdc: {  	_ =	swait.ge [sflag:s21], $0x4000  }
0xdd: {  	[sflag:s21] =	ssyncset.done $0x0  }
0xde: {  	[sflag:s21] =	ssyncadd.s32 $0xFFFFC000  }
0xdf: {  	[spmem:s1] =	stream.indirect.scatter.add.f32 [tilespmem:s18], [sflag:$0x3], $0x80, s22, s15, $0xb8;
	[tilespmem:$0x13400] =	vst v63  }
0xe0: {  	_ =	swait.ge [sflag:s12], $0x4000  }
0xe1: {  	[sflag:s12] =	ssyncset.done $0x0  }
0xe2: {  	[sflag:s12] =	ssyncadd.s32 $0xFFFFC000  }
0xe3: {  	[tilespmem:s11], [sflag:$0x1] =	stream.indirect.gather [spmem:s2], $0x80, s23, s15, $0xb8;
	[tilespmem:$0x13400] =	vst v63  }
0xe4: {  	_ = 	snop  }
0xe5: {  	[tilespmem:s18], [sflag:$0x2] =	stream.indirect.gather [spmem:s2], $0x80, s24, s15, $0xb8;
	[tilespmem:$0x13400] =	vst v63  }
0xe6: {  	_ =	swait.ge [sflag:s19], $0x4000  }
0xe7: {  	[sflag:s19] =	ssyncset.done $0x0  }
0xe8: {  	[sflag:s19] =	ssyncadd.s32 $0xFFFFC000  }
0xe9: {  	[spmem:s1] =	stream.indirect.scatter.add.f32 [tilespmem:s11], [sflag:$0x3], $0x80, s25, s15, $0xb8;
	[tilespmem:$0x13400] =	vst v63  }
0xea: {  	_ =	swait.ge [sflag:s12], $0x4000  }
0xeb: {  	[sflag:s12] =	ssyncset.done $0x0  }
0xec: {  	[sflag:s12] =	ssyncadd.s32 $0xFFFFC000  }
0xed: {  	_ =	swait.ge [sflag:s21], $0x4000  }
0xee: {  	[sflag:s21] =	ssyncset.done $0x0  }
0xef: {  	[sflag:s21] =	ssyncadd.s32 $0xFFFFC000  }
0xf0: {  	[spmem:s1] =	stream.indirect.scatter.add.f32 [tilespmem:s18], [sflag:$0x3], $0x80, s26, s15, $0xb8;
	[tilespmem:$0x13400] =	vst v63  }
0xf1: {  	_ =	swait.ge [sflag:s12], $0x4000  }
0xf2: {  	[sflag:s12] =	ssyncset.done $0x0  }
0xf3: {  	[sflag:s12] =	ssyncadd.s32 $0xFFFFC000  }
0xf4: {  	[tilespmem:s11], [sflag:$0x1] =	stream.indirect.gather [spmem:s2], $0x80, s28, s15, $0xb8;
	[tilespmem:$0x13400] =	vst v63  }
0xf5: {  	_ = 	snop  }
0xf6: {  	[tilespmem:s18], [sflag:$0x2] =	stream.indirect.gather [spmem:s2], $0x80, s29, s15, $0xb8;
	[tilespmem:$0x13400] =	vst v63  }
0xf7: {  	_ =	swait.ge [sflag:s19], $0x4000  }
0xf8: {  	[sflag:s19] =	ssyncset.done $0x0  }
0xf9: {  	[sflag:s19] =	ssyncadd.s32 $0xFFFFC000  }
0xfa: {  	[spmem:s1] =	stream.indirect.scatter.add.f32 [tilespmem:s11], [sflag:$0x3], $0x80, s30, s15, $0xb8;
	[tilespmem:$0x13400] =	vst v63  }
0xfb: {  	_ =	swait.ge [sflag:s12], $0x4000  }
0xfc: {  	[sflag:s12] =	ssyncset.done $0x0  }
0xfd: {  	[sflag:s12] =	ssyncadd.s32 $0xFFFFC000  }
0xfe: {  	_ =	swait.ge [sflag:s21], $0x4000  }
0xff: {  	[sflag:s21] =	ssyncset.done $0x0  }
0x100: {  	[sflag:s21] =	ssyncadd.s32 $0xFFFFC000  }
0x101: {  	[spmem:s1] =	stream.indirect.scatter.add.f32 [tilespmem:s18], [sflag:$0x3], $0x80, s31, s15, $0xb8;
	[tilespmem:$0x13400] =	vst v63  }
0x102: {  	_ =	swait.ge [sflag:s12], $0x4000  }
0x103: {  	[sflag:s12] =	ssyncset.done $0x0  }
0x104: {  	[sflag:s12] =	ssyncadd.s32 $0xFFFFC000  }
0x105: {  	[tilespmem:s11], [sflag:$0x1] =	stream.indirect.gather [spmem:s2], $0x80, s0, s15, $0xb8;
	[tilespmem:$0x13400] =	vst v63  }
0x106: {  	_ = 	snop  }
0x107: {  	[tilespmem:s18], [sflag:$0x2] =	stream.indirect.gather [spmem:s2], $0x80, s4, s15, $0xb8;
	[tilespmem:$0x13400] =	vst v63  }
0x108: {  	_ =	swait.ge [sflag:s19], $0x4000  }
0x109: {  	[sflag:s19] =	ssyncset.done $0x0  }
0x10a: {  	[sflag:s19] =	ssyncadd.s32 $0xFFFFC000  }
0x10b: {  	[spmem:s1] =	stream.indirect.scatter.add.f32 [tilespmem:s11], [sflag:$0x3], $0x80, s5, s15, $0xb8;
	[tilespmem:$0x13400] =	vst v63  }
0x10c: {  	_ =	swait.ge [sflag:s12], $0x4000  }
0x10d: {  	[sflag:s12] =	ssyncset.done $0x0  }
0x10e: {  	[sflag:s12] =	ssyncadd.s32 $0xFFFFC000  }
0x10f: {  	_ =	swait.ge [sflag:s21], $0x4000  }
0x110: {  	p1 =	sne.s32 s9, $0x9800;
	[sflag:s21] =	ssyncset.done $0x0  }
.Ltmp1:
0x111: {  	[sflag:s21] =	ssyncadd.s32 $0xFFFFC000;
	(pc) =	sbr.rel @p1 .LBB2_4-.Ltmp1, $4  }
0x112: {  	[spmem:s1] =	stream.indirect.scatter.add.f32 [tilespmem:s18], [sflag:$0x3], $0x80, s7, s15, $0xb8;
	[tilespmem:$0x13400] =	vst v63  }
0x113: {  	_ =	swait.ge [sflag:s12], $0x4000  }
0x114: {  	[sflag:s12] =	ssyncset.done $0x0  }
0x115: {  	s9 =	sadd.s32 $0x800, s9;
	[sflag:s12] =	ssyncadd.s32 $0xFFFFC000  }
0x116: {  	s9 =	stileid.u32;
	[bflag:$0x0] =	sbarrier.arrive $0xFFFF  }
0x117: {  	s9 =	sshll.u32 s9, $0x6;
	s6 =	rddreg [dreg:$0x7]  }
0x118: {  	s8 =	rddreg [dreg:$0xa];
	s9 =	sor.u32 $0x1C03, s9;
	s10 =	sshrl.u32 s6, $0x3  }
0x119: {  	[hbm:s8], [sflag:s9] =	dma.local [spmem:s10], $0x1400  }
0x11a: {  	_ =	swait.ge [sflag:s12], $0x1400  }
0x11b: {  	s8 =	rddreg [dreg:$0xc]  }
0x11c: {  	s10 =	rddreg [dreg:$0xb];
	s9 =	sadd.s32 $0x1, s8  }
0x11d: {  	p1 =	sne.s32 s9, s10  }
.Ltmp2:
0x11e: {  	_ = 	snop;
	(pc) =	sbr.rel @p1 .LBB2_1-.Ltmp2, $3  }
0x11f: {  	_ =	sdelay $0x1  }
0x120: {  	[sflag:s12] =	ssyncset.done $0x0  }
0x121: {  	[sflag:s12] =	ssyncadd.s32 $0xFFFFEC00  }
0x122: {  	_ =	sfence.sel $0x180000  }
0x123: {  	[bflag:$0x0] =	sbarrier.arrive $0xFFFF  }
0x124: {  	_ =	strace $0x90000047  }
0x125: {  	[bflag:$0x2] =	sbarrier.arrive $0xFFFF  }
0x126: {  	s0 =	rddreg [dreg:$0x3]  }
0x127: {  	s0 =	sadd.s32 @!p0 $0x100000, s0  }
0x128: {  	[sflag:s0] =	ssyncadd.tile.s32 @!p0 $0x1;
	_ =	shalt  }
.Lfunc_end2:
_tile_overlayer_lowered:
.L_overlay_start_2:
0x129: {  	(tag) =	ssettag $0x2  }
0x12a: {  	s0 =	rddreg [dreg:$0x0];
	s2 =	stileid.u32  }
0x12b: {  	s1 =	rddreg [dreg:$0x1];
	p0 =	sne.s32 s2, $0x0  }
0x12c: {  	s3 =	rddreg [dreg:$0x2];
	[bflag:$0x3] =	sbarrier.arrive $0xFFFF;
	s2 =	simm.s32 @!p0 $0x1C03  }
0x12d: {  	[timem:s3], [sflag:s2] =	dma.local @!p0 [hbm:s0], s1  }
0x12e: {  	s0 =	simm.s32 @!p0 $0x3  }
0x12f: {  	_ =	swait.ge @!p0 [sflag:s0], s1  }
0x130: {  	s1 =	ssub.s32 @!p0 $0x0, s1;
	[sflag:s0] =	ssyncset.done @!p0 $0x0  }
0x131: {  	[sflag:s0] =	ssyncadd.s32 @!p0 s1  }
0x132: {  	[bflag:$0x3] =	sbarrier.arrive $0xFFFF  }
0x133: {  	_ =	shalt  }

</sc_bundles>
